<compile_context>
chip_gen: v7x
topology: tpu7x:2x2x1
jax: 0.10.2.dev20260603
libtpu: 0.0.44.dev20260713+nightly
codegen_flags: <defaults>
</compile_context>

<pallas_src>
import functools

import jax
import jax.numpy as jnp
import numpy as np
from jax import lax
from jax.experimental import pallas as pl
from jax.experimental.pallas import tpu as pltpu
from jax.experimental.pallas import tpu_sc as plsc

_MU = 255.0
_EMBED_NUM = 256
_HIDDEN = 64

_ROWS = 16384
_COLS = 50
_B = _ROWS * _COLS
_IDX_COLS = 128
_IDX_ROWS = _B // _IDX_COLS

_NC = 2
_NS = 16
_NW = _NC * _NS
_B_PER_W = _B // _NW
_CHUNK = 640
_N_CHUNKS = _B_PER_W // _CHUNK
_L = 16

_EROWS = 8
_EGRID = _ROWS // _EROWS


def _mulaw_index_body(x_ref, o_ref):
    v = x_ref[...]
    s = jnp.sign(v)
    x = s * jnp.log(1.0 + _MU * jnp.abs(v)) / np.log(1.0 + _MU)
    idx = jnp.floor((x + 1.0) * (_EMBED_NUM // 2)).astype(jnp.int32)
    lo = (idx >= 0).astype(jnp.int32)
    mid = (idx < _EMBED_NUM).astype(jnp.int32)
    hi = (idx >= _EMBED_NUM).astype(jnp.int32)
    o_ref[...] = lo * mid * idx + hi * (_EMBED_NUM - 1)


_mulaw_index = pl.pallas_call(
    _mulaw_index_body,
    out_shape=jax.ShapeDtypeStruct((_IDX_ROWS, _IDX_COLS), jnp.int32),
)


def _gather_body(table_hbm, idx_hbm, out_hbm,
                 table_v, idx_v, rows0, rows1, sem0, sem1):
    wid = lax.axis_index("s") * _NC + lax.axis_index("c")
    base = wid * _B_PER_W

    pltpu.sync_copy(table_hbm, table_v)
    pltpu.sync_copy(idx_hbm.at[pl.ds(base, _B_PER_W)], idx_v)

    def do_chunk(i, b, rows_v, sem):
        ci = 2 * i + b
        off = base + ci * _CHUNK

        @pl.when(i > 0)
        def _drain():
            pltpu.make_async_copy(
                rows_v, out_hbm.at[pl.ds(0, _CHUNK * _HIDDEN)], sem).wait()

        @plsc.parallel_loop(0, _CHUNK // _L, unroll=8)
        def _copy_rows(g):
            g16 = pl.multiple_of(ci * _CHUNK + g * _L, _L)
            iv = idx_v[pl.ds(g16, _L)] * _HIDDEN
            for j in range(_L):
                src = pl.multiple_of(iv[j], _HIDDEN)
                dst = pl.multiple_of((g * _L + j) * _HIDDEN, _HIDDEN)
                for k in range(0, _HIDDEN, _L):
                    rows_v[pl.ds(dst + k, _L)] = table_v[pl.ds(src + k, _L)]

        pltpu.async_copy(
            rows_v,
            out_hbm.at[pl.ds(pl.multiple_of(off * _HIDDEN, _CHUNK * _HIDDEN),
                             _CHUNK * _HIDDEN)],
            sem)

    def pair(i, carry):
        do_chunk(i, 0, rows0, sem0)
        do_chunk(i, 1, rows1, sem1)
        return carry

    lax.fori_loop(0, _N_CHUNKS // 2, pair, 0)
    pltpu.make_async_copy(
        rows0, out_hbm.at[pl.ds(0, _CHUNK * _HIDDEN)], sem0).wait()
    pltpu.make_async_copy(
        rows1, out_hbm.at[pl.ds(0, _CHUNK * _HIDDEN)], sem1).wait()


_gather = functools.partial(
    pl.kernel,
    mesh=plsc.VectorSubcoreMesh(core_axis_name="c", subcore_axis_name="s"),
    out_type=jax.ShapeDtypeStruct((_B * _HIDDEN,), jnp.float32),
    scratch_types=[
        pltpu.VMEM((_EMBED_NUM * _HIDDEN,), jnp.float32),
        pltpu.VMEM((_B_PER_W,), jnp.int32),
        pltpu.VMEM((_CHUNK * _HIDDEN,), jnp.float32),
        pltpu.VMEM((_CHUNK * _HIDDEN,), jnp.float32),
        pltpu.SemaphoreType.DMA,
        pltpu.SemaphoreType.DMA,
    ],
    compiler_params=pltpu.CompilerParams(use_tc_tiling_on_sc=False,
                                         needs_layout_passes=False),
)(_gather_body)


def kernel(index, W):
    idx = _mulaw_index(index.reshape(_IDX_ROWS, _IDX_COLS))
    out = _gather(W.reshape(-1), idx.reshape(-1))
    return out.reshape(_ROWS, _COLS, _HIDDEN)

# --- scband reference (transcript-rebuilt; emitter-appended) ---
"""Pipeline reference for scband-mu-law-embedding-47390669144190 (READ-ONLY COPY).

The authoritative reference and input builder live on the scoring server;
editing this copy changes nothing except your own understanding.
"""

import jax, jax.numpy as jnp
import numpy as np

MU = 255.0
EMBED_NUM = 256
HIDDEN_DIM = 64


def setup_inputs(seed: int = 0) -> dict:
    key = jax.random.key(seed)
    k1, k2 = jax.random.split(key)
    index = jax.random.normal(k1, (16384, 50), dtype=jnp.float32)
    # nn.Embedding weight initialized with normal(mean=0, std=hidden_dim**-0.5)
    W = jax.random.normal(k2, (EMBED_NUM, HIDDEN_DIM), dtype=jnp.float32) * (HIDDEN_DIM ** -0.5)
    return {"index": index, "W": W}


def reference(index, W):
    # mu-law companding: sign(x) * log(1 + mu*|x|) / log(1 + mu)
    s = jnp.sign(index)
    x = s * jnp.log(1.0 + MU * jnp.abs(index)) / np.log(1.0 + MU)
    # quantize to integer bins
    idx = jnp.floor((x + 1.0) * (EMBED_NUM // 2)).astype(jnp.int32)
    # faithful clamp arithmetic: (idx<0)*0 + (idx>=0)*(idx<N)*idx + (idx>=N)*(N-1)
    lo = (idx >= 0).astype(jnp.int32)
    mid = (idx < EMBED_NUM).astype(jnp.int32)
    hi = (idx >= EMBED_NUM).astype(jnp.int32)
    idx = lo * mid * idx + hi * (EMBED_NUM - 1)
    # embedding lookup (gather)
    return jnp.take(W, idx, axis=0)

if __name__ == "__main__":
    import jax
    _d = setup_inputs()
    print(jax.jit(kernel)(*tuple(_d.values())))

</pallas_src>

<mosaic_0001>
#map = affine_map<(d0, d1) -> (0)>
module attributes {stable_mosaic.version = 14 : i64} {
  func.func @_gather_body(%arg0: i32, %arg1: i32, %arg2: memref<16384xf32, #tpu.memory_space<hbm>>, %arg3: memref<819200xi32, #tpu.memory_space<hbm>>, %arg4: memref<52428800xf32, #tpu.memory_space<hbm>>, %arg5: memref<16384xf32, #tpu.memory_space<vmem>>, %arg6: memref<25600xi32, #tpu.memory_space<vmem>>, %arg7: memref<40960xf32, #tpu.memory_space<vmem>>, %arg8: memref<40960xf32, #tpu.memory_space<vmem>>, %arg9: memref<!tpu.dma_semaphore, #tpu.memory_space<semaphore_mem>>, %arg10: memref<!tpu.dma_semaphore, #tpu.memory_space<semaphore_mem>>) attributes {dimension_semantics = [#tpu.dimension_semantics<core_parallel>, #tpu.dimension_semantics<subcore_parallel>], iteration_bounds = array<i64: 2, 16>, scalar_prefetch = 0 : i64, scratch_operands = 6 : i64, tpu.core_type = #tpu.core_type<sc_vector_subcore>, window_params = [{transform_indices = #map}, {transform_indices = #map}, {transform_indices = #map}]} {
    %mul3A = arith.constant 2 : i32
    %mul3A_0 = arith.muli %arg1, %mul3A : i32
    %add3A = arith.addi %mul3A_0, %arg0 : i32
    %mul3A_1 = arith.constant 25600 : i32
    %mul3A_2 = arith.muli %add3A, %mul3A_1 : i32
    "tpu.region"() ({
      %run_scoped3A = tpu.sem_alloc : memref<!tpu.dma_semaphore, #tpu.memory_space<semaphore_mem>>
      tpu.enqueue_dma source(%arg2 : memref<16384xf32, #tpu.memory_space<hbm>>) target(%arg5 : memref<16384xf32, #tpu.memory_space<vmem>>) target_semaphore(%run_scoped3A : memref<!tpu.dma_semaphore, #tpu.memory_space<semaphore_mem>>)
      tpu.wait_dma2 semaphore(%run_scoped3A : memref<!tpu.dma_semaphore, #tpu.memory_space<semaphore_mem>>) src(%arg2 : memref<16384xf32, #tpu.memory_space<hbm>>) dst(%arg5 : memref<16384xf32, #tpu.memory_space<vmem>>)
      tpu.yield
    }) : () -> ()
    "tpu.region"() ({
      %run_scoped3A = tpu.sem_alloc : memref<!tpu.dma_semaphore, #tpu.memory_space<semaphore_mem>>
      %dma_start3A = tpu.memref_slice %arg3[%mul3A_2] : memref<819200xi32, #tpu.memory_space<hbm>> -> memref<25600xi32, #tpu.memory_space<hbm>>
      %dma_start3A_15 = tpu.memref_slice %arg3[%mul3A_2] : memref<819200xi32, #tpu.memory_space<hbm>> -> memref<25600xi32, #tpu.memory_space<hbm>>
      tpu.enqueue_dma source(%dma_start3A_15 : memref<25600xi32, #tpu.memory_space<hbm>>) target(%arg6 : memref<25600xi32, #tpu.memory_space<vmem>>) target_semaphore(%run_scoped3A : memref<!tpu.dma_semaphore, #tpu.memory_space<semaphore_mem>>)
      %dma_wait3A_16 = tpu.memref_slice %arg3[%mul3A_2] : memref<819200xi32, #tpu.memory_space<hbm>> -> memref<25600xi32, #tpu.memory_space<hbm>>
      %dma_wait3A_17 = tpu.memref_slice %arg3[%mul3A_2] : memref<819200xi32, #tpu.memory_space<hbm>> -> memref<25600xi32, #tpu.memory_space<hbm>>
      tpu.wait_dma2 semaphore(%run_scoped3A : memref<!tpu.dma_semaphore, #tpu.memory_space<semaphore_mem>>) src(%dma_wait3A_17 : memref<25600xi32, #tpu.memory_space<hbm>>) dst(%arg6 : memref<25600xi32, #tpu.memory_space<vmem>>)
      tpu.yield
    }) : () -> ()
    %scan3A = arith.constant 0 : i32
    %scan3A_3 = arith.constant 0 : i32
    %scan3A_4 = arith.constant 20 : i32
    %scan3A_5 = arith.addi %scan3A_3, %scan3A_4 : i32
    %scan3A_6 = arith.constant 1 : i32
    scf.for %scan3A_15 = %scan3A_3 to %scan3A_5 step %scan3A_6  : i32 {
      %mul3A_16 = arith.constant 2 : i32
      %mul3A_17 = arith.muli %mul3A_16, %scan3A_15 : i32
      %add3A_18 = arith.constant 0 : i32
      %add3A_19 = arith.addi %mul3A_17, %add3A_18 : i32
      %mul3A_20 = arith.constant 640 : i32
      %mul3A_21 = arith.muli %add3A_19, %mul3A_20 : i32
      %add3A_22 = arith.addi %mul3A_2, %mul3A_21 : i32
      %gt3A = arith.constant 0 : i32
      %gt3A_23 = arith.cmpi sgt, %scan3A_15, %gt3A : i32
      %convert_element_type3A = arith.extui %gt3A_23 : i1 to i32
      %cond3A = arith.constant 0 : i32
      %cond3A_24 = arith.cmpi ne, %convert_element_type3A, %cond3A : i32
      scf.if %cond3A_24 {
        %dma_wait3A_50 = arith.constant 0 : i32
        %dma_wait3A_51 = tpu.memref_slice %arg4[%dma_wait3A_50] : memref<52428800xf32, #tpu.memory_space<hbm>> -> memref<40960xf32, #tpu.memory_space<hbm>>
        %dma_wait3A_52 = arith.constant 0 : i32
        %dma_wait3A_53 = tpu.memref_slice %arg4[%dma_wait3A_52] : memref<52428800xf32, #tpu.memory_space<hbm>> -> memref<40960xf32, #tpu.memory_space<hbm>>
        tpu.wait_dma2 semaphore(%arg9 : memref<!tpu.dma_semaphore, #tpu.memory_space<semaphore_mem>>) src(%arg7 : memref<40960xf32, #tpu.memory_space<vmem>>) dst(%dma_wait3A_53 : memref<40960xf32, #tpu.memory_space<hbm>>)
      } else {
      }
      %parallel_loop3A = arith.constant 0 : i32
      %parallel_loop3A_25 = arith.constant 40 : i32
      %parallel_loop3A_26 = arith.constant 1 : i32
      scf.for %parallel_loop3A_50 = %parallel_loop3A to %parallel_loop3A_25 step %parallel_loop3A_26  : i32 {
        %parallel_loop3A_51 = arith.constant 640 : i32
        %parallel_loop3A_52 = arith.muli %add3A_19, %parallel_loop3A_51 : i32
        %parallel_loop3A_53 = arith.constant 16 : i32
        %parallel_loop3A_54 = arith.muli %parallel_loop3A_50, %parallel_loop3A_53 : i32
        %parallel_loop3A_55 = arith.addi %parallel_loop3A_52, %parallel_loop3A_54 : i32
        %parallel_loop3A_56 = tpu.assume_multiple %parallel_loop3A_55, 16 : i32
        %parallel_loop3A_57 = arith.index_cast %parallel_loop3A_56 : i32 to index
        %parallel_loop3A_58 = tpu.vector_load %arg6[%parallel_loop3A_57] {strides = array<i32>} : memref<25600xi32, #tpu.memory_space<vmem>>, vector<16xi32>,
        %parallel_loop3A_59 = arith.constant 64 : i32
        %parallel_loop3A_60 = vector.broadcast %parallel_loop3A_59 : i32 to vector<16xi32>
        %parallel_loop3A_61 = arith.muli %parallel_loop3A_58, %parallel_loop3A_60 : vector<16xi32>
        %parallel_loop3A_62 = vector.extract_strided_slice %parallel_loop3A_61 {offsets = [0], sizes = [1], strides = [1]} : vector<16xi32> to vector<1xi32>
        %parallel_loop3A_63 = vector.extract %parallel_loop3A_62[0] : i32 from vector<1xi32>
        %parallel_loop3A_64 = tpu.assume_multiple %parallel_loop3A_63, 64 : i32
        %parallel_loop3A_65 = arith.constant 16 : i32
        %parallel_loop3A_66 = arith.muli %parallel_loop3A_50, %parallel_loop3A_65 : i32
        %parallel_loop3A_67 = arith.constant 0 : i32
        %parallel_loop3A_68 = arith.addi %parallel_loop3A_66, %parallel_loop3A_67 : i32
        %parallel_loop3A_69 = arith.constant 64 : i32
        %parallel_loop3A_70 = arith.muli %parallel_loop3A_68, %parallel_loop3A_69 : i32
        %parallel_loop3A_71 = tpu.assume_multiple %parallel_loop3A_70, 64 : i32
        %parallel_loop3A_72 = arith.constant 0 : i32
        %parallel_loop3A_73 = arith.addi %parallel_loop3A_64, %parallel_loop3A_72 : i32
        %parallel_loop3A_74 = arith.index_cast %parallel_loop3A_73 : i32 to index
        %parallel_loop3A_75 = tpu.vector_load %arg5[%parallel_loop3A_74] {strides = array<i32>} : memref<16384xf32, #tpu.memory_space<vmem>>, vector<16xf32>,
        %parallel_loop3A_76 = arith.constant 0 : i32
        %parallel_loop3A_77 = arith.addi %parallel_loop3A_71, %parallel_loop3A_76 : i32
        %parallel_loop3A_78 = arith.index_cast %parallel_loop3A_77 : i32 to index
        %parallel_loop3A_79 = tpu.vector_load %arg7[%parallel_loop3A_78] {strides = array<i32>} : memref<40960xf32, #tpu.memory_space<vmem>>, vector<16xf32>,
        tpu.vector_store %arg7[%parallel_loop3A_78], %parallel_loop3A_75 {strides = array<i32>} : memref<40960xf32, #tpu.memory_space<vmem>>, vector<16xf32>,
        %parallel_loop3A_80 = arith.constant 16 : i32
        %parallel_loop3A_81 = arith.addi %parallel_loop3A_64, %parallel_loop3A_80 : i32
        %parallel_loop3A_82 = arith.index_cast %parallel_loop3A_81 : i32 to index
        %parallel_loop3A_83 = tpu.vector_load %arg5[%parallel_loop3A_82] {strides = array<i32>} : memref<16384xf32, #tpu.memory_space<vmem>>, vector<16xf32>,
        %parallel_loop3A_84 = arith.constant 16 : i32
        %parallel_loop3A_85 = arith.addi %parallel_loop3A_71, %parallel_loop3A_84 : i32
        %parallel_loop3A_86 = arith.index_cast %parallel_loop3A_85 : i32 to index
        %parallel_loop3A_87 = tpu.vector_load %arg7[%parallel_loop3A_86] {strides = array<i32>} : memref<40960xf32, #tpu.memory_space<vmem>>, vector<16xf32>,
        tpu.vector_store %arg7[%parallel_loop3A_86], %parallel_loop3A_83 {strides = array<i32>} : memref<40960xf32, #tpu.memory_space<vmem>>, vector<16xf32>,
        %parallel_loop3A_88 = arith.constant 32 : i32
        %parallel_loop3A_89 = arith.addi %parallel_loop3A_64, %parallel_loop3A_88 : i32
        %parallel_loop3A_90 = arith.index_cast %parallel_loop3A_89 : i32 to index
        %parallel_loop3A_91 = tpu.vector_load %arg5[%parallel_loop3A_90] {strides = array<i32>} : memref<16384xf32, #tpu.memory_space<vmem>>, vector<16xf32>,
        %parallel_loop3A_92 = arith.constant 32 : i32
        %parallel_loop3A_93 = arith.addi %parallel_loop3A_71, %parallel_loop3A_92 : i32
        %parallel_loop3A_94 = arith.index_cast %parallel_loop3A_93 : i32 to index
        %parallel_loop3A_95 = tpu.vector_load %arg7[%parallel_loop3A_94] {strides = array<i32>} : memref<40960xf32, #tpu.memory_space<vmem>>, vector<16xf32>,
        tpu.vector_store %arg7[%parallel_loop3A_94], %parallel_loop3A_91 {strides = array<i32>} : memref<40960xf32, #tpu.memory_space<vmem>>, vector<16xf32>,
        %parallel_loop3A_96 = arith.constant 48 : i32
        %parallel_loop3A_97 = arith.addi %parallel_loop3A_64, %parallel_loop3A_96 : i32
        %parallel_loop3A_98 = arith.index_cast %parallel_loop3A_97 : i32 to index
        %parallel_loop3A_99 = tpu.vector_load %arg5[%parallel_loop3A_98] {strides = array<i32>} : memref<16384xf32, #tpu.memory_space<vmem>>, vector<16xf32>,
        %parallel_loop3A_100 = arith.constant 48 : i32
        %parallel_loop3A_101 = arith.addi %parallel_loop3A_71, %parallel_loop3A_100 : i32
        %parallel_loop3A_102 = arith.index_cast %parallel_loop3A_101 : i32 to index
        %parallel_loop3A_103 = tpu.vector_load %arg7[%parallel_loop3A_102] {strides = array<i32>} : memref<40960xf32, #tpu.memory_space<vmem>>, vector<16xf32>,
        tpu.vector_store %arg7[%parallel_loop3A_102], %parallel_loop3A_99 {strides = array<i32>} : memref<40960xf32, #tpu.memory_space<vmem>>, vector<16xf32>,
        %parallel_loop3A_104 = vector.extract_strided_slice %parallel_loop3A_61 {offsets = [1], sizes = [1], strides = [1]} : vector<16xi32> to vector<1xi32>
        %parallel_loop3A_105 = vector.extract %parallel_loop3A_104[0] : i32 from vector<1xi32>
        %parallel_loop3A_106 = tpu.assume_multiple %parallel_loop3A_105, 64 : i32
        %parallel_loop3A_107 = arith.constant 16 : i32
        %parallel_loop3A_108 = arith.muli %parallel_loop3A_50, %parallel_loop3A_107 : i32
        %parallel_loop3A_109 = arith.constant 1 : i32
        %parallel_loop3A_110 = arith.addi %parallel_loop3A_108, %parallel_loop3A_109 : i32
        %parallel_loop3A_111 = arith.constant 64 : i32
        %parallel_loop3A_112 = arith.muli %parallel_loop3A_110, %parallel_loop3A_111 : i32
        %parallel_loop3A_113 = tpu.assume_multiple %parallel_loop3A_112, 64 : i32
        %parallel_loop3A_114 = arith.constant 0 : i32
        %parallel_loop3A_115 = arith.addi %parallel_loop3A_106, %parallel_loop3A_114 : i32
        %parallel_loop3A_116 = arith.index_cast %parallel_loop3A_115 : i32 to index
        %parallel_loop3A_117 = tpu.vector_load %arg5[%parallel_loop3A_116] {strides = array<i32>} : memref<16384xf32, #tpu.memory_space<vmem>>, vector<16xf32>,
        %parallel_loop3A_118 = arith.constant 0 : i32
        %parallel_loop3A_119 = arith.addi %parallel_loop3A_113, %parallel_loop3A_118 : i32
        %parallel_loop3A_120 = arith.index_cast %parallel_loop3A_119 : i32 to index
        %parallel_loop3A_121 = tpu.vector_load %arg7[%parallel_loop3A_120] {strides = array<i32>} : memref<40960xf32, #tpu.memory_space<vmem>>, vector<16xf32>,
        tpu.vector_store %arg7[%parallel_loop3A_120], %parallel_loop3A_117 {strides = array<i32>} : memref<40960xf32, #tpu.memory_space<vmem>>, vector<16xf32>,
        %parallel_loop3A_122 = arith.constant 16 : i32
        %parallel_loop3A_123 = arith.addi %parallel_loop3A_106, %parallel_loop3A_122 : i32
        %parallel_loop3A_124 = arith.index_cast %parallel_loop3A_123 : i32 to index
        %parallel_loop3A_125 = tpu.vector_load %arg5[%parallel_loop3A_124] {strides = array<i32>} : memref<16384xf32, #tpu.memory_space<vmem>>, vector<16xf32>,
        %parallel_loop3A_126 = arith.constant 16 : i32
        %parallel_loop3A_127 = arith.addi %parallel_loop3A_113, %parallel_loop3A_126 : i32
        %parallel_loop3A_128 = arith.index_cast %parallel_loop3A_127 : i32 to index
        %parallel_loop3A_129 = tpu.vector_load %arg7[%parallel_loop3A_128] {strides = array<i32>} : memref<40960xf32, #tpu.memory_space<vmem>>, vector<16xf32>,
        tpu.vector_store %arg7[%parallel_loop3A_128], %parallel_loop3A_125 {strides = array<i32>} : memref<40960xf32, #tpu.memory_space<vmem>>, vector<16xf32>,
        %parallel_loop3A_130 = arith.constant 32 : i32
        %parallel_loop3A_131 = arith.addi %parallel_loop3A_106, %parallel_loop3A_130 : i32
        %parallel_loop3A_132 = arith.index_cast %parallel_loop3A_131 : i32 to index
        %parallel_loop3A_133 = tpu.vector_load %arg5[%parallel_loop3A_132] {strides = array<i32>} : memref<16384xf32, #tpu.memory_space<vmem>>, vector<16xf32>,
        %parallel_loop3A_134 = arith.constant 32 : i32
        %parallel_loop3A_135 = arith.addi %parallel_loop3A_113, %parallel_loop3A_134 : i32
        %parallel_loop3A_136 = arith.index_cast %parallel_loop3A_135 : i32 to index
        %parallel_loop3A_137 = tpu.vector_load %arg7[%parallel_loop3A_136] {strides = array<i32>} : memref<40960xf32, #tpu.memory_space<vmem>>, vector<16xf32>,
        tpu.vector_store %arg7[%parallel_loop3A_136], %parallel_loop3A_133 {strides = array<i32>} : memref<40960xf32, #tpu.memory_space<vmem>>, vector<16xf32>,
        %parallel_loop3A_138 = arith.constant 48 : i32
        %parallel_loop3A_139 = arith.addi %parallel_loop3A_106, %parallel_loop3A_138 : i32
        %parallel_loop3A_140 = arith.index_cast %parallel_loop3A_139 : i32 to index
        %parallel_loop3A_141 = tpu.vector_load %arg5[%parallel_loop3A_140] {strides = array<i32>} : memref<16384xf32, #tpu.memory_space<vmem>>, vector<16xf32>,
        %parallel_loop3A_142 = arith.constant 48 : i32
        %parallel_loop3A_143 = arith.addi %parallel_loop3A_113, %parallel_loop3A_142 : i32
        %parallel_loop3A_144 = arith.index_cast %parallel_loop3A_143 : i32 to index
        %parallel_loop3A_145 = tpu.vector_load %arg7[%parallel_loop3A_144] {strides = array<i32>} : memref<40960xf32, #tpu.memory_space<vmem>>, vector<16xf32>,
        tpu.vector_store %arg7[%parallel_loop3A_144], %parallel_loop3A_141 {strides = array<i32>} : memref<40960xf32, #tpu.memory_space<vmem>>, vector<16xf32>,
        %parallel_loop3A_146 = vector.extract_strided_slice %parallel_loop3A_61 {offsets = [2], sizes = [1], strides = [1]} : vector<16xi32> to vector<1xi32>
        %parallel_loop3A_147 = vector.extract %parallel_loop3A_146[0] : i32 from vector<1xi32>
        %parallel_loop3A_148 = tpu.assume_multiple %parallel_loop3A_147, 64 : i32
        %parallel_loop3A_149 = arith.constant 16 : i32
        %parallel_loop3A_150 = arith.muli %parallel_loop3A_50, %parallel_loop3A_149 : i32
        %parallel_loop3A_151 = arith.constant 2 : i32
        %parallel_loop3A_152 = arith.addi %parallel_loop3A_150, %parallel_loop3A_151 : i32
        %parallel_loop3A_153 = arith.constant 64 : i32
        %parallel_loop3A_154 = arith.muli %parallel_loop3A_152, %parallel_loop3A_153 : i32
        %parallel_loop3A_155 = tpu.assume_multiple %parallel_loop3A_154, 64 : i32
        %parallel_loop3A_156 = arith.constant 0 : i32
        %parallel_loop3A_157 = arith.addi %parallel_loop3A_148, %parallel_loop3A_156 : i32
        %parallel_loop3A_158 = arith.index_cast %parallel_loop3A_157 : i32 to index
        %parallel_loop3A_159 = tpu.vector_load %arg5[%parallel_loop3A_158] {strides = array<i32>} : memref<16384xf32, #tpu.memory_space<vmem>>, vector<16xf32>,
        %parallel_loop3A_160 = arith.constant 0 : i32
        %parallel_loop3A_161 = arith.addi %parallel_loop3A_155, %parallel_loop3A_160 : i32
        %parallel_loop3A_162 = arith.index_cast %parallel_loop3A_161 : i32 to index
        %parallel_loop3A_163 = tpu.vector_load %arg7[%parallel_loop3A_162] {strides = array<i32>} : memref<40960xf32, #tpu.memory_space<vmem>>, vector<16xf32>,
        tpu.vector_store %arg7[%parallel_loop3A_162], %parallel_loop3A_159 {strides = array<i32>} : memref<40960xf32, #tpu.memory_space<vmem>>, vector<16xf32>,
        %parallel_loop3A_164 = arith.constant 16 : i32
        %parallel_loop3A_165 = arith.addi %parallel_loop3A_148, %parallel_loop3A_164 : i32
        %parallel_loop3A_166 = arith.index_cast %parallel_loop3A_165 : i32 to index
        %parallel_loop3A_167 = tpu.vector_load %arg5[%parallel_loop3A_166] {strides = array<i32>} : memref<16384xf32, #tpu.memory_space<vmem>>, vector<16xf32>,
        %parallel_loop3A_168 = arith.constant 16 : i32
        %parallel_loop3A_169 = arith.addi %parallel_loop3A_155, %parallel_loop3A_168 : i32
        %parallel_loop3A_170 = arith.index_cast %parallel_loop3A_169 : i32 to index
        %parallel_loop3A_171 = tpu.vector_load %arg7[%parallel_loop3A_170] {strides = array<i32>} : memref<40960xf32, #tpu.memory_space<vmem>>, vector<16xf32>,
        tpu.vector_store %arg7[%parallel_loop3A_170], %parallel_loop3A_167 {strides = array<i32>} : memref<40960xf32, #tpu.memory_space<vmem>>, vector<16xf32>,
        %parallel_loop3A_172 = arith.constant 32 : i32
        %parallel_loop3A_173 = arith.addi %parallel_loop3A_148, %parallel_loop3A_172 : i32
        %parallel_loop3A_174 = arith.index_cast %parallel_loop3A_173 : i32 to index
        %parallel_loop3A_175 = tpu.vector_load %arg5[%parallel_loop3A_174] {strides = array<i32>} : memref<16384xf32, #tpu.memory_space<vmem>>, vector<16xf32>,
        %parallel_loop3A_176 = arith.constant 32 : i32
        %parallel_loop3A_177 = arith.addi %parallel_loop3A_155, %parallel_loop3A_176 : i32
        %parallel_loop3A_178 = arith.index_cast %parallel_loop3A_177 : i32 to index
        %parallel_loop3A_179 = tpu.vector_load %arg7[%parallel_loop3A_178] {strides = array<i32>} : memref<40960xf32, #tpu.memory_space<vmem>>, vector<16xf32>,
        tpu.vector_store %arg7[%parallel_loop3A_178], %parallel_loop3A_175 {strides = array<i32>} : memref<40960xf32, #tpu.memory_space<vmem>>, vector<16xf32>,
        %parallel_loop3A_180 = arith.constant 48 : i32
        %parallel_loop3A_181 = arith.addi %parallel_loop3A_148, %parallel_loop3A_180 : i32
        %parallel_loop3A_182 = arith.index_cast %parallel_loop3A_181 : i32 to index
        %parallel_loop3A_183 = tpu.vector_load %arg5[%parallel_loop3A_182] {strides = array<i32>} : memref<16384xf32, #tpu.memory_space<vmem>>, vector<16xf32>,
        %parallel_loop3A_184 = arith.constant 48 : i32
        %parallel_loop3A_185 = arith.addi %parallel_loop3A_155, %parallel_loop3A_184 : i32
        %parallel_loop3A_186 = arith.index_cast %parallel_loop3A_185 : i32 to index
        %parallel_loop3A_187 = tpu.vector_load %arg7[%parallel_loop3A_186] {strides = array<i32>} : memref<40960xf32, #tpu.memory_space<vmem>>, vector<16xf32>,
        tpu.vector_store %arg7[%parallel_loop3A_186], %parallel_loop3A_183 {strides = array<i32>} : memref<40960xf32, #tpu.memory_space<vmem>>, vector<16xf32>,
        %parallel_loop3A_188 = vector.extract_strided_slice %parallel_loop3A_61 {offsets = [3], sizes = [1], strides = [1]} : vector<16xi32> to vector<1xi32>
        %parallel_loop3A_189 = vector.extract %parallel_loop3A_188[0] : i32 from vector<1xi32>
        %parallel_loop3A_190 = tpu.assume_multiple %parallel_loop3A_189, 64 : i32
        %parallel_loop3A_191 = arith.constant 16 : i32
        %parallel_loop3A_192 = arith.muli %parallel_loop3A_50, %parallel_loop3A_191 : i32
        %parallel_loop3A_193 = arith.constant 3 : i32
        %parallel_loop3A_194 = arith.addi %parallel_loop3A_192, %parallel_loop3A_193 : i32
        %parallel_loop3A_195 = arith.constant 64 : i32
        %parallel_loop3A_196 = arith.muli %parallel_loop3A_194, %parallel_loop3A_195 : i32
        %parallel_loop3A_197 = tpu.assume_multiple %parallel_loop3A_196, 64 : i32
        %parallel_loop3A_198 = arith.constant 0 : i32
        %parallel_loop3A_199 = arith.addi %parallel_loop3A_190, %parallel_loop3A_198 : i32
        %parallel_loop3A_200 = arith.index_cast %parallel_loop3A_199 : i32 to index
        %parallel_loop3A_201 = tpu.vector_load %arg5[%parallel_loop3A_200] {strides = array<i32>} : memref<16384xf32, #tpu.memory_space<vmem>>, vector<16xf32>,
        %parallel_loop3A_202 = arith.constant 0 : i32
        %parallel_loop3A_203 = arith.addi %parallel_loop3A_197, %parallel_loop3A_202 : i32
        %parallel_loop3A_204 = arith.index_cast %parallel_loop3A_203 : i32 to index
        %parallel_loop3A_205 = tpu.vector_load %arg7[%parallel_loop3A_204] {strides = array<i32>} : memref<40960xf32, #tpu.memory_space<vmem>>, vector<16xf32>,
        tpu.vector_store %arg7[%parallel_loop3A_204], %parallel_loop3A_201 {strides = array<i32>} : memref<40960xf32, #tpu.memory_space<vmem>>, vector<16xf32>,
        %parallel_loop3A_206 = arith.constant 16 : i32
        %parallel_loop3A_207 = arith.addi %parallel_loop3A_190, %parallel_loop3A_206 : i32
        %parallel_loop3A_208 = arith.index_cast %parallel_loop3A_207 : i32 to index
        %parallel_loop3A_209 = tpu.vector_load %arg5[%parallel_loop3A_208] {strides = array<i32>} : memref<16384xf32, #tpu.memory_space<vmem>>, vector<16xf32>,
        %parallel_loop3A_210 = arith.constant 16 : i32
        %parallel_loop3A_211 = arith.addi %parallel_loop3A_197, %parallel_loop3A_210 : i32
        %parallel_loop3A_212 = arith.index_cast %parallel_loop3A_211 : i32 to index
        %parallel_loop3A_213 = tpu.vector_load %arg7[%parallel_loop3A_212] {strides = array<i32>} : memref<40960xf32, #tpu.memory_space<vmem>>, vector<16xf32>,
        tpu.vector_store %arg7[%parallel_loop3A_212], %parallel_loop3A_209 {strides = array<i32>} : memref<40960xf32, #tpu.memory_space<vmem>>, vector<16xf32>,
        %parallel_loop3A_214 = arith.constant 32 : i32
        %parallel_loop3A_215 = arith.addi %parallel_loop3A_190, %parallel_loop3A_214 : i32
        %parallel_loop3A_216 = arith.index_cast %parallel_loop3A_215 : i32 to index
        %parallel_loop3A_217 = tpu.vector_load %arg5[%parallel_loop3A_216] {strides = array<i32>} : memref<16384xf32, #tpu.memory_space<vmem>>, vector<16xf32>,
        %parallel_loop3A_218 = arith.constant 32 : i32
        %parallel_loop3A_219 = arith.addi %parallel_loop3A_197, %parallel_loop3A_218 : i32
        %parallel_loop3A_220 = arith.index_cast %parallel_loop3A_219 : i32 to index
        %parallel_loop3A_221 = tpu.vector_load %arg7[%parallel_loop3A_220] {strides = array<i32>} : memref<40960xf32, #tpu.memory_space<vmem>>, vector<16xf32>,
        tpu.vector_store %arg7[%parallel_loop3A_220], %parallel_loop3A_217 {strides = array<i32>} : memref<40960xf32, #tpu.memory_space<vmem>>, vector<16xf32>,
        %parallel_loop3A_222 = arith.constant 48 : i32
        %parallel_loop3A_223 = arith.addi %parallel_loop3A_190, %parallel_loop3A_222 : i32
        %parallel_loop3A_224 = arith.index_cast %parallel_loop3A_223 : i32 to index
        %parallel_loop3A_225 = tpu.vector_load %arg5[%parallel_loop3A_224] {strides = array<i32>} : memref<16384xf32, #tpu.memory_space<vmem>>, vector<16xf32>,
        %parallel_loop3A_226 = arith.constant 48 : i32
        %parallel_loop3A_227 = arith.addi %parallel_loop3A_197, %parallel_loop3A_226 : i32
        %parallel_loop3A_228 = arith.index_cast %parallel_loop3A_227 : i32 to index
        %parallel_loop3A_229 = tpu.vector_load %arg7[%parallel_loop3A_228] {strides = array<i32>} : memref<40960xf32, #tpu.memory_space<vmem>>, vector<16xf32>,
        tpu.vector_store %arg7[%parallel_loop3A_228], %parallel_loop3A_225 {strides = array<i32>} : memref<40960xf32, #tpu.memory_space<vmem>>, vector<16xf32>,
        %parallel_loop3A_230 = vector.extract_strided_slice %parallel_loop3A_61 {offsets = [4], sizes = [1], strides = [1]} : vector<16xi32> to vector<1xi32>
        %parallel_loop3A_231 = vector.extract %parallel_loop3A_230[0] : i32 from vector<1xi32>
        %parallel_loop3A_232 = tpu.assume_multiple %parallel_loop3A_231, 64 : i32
        %parallel_loop3A_233 = arith.constant 16 : i32
        %parallel_loop3A_234 = arith.muli %parallel_loop3A_50, %parallel_loop3A_233 : i32
        %parallel_loop3A_235 = arith.constant 4 : i32
        %parallel_loop3A_236 = arith.addi %parallel_loop3A_234, %parallel_loop3A_235 : i32
        %parallel_loop3A_237 = arith.constant 64 : i32
        %parallel_loop3A_238 = arith.muli %parallel_loop3A_236, %parallel_loop3A_237 : i32
        %parallel_loop3A_239 = tpu.assume_multiple %parallel_loop3A_238, 64 : i32
        %parallel_loop3A_240 = arith.constant 0 : i32
        %parallel_loop3A_241 = arith.addi %parallel_loop3A_232, %parallel_loop3A_240 : i32
        %parallel_loop3A_242 = arith.index_cast %parallel_loop3A_241 : i32 to index
        %parallel_loop3A_243 = tpu.vector_load %arg5[%parallel_loop3A_242] {strides = array<i32>} : memref<16384xf32, #tpu.memory_space<vmem>>, vector<16xf32>,
        %parallel_loop3A_244 = arith.constant 0 : i32
        %parallel_loop3A_245 = arith.addi %parallel_loop3A_239, %parallel_loop3A_244 : i32
        %parallel_loop3A_246 = arith.index_cast %parallel_loop3A_245 : i32 to index
        %parallel_loop3A_247 = tpu.vector_load %arg7[%parallel_loop3A_246] {strides = array<i32>} : memref<40960xf32, #tpu.memory_space<vmem>>, vector<16xf32>,
        tpu.vector_store %arg7[%parallel_loop3A_246], %parallel_loop3A_243 {strides = array<i32>} : memref<40960xf32, #tpu.memory_space<vmem>>, vector<16xf32>,
        %parallel_loop3A_248 = arith.constant 16 : i32
        %parallel_loop3A_249 = arith.addi %parallel_loop3A_232, %parallel_loop3A_248 : i32
        %parallel_loop3A_250 = arith.index_cast %parallel_loop3A_249 : i32 to index
        %parallel_loop3A_251 = tpu.vector_load %arg5[%parallel_loop3A_250] {strides = array<i32>} : memref<16384xf32, #tpu.memory_space<vmem>>, vector<16xf32>,
        %parallel_loop3A_252 = arith.constant 16 : i32
        %parallel_loop3A_253 = arith.addi %parallel_loop3A_239, %parallel_loop3A_252 : i32
        %parallel_loop3A_254 = arith.index_cast %parallel_loop3A_253 : i32 to index
        %parallel_loop3A_255 = tpu.vector_load %arg7[%parallel_loop3A_254] {strides = array<i32>} : memref<40960xf32, #tpu.memory_space<vmem>>, vector<16xf32>,
        tpu.vector_store %arg7[%parallel_loop3A_254], %parallel_loop3A_251 {strides = array<i32>} : memref<40960xf32, #tpu.memory_space<vmem>>, vector<16xf32>,
        %parallel_loop3A_256 = arith.constant 32 : i32
        %parallel_loop3A_257 = arith.addi %parallel_loop3A_232, %parallel_loop3A_256 : i32
        %parallel_loop3A_258 = arith.index_cast %parallel_loop3A_257 : i32 to index
        %parallel_loop3A_259 = tpu.vector_load %arg5[%parallel_loop3A_258] {strides = array<i32>} : memref<16384xf32, #tpu.memory_space<vmem>>, vector<16xf32>,
        %parallel_loop3A_260 = arith.constant 32 : i32
        %parallel_loop3A_261 = arith.addi %parallel_loop3A_239, %parallel_loop3A_260 : i32
        %parallel_loop3A_262 = arith.index_cast %parallel_loop3A_261 : i32 to index
        %parallel_loop3A_263 = tpu.vector_load %arg7[%parallel_loop3A_262] {strides = array<i32>} : memref<40960xf32, #tpu.memory_space<vmem>>, vector<16xf32>,
        tpu.vector_store %arg7[%parallel_loop3A_262], %parallel_loop3A_259 {strides = array<i32>} : memref<40960xf32, #tpu.memory_space<vmem>>, vector<16xf32>,
        %parallel_loop3A_264 = arith.constant 48 : i32
        %parallel_loop3A_265 = arith.addi %parallel_loop3A_232, %parallel_loop3A_264 : i32
        %parallel_loop3A_266 = arith.index_cast %parallel_loop3A_265 : i32 to index
        %parallel_loop3A_267 = tpu.vector_load %arg5[%parallel_loop3A_266] {strides = array<i32>} : memref<16384xf32, #tpu.memory_space<vmem>>, vector<16xf32>,
        %parallel_loop3A_268 = arith.constant 48 : i32
        %parallel_loop3A_269 = arith.addi %parallel_loop3A_239, %parallel_loop3A_268 : i32
        %parallel_loop3A_270 = arith.index_cast %parallel_loop3A_269 : i32 to index
        %parallel_loop3A_271 = tpu.vector_load %arg7[%parallel_loop3A_270] {strides = array<i32>} : memref<40960xf32, #tpu.memory_space<vmem>>, vector<16xf32>,
        tpu.vector_store %arg7[%parallel_loop3A_270], %parallel_loop3A_267 {strides = array<i32>} : memref<40960xf32, #tpu.memory_space<vmem>>, vector<16xf32>,
        %parallel_loop3A_272 = vector.extract_strided_slice %parallel_loop3A_61 {offsets = [5], sizes = [1], strides = [1]} : vector<16xi32> to vector<1xi32>
        %parallel_loop3A_273 = vector.extract %parallel_loop3A_272[0] : i32 from vector<1xi32>
        %parallel_loop3A_274 = tpu.assume_multiple %parallel_loop3A_273, 64 : i32
        %parallel_loop3A_275 = arith.constant 16 : i32
        %parallel_loop3A_276 = arith.muli %parallel_loop3A_50, %parallel_loop3A_275 : i32
        %parallel_loop3A_277 = arith.constant 5 : i32
        %parallel_loop3A_278 = arith.addi %parallel_loop3A_276, %parallel_loop3A_277 : i32
        %parallel_loop3A_279 = arith.constant 64 : i32
        %parallel_loop3A_280 = arith.muli %parallel_loop3A_278, %parallel_loop3A_279 : i32
        %parallel_loop3A_281 = tpu.assume_multiple %parallel_loop3A_280, 64 : i32
        %parallel_loop3A_282 = arith.constant 0 : i32
        %parallel_loop3A_283 = arith.addi %parallel_loop3A_274, %parallel_loop3A_282 : i32
        %parallel_loop3A_284 = arith.index_cast %parallel_loop3A_283 : i32 to index
        %parallel_loop3A_285 = tpu.vector_load %arg5[%parallel_loop3A_284] {strides = array<i32>} : memref<16384xf32, #tpu.memory_space<vmem>>, vector<16xf32>,
        %parallel_loop3A_286 = arith.constant 0 : i32
        %parallel_loop3A_287 = arith.addi %parallel_loop3A_281, %parallel_loop3A_286 : i32
        %parallel_loop3A_288 = arith.index_cast %parallel_loop3A_287 : i32 to index
        %parallel_loop3A_289 = tpu.vector_load %arg7[%parallel_loop3A_288] {strides = array<i32>} : memref<40960xf32, #tpu.memory_space<vmem>>, vector<16xf32>,
        tpu.vector_store %arg7[%parallel_loop3A_288], %parallel_loop3A_285 {strides = array<i32>} : memref<40960xf32, #tpu.memory_space<vmem>>, vector<16xf32>,
        %parallel_loop3A_290 = arith.constant 16 : i32
        %parallel_loop3A_291 = arith.addi %parallel_loop3A_274, %parallel_loop3A_290 : i32
        %parallel_loop3A_292 = arith.index_cast %parallel_loop3A_291 : i32 to index
        %parallel_loop3A_293 = tpu.vector_load %arg5[%parallel_loop3A_292] {strides = array<i32>} : memref<16384xf32, #tpu.memory_space<vmem>>, vector<16xf32>,
        %parallel_loop3A_294 = arith.constant 16 : i32
        %parallel_loop3A_295 = arith.addi %parallel_loop3A_281, %parallel_loop3A_294 : i32
        %parallel_loop3A_296 = arith.index_cast %parallel_loop3A_295 : i32 to index
        %parallel_loop3A_297 = tpu.vector_load %arg7[%parallel_loop3A_296] {strides = array<i32>} : memref<40960xf32, #tpu.memory_space<vmem>>, vector<16xf32>,
        tpu.vector_store %arg7[%parallel_loop3A_296], %parallel_loop3A_293 {strides = array<i32>} : memref<40960xf32, #tpu.memory_space<vmem>>, vector<16xf32>,
        %parallel_loop3A_298 = arith.constant 32 : i32
        %parallel_loop3A_299 = arith.addi %parallel_loop3A_274, %parallel_loop3A_298 : i32
        %parallel_loop3A_300 = arith.index_cast %parallel_loop3A_299 : i32 to index
        %parallel_loop3A_301 = tpu.vector_load %arg5[%parallel_loop3A_300] {strides = array<i32>} : memref<16384xf32, #tpu.memory_space<vmem>>, vector<16xf32>,
        %parallel_loop3A_302 = arith.constant 32 : i32
        %parallel_loop3A_303 = arith.addi %parallel_loop3A_281, %parallel_loop3A_302 : i32
        %parallel_loop3A_304 = arith.index_cast %parallel_loop3A_303 : i32 to index
        %parallel_loop3A_305 = tpu.vector_load %arg7[%parallel_loop3A_304] {strides = array<i32>} : memref<40960xf32, #tpu.memory_space<vmem>>, vector<16xf32>,
        tpu.vector_store %arg7[%parallel_loop3A_304], %parallel_loop3A_301 {strides = array<i32>} : memref<40960xf32, #tpu.memory_space<vmem>>, vector<16xf32>,
        %parallel_loop3A_306 = arith.constant 48 : i32
        %parallel_loop3A_307 = arith.addi %parallel_loop3A_274, %parallel_loop3A_306 : i32
        %parallel_loop3A_308 = arith.index_cast %parallel_loop3A_307 : i32 to index
        %parallel_loop3A_309 = tpu.vector_load %arg5[%parallel_loop3A_308] {strides = array<i32>} : memref<16384xf32, #tpu.memory_space<vmem>>, vector<16xf32>,
        %parallel_loop3A_310 = arith.constant 48 : i32
        %parallel_loop3A_311 = arith.addi %parallel_loop3A_281, %parallel_loop3A_310 : i32
        %parallel_loop3A_312 = arith.index_cast %parallel_loop3A_311 : i32 to index
        %parallel_loop3A_313 = tpu.vector_load %arg7[%parallel_loop3A_312] {strides = array<i32>} : memref<40960xf32, #tpu.memory_space<vmem>>, vector<16xf32>,
        tpu.vector_store %arg7[%parallel_loop3A_312], %parallel_loop3A_309 {strides = array<i32>} : memref<40960xf32, #tpu.memory_space<vmem>>, vector<16xf32>,
        %parallel_loop3A_314 = vector.extract_strided_slice %parallel_loop3A_61 {offsets = [6], sizes = [1], strides = [1]} : vector<16xi32> to vector<1xi32>
        %parallel_loop3A_315 = vector.extract %parallel_loop3A_314[0] : i32 from vector<1xi32>
        %parallel_loop3A_316 = tpu.assume_multiple %parallel_loop3A_315, 64 : i32
        %parallel_loop3A_317 = arith.constant 16 : i32
        %parallel_loop3A_318 = arith.muli %parallel_loop3A_50, %parallel_loop3A_317 : i32
        %parallel_loop3A_319 = arith.constant 6 : i32
        %parallel_loop3A_320 = arith.addi %parallel_loop3A_318, %parallel_loop3A_319 : i32
        %parallel_loop3A_321 = arith.constant 64 : i32
        %parallel_loop3A_322 = arith.muli %parallel_loop3A_320, %parallel_loop3A_321 : i32
        %parallel_loop3A_323 = tpu.assume_multiple %parallel_loop3A_322, 64 : i32
        %parallel_loop3A_324 = arith.constant 0 : i32
        %parallel_loop3A_325 = arith.addi %parallel_loop3A_316, %parallel_loop3A_324 : i32
        %parallel_loop3A_326 = arith.index_cast %parallel_loop3A_325 : i32 to index
        %parallel_loop3A_327 = tpu.vector_load %arg5[%parallel_loop3A_326] {strides = array<i32>} : memref<16384xf32, #tpu.memory_space<vmem>>, vector<16xf32>,
        %parallel_loop3A_328 = arith.constant 0 : i32
        %parallel_loop3A_329 = arith.addi %parallel_loop3A_323, %parallel_loop3A_328 : i32
        %parallel_loop3A_330 = arith.index_cast %parallel_loop3A_329 : i32 to index
        %parallel_loop3A_331 = tpu.vector_load %arg7[%parallel_loop3A_330] {strides = array<i32>} : memref<40960xf32, #tpu.memory_space<vmem>>, vector<16xf32>,
        tpu.vector_store %arg7[%parallel_loop3A_330], %parallel_loop3A_327 {strides = array<i32>} : memref<40960xf32, #tpu.memory_space<vmem>>, vector<16xf32>,
        %parallel_loop3A_332 = arith.constant 16 : i32
        %parallel_loop3A_333 = arith.addi %parallel_loop3A_316, %parallel_loop3A_332 : i32
        %parallel_loop3A_334 = arith.index_cast %parallel_loop3A_333 : i32 to index
        %parallel_loop3A_335 = tpu.vector_load %arg5[%parallel_loop3A_334] {strides = array<i32>} : memref<16384xf32, #tpu.memory_space<vmem>>, vector<16xf32>,
        %parallel_loop3A_336 = arith.constant 16 : i32
        %parallel_loop3A_337 = arith.addi %parallel_loop3A_323, %parallel_loop3A_336 : i32
        %parallel_loop3A_338 = arith.index_cast %parallel_loop3A_337 : i32 to index
        %parallel_loop3A_339 = tpu.vector_load %arg7[%parallel_loop3A_338] {strides = array<i32>} : memref<40960xf32, #tpu.memory_space<vmem>>, vector<16xf32>,
        tpu.vector_store %arg7[%parallel_loop3A_338], %parallel_loop3A_335 {strides = array<i32>} : memref<40960xf32, #tpu.memory_space<vmem>>, vector<16xf32>,
        %parallel_loop3A_340 = arith.constant 32 : i32
        %parallel_loop3A_341 = arith.addi %parallel_loop3A_316, %parallel_loop3A_340 : i32
        %parallel_loop3A_342 = arith.index_cast %parallel_loop3A_341 : i32 to index
        %parallel_loop3A_343 = tpu.vector_load %arg5[%parallel_loop3A_342] {strides = array<i32>} : memref<16384xf32, #tpu.memory_space<vmem>>, vector<16xf32>,
        %parallel_loop3A_344 = arith.constant 32 : i32
        %parallel_loop3A_345 = arith.addi %parallel_loop3A_323, %parallel_loop3A_344 : i32
        %parallel_loop3A_346 = arith.index_cast %parallel_loop3A_345 : i32 to index
        %parallel_loop3A_347 = tpu.vector_load %arg7[%parallel_loop3A_346] {strides = array<i32>} : memref<40960xf32, #tpu.memory_space<vmem>>, vector<16xf32>,
        tpu.vector_store %arg7[%parallel_loop3A_346], %parallel_loop3A_343 {strides = array<i32>} : memref<40960xf32, #tpu.memory_space<vmem>>, vector<16xf32>,
        %parallel_loop3A_348 = arith.constant 48 : i32
        %parallel_loop3A_349 = arith.addi %parallel_loop3A_316, %parallel_loop3A_348 : i32
        %parallel_loop3A_350 = arith.index_cast %parallel_loop3A_349 : i32 to index
        %parallel_loop3A_351 = tpu.vector_load %arg5[%parallel_loop3A_350] {strides = array<i32>} : memref<16384xf32, #tpu.memory_space<vmem>>, vector<16xf32>,
        %parallel_loop3A_352 = arith.constant 48 : i32
        %parallel_loop3A_353 = arith.addi %parallel_loop3A_323, %parallel_loop3A_352 : i32
        %parallel_loop3A_354 = arith.index_cast %parallel_loop3A_353 : i32 to index
        %parallel_loop3A_355 = tpu.vector_load %arg7[%parallel_loop3A_354] {strides = array<i32>} : memref<40960xf32, #tpu.memory_space<vmem>>, vector<16xf32>,
        tpu.vector_store %arg7[%parallel_loop3A_354], %parallel_loop3A_351 {strides = array<i32>} : memref<40960xf32, #tpu.memory_space<vmem>>, vector<16xf32>,
        %parallel_loop3A_356 = vector.extract_strided_slice %parallel_loop3A_61 {offsets = [7], sizes = [1], strides = [1]} : vector<16xi32> to vector<1xi32>
        %parallel_loop3A_357 = vector.extract %parallel_loop3A_356[0] : i32 from vector<1xi32>
        %parallel_loop3A_358 = tpu.assume_multiple %parallel_loop3A_357, 64 : i32
        %parallel_loop3A_359 = arith.constant 16 : i32
        %parallel_loop3A_360 = arith.muli %parallel_loop3A_50, %parallel_loop3A_359 : i32
        %parallel_loop3A_361 = arith.constant 7 : i32
        %parallel_loop3A_362 = arith.addi %parallel_loop3A_360, %parallel_loop3A_361 : i32
        %parallel_loop3A_363 = arith.constant 64 : i32
        %parallel_loop3A_364 = arith.muli %parallel_loop3A_362, %parallel_loop3A_363 : i32
        %parallel_loop3A_365 = tpu.assume_multiple %parallel_loop3A_364, 64 : i32
        %parallel_loop3A_366 = arith.constant 0 : i32
        %parallel_loop3A_367 = arith.addi %parallel_loop3A_358, %parallel_loop3A_366 : i32
        %parallel_loop3A_368 = arith.index_cast %parallel_loop3A_367 : i32 to index
        %parallel_loop3A_369 = tpu.vector_load %arg5[%parallel_loop3A_368] {strides = array<i32>} : memref<16384xf32, #tpu.memory_space<vmem>>, vector<16xf32>,
        %parallel_loop3A_370 = arith.constant 0 : i32
        %parallel_loop3A_371 = arith.addi %parallel_loop3A_365, %parallel_loop3A_370 : i32
        %parallel_loop3A_372 = arith.index_cast %parallel_loop3A_371 : i32 to index
        %parallel_loop3A_373 = tpu.vector_load %arg7[%parallel_loop3A_372] {strides = array<i32>} : memref<40960xf32, #tpu.memory_space<vmem>>, vector<16xf32>,
        tpu.vector_store %arg7[%parallel_loop3A_372], %parallel_loop3A_369 {strides = array<i32>} : memref<40960xf32, #tpu.memory_space<vmem>>, vector<16xf32>,
        %parallel_loop3A_374 = arith.constant 16 : i32
        %parallel_loop3A_375 = arith.addi %parallel_loop3A_358, %parallel_loop3A_374 : i32
        %parallel_loop3A_376 = arith.index_cast %parallel_loop3A_375 : i32 to index
        %parallel_loop3A_377 = tpu.vector_load %arg5[%parallel_loop3A_376] {strides = array<i32>} : memref<16384xf32, #tpu.memory_space<vmem>>, vector<16xf32>,
        %parallel_loop3A_378 = arith.constant 16 : i32
        %parallel_loop3A_379 = arith.addi %parallel_loop3A_365, %parallel_loop3A_378 : i32
        %parallel_loop3A_380 = arith.index_cast %parallel_loop3A_379 : i32 to index
        %parallel_loop3A_381 = tpu.vector_load %arg7[%parallel_loop3A_380] {strides = array<i32>} : memref<40960xf32, #tpu.memory_space<vmem>>, vector<16xf32>,
        tpu.vector_store %arg7[%parallel_loop3A_380], %parallel_loop3A_377 {strides = array<i32>} : memref<40960xf32, #tpu.memory_space<vmem>>, vector<16xf32>,
        %parallel_loop3A_382 = arith.constant 32 : i32
        %parallel_loop3A_383 = arith.addi %parallel_loop3A_358, %parallel_loop3A_382 : i32
        %parallel_loop3A_384 = arith.index_cast %parallel_loop3A_383 : i32 to index
        %parallel_loop3A_385 = tpu.vector_load %arg5[%parallel_loop3A_384] {strides = array<i32>} : memref<16384xf32, #tpu.memory_space<vmem>>, vector<16xf32>,
        %parallel_loop3A_386 = arith.constant 32 : i32
        %parallel_loop3A_387 = arith.addi %parallel_loop3A_365, %parallel_loop3A_386 : i32
        %parallel_loop3A_388 = arith.index_cast %parallel_loop3A_387 : i32 to index
        %parallel_loop3A_389 = tpu.vector_load %arg7[%parallel_loop3A_388] {strides = array<i32>} : memref<40960xf32, #tpu.memory_space<vmem>>, vector<16xf32>,
        tpu.vector_store %arg7[%parallel_loop3A_388], %parallel_loop3A_385 {strides = array<i32>} : memref<40960xf32, #tpu.memory_space<vmem>>, vector<16xf32>,
        %parallel_loop3A_390 = arith.constant 48 : i32
        %parallel_loop3A_391 = arith.addi %parallel_loop3A_358, %parallel_loop3A_390 : i32
        %parallel_loop3A_392 = arith.index_cast %parallel_loop3A_391 : i32 to index
        %parallel_loop3A_393 = tpu.vector_load %arg5[%parallel_loop3A_392] {strides = array<i32>} : memref<16384xf32, #tpu.memory_space<vmem>>, vector<16xf32>,
        %parallel_loop3A_394 = arith.constant 48 : i32
        %parallel_loop3A_395 = arith.addi %parallel_loop3A_365, %parallel_loop3A_394 : i32
        %parallel_loop3A_396 = arith.index_cast %parallel_loop3A_395 : i32 to index
        %parallel_loop3A_397 = tpu.vector_load %arg7[%parallel_loop3A_396] {strides = array<i32>} : memref<40960xf32, #tpu.memory_space<vmem>>, vector<16xf32>,
        tpu.vector_store %arg7[%parallel_loop3A_396], %parallel_loop3A_393 {strides = array<i32>} : memref<40960xf32, #tpu.memory_space<vmem>>, vector<16xf32>,
        %parallel_loop3A_398 = vector.extract_strided_slice %parallel_loop3A_61 {offsets = [8], sizes = [1], strides = [1]} : vector<16xi32> to vector<1xi32>
        %parallel_loop3A_399 = vector.extract %parallel_loop3A_398[0] : i32 from vector<1xi32>
        %parallel_loop3A_400 = tpu.assume_multiple %parallel_loop3A_399, 64 : i32
        %parallel_loop3A_401 = arith.constant 16 : i32
        %parallel_loop3A_402 = arith.muli %parallel_loop3A_50, %parallel_loop3A_401 : i32
        %parallel_loop3A_403 = arith.constant 8 : i32
        %parallel_loop3A_404 = arith.addi %parallel_loop3A_402, %parallel_loop3A_403 : i32
        %parallel_loop3A_405 = arith.constant 64 : i32
        %parallel_loop3A_406 = arith.muli %parallel_loop3A_404, %parallel_loop3A_405 : i32
        %parallel_loop3A_407 = tpu.assume_multiple %parallel_loop3A_406, 64 : i32
        %parallel_loop3A_408 = arith.constant 0 : i32
        %parallel_loop3A_409 = arith.addi %parallel_loop3A_400, %parallel_loop3A_408 : i32
        %parallel_loop3A_410 = arith.index_cast %parallel_loop3A_409 : i32 to index
        %parallel_loop3A_411 = tpu.vector_load %arg5[%parallel_loop3A_410] {strides = array<i32>} : memref<16384xf32, #tpu.memory_space<vmem>>, vector<16xf32>,
        %parallel_loop3A_412 = arith.constant 0 : i32
        %parallel_loop3A_413 = arith.addi %parallel_loop3A_407, %parallel_loop3A_412 : i32
        %parallel_loop3A_414 = arith.index_cast %parallel_loop3A_413 : i32 to index
        %parallel_loop3A_415 = tpu.vector_load %arg7[%parallel_loop3A_414] {strides = array<i32>} : memref<40960xf32, #tpu.memory_space<vmem>>, vector<16xf32>,
        tpu.vector_store %arg7[%parallel_loop3A_414], %parallel_loop3A_411 {strides = array<i32>} : memref<40960xf32, #tpu.memory_space<vmem>>, vector<16xf32>,
        %parallel_loop3A_416 = arith.constant 16 : i32
        %parallel_loop3A_417 = arith.addi %parallel_loop3A_400, %parallel_loop3A_416 : i32
        %parallel_loop3A_418 = arith.index_cast %parallel_loop3A_417 : i32 to index
        %parallel_loop3A_419 = tpu.vector_load %arg5[%parallel_loop3A_418] {strides = array<i32>} : memref<16384xf32, #tpu.memory_space<vmem>>, vector<16xf32>,
        %parallel_loop3A_420 = arith.constant 16 : i32
        %parallel_loop3A_421 = arith.addi %parallel_loop3A_407, %parallel_loop3A_420 : i32
        %parallel_loop3A_422 = arith.index_cast %parallel_loop3A_421 : i32 to index
        %parallel_loop3A_423 = tpu.vector_load %arg7[%parallel_loop3A_422] {strides = array<i32>} : memref<40960xf32, #tpu.memory_space<vmem>>, vector<16xf32>,
        tpu.vector_store %arg7[%parallel_loop3A_422], %parallel_loop3A_419 {strides = array<i32>} : memref<40960xf32, #tpu.memory_space<vmem>>, vector<16xf32>,
        %parallel_loop3A_424 = arith.constant 32 : i32
        %parallel_loop3A_425 = arith.addi %parallel_loop3A_400, %parallel_loop3A_424 : i32
        %parallel_loop3A_426 = arith.index_cast %parallel_loop3A_425 : i32 to index
        %parallel_loop3A_427 = tpu.vector_load %arg5[%parallel_loop3A_426] {strides = array<i32>} : memref<16384xf32, #tpu.memory_space<vmem>>, vector<16xf32>,
        %parallel_loop3A_428 = arith.constant 32 : i32
        %parallel_loop3A_429 = arith.addi %parallel_loop3A_407, %parallel_loop3A_428 : i32
        %parallel_loop3A_430 = arith.index_cast %parallel_loop3A_429 : i32 to index
        %parallel_loop3A_431 = tpu.vector_load %arg7[%parallel_loop3A_430] {strides = array<i32>} : memref<40960xf32, #tpu.memory_space<vmem>>, vector<16xf32>,
        tpu.vector_store %arg7[%parallel_loop3A_430], %parallel_loop3A_427 {strides = array<i32>} : memref<40960xf32, #tpu.memory_space<vmem>>, vector<16xf32>,
        %parallel_loop3A_432 = arith.constant 48 : i32
        %parallel_loop3A_433 = arith.addi %parallel_loop3A_400, %parallel_loop3A_432 : i32
        %parallel_loop3A_434 = arith.index_cast %parallel_loop3A_433 : i32 to index
        %parallel_loop3A_435 = tpu.vector_load %arg5[%parallel_loop3A_434] {strides = array<i32>} : memref<16384xf32, #tpu.memory_space<vmem>>, vector<16xf32>,
        %parallel_loop3A_436 = arith.constant 48 : i32
        %parallel_loop3A_437 = arith.addi %parallel_loop3A_407, %parallel_loop3A_436 : i32
        %parallel_loop3A_438 = arith.index_cast %parallel_loop3A_437 : i32 to index
        %parallel_loop3A_439 = tpu.vector_load %arg7[%parallel_loop3A_438] {strides = array<i32>} : memref<40960xf32, #tpu.memory_space<vmem>>, vector<16xf32>,
        tpu.vector_store %arg7[%parallel_loop3A_438], %parallel_loop3A_435 {strides = array<i32>} : memref<40960xf32, #tpu.memory_space<vmem>>, vector<16xf32>,
        %parallel_loop3A_440 = vector.extract_strided_slice %parallel_loop3A_61 {offsets = [9], sizes = [1], strides = [1]} : vector<16xi32> to vector<1xi32>
        %parallel_loop3A_441 = vector.extract %parallel_loop3A_440[0] : i32 from vector<1xi32>
        %parallel_loop3A_442 = tpu.assume_multiple %parallel_loop3A_441, 64 : i32
        %parallel_loop3A_443 = arith.constant 16 : i32
        %parallel_loop3A_444 = arith.muli %parallel_loop3A_50, %parallel_loop3A_443 : i32
        %parallel_loop3A_445 = arith.constant 9 : i32
        %parallel_loop3A_446 = arith.addi %parallel_loop3A_444, %parallel_loop3A_445 : i32
        %parallel_loop3A_447 = arith.constant 64 : i32
        %parallel_loop3A_448 = arith.muli %parallel_loop3A_446, %parallel_loop3A_447 : i32
        %parallel_loop3A_449 = tpu.assume_multiple %parallel_loop3A_448, 64 : i32
        %parallel_loop3A_450 = arith.constant 0 : i32
        %parallel_loop3A_451 = arith.addi %parallel_loop3A_442, %parallel_loop3A_450 : i32
        %parallel_loop3A_452 = arith.index_cast %parallel_loop3A_451 : i32 to index
        %parallel_loop3A_453 = tpu.vector_load %arg5[%parallel_loop3A_452] {strides = array<i32>} : memref<16384xf32, #tpu.memory_space<vmem>>, vector<16xf32>,
        %parallel_loop3A_454 = arith.constant 0 : i32
        %parallel_loop3A_455 = arith.addi %parallel_loop3A_449, %parallel_loop3A_454 : i32
        %parallel_loop3A_456 = arith.index_cast %parallel_loop3A_455 : i32 to index
        %parallel_loop3A_457 = tpu.vector_load %arg7[%parallel_loop3A_456] {strides = array<i32>} : memref<40960xf32, #tpu.memory_space<vmem>>, vector<16xf32>,
        tpu.vector_store %arg7[%parallel_loop3A_456], %parallel_loop3A_453 {strides = array<i32>} : memref<40960xf32, #tpu.memory_space<vmem>>, vector<16xf32>,
        %parallel_loop3A_458 = arith.constant 16 : i32
        %parallel_loop3A_459 = arith.addi %parallel_loop3A_442, %parallel_loop3A_458 : i32
        %parallel_loop3A_460 = arith.index_cast %parallel_loop3A_459 : i32 to index
        %parallel_loop3A_461 = tpu.vector_load %arg5[%parallel_loop3A_460] {strides = array<i32>} : memref<16384xf32, #tpu.memory_space<vmem>>, vector<16xf32>,
        %parallel_loop3A_462 = arith.constant 16 : i32
        %parallel_loop3A_463 = arith.addi %parallel_loop3A_449, %parallel_loop3A_462 : i32
        %parallel_loop3A_464 = arith.index_cast %parallel_loop3A_463 : i32 to index
        %parallel_loop3A_465 = tpu.vector_load %arg7[%parallel_loop3A_464] {strides = array<i32>} : memref<40960xf32, #tpu.memory_space<vmem>>, vector<16xf32>,
        tpu.vector_store %arg7[%parallel_loop3A_464], %parallel_loop3A_461 {strides = array<i32>} : memref<40960xf32, #tpu.memory_space<vmem>>, vector<16xf32>,
        %parallel_loop3A_466 = arith.constant 32 : i32
        %parallel_loop3A_467 = arith.addi %parallel_loop3A_442, %parallel_loop3A_466 : i32
        %parallel_loop3A_468 = arith.index_cast %parallel_loop3A_467 : i32 to index
        %parallel_loop3A_469 = tpu.vector_load %arg5[%parallel_loop3A_468] {strides = array<i32>} : memref<16384xf32, #tpu.memory_space<vmem>>, vector<16xf32>,
        %parallel_loop3A_470 = arith.constant 32 : i32
        %parallel_loop3A_471 = arith.addi %parallel_loop3A_449, %parallel_loop3A_470 : i32
        %parallel_loop3A_472 = arith.index_cast %parallel_loop3A_471 : i32 to index
        %parallel_loop3A_473 = tpu.vector_load %arg7[%parallel_loop3A_472] {strides = array<i32>} : memref<40960xf32, #tpu.memory_space<vmem>>, vector<16xf32>,
        tpu.vector_store %arg7[%parallel_loop3A_472], %parallel_loop3A_469 {strides = array<i32>} : memref<40960xf32, #tpu.memory_space<vmem>>, vector<16xf32>,
        %parallel_loop3A_474 = arith.constant 48 : i32
        %parallel_loop3A_475 = arith.addi %parallel_loop3A_442, %parallel_loop3A_474 : i32
        %parallel_loop3A_476 = arith.index_cast %parallel_loop3A_475 : i32 to index
        %parallel_loop3A_477 = tpu.vector_load %arg5[%parallel_loop3A_476] {strides = array<i32>} : memref<16384xf32, #tpu.memory_space<vmem>>, vector<16xf32>,
        %parallel_loop3A_478 = arith.constant 48 : i32
        %parallel_loop3A_479 = arith.addi %parallel_loop3A_449, %parallel_loop3A_478 : i32
        %parallel_loop3A_480 = arith.index_cast %parallel_loop3A_479 : i32 to index
        %parallel_loop3A_481 = tpu.vector_load %arg7[%parallel_loop3A_480] {strides = array<i32>} : memref<40960xf32, #tpu.memory_space<vmem>>, vector<16xf32>,
        tpu.vector_store %arg7[%parallel_loop3A_480], %parallel_loop3A_477 {strides = array<i32>} : memref<40960xf32, #tpu.memory_space<vmem>>, vector<16xf32>,
        %parallel_loop3A_482 = vector.extract_strided_slice %parallel_loop3A_61 {offsets = [10], sizes = [1], strides = [1]} : vector<16xi32> to vector<1xi32>
        %parallel_loop3A_483 = vector.extract %parallel_loop3A_482[0] : i32 from vector<1xi32>
        %parallel_loop3A_484 = tpu.assume_multiple %parallel_loop3A_483, 64 : i32
        %parallel_loop3A_485 = arith.constant 16 : i32
        %parallel_loop3A_486 = arith.muli %parallel_loop3A_50, %parallel_loop3A_485 : i32
        %parallel_loop3A_487 = arith.constant 10 : i32
        %parallel_loop3A_488 = arith.addi %parallel_loop3A_486, %parallel_loop3A_487 : i32
        %parallel_loop3A_489 = arith.constant 64 : i32
        %parallel_loop3A_490 = arith.muli %parallel_loop3A_488, %parallel_loop3A_489 : i32
        %parallel_loop3A_491 = tpu.assume_multiple %parallel_loop3A_490, 64 : i32
        %parallel_loop3A_492 = arith.constant 0 : i32
        %parallel_loop3A_493 = arith.addi %parallel_loop3A_484, %parallel_loop3A_492 : i32
        %parallel_loop3A_494 = arith.index_cast %parallel_loop3A_493 : i32 to index
        %parallel_loop3A_495 = tpu.vector_load %arg5[%parallel_loop3A_494] {strides = array<i32>} : memref<16384xf32, #tpu.memory_space<vmem>>, vector<16xf32>,
        %parallel_loop3A_496 = arith.constant 0 : i32
        %parallel_loop3A_497 = arith.addi %parallel_loop3A_491, %parallel_loop3A_496 : i32
        %parallel_loop3A_498 = arith.index_cast %parallel_loop3A_497 : i32 to index
        %parallel_loop3A_499 = tpu.vector_load %arg7[%parallel_loop3A_498] {strides = array<i32>} : memref<40960xf32, #tpu.memory_space<vmem>>, vector<16xf32>,
        tpu.vector_store %arg7[%parallel_loop3A_498], %parallel_loop3A_495 {strides = array<i32>} : memref<40960xf32, #tpu.memory_space<vmem>>, vector<16xf32>,
        %parallel_loop3A_500 = arith.constant 16 : i32
        %parallel_loop3A_501 = arith.addi %parallel_loop3A_484, %parallel_loop3A_500 : i32
        %parallel_loop3A_502 = arith.index_cast %parallel_loop3A_501 : i32 to index
        %parallel_loop3A_503 = tpu.vector_load %arg5[%parallel_loop3A_502] {strides = array<i32>} : memref<16384xf32, #tpu.memory_space<vmem>>, vector<16xf32>,
        %parallel_loop3A_504 = arith.constant 16 : i32
        %parallel_loop3A_505 = arith.addi %parallel_loop3A_491, %parallel_loop3A_504 : i32
        %parallel_loop3A_506 = arith.index_cast %parallel_loop3A_505 : i32 to index
        %parallel_loop3A_507 = tpu.vector_load %arg7[%parallel_loop3A_506] {strides = array<i32>} : memref<40960xf32, #tpu.memory_space<vmem>>, vector<16xf32>,
        tpu.vector_store %arg7[%parallel_loop3A_506], %parallel_loop3A_503 {strides = array<i32>} : memref<40960xf32, #tpu.memory_space<vmem>>, vector<16xf32>,
        %parallel_loop3A_508 = arith.constant 32 : i32
        %parallel_loop3A_509 = arith.addi %parallel_loop3A_484, %parallel_loop3A_508 : i32
        %parallel_loop3A_510 = arith.index_cast %parallel_loop3A_509 : i32 to index
        %parallel_loop3A_511 = tpu.vector_load %arg5[%parallel_loop3A_510] {strides = array<i32>} : memref<16384xf32, #tpu.memory_space<vmem>>, vector<16xf32>,
        %parallel_loop3A_512 = arith.constant 32 : i32
        %parallel_loop3A_513 = arith.addi %parallel_loop3A_491, %parallel_loop3A_512 : i32
        %parallel_loop3A_514 = arith.index_cast %parallel_loop3A_513 : i32 to index
        %parallel_loop3A_515 = tpu.vector_load %arg7[%parallel_loop3A_514] {strides = array<i32>} : memref<40960xf32, #tpu.memory_space<vmem>>, vector<16xf32>,
        tpu.vector_store %arg7[%parallel_loop3A_514], %parallel_loop3A_511 {strides = array<i32>} : memref<40960xf32, #tpu.memory_space<vmem>>, vector<16xf32>,
        %parallel_loop3A_516 = arith.constant 48 : i32
        %parallel_loop3A_517 = arith.addi %parallel_loop3A_484, %parallel_loop3A_516 : i32
        %parallel_loop3A_518 = arith.index_cast %parallel_loop3A_517 : i32 to index
        %parallel_loop3A_519 = tpu.vector_load %arg5[%parallel_loop3A_518] {strides = array<i32>} : memref<16384xf32, #tpu.memory_space<vmem>>, vector<16xf32>,
        %parallel_loop3A_520 = arith.constant 48 : i32
        %parallel_loop3A_521 = arith.addi %parallel_loop3A_491, %parallel_loop3A_520 : i32
        %parallel_loop3A_522 = arith.index_cast %parallel_loop3A_521 : i32 to index
        %parallel_loop3A_523 = tpu.vector_load %arg7[%parallel_loop3A_522] {strides = array<i32>} : memref<40960xf32, #tpu.memory_space<vmem>>, vector<16xf32>,
        tpu.vector_store %arg7[%parallel_loop3A_522], %parallel_loop3A_519 {strides = array<i32>} : memref<40960xf32, #tpu.memory_space<vmem>>, vector<16xf32>,
        %parallel_loop3A_524 = vector.extract_strided_slice %parallel_loop3A_61 {offsets = [11], sizes = [1], strides = [1]} : vector<16xi32> to vector<1xi32>
        %parallel_loop3A_525 = vector.extract %parallel_loop3A_524[0] : i32 from vector<1xi32>
        %parallel_loop3A_526 = tpu.assume_multiple %parallel_loop3A_525, 64 : i32
        %parallel_loop3A_527 = arith.constant 16 : i32
        %parallel_loop3A_528 = arith.muli %parallel_loop3A_50, %parallel_loop3A_527 : i32
        %parallel_loop3A_529 = arith.constant 11 : i32
        %parallel_loop3A_530 = arith.addi %parallel_loop3A_528, %parallel_loop3A_529 : i32
        %parallel_loop3A_531 = arith.constant 64 : i32
        %parallel_loop3A_532 = arith.muli %parallel_loop3A_530, %parallel_loop3A_531 : i32
        %parallel_loop3A_533 = tpu.assume_multiple %parallel_loop3A_532, 64 : i32
        %parallel_loop3A_534 = arith.constant 0 : i32
        %parallel_loop3A_535 = arith.addi %parallel_loop3A_526, %parallel_loop3A_534 : i32
        %parallel_loop3A_536 = arith.index_cast %parallel_loop3A_535 : i32 to index
        %parallel_loop3A_537 = tpu.vector_load %arg5[%parallel_loop3A_536] {strides = array<i32>} : memref<16384xf32, #tpu.memory_space<vmem>>, vector<16xf32>,
        %parallel_loop3A_538 = arith.constant 0 : i32
        %parallel_loop3A_539 = arith.addi %parallel_loop3A_533, %parallel_loop3A_538 : i32
        %parallel_loop3A_540 = arith.index_cast %parallel_loop3A_539 : i32 to index
        %parallel_loop3A_541 = tpu.vector_load %arg7[%parallel_loop3A_540] {strides = array<i32>} : memref<40960xf32, #tpu.memory_space<vmem>>, vector<16xf32>,
        tpu.vector_store %arg7[%parallel_loop3A_540], %parallel_loop3A_537 {strides = array<i32>} : memref<40960xf32, #tpu.memory_space<vmem>>, vector<16xf32>,
        %parallel_loop3A_542 = arith.constant 16 : i32
        %parallel_loop3A_543 = arith.addi %parallel_loop3A_526, %parallel_loop3A_542 : i32
        %parallel_loop3A_544 = arith.index_cast %parallel_loop3A_543 : i32 to index
        %parallel_loop3A_545 = tpu.vector_load %arg5[%parallel_loop3A_544] {strides = array<i32>} : memref<16384xf32, #tpu.memory_space<vmem>>, vector<16xf32>,
        %parallel_loop3A_546 = arith.constant 16 : i32
        %parallel_loop3A_547 = arith.addi %parallel_loop3A_533, %parallel_loop3A_546 : i32
        %parallel_loop3A_548 = arith.index_cast %parallel_loop3A_547 : i32 to index
        %parallel_loop3A_549 = tpu.vector_load %arg7[%parallel_loop3A_548] {strides = array<i32>} : memref<40960xf32, #tpu.memory_space<vmem>>, vector<16xf32>,
        tpu.vector_store %arg7[%parallel_loop3A_548], %parallel_loop3A_545 {strides = array<i32>} : memref<40960xf32, #tpu.memory_space<vmem>>, vector<16xf32>,
        %parallel_loop3A_550 = arith.constant 32 : i32
        %parallel_loop3A_551 = arith.addi %parallel_loop3A_526, %parallel_loop3A_550 : i32
        %parallel_loop3A_552 = arith.index_cast %parallel_loop3A_551 : i32 to index
        %parallel_loop3A_553 = tpu.vector_load %arg5[%parallel_loop3A_552] {strides = array<i32>} : memref<16384xf32, #tpu.memory_space<vmem>>, vector<16xf32>,
        %parallel_loop3A_554 = arith.constant 32 : i32
        %parallel_loop3A_555 = arith.addi %parallel_loop3A_533, %parallel_loop3A_554 : i32
        %parallel_loop3A_556 = arith.index_cast %parallel_loop3A_555 : i32 to index
        %parallel_loop3A_557 = tpu.vector_load %arg7[%parallel_loop3A_556] {strides = array<i32>} : memref<40960xf32, #tpu.memory_space<vmem>>, vector<16xf32>,
        tpu.vector_store %arg7[%parallel_loop3A_556], %parallel_loop3A_553 {strides = array<i32>} : memref<40960xf32, #tpu.memory_space<vmem>>, vector<16xf32>,
        %parallel_loop3A_558 = arith.constant 48 : i32
        %parallel_loop3A_559 = arith.addi %parallel_loop3A_526, %parallel_loop3A_558 : i32
        %parallel_loop3A_560 = arith.index_cast %parallel_loop3A_559 : i32 to index
        %parallel_loop3A_561 = tpu.vector_load %arg5[%parallel_loop3A_560] {strides = array<i32>} : memref<16384xf32, #tpu.memory_space<vmem>>, vector<16xf32>,
        %parallel_loop3A_562 = arith.constant 48 : i32
        %parallel_loop3A_563 = arith.addi %parallel_loop3A_533, %parallel_loop3A_562 : i32
        %parallel_loop3A_564 = arith.index_cast %parallel_loop3A_563 : i32 to index
        %parallel_loop3A_565 = tpu.vector_load %arg7[%parallel_loop3A_564] {strides = array<i32>} : memref<40960xf32, #tpu.memory_space<vmem>>, vector<16xf32>,
        tpu.vector_store %arg7[%parallel_loop3A_564], %parallel_loop3A_561 {strides = array<i32>} : memref<40960xf32, #tpu.memory_space<vmem>>, vector<16xf32>,
        %parallel_loop3A_566 = vector.extract_strided_slice %parallel_loop3A_61 {offsets = [12], sizes = [1], strides = [1]} : vector<16xi32> to vector<1xi32>
        %parallel_loop3A_567 = vector.extract %parallel_loop3A_566[0] : i32 from vector<1xi32>
        %parallel_loop3A_568 = tpu.assume_multiple %parallel_loop3A_567, 64 : i32
        %parallel_loop3A_569 = arith.constant 16 : i32
        %parallel_loop3A_570 = arith.muli %parallel_loop3A_50, %parallel_loop3A_569 : i32
        %parallel_loop3A_571 = arith.constant 12 : i32
        %parallel_loop3A_572 = arith.addi %parallel_loop3A_570, %parallel_loop3A_571 : i32
        %parallel_loop3A_573 = arith.constant 64 : i32
        %parallel_loop3A_574 = arith.muli %parallel_loop3A_572, %parallel_loop3A_573 : i32
        %parallel_loop3A_575 = tpu.assume_multiple %parallel_loop3A_574, 64 : i32
        %parallel_loop3A_576 = arith.constant 0 : i32
        %parallel_loop3A_577 = arith.addi %parallel_loop3A_568, %parallel_loop3A_576 : i32
        %parallel_loop3A_578 = arith.index_cast %parallel_loop3A_577 : i32 to index
        %parallel_loop3A_579 = tpu.vector_load %arg5[%parallel_loop3A_578] {strides = array<i32>} : memref<16384xf32, #tpu.memory_space<vmem>>, vector<16xf32>,
        %parallel_loop3A_580 = arith.constant 0 : i32
        %parallel_loop3A_581 = arith.addi %parallel_loop3A_575, %parallel_loop3A_580 : i32
        %parallel_loop3A_582 = arith.index_cast %parallel_loop3A_581 : i32 to index
        %parallel_loop3A_583 = tpu.vector_load %arg7[%parallel_loop3A_582] {strides = array<i32>} : memref<40960xf32, #tpu.memory_space<vmem>>, vector<16xf32>,
        tpu.vector_store %arg7[%parallel_loop3A_582], %parallel_loop3A_579 {strides = array<i32>} : memref<40960xf32, #tpu.memory_space<vmem>>, vector<16xf32>,
        %parallel_loop3A_584 = arith.constant 16 : i32
        %parallel_loop3A_585 = arith.addi %parallel_loop3A_568, %parallel_loop3A_584 : i32
        %parallel_loop3A_586 = arith.index_cast %parallel_loop3A_585 : i32 to index
        %parallel_loop3A_587 = tpu.vector_load %arg5[%parallel_loop3A_586] {strides = array<i32>} : memref<16384xf32, #tpu.memory_space<vmem>>, vector<16xf32>,
        %parallel_loop3A_588 = arith.constant 16 : i32
        %parallel_loop3A_589 = arith.addi %parallel_loop3A_575, %parallel_loop3A_588 : i32
        %parallel_loop3A_590 = arith.index_cast %parallel_loop3A_589 : i32 to index
        %parallel_loop3A_591 = tpu.vector_load %arg7[%parallel_loop3A_590] {strides = array<i32>} : memref<40960xf32, #tpu.memory_space<vmem>>, vector<16xf32>,
        tpu.vector_store %arg7[%parallel_loop3A_590], %parallel_loop3A_587 {strides = array<i32>} : memref<40960xf32, #tpu.memory_space<vmem>>, vector<16xf32>,
        %parallel_loop3A_592 = arith.constant 32 : i32
        %parallel_loop3A_593 = arith.addi %parallel_loop3A_568, %parallel_loop3A_592 : i32
        %parallel_loop3A_594 = arith.index_cast %parallel_loop3A_593 : i32 to index
        %parallel_loop3A_595 = tpu.vector_load %arg5[%parallel_loop3A_594] {strides = array<i32>} : memref<16384xf32, #tpu.memory_space<vmem>>, vector<16xf32>,
        %parallel_loop3A_596 = arith.constant 32 : i32
        %parallel_loop3A_597 = arith.addi %parallel_loop3A_575, %parallel_loop3A_596 : i32
        %parallel_loop3A_598 = arith.index_cast %parallel_loop3A_597 : i32 to index
        %parallel_loop3A_599 = tpu.vector_load %arg7[%parallel_loop3A_598] {strides = array<i32>} : memref<40960xf32, #tpu.memory_space<vmem>>, vector<16xf32>,
        tpu.vector_store %arg7[%parallel_loop3A_598], %parallel_loop3A_595 {strides = array<i32>} : memref<40960xf32, #tpu.memory_space<vmem>>, vector<16xf32>,
        %parallel_loop3A_600 = arith.constant 48 : i32
        %parallel_loop3A_601 = arith.addi %parallel_loop3A_568, %parallel_loop3A_600 : i32
        %parallel_loop3A_602 = arith.index_cast %parallel_loop3A_601 : i32 to index
        %parallel_loop3A_603 = tpu.vector_load %arg5[%parallel_loop3A_602] {strides = array<i32>} : memref<16384xf32, #tpu.memory_space<vmem>>, vector<16xf32>,
        %parallel_loop3A_604 = arith.constant 48 : i32
        %parallel_loop3A_605 = arith.addi %parallel_loop3A_575, %parallel_loop3A_604 : i32
        %parallel_loop3A_606 = arith.index_cast %parallel_loop3A_605 : i32 to index
        %parallel_loop3A_607 = tpu.vector_load %arg7[%parallel_loop3A_606] {strides = array<i32>} : memref<40960xf32, #tpu.memory_space<vmem>>, vector<16xf32>,
        tpu.vector_store %arg7[%parallel_loop3A_606], %parallel_loop3A_603 {strides = array<i32>} : memref<40960xf32, #tpu.memory_space<vmem>>, vector<16xf32>,
        %parallel_loop3A_608 = vector.extract_strided_slice %parallel_loop3A_61 {offsets = [13], sizes = [1], strides = [1]} : vector<16xi32> to vector<1xi32>
        %parallel_loop3A_609 = vector.extract %parallel_loop3A_608[0] : i32 from vector<1xi32>
        %parallel_loop3A_610 = tpu.assume_multiple %parallel_loop3A_609, 64 : i32
        %parallel_loop3A_611 = arith.constant 16 : i32
        %parallel_loop3A_612 = arith.muli %parallel_loop3A_50, %parallel_loop3A_611 : i32
        %parallel_loop3A_613 = arith.constant 13 : i32
        %parallel_loop3A_614 = arith.addi %parallel_loop3A_612, %parallel_loop3A_613 : i32
        %parallel_loop3A_615 = arith.constant 64 : i32
        %parallel_loop3A_616 = arith.muli %parallel_loop3A_614, %parallel_loop3A_615 : i32
        %parallel_loop3A_617 = tpu.assume_multiple %parallel_loop3A_616, 64 : i32
        %parallel_loop3A_618 = arith.constant 0 : i32
        %parallel_loop3A_619 = arith.addi %parallel_loop3A_610, %parallel_loop3A_618 : i32
        %parallel_loop3A_620 = arith.index_cast %parallel_loop3A_619 : i32 to index
        %parallel_loop3A_621 = tpu.vector_load %arg5[%parallel_loop3A_620] {strides = array<i32>} : memref<16384xf32, #tpu.memory_space<vmem>>, vector<16xf32>,
        %parallel_loop3A_622 = arith.constant 0 : i32
        %parallel_loop3A_623 = arith.addi %parallel_loop3A_617, %parallel_loop3A_622 : i32
        %parallel_loop3A_624 = arith.index_cast %parallel_loop3A_623 : i32 to index
        %parallel_loop3A_625 = tpu.vector_load %arg7[%parallel_loop3A_624] {strides = array<i32>} : memref<40960xf32, #tpu.memory_space<vmem>>, vector<16xf32>,
        tpu.vector_store %arg7[%parallel_loop3A_624], %parallel_loop3A_621 {strides = array<i32>} : memref<40960xf32, #tpu.memory_space<vmem>>, vector<16xf32>,
        %parallel_loop3A_626 = arith.constant 16 : i32
        %parallel_loop3A_627 = arith.addi %parallel_loop3A_610, %parallel_loop3A_626 : i32
        %parallel_loop3A_628 = arith.index_cast %parallel_loop3A_627 : i32 to index
        %parallel_loop3A_629 = tpu.vector_load %arg5[%parallel_loop3A_628] {strides = array<i32>} : memref<16384xf32, #tpu.memory_space<vmem>>, vector<16xf32>,
        %parallel_loop3A_630 = arith.constant 16 : i32
        %parallel_loop3A_631 = arith.addi %parallel_loop3A_617, %parallel_loop3A_630 : i32
        %parallel_loop3A_632 = arith.index_cast %parallel_loop3A_631 : i32 to index
        %parallel_loop3A_633 = tpu.vector_load %arg7[%parallel_loop3A_632] {strides = array<i32>} : memref<40960xf32, #tpu.memory_space<vmem>>, vector<16xf32>,
        tpu.vector_store %arg7[%parallel_loop3A_632], %parallel_loop3A_629 {strides = array<i32>} : memref<40960xf32, #tpu.memory_space<vmem>>, vector<16xf32>,
        %parallel_loop3A_634 = arith.constant 32 : i32
        %parallel_loop3A_635 = arith.addi %parallel_loop3A_610, %parallel_loop3A_634 : i32
        %parallel_loop3A_636 = arith.index_cast %parallel_loop3A_635 : i32 to index
        %parallel_loop3A_637 = tpu.vector_load %arg5[%parallel_loop3A_636] {strides = array<i32>} : memref<16384xf32, #tpu.memory_space<vmem>>, vector<16xf32>,
        %parallel_loop3A_638 = arith.constant 32 : i32
        %parallel_loop3A_639 = arith.addi %parallel_loop3A_617, %parallel_loop3A_638 : i32
        %parallel_loop3A_640 = arith.index_cast %parallel_loop3A_639 : i32 to index
        %parallel_loop3A_641 = tpu.vector_load %arg7[%parallel_loop3A_640] {strides = array<i32>} : memref<40960xf32, #tpu.memory_space<vmem>>, vector<16xf32>,
        tpu.vector_store %arg7[%parallel_loop3A_640], %parallel_loop3A_637 {strides = array<i32>} : memref<40960xf32, #tpu.memory_space<vmem>>, vector<16xf32>,
        %parallel_loop3A_642 = arith.constant 48 : i32
        %parallel_loop3A_643 = arith.addi %parallel_loop3A_610, %parallel_loop3A_642 : i32
        %parallel_loop3A_644 = arith.index_cast %parallel_loop3A_643 : i32 to index
        %parallel_loop3A_645 = tpu.vector_load %arg5[%parallel_loop3A_644] {strides = array<i32>} : memref<16384xf32, #tpu.memory_space<vmem>>, vector<16xf32>,
        %parallel_loop3A_646 = arith.constant 48 : i32
        %parallel_loop3A_647 = arith.addi %parallel_loop3A_617, %parallel_loop3A_646 : i32
        %parallel_loop3A_648 = arith.index_cast %parallel_loop3A_647 : i32 to index
        %parallel_loop3A_649 = tpu.vector_load %arg7[%parallel_loop3A_648] {strides = array<i32>} : memref<40960xf32, #tpu.memory_space<vmem>>, vector<16xf32>,
        tpu.vector_store %arg7[%parallel_loop3A_648], %parallel_loop3A_645 {strides = array<i32>} : memref<40960xf32, #tpu.memory_space<vmem>>, vector<16xf32>,
        %parallel_loop3A_650 = vector.extract_strided_slice %parallel_loop3A_61 {offsets = [14], sizes = [1], strides = [1]} : vector<16xi32> to vector<1xi32>
        %parallel_loop3A_651 = vector.extract %parallel_loop3A_650[0] : i32 from vector<1xi32>
        %parallel_loop3A_652 = tpu.assume_multiple %parallel_loop3A_651, 64 : i32
        %parallel_loop3A_653 = arith.constant 16 : i32
        %parallel_loop3A_654 = arith.muli %parallel_loop3A_50, %parallel_loop3A_653 : i32
        %parallel_loop3A_655 = arith.constant 14 : i32
        %parallel_loop3A_656 = arith.addi %parallel_loop3A_654, %parallel_loop3A_655 : i32
        %parallel_loop3A_657 = arith.constant 64 : i32
        %parallel_loop3A_658 = arith.muli %parallel_loop3A_656, %parallel_loop3A_657 : i32
        %parallel_loop3A_659 = tpu.assume_multiple %parallel_loop3A_658, 64 : i32
        %parallel_loop3A_660 = arith.constant 0 : i32
        %parallel_loop3A_661 = arith.addi %parallel_loop3A_652, %parallel_loop3A_660 : i32
        %parallel_loop3A_662 = arith.index_cast %parallel_loop3A_661 : i32 to index
        %parallel_loop3A_663 = tpu.vector_load %arg5[%parallel_loop3A_662] {strides = array<i32>} : memref<16384xf32, #tpu.memory_space<vmem>>, vector<16xf32>,
        %parallel_loop3A_664 = arith.constant 0 : i32
        %parallel_loop3A_665 = arith.addi %parallel_loop3A_659, %parallel_loop3A_664 : i32
        %parallel_loop3A_666 = arith.index_cast %parallel_loop3A_665 : i32 to index
        %parallel_loop3A_667 = tpu.vector_load %arg7[%parallel_loop3A_666] {strides = array<i32>} : memref<40960xf32, #tpu.memory_space<vmem>>, vector<16xf32>,
        tpu.vector_store %arg7[%parallel_loop3A_666], %parallel_loop3A_663 {strides = array<i32>} : memref<40960xf32, #tpu.memory_space<vmem>>, vector<16xf32>,
        %parallel_loop3A_668 = arith.constant 16 : i32
        %parallel_loop3A_669 = arith.addi %parallel_loop3A_652, %parallel_loop3A_668 : i32
        %parallel_loop3A_670 = arith.index_cast %parallel_loop3A_669 : i32 to index
        %parallel_loop3A_671 = tpu.vector_load %arg5[%parallel_loop3A_670] {strides = array<i32>} : memref<16384xf32, #tpu.memory_space<vmem>>, vector<16xf32>,
        %parallel_loop3A_672 = arith.constant 16 : i32
        %parallel_loop3A_673 = arith.addi %parallel_loop3A_659, %parallel_loop3A_672 : i32
        %parallel_loop3A_674 = arith.index_cast %parallel_loop3A_673 : i32 to index
        %parallel_loop3A_675 = tpu.vector_load %arg7[%parallel_loop3A_674] {strides = array<i32>} : memref<40960xf32, #tpu.memory_space<vmem>>, vector<16xf32>,
        tpu.vector_store %arg7[%parallel_loop3A_674], %parallel_loop3A_671 {strides = array<i32>} : memref<40960xf32, #tpu.memory_space<vmem>>, vector<16xf32>,
        %parallel_loop3A_676 = arith.constant 32 : i32
        %parallel_loop3A_677 = arith.addi %parallel_loop3A_652, %parallel_loop3A_676 : i32
        %parallel_loop3A_678 = arith.index_cast %parallel_loop3A_677 : i32 to index
        %parallel_loop3A_679 = tpu.vector_load %arg5[%parallel_loop3A_678] {strides = array<i32>} : memref<16384xf32, #tpu.memory_space<vmem>>, vector<16xf32>,
        %parallel_loop3A_680 = arith.constant 32 : i32
        %parallel_loop3A_681 = arith.addi %parallel_loop3A_659, %parallel_loop3A_680 : i32
        %parallel_loop3A_682 = arith.index_cast %parallel_loop3A_681 : i32 to index
        %parallel_loop3A_683 = tpu.vector_load %arg7[%parallel_loop3A_682] {strides = array<i32>} : memref<40960xf32, #tpu.memory_space<vmem>>, vector<16xf32>,
        tpu.vector_store %arg7[%parallel_loop3A_682], %parallel_loop3A_679 {strides = array<i32>} : memref<40960xf32, #tpu.memory_space<vmem>>, vector<16xf32>,
        %parallel_loop3A_684 = arith.constant 48 : i32
        %parallel_loop3A_685 = arith.addi %parallel_loop3A_652, %parallel_loop3A_684 : i32
        %parallel_loop3A_686 = arith.index_cast %parallel_loop3A_685 : i32 to index
        %parallel_loop3A_687 = tpu.vector_load %arg5[%parallel_loop3A_686] {strides = array<i32>} : memref<16384xf32, #tpu.memory_space<vmem>>, vector<16xf32>,
        %parallel_loop3A_688 = arith.constant 48 : i32
        %parallel_loop3A_689 = arith.addi %parallel_loop3A_659, %parallel_loop3A_688 : i32
        %parallel_loop3A_690 = arith.index_cast %parallel_loop3A_689 : i32 to index
        %parallel_loop3A_691 = tpu.vector_load %arg7[%parallel_loop3A_690] {strides = array<i32>} : memref<40960xf32, #tpu.memory_space<vmem>>, vector<16xf32>,
        tpu.vector_store %arg7[%parallel_loop3A_690], %parallel_loop3A_687 {strides = array<i32>} : memref<40960xf32, #tpu.memory_space<vmem>>, vector<16xf32>,
        %parallel_loop3A_692 = vector.extract_strided_slice %parallel_loop3A_61 {offsets = [15], sizes = [1], strides = [1]} : vector<16xi32> to vector<1xi32>
        %parallel_loop3A_693 = vector.extract %parallel_loop3A_692[0] : i32 from vector<1xi32>
        %parallel_loop3A_694 = tpu.assume_multiple %parallel_loop3A_693, 64 : i32
        %parallel_loop3A_695 = arith.constant 16 : i32
        %parallel_loop3A_696 = arith.muli %parallel_loop3A_50, %parallel_loop3A_695 : i32
        %parallel_loop3A_697 = arith.constant 15 : i32
        %parallel_loop3A_698 = arith.addi %parallel_loop3A_696, %parallel_loop3A_697 : i32
        %parallel_loop3A_699 = arith.constant 64 : i32
        %parallel_loop3A_700 = arith.muli %parallel_loop3A_698, %parallel_loop3A_699 : i32
        %parallel_loop3A_701 = tpu.assume_multiple %parallel_loop3A_700, 64 : i32
        %parallel_loop3A_702 = arith.constant 0 : i32
        %parallel_loop3A_703 = arith.addi %parallel_loop3A_694, %parallel_loop3A_702 : i32
        %parallel_loop3A_704 = arith.index_cast %parallel_loop3A_703 : i32 to index
        %parallel_loop3A_705 = tpu.vector_load %arg5[%parallel_loop3A_704] {strides = array<i32>} : memref<16384xf32, #tpu.memory_space<vmem>>, vector<16xf32>,
        %parallel_loop3A_706 = arith.constant 0 : i32
        %parallel_loop3A_707 = arith.addi %parallel_loop3A_701, %parallel_loop3A_706 : i32
        %parallel_loop3A_708 = arith.index_cast %parallel_loop3A_707 : i32 to index
        %parallel_loop3A_709 = tpu.vector_load %arg7[%parallel_loop3A_708] {strides = array<i32>} : memref<40960xf32, #tpu.memory_space<vmem>>, vector<16xf32>,
        tpu.vector_store %arg7[%parallel_loop3A_708], %parallel_loop3A_705 {strides = array<i32>} : memref<40960xf32, #tpu.memory_space<vmem>>, vector<16xf32>,
        %parallel_loop3A_710 = arith.constant 16 : i32
        %parallel_loop3A_711 = arith.addi %parallel_loop3A_694, %parallel_loop3A_710 : i32
        %parallel_loop3A_712 = arith.index_cast %parallel_loop3A_711 : i32 to index
        %parallel_loop3A_713 = tpu.vector_load %arg5[%parallel_loop3A_712] {strides = array<i32>} : memref<16384xf32, #tpu.memory_space<vmem>>, vector<16xf32>,
        %parallel_loop3A_714 = arith.constant 16 : i32
        %parallel_loop3A_715 = arith.addi %parallel_loop3A_701, %parallel_loop3A_714 : i32
        %parallel_loop3A_716 = arith.index_cast %parallel_loop3A_715 : i32 to index
        %parallel_loop3A_717 = tpu.vector_load %arg7[%parallel_loop3A_716] {strides = array<i32>} : memref<40960xf32, #tpu.memory_space<vmem>>, vector<16xf32>,
        tpu.vector_store %arg7[%parallel_loop3A_716], %parallel_loop3A_713 {strides = array<i32>} : memref<40960xf32, #tpu.memory_space<vmem>>, vector<16xf32>,
        %parallel_loop3A_718 = arith.constant 32 : i32
        %parallel_loop3A_719 = arith.addi %parallel_loop3A_694, %parallel_loop3A_718 : i32
        %parallel_loop3A_720 = arith.index_cast %parallel_loop3A_719 : i32 to index
        %parallel_loop3A_721 = tpu.vector_load %arg5[%parallel_loop3A_720] {strides = array<i32>} : memref<16384xf32, #tpu.memory_space<vmem>>, vector<16xf32>,
        %parallel_loop3A_722 = arith.constant 32 : i32
        %parallel_loop3A_723 = arith.addi %parallel_loop3A_701, %parallel_loop3A_722 : i32
        %parallel_loop3A_724 = arith.index_cast %parallel_loop3A_723 : i32 to index
        %parallel_loop3A_725 = tpu.vector_load %arg7[%parallel_loop3A_724] {strides = array<i32>} : memref<40960xf32, #tpu.memory_space<vmem>>, vector<16xf32>,
        tpu.vector_store %arg7[%parallel_loop3A_724], %parallel_loop3A_721 {strides = array<i32>} : memref<40960xf32, #tpu.memory_space<vmem>>, vector<16xf32>,
        %parallel_loop3A_726 = arith.constant 48 : i32
        %parallel_loop3A_727 = arith.addi %parallel_loop3A_694, %parallel_loop3A_726 : i32
        %parallel_loop3A_728 = arith.index_cast %parallel_loop3A_727 : i32 to index
        %parallel_loop3A_729 = tpu.vector_load %arg5[%parallel_loop3A_728] {strides = array<i32>} : memref<16384xf32, #tpu.memory_space<vmem>>, vector<16xf32>,
        %parallel_loop3A_730 = arith.constant 48 : i32
        %parallel_loop3A_731 = arith.addi %parallel_loop3A_701, %parallel_loop3A_730 : i32
        %parallel_loop3A_732 = arith.index_cast %parallel_loop3A_731 : i32 to index
        %parallel_loop3A_733 = tpu.vector_load %arg7[%parallel_loop3A_732] {strides = array<i32>} : memref<40960xf32, #tpu.memory_space<vmem>>, vector<16xf32>,
        tpu.vector_store %arg7[%parallel_loop3A_732], %parallel_loop3A_729 {strides = array<i32>} : memref<40960xf32, #tpu.memory_space<vmem>>, vector<16xf32>,
      } {sc.loop_unroll_factor = 8 : i64, sc.parallel_access}
      %mul3A_27 = arith.constant 64 : i32
      %mul3A_28 = arith.muli %add3A_22, %mul3A_27 : i32
      %multiple_of3A = tpu.assume_multiple %mul3A_28, 40960 : i32
      %dma_start3A = tpu.memref_slice %arg4[%multiple_of3A] : memref<52428800xf32, #tpu.memory_space<hbm>> -> memref<40960xf32, #tpu.memory_space<hbm>>
      %dma_start3A_29 = tpu.memref_slice %arg4[%multiple_of3A] : memref<52428800xf32, #tpu.memory_space<hbm>> -> memref<40960xf32, #tpu.memory_space<hbm>>
      tpu.enqueue_dma source(%arg7 : memref<40960xf32, #tpu.memory_space<vmem>>) target(%dma_start3A_29 : memref<40960xf32, #tpu.memory_space<hbm>>) target_semaphore(%arg9 : memref<!tpu.dma_semaphore, #tpu.memory_space<semaphore_mem>>)
      %mul3A_30 = arith.constant 2 : i32
      %mul3A_31 = arith.muli %mul3A_30, %scan3A_15 : i32
      %add3A_32 = arith.constant 1 : i32
      %add3A_33 = arith.addi %mul3A_31, %add3A_32 : i32
      %mul3A_34 = arith.constant 640 : i32
      %mul3A_35 = arith.muli %add3A_33, %mul3A_34 : i32
      %add3A_36 = arith.addi %mul3A_2, %mul3A_35 : i32
      %gt3A_37 = arith.constant 0 : i32
      %gt3A_38 = arith.cmpi sgt, %scan3A_15, %gt3A_37 : i32
      %convert_element_type3A_39 = arith.extui %gt3A_38 : i1 to i32
      %cond3A_40 = arith.constant 0 : i32
      %cond3A_41 = arith.cmpi ne, %convert_element_type3A_39, %cond3A_40 : i32
      scf.if %cond3A_41 {
        %dma_wait3A_50 = arith.constant 0 : i32
        %dma_wait3A_51 = tpu.memref_slice %arg4[%dma_wait3A_50] : memref<52428800xf32, #tpu.memory_space<hbm>> -> memref<40960xf32, #tpu.memory_space<hbm>>
        %dma_wait3A_52 = arith.constant 0 : i32
        %dma_wait3A_53 = tpu.memref_slice %arg4[%dma_wait3A_52] : memref<52428800xf32, #tpu.memory_space<hbm>> -> memref<40960xf32, #tpu.memory_space<hbm>>
        tpu.wait_dma2 semaphore(%arg10 : memref<!tpu.dma_semaphore, #tpu.memory_space<semaphore_mem>>) src(%arg8 : memref<40960xf32, #tpu.memory_space<vmem>>) dst(%dma_wait3A_53 : memref<40960xf32, #tpu.memory_space<hbm>>)
      } else {
      }
      %parallel_loop3A_42 = arith.constant 0 : i32
      %parallel_loop3A_43 = arith.constant 40 : i32
      %parallel_loop3A_44 = arith.constant 1 : i32
      scf.for %parallel_loop3A_50 = %parallel_loop3A_42 to %parallel_loop3A_43 step %parallel_loop3A_44  : i32 {
        %parallel_loop3A_51 = arith.constant 640 : i32
        %parallel_loop3A_52 = arith.muli %add3A_33, %parallel_loop3A_51 : i32
        %parallel_loop3A_53 = arith.constant 16 : i32
        %parallel_loop3A_54 = arith.muli %parallel_loop3A_50, %parallel_loop3A_53 : i32
        %parallel_loop3A_55 = arith.addi %parallel_loop3A_52, %parallel_loop3A_54 : i32
        %parallel_loop3A_56 = tpu.assume_multiple %parallel_loop3A_55, 16 : i32
        %parallel_loop3A_57 = arith.index_cast %parallel_loop3A_56 : i32 to index
        %parallel_loop3A_58 = tpu.vector_load %arg6[%parallel_loop3A_57] {strides = array<i32>} : memref<25600xi32, #tpu.memory_space<vmem>>, vector<16xi32>,
        %parallel_loop3A_59 = arith.constant 64 : i32
        %parallel_loop3A_60 = vector.broadcast %parallel_loop3A_59 : i32 to vector<16xi32>
        %parallel_loop3A_61 = arith.muli %parallel_loop3A_58, %parallel_loop3A_60 : vector<16xi32>
        %parallel_loop3A_62 = vector.extract_strided_slice %parallel_loop3A_61 {offsets = [0], sizes = [1], strides = [1]} : vector<16xi32> to vector<1xi32>
        %parallel_loop3A_63 = vector.extract %parallel_loop3A_62[0] : i32 from vector<1xi32>
        %parallel_loop3A_64 = tpu.assume_multiple %parallel_loop3A_63, 64 : i32
        %parallel_loop3A_65 = arith.constant 16 : i32
        %parallel_loop3A_66 = arith.muli %parallel_loop3A_50, %parallel_loop3A_65 : i32
        %parallel_loop3A_67 = arith.constant 0 : i32
        %parallel_loop3A_68 = arith.addi %parallel_loop3A_66, %parallel_loop3A_67 : i32
        %parallel_loop3A_69 = arith.constant 64 : i32
        %parallel_loop3A_70 = arith.muli %parallel_loop3A_68, %parallel_loop3A_69 : i32
        %parallel_loop3A_71 = tpu.assume_multiple %parallel_loop3A_70, 64 : i32
        %parallel_loop3A_72 = arith.constant 0 : i32
        %parallel_loop3A_73 = arith.addi %parallel_loop3A_64, %parallel_loop3A_72 : i32
        %parallel_loop3A_74 = arith.index_cast %parallel_loop3A_73 : i32 to index
        %parallel_loop3A_75 = tpu.vector_load %arg5[%parallel_loop3A_74] {strides = array<i32>} : memref<16384xf32, #tpu.memory_space<vmem>>, vector<16xf32>,
        %parallel_loop3A_76 = arith.constant 0 : i32
        %parallel_loop3A_77 = arith.addi %parallel_loop3A_71, %parallel_loop3A_76 : i32
        %parallel_loop3A_78 = arith.index_cast %parallel_loop3A_77 : i32 to index
        %parallel_loop3A_79 = tpu.vector_load %arg8[%parallel_loop3A_78] {strides = array<i32>} : memref<40960xf32, #tpu.memory_space<vmem>>, vector<16xf32>,
        tpu.vector_store %arg8[%parallel_loop3A_78], %parallel_loop3A_75 {strides = array<i32>} : memref<40960xf32, #tpu.memory_space<vmem>>, vector<16xf32>,
        %parallel_loop3A_80 = arith.constant 16 : i32
        %parallel_loop3A_81 = arith.addi %parallel_loop3A_64, %parallel_loop3A_80 : i32
        %parallel_loop3A_82 = arith.index_cast %parallel_loop3A_81 : i32 to index
        %parallel_loop3A_83 = tpu.vector_load %arg5[%parallel_loop3A_82] {strides = array<i32>} : memref<16384xf32, #tpu.memory_space<vmem>>, vector<16xf32>,
        %parallel_loop3A_84 = arith.constant 16 : i32
        %parallel_loop3A_85 = arith.addi %parallel_loop3A_71, %parallel_loop3A_84 : i32
        %parallel_loop3A_86 = arith.index_cast %parallel_loop3A_85 : i32 to index
        %parallel_loop3A_87 = tpu.vector_load %arg8[%parallel_loop3A_86] {strides = array<i32>} : memref<40960xf32, #tpu.memory_space<vmem>>, vector<16xf32>,
        tpu.vector_store %arg8[%parallel_loop3A_86], %parallel_loop3A_83 {strides = array<i32>} : memref<40960xf32, #tpu.memory_space<vmem>>, vector<16xf32>,
        %parallel_loop3A_88 = arith.constant 32 : i32
        %parallel_loop3A_89 = arith.addi %parallel_loop3A_64, %parallel_loop3A_88 : i32
        %parallel_loop3A_90 = arith.index_cast %parallel_loop3A_89 : i32 to index
        %parallel_loop3A_91 = tpu.vector_load %arg5[%parallel_loop3A_90] {strides = array<i32>} : memref<16384xf32, #tpu.memory_space<vmem>>, vector<16xf32>,
        %parallel_loop3A_92 = arith.constant 32 : i32
        %parallel_loop3A_93 = arith.addi %parallel_loop3A_71, %parallel_loop3A_92 : i32
        %parallel_loop3A_94 = arith.index_cast %parallel_loop3A_93 : i32 to index
        %parallel_loop3A_95 = tpu.vector_load %arg8[%parallel_loop3A_94] {strides = array<i32>} : memref<40960xf32, #tpu.memory_space<vmem>>, vector<16xf32>,
        tpu.vector_store %arg8[%parallel_loop3A_94], %parallel_loop3A_91 {strides = array<i32>} : memref<40960xf32, #tpu.memory_space<vmem>>, vector<16xf32>,
        %parallel_loop3A_96 = arith.constant 48 : i32
        %parallel_loop3A_97 = arith.addi %parallel_loop3A_64, %parallel_loop3A_96 : i32
        %parallel_loop3A_98 = arith.index_cast %parallel_loop3A_97 : i32 to index
        %parallel_loop3A_99 = tpu.vector_load %arg5[%parallel_loop3A_98] {strides = array<i32>} : memref<16384xf32, #tpu.memory_space<vmem>>, vector<16xf32>,
        %parallel_loop3A_100 = arith.constant 48 : i32
        %parallel_loop3A_101 = arith.addi %parallel_loop3A_71, %parallel_loop3A_100 : i32
        %parallel_loop3A_102 = arith.index_cast %parallel_loop3A_101 : i32 to index
        %parallel_loop3A_103 = tpu.vector_load %arg8[%parallel_loop3A_102] {strides = array<i32>} : memref<40960xf32, #tpu.memory_space<vmem>>, vector<16xf32>,
        tpu.vector_store %arg8[%parallel_loop3A_102], %parallel_loop3A_99 {strides = array<i32>} : memref<40960xf32, #tpu.memory_space<vmem>>, vector<16xf32>,
        %parallel_loop3A_104 = vector.extract_strided_slice %parallel_loop3A_61 {offsets = [1], sizes = [1], strides = [1]} : vector<16xi32> to vector<1xi32>
        %parallel_loop3A_105 = vector.extract %parallel_loop3A_104[0] : i32 from vector<1xi32>
        %parallel_loop3A_106 = tpu.assume_multiple %parallel_loop3A_105, 64 : i32
        %parallel_loop3A_107 = arith.constant 16 : i32
        %parallel_loop3A_108 = arith.muli %parallel_loop3A_50, %parallel_loop3A_107 : i32
        %parallel_loop3A_109 = arith.constant 1 : i32
        %parallel_loop3A_110 = arith.addi %parallel_loop3A_108, %parallel_loop3A_109 : i32
        %parallel_loop3A_111 = arith.constant 64 : i32
        %parallel_loop3A_112 = arith.muli %parallel_loop3A_110, %parallel_loop3A_111 : i32
        %parallel_loop3A_113 = tpu.assume_multiple %parallel_loop3A_112, 64 : i32
        %parallel_loop3A_114 = arith.constant 0 : i32
        %parallel_loop3A_115 = arith.addi %parallel_loop3A_106, %parallel_loop3A_114 : i32
        %parallel_loop3A_116 = arith.index_cast %parallel_loop3A_115 : i32 to index
        %parallel_loop3A_117 = tpu.vector_load %arg5[%parallel_loop3A_116] {strides = array<i32>} : memref<16384xf32, #tpu.memory_space<vmem>>, vector<16xf32>,
        %parallel_loop3A_118 = arith.constant 0 : i32
        %parallel_loop3A_119 = arith.addi %parallel_loop3A_113, %parallel_loop3A_118 : i32
        %parallel_loop3A_120 = arith.index_cast %parallel_loop3A_119 : i32 to index
        %parallel_loop3A_121 = tpu.vector_load %arg8[%parallel_loop3A_120] {strides = array<i32>} : memref<40960xf32, #tpu.memory_space<vmem>>, vector<16xf32>,
        tpu.vector_store %arg8[%parallel_loop3A_120], %parallel_loop3A_117 {strides = array<i32>} : memref<40960xf32, #tpu.memory_space<vmem>>, vector<16xf32>,
        %parallel_loop3A_122 = arith.constant 16 : i32
        %parallel_loop3A_123 = arith.addi %parallel_loop3A_106, %parallel_loop3A_122 : i32
        %parallel_loop3A_124 = arith.index_cast %parallel_loop3A_123 : i32 to index
        %parallel_loop3A_125 = tpu.vector_load %arg5[%parallel_loop3A_124] {strides = array<i32>} : memref<16384xf32, #tpu.memory_space<vmem>>, vector<16xf32>,
        %parallel_loop3A_126 = arith.constant 16 : i32
        %parallel_loop3A_127 = arith.addi %parallel_loop3A_113, %parallel_loop3A_126 : i32
        %parallel_loop3A_128 = arith.index_cast %parallel_loop3A_127 : i32 to index
        %parallel_loop3A_129 = tpu.vector_load %arg8[%parallel_loop3A_128] {strides = array<i32>} : memref<40960xf32, #tpu.memory_space<vmem>>, vector<16xf32>,
        tpu.vector_store %arg8[%parallel_loop3A_128], %parallel_loop3A_125 {strides = array<i32>} : memref<40960xf32, #tpu.memory_space<vmem>>, vector<16xf32>,
        %parallel_loop3A_130 = arith.constant 32 : i32
        %parallel_loop3A_131 = arith.addi %parallel_loop3A_106, %parallel_loop3A_130 : i32
        %parallel_loop3A_132 = arith.index_cast %parallel_loop3A_131 : i32 to index
        %parallel_loop3A_133 = tpu.vector_load %arg5[%parallel_loop3A_132] {strides = array<i32>} : memref<16384xf32, #tpu.memory_space<vmem>>, vector<16xf32>,
        %parallel_loop3A_134 = arith.constant 32 : i32
        %parallel_loop3A_135 = arith.addi %parallel_loop3A_113, %parallel_loop3A_134 : i32
        %parallel_loop3A_136 = arith.index_cast %parallel_loop3A_135 : i32 to index
        %parallel_loop3A_137 = tpu.vector_load %arg8[%parallel_loop3A_136] {strides = array<i32>} : memref<40960xf32, #tpu.memory_space<vmem>>, vector<16xf32>,
        tpu.vector_store %arg8[%parallel_loop3A_136], %parallel_loop3A_133 {strides = array<i32>} : memref<40960xf32, #tpu.memory_space<vmem>>, vector<16xf32>,
        %parallel_loop3A_138 = arith.constant 48 : i32
        %parallel_loop3A_139 = arith.addi %parallel_loop3A_106, %parallel_loop3A_138 : i32
        %parallel_loop3A_140 = arith.index_cast %parallel_loop3A_139 : i32 to index
        %parallel_loop3A_141 = tpu.vector_load %arg5[%parallel_loop3A_140] {strides = array<i32>} : memref<16384xf32, #tpu.memory_space<vmem>>, vector<16xf32>,
        %parallel_loop3A_142 = arith.constant 48 : i32
        %parallel_loop3A_143 = arith.addi %parallel_loop3A_113, %parallel_loop3A_142 : i32
        %parallel_loop3A_144 = arith.index_cast %parallel_loop3A_143 : i32 to index
        %parallel_loop3A_145 = tpu.vector_load %arg8[%parallel_loop3A_144] {strides = array<i32>} : memref<40960xf32, #tpu.memory_space<vmem>>, vector<16xf32>,
        tpu.vector_store %arg8[%parallel_loop3A_144], %parallel_loop3A_141 {strides = array<i32>} : memref<40960xf32, #tpu.memory_space<vmem>>, vector<16xf32>,
        %parallel_loop3A_146 = vector.extract_strided_slice %parallel_loop3A_61 {offsets = [2], sizes = [1], strides = [1]} : vector<16xi32> to vector<1xi32>
        %parallel_loop3A_147 = vector.extract %parallel_loop3A_146[0] : i32 from vector<1xi32>
        %parallel_loop3A_148 = tpu.assume_multiple %parallel_loop3A_147, 64 : i32
        %parallel_loop3A_149 = arith.constant 16 : i32
        %parallel_loop3A_150 = arith.muli %parallel_loop3A_50, %parallel_loop3A_149 : i32
        %parallel_loop3A_151 = arith.constant 2 : i32
        %parallel_loop3A_152 = arith.addi %parallel_loop3A_150, %parallel_loop3A_151 : i32
        %parallel_loop3A_153 = arith.constant 64 : i32
        %parallel_loop3A_154 = arith.muli %parallel_loop3A_152, %parallel_loop3A_153 : i32
        %parallel_loop3A_155 = tpu.assume_multiple %parallel_loop3A_154, 64 : i32
        %parallel_loop3A_156 = arith.constant 0 : i32
        %parallel_loop3A_157 = arith.addi %parallel_loop3A_148, %parallel_loop3A_156 : i32
        %parallel_loop3A_158 = arith.index_cast %parallel_loop3A_157 : i32 to index
        %parallel_loop3A_159 = tpu.vector_load %arg5[%parallel_loop3A_158] {strides = array<i32>} : memref<16384xf32, #tpu.memory_space<vmem>>, vector<16xf32>,
        %parallel_loop3A_160 = arith.constant 0 : i32
        %parallel_loop3A_161 = arith.addi %parallel_loop3A_155, %parallel_loop3A_160 : i32
        %parallel_loop3A_162 = arith.index_cast %parallel_loop3A_161 : i32 to index
        %parallel_loop3A_163 = tpu.vector_load %arg8[%parallel_loop3A_162] {strides = array<i32>} : memref<40960xf32, #tpu.memory_space<vmem>>, vector<16xf32>,
        tpu.vector_store %arg8[%parallel_loop3A_162], %parallel_loop3A_159 {strides = array<i32>} : memref<40960xf32, #tpu.memory_space<vmem>>, vector<16xf32>,
        %parallel_loop3A_164 = arith.constant 16 : i32
        %parallel_loop3A_165 = arith.addi %parallel_loop3A_148, %parallel_loop3A_164 : i32
        %parallel_loop3A_166 = arith.index_cast %parallel_loop3A_165 : i32 to index
        %parallel_loop3A_167 = tpu.vector_load %arg5[%parallel_loop3A_166] {strides = array<i32>} : memref<16384xf32, #tpu.memory_space<vmem>>, vector<16xf32>,
        %parallel_loop3A_168 = arith.constant 16 : i32
        %parallel_loop3A_169 = arith.addi %parallel_loop3A_155, %parallel_loop3A_168 : i32
        %parallel_loop3A_170 = arith.index_cast %parallel_loop3A_169 : i32 to index
        %parallel_loop3A_171 = tpu.vector_load %arg8[%parallel_loop3A_170] {strides = array<i32>} : memref<40960xf32, #tpu.memory_space<vmem>>, vector<16xf32>,
        tpu.vector_store %arg8[%parallel_loop3A_170], %parallel_loop3A_167 {strides = array<i32>} : memref<40960xf32, #tpu.memory_space<vmem>>, vector<16xf32>,
        %parallel_loop3A_172 = arith.constant 32 : i32
        %parallel_loop3A_173 = arith.addi %parallel_loop3A_148, %parallel_loop3A_172 : i32
        %parallel_loop3A_174 = arith.index_cast %parallel_loop3A_173 : i32 to index
        %parallel_loop3A_175 = tpu.vector_load %arg5[%parallel_loop3A_174] {strides = array<i32>} : memref<16384xf32, #tpu.memory_space<vmem>>, vector<16xf32>,
        %parallel_loop3A_176 = arith.constant 32 : i32
        %parallel_loop3A_177 = arith.addi %parallel_loop3A_155, %parallel_loop3A_176 : i32
        %parallel_loop3A_178 = arith.index_cast %parallel_loop3A_177 : i32 to index
        %parallel_loop3A_179 = tpu.vector_load %arg8[%parallel_loop3A_178] {strides = array<i32>} : memref<40960xf32, #tpu.memory_space<vmem>>, vector<16xf32>,
        tpu.vector_store %arg8[%parallel_loop3A_178], %parallel_loop3A_175 {strides = array<i32>} : memref<40960xf32, #tpu.memory_space<vmem>>, vector<16xf32>,
        %parallel_loop3A_180 = arith.constant 48 : i32
        %parallel_loop3A_181 = arith.addi %parallel_loop3A_148, %parallel_loop3A_180 : i32
        %parallel_loop3A_182 = arith.index_cast %parallel_loop3A_181 : i32 to index
        %parallel_loop3A_183 = tpu.vector_load %arg5[%parallel_loop3A_182] {strides = array<i32>} : memref<16384xf32, #tpu.memory_space<vmem>>, vector<16xf32>,
        %parallel_loop3A_184 = arith.constant 48 : i32
        %parallel_loop3A_185 = arith.addi %parallel_loop3A_155, %parallel_loop3A_184 : i32
        %parallel_loop3A_186 = arith.index_cast %parallel_loop3A_185 : i32 to index
        %parallel_loop3A_187 = tpu.vector_load %arg8[%parallel_loop3A_186] {strides = array<i32>} : memref<40960xf32, #tpu.memory_space<vmem>>, vector<16xf32>,
        tpu.vector_store %arg8[%parallel_loop3A_186], %parallel_loop3A_183 {strides = array<i32>} : memref<40960xf32, #tpu.memory_space<vmem>>, vector<16xf32>,
        %parallel_loop3A_188 = vector.extract_strided_slice %parallel_loop3A_61 {offsets = [3], sizes = [1], strides = [1]} : vector<16xi32> to vector<1xi32>
        %parallel_loop3A_189 = vector.extract %parallel_loop3A_188[0] : i32 from vector<1xi32>
        %parallel_loop3A_190 = tpu.assume_multiple %parallel_loop3A_189, 64 : i32
        %parallel_loop3A_191 = arith.constant 16 : i32
        %parallel_loop3A_192 = arith.muli %parallel_loop3A_50, %parallel_loop3A_191 : i32
        %parallel_loop3A_193 = arith.constant 3 : i32
        %parallel_loop3A_194 = arith.addi %parallel_loop3A_192, %parallel_loop3A_193 : i32
        %parallel_loop3A_195 = arith.constant 64 : i32
        %parallel_loop3A_196 = arith.muli %parallel_loop3A_194, %parallel_loop3A_195 : i32
        %parallel_loop3A_197 = tpu.assume_multiple %parallel_loop3A_196, 64 : i32
        %parallel_loop3A_198 = arith.constant 0 : i32
        %parallel_loop3A_199 = arith.addi %parallel_loop3A_190, %parallel_loop3A_198 : i32
        %parallel_loop3A_200 = arith.index_cast %parallel_loop3A_199 : i32 to index
        %parallel_loop3A_201 = tpu.vector_load %arg5[%parallel_loop3A_200] {strides = array<i32>} : memref<16384xf32, #tpu.memory_space<vmem>>, vector<16xf32>,
        %parallel_loop3A_202 = arith.constant 0 : i32
        %parallel_loop3A_203 = arith.addi %parallel_loop3A_197, %parallel_loop3A_202 : i32
        %parallel_loop3A_204 = arith.index_cast %parallel_loop3A_203 : i32 to index
        %parallel_loop3A_205 = tpu.vector_load %arg8[%parallel_loop3A_204] {strides = array<i32>} : memref<40960xf32, #tpu.memory_space<vmem>>, vector<16xf32>,
        tpu.vector_store %arg8[%parallel_loop3A_204], %parallel_loop3A_201 {strides = array<i32>} : memref<40960xf32, #tpu.memory_space<vmem>>, vector<16xf32>,
        %parallel_loop3A_206 = arith.constant 16 : i32
        %parallel_loop3A_207 = arith.addi %parallel_loop3A_190, %parallel_loop3A_206 : i32
        %parallel_loop3A_208 = arith.index_cast %parallel_loop3A_207 : i32 to index
        %parallel_loop3A_209 = tpu.vector_load %arg5[%parallel_loop3A_208] {strides = array<i32>} : memref<16384xf32, #tpu.memory_space<vmem>>, vector<16xf32>,
        %parallel_loop3A_210 = arith.constant 16 : i32
        %parallel_loop3A_211 = arith.addi %parallel_loop3A_197, %parallel_loop3A_210 : i32
        %parallel_loop3A_212 = arith.index_cast %parallel_loop3A_211 : i32 to index
        %parallel_loop3A_213 = tpu.vector_load %arg8[%parallel_loop3A_212] {strides = array<i32>} : memref<40960xf32, #tpu.memory_space<vmem>>, vector<16xf32>,
        tpu.vector_store %arg8[%parallel_loop3A_212], %parallel_loop3A_209 {strides = array<i32>} : memref<40960xf32, #tpu.memory_space<vmem>>, vector<16xf32>,
        %parallel_loop3A_214 = arith.constant 32 : i32
        %parallel_loop3A_215 = arith.addi %parallel_loop3A_190, %parallel_loop3A_214 : i32
        %parallel_loop3A_216 = arith.index_cast %parallel_loop3A_215 : i32 to index
        %parallel_loop3A_217 = tpu.vector_load %arg5[%parallel_loop3A_216] {strides = array<i32>} : memref<16384xf32, #tpu.memory_space<vmem>>, vector<16xf32>,
        %parallel_loop3A_218 = arith.constant 32 : i32
        %parallel_loop3A_219 = arith.addi %parallel_loop3A_197, %parallel_loop3A_218 : i32
        %parallel_loop3A_220 = arith.index_cast %parallel_loop3A_219 : i32 to index
        %parallel_loop3A_221 = tpu.vector_load %arg8[%parallel_loop3A_220] {strides = array<i32>} : memref<40960xf32, #tpu.memory_space<vmem>>, vector<16xf32>,
        tpu.vector_store %arg8[%parallel_loop3A_220], %parallel_loop3A_217 {strides = array<i32>} : memref<40960xf32, #tpu.memory_space<vmem>>, vector<16xf32>,
        %parallel_loop3A_222 = arith.constant 48 : i32
        %parallel_loop3A_223 = arith.addi %parallel_loop3A_190, %parallel_loop3A_222 : i32
        %parallel_loop3A_224 = arith.index_cast %parallel_loop3A_223 : i32 to index
        %parallel_loop3A_225 = tpu.vector_load %arg5[%parallel_loop3A_224] {strides = array<i32>} : memref<16384xf32, #tpu.memory_space<vmem>>, vector<16xf32>,
        %parallel_loop3A_226 = arith.constant 48 : i32
        %parallel_loop3A_227 = arith.addi %parallel_loop3A_197, %parallel_loop3A_226 : i32
        %parallel_loop3A_228 = arith.index_cast %parallel_loop3A_227 : i32 to index
        %parallel_loop3A_229 = tpu.vector_load %arg8[%parallel_loop3A_228] {strides = array<i32>} : memref<40960xf32, #tpu.memory_space<vmem>>, vector<16xf32>,
        tpu.vector_store %arg8[%parallel_loop3A_228], %parallel_loop3A_225 {strides = array<i32>} : memref<40960xf32, #tpu.memory_space<vmem>>, vector<16xf32>,
        %parallel_loop3A_230 = vector.extract_strided_slice %parallel_loop3A_61 {offsets = [4], sizes = [1], strides = [1]} : vector<16xi32> to vector<1xi32>
        %parallel_loop3A_231 = vector.extract %parallel_loop3A_230[0] : i32 from vector<1xi32>
        %parallel_loop3A_232 = tpu.assume_multiple %parallel_loop3A_231, 64 : i32
        %parallel_loop3A_233 = arith.constant 16 : i32
        %parallel_loop3A_234 = arith.muli %parallel_loop3A_50, %parallel_loop3A_233 : i32
        %parallel_loop3A_235 = arith.constant 4 : i32
        %parallel_loop3A_236 = arith.addi %parallel_loop3A_234, %parallel_loop3A_235 : i32
        %parallel_loop3A_237 = arith.constant 64 : i32
        %parallel_loop3A_238 = arith.muli %parallel_loop3A_236, %parallel_loop3A_237 : i32
        %parallel_loop3A_239 = tpu.assume_multiple %parallel_loop3A_238, 64 : i32
        %parallel_loop3A_240 = arith.constant 0 : i32
        %parallel_loop3A_241 = arith.addi %parallel_loop3A_232, %parallel_loop3A_240 : i32
        %parallel_loop3A_242 = arith.index_cast %parallel_loop3A_241 : i32 to index
        %parallel_loop3A_243 = tpu.vector_load %arg5[%parallel_loop3A_242] {strides = array<i32>} : memref<16384xf32, #tpu.memory_space<vmem>>, vector<16xf32>,
        %parallel_loop3A_244 = arith.constant 0 : i32
        %parallel_loop3A_245 = arith.addi %parallel_loop3A_239, %parallel_loop3A_244 : i32
        %parallel_loop3A_246 = arith.index_cast %parallel_loop3A_245 : i32 to index
        %parallel_loop3A_247 = tpu.vector_load %arg8[%parallel_loop3A_246] {strides = array<i32>} : memref<40960xf32, #tpu.memory_space<vmem>>, vector<16xf32>,
        tpu.vector_store %arg8[%parallel_loop3A_246], %parallel_loop3A_243 {strides = array<i32>} : memref<40960xf32, #tpu.memory_space<vmem>>, vector<16xf32>,
        %parallel_loop3A_248 = arith.constant 16 : i32
        %parallel_loop3A_249 = arith.addi %parallel_loop3A_232, %parallel_loop3A_248 : i32
        %parallel_loop3A_250 = arith.index_cast %parallel_loop3A_249 : i32 to index
        %parallel_loop3A_251 = tpu.vector_load %arg5[%parallel_loop3A_250] {strides = array<i32>} : memref<16384xf32, #tpu.memory_space<vmem>>, vector<16xf32>,
        %parallel_loop3A_252 = arith.constant 16 : i32
        %parallel_loop3A_253 = arith.addi %parallel_loop3A_239, %parallel_loop3A_252 : i32
        %parallel_loop3A_254 = arith.index_cast %parallel_loop3A_253 : i32 to index
        %parallel_loop3A_255 = tpu.vector_load %arg8[%parallel_loop3A_254] {strides = array<i32>} : memref<40960xf32, #tpu.memory_space<vmem>>, vector<16xf32>,
        tpu.vector_store %arg8[%parallel_loop3A_254], %parallel_loop3A_251 {strides = array<i32>} : memref<40960xf32, #tpu.memory_space<vmem>>, vector<16xf32>,
        %parallel_loop3A_256 = arith.constant 32 : i32
        %parallel_loop3A_257 = arith.addi %parallel_loop3A_232, %parallel_loop3A_256 : i32
        %parallel_loop3A_258 = arith.index_cast %parallel_loop3A_257 : i32 to index
        %parallel_loop3A_259 = tpu.vector_load %arg5[%parallel_loop3A_258] {strides = array<i32>} : memref<16384xf32, #tpu.memory_space<vmem>>, vector<16xf32>,
        %parallel_loop3A_260 = arith.constant 32 : i32
        %parallel_loop3A_261 = arith.addi %parallel_loop3A_239, %parallel_loop3A_260 : i32
        %parallel_loop3A_262 = arith.index_cast %parallel_loop3A_261 : i32 to index
        %parallel_loop3A_263 = tpu.vector_load %arg8[%parallel_loop3A_262] {strides = array<i32>} : memref<40960xf32, #tpu.memory_space<vmem>>, vector<16xf32>,
        tpu.vector_store %arg8[%parallel_loop3A_262], %parallel_loop3A_259 {strides = array<i32>} : memref<40960xf32, #tpu.memory_space<vmem>>, vector<16xf32>,
        %parallel_loop3A_264 = arith.constant 48 : i32
        %parallel_loop3A_265 = arith.addi %parallel_loop3A_232, %parallel_loop3A_264 : i32
        %parallel_loop3A_266 = arith.index_cast %parallel_loop3A_265 : i32 to index
        %parallel_loop3A_267 = tpu.vector_load %arg5[%parallel_loop3A_266] {strides = array<i32>} : memref<16384xf32, #tpu.memory_space<vmem>>, vector<16xf32>,
        %parallel_loop3A_268 = arith.constant 48 : i32
        %parallel_loop3A_269 = arith.addi %parallel_loop3A_239, %parallel_loop3A_268 : i32
        %parallel_loop3A_270 = arith.index_cast %parallel_loop3A_269 : i32 to index
        %parallel_loop3A_271 = tpu.vector_load %arg8[%parallel_loop3A_270] {strides = array<i32>} : memref<40960xf32, #tpu.memory_space<vmem>>, vector<16xf32>,
        tpu.vector_store %arg8[%parallel_loop3A_270], %parallel_loop3A_267 {strides = array<i32>} : memref<40960xf32, #tpu.memory_space<vmem>>, vector<16xf32>,
        %parallel_loop3A_272 = vector.extract_strided_slice %parallel_loop3A_61 {offsets = [5], sizes = [1], strides = [1]} : vector<16xi32> to vector<1xi32>
        %parallel_loop3A_273 = vector.extract %parallel_loop3A_272[0] : i32 from vector<1xi32>
        %parallel_loop3A_274 = tpu.assume_multiple %parallel_loop3A_273, 64 : i32
        %parallel_loop3A_275 = arith.constant 16 : i32
        %parallel_loop3A_276 = arith.muli %parallel_loop3A_50, %parallel_loop3A_275 : i32
        %parallel_loop3A_277 = arith.constant 5 : i32
        %parallel_loop3A_278 = arith.addi %parallel_loop3A_276, %parallel_loop3A_277 : i32
        %parallel_loop3A_279 = arith.constant 64 : i32
        %parallel_loop3A_280 = arith.muli %parallel_loop3A_278, %parallel_loop3A_279 : i32
        %parallel_loop3A_281 = tpu.assume_multiple %parallel_loop3A_280, 64 : i32
        %parallel_loop3A_282 = arith.constant 0 : i32
        %parallel_loop3A_283 = arith.addi %parallel_loop3A_274, %parallel_loop3A_282 : i32
        %parallel_loop3A_284 = arith.index_cast %parallel_loop3A_283 : i32 to index
        %parallel_loop3A_285 = tpu.vector_load %arg5[%parallel_loop3A_284] {strides = array<i32>} : memref<16384xf32, #tpu.memory_space<vmem>>, vector<16xf32>,
        %parallel_loop3A_286 = arith.constant 0 : i32
        %parallel_loop3A_287 = arith.addi %parallel_loop3A_281, %parallel_loop3A_286 : i32
        %parallel_loop3A_288 = arith.index_cast %parallel_loop3A_287 : i32 to index
        %parallel_loop3A_289 = tpu.vector_load %arg8[%parallel_loop3A_288] {strides = array<i32>} : memref<40960xf32, #tpu.memory_space<vmem>>, vector<16xf32>,
        tpu.vector_store %arg8[%parallel_loop3A_288], %parallel_loop3A_285 {strides = array<i32>} : memref<40960xf32, #tpu.memory_space<vmem>>, vector<16xf32>,
        %parallel_loop3A_290 = arith.constant 16 : i32
        %parallel_loop3A_291 = arith.addi %parallel_loop3A_274, %parallel_loop3A_290 : i32
        %parallel_loop3A_292 = arith.index_cast %parallel_loop3A_291 : i32 to index
        %parallel_loop3A_293 = tpu.vector_load %arg5[%parallel_loop3A_292] {strides = array<i32>} : memref<16384xf32, #tpu.memory_space<vmem>>, vector<16xf32>,
        %parallel_loop3A_294 = arith.constant 16 : i32
        %parallel_loop3A_295 = arith.addi %parallel_loop3A_281, %parallel_loop3A_294 : i32
        %parallel_loop3A_296 = arith.index_cast %parallel_loop3A_295 : i32 to index
        %parallel_loop3A_297 = tpu.vector_load %arg8[%parallel_loop3A_296] {strides = array<i32>} : memref<40960xf32, #tpu.memory_space<vmem>>, vector<16xf32>,
        tpu.vector_store %arg8[%parallel_loop3A_296], %parallel_loop3A_293 {strides = array<i32>} : memref<40960xf32, #tpu.memory_space<vmem>>, vector<16xf32>,
        %parallel_loop3A_298 = arith.constant 32 : i32
        %parallel_loop3A_299 = arith.addi %parallel_loop3A_274, %parallel_loop3A_298 : i32
        %parallel_loop3A_300 = arith.index_cast %parallel_loop3A_299 : i32 to index
        %parallel_loop3A_301 = tpu.vector_load %arg5[%parallel_loop3A_300] {strides = array<i32>} : memref<16384xf32, #tpu.memory_space<vmem>>, vector<16xf32>,
        %parallel_loop3A_302 = arith.constant 32 : i32
        %parallel_loop3A_303 = arith.addi %parallel_loop3A_281, %parallel_loop3A_302 : i32
        %parallel_loop3A_304 = arith.index_cast %parallel_loop3A_303 : i32 to index
        %parallel_loop3A_305 = tpu.vector_load %arg8[%parallel_loop3A_304] {strides = array<i32>} : memref<40960xf32, #tpu.memory_space<vmem>>, vector<16xf32>,
        tpu.vector_store %arg8[%parallel_loop3A_304], %parallel_loop3A_301 {strides = array<i32>} : memref<40960xf32, #tpu.memory_space<vmem>>, vector<16xf32>,
        %parallel_loop3A_306 = arith.constant 48 : i32
        %parallel_loop3A_307 = arith.addi %parallel_loop3A_274, %parallel_loop3A_306 : i32
        %parallel_loop3A_308 = arith.index_cast %parallel_loop3A_307 : i32 to index
        %parallel_loop3A_309 = tpu.vector_load %arg5[%parallel_loop3A_308] {strides = array<i32>} : memref<16384xf32, #tpu.memory_space<vmem>>, vector<16xf32>,
        %parallel_loop3A_310 = arith.constant 48 : i32
        %parallel_loop3A_311 = arith.addi %parallel_loop3A_281, %parallel_loop3A_310 : i32
        %parallel_loop3A_312 = arith.index_cast %parallel_loop3A_311 : i32 to index
        %parallel_loop3A_313 = tpu.vector_load %arg8[%parallel_loop3A_312] {strides = array<i32>} : memref<40960xf32, #tpu.memory_space<vmem>>, vector<16xf32>,
        tpu.vector_store %arg8[%parallel_loop3A_312], %parallel_loop3A_309 {strides = array<i32>} : memref<40960xf32, #tpu.memory_space<vmem>>, vector<16xf32>,
        %parallel_loop3A_314 = vector.extract_strided_slice %parallel_loop3A_61 {offsets = [6], sizes = [1], strides = [1]} : vector<16xi32> to vector<1xi32>
        %parallel_loop3A_315 = vector.extract %parallel_loop3A_314[0] : i32 from vector<1xi32>
        %parallel_loop3A_316 = tpu.assume_multiple %parallel_loop3A_315, 64 : i32
        %parallel_loop3A_317 = arith.constant 16 : i32
        %parallel_loop3A_318 = arith.muli %parallel_loop3A_50, %parallel_loop3A_317 : i32
        %parallel_loop3A_319 = arith.constant 6 : i32
        %parallel_loop3A_320 = arith.addi %parallel_loop3A_318, %parallel_loop3A_319 : i32
        %parallel_loop3A_321 = arith.constant 64 : i32
        %parallel_loop3A_322 = arith.muli %parallel_loop3A_320, %parallel_loop3A_321 : i32
        %parallel_loop3A_323 = tpu.assume_multiple %parallel_loop3A_322, 64 : i32
        %parallel_loop3A_324 = arith.constant 0 : i32
        %parallel_loop3A_325 = arith.addi %parallel_loop3A_316, %parallel_loop3A_324 : i32
        %parallel_loop3A_326 = arith.index_cast %parallel_loop3A_325 : i32 to index
        %parallel_loop3A_327 = tpu.vector_load %arg5[%parallel_loop3A_326] {strides = array<i32>} : memref<16384xf32, #tpu.memory_space<vmem>>, vector<16xf32>,
        %parallel_loop3A_328 = arith.constant 0 : i32
        %parallel_loop3A_329 = arith.addi %parallel_loop3A_323, %parallel_loop3A_328 : i32
        %parallel_loop3A_330 = arith.index_cast %parallel_loop3A_329 : i32 to index
        %parallel_loop3A_331 = tpu.vector_load %arg8[%parallel_loop3A_330] {strides = array<i32>} : memref<40960xf32, #tpu.memory_space<vmem>>, vector<16xf32>,
        tpu.vector_store %arg8[%parallel_loop3A_330], %parallel_loop3A_327 {strides = array<i32>} : memref<40960xf32, #tpu.memory_space<vmem>>, vector<16xf32>,
        %parallel_loop3A_332 = arith.constant 16 : i32
        %parallel_loop3A_333 = arith.addi %parallel_loop3A_316, %parallel_loop3A_332 : i32
        %parallel_loop3A_334 = arith.index_cast %parallel_loop3A_333 : i32 to index
        %parallel_loop3A_335 = tpu.vector_load %arg5[%parallel_loop3A_334] {strides = array<i32>} : memref<16384xf32, #tpu.memory_space<vmem>>, vector<16xf32>,
        %parallel_loop3A_336 = arith.constant 16 : i32
        %parallel_loop3A_337 = arith.addi %parallel_loop3A_323, %parallel_loop3A_336 : i32
        %parallel_loop3A_338 = arith.index_cast %parallel_loop3A_337 : i32 to index
        %parallel_loop3A_339 = tpu.vector_load %arg8[%parallel_loop3A_338] {strides = array<i32>} : memref<40960xf32, #tpu.memory_space<vmem>>, vector<16xf32>,
        tpu.vector_store %arg8[%parallel_loop3A_338], %parallel_loop3A_335 {strides = array<i32>} : memref<40960xf32, #tpu.memory_space<vmem>>, vector<16xf32>,
        %parallel_loop3A_340 = arith.constant 32 : i32
        %parallel_loop3A_341 = arith.addi %parallel_loop3A_316, %parallel_loop3A_340 : i32
        %parallel_loop3A_342 = arith.index_cast %parallel_loop3A_341 : i32 to index
        %parallel_loop3A_343 = tpu.vector_load %arg5[%parallel_loop3A_342] {strides = array<i32>} : memref<16384xf32, #tpu.memory_space<vmem>>, vector<16xf32>,
        %parallel_loop3A_344 = arith.constant 32 : i32
        %parallel_loop3A_345 = arith.addi %parallel_loop3A_323, %parallel_loop3A_344 : i32
        %parallel_loop3A_346 = arith.index_cast %parallel_loop3A_345 : i32 to index
        %parallel_loop3A_347 = tpu.vector_load %arg8[%parallel_loop3A_346] {strides = array<i32>} : memref<40960xf32, #tpu.memory_space<vmem>>, vector<16xf32>,
        tpu.vector_store %arg8[%parallel_loop3A_346], %parallel_loop3A_343 {strides = array<i32>} : memref<40960xf32, #tpu.memory_space<vmem>>, vector<16xf32>,
        %parallel_loop3A_348 = arith.constant 48 : i32
        %parallel_loop3A_349 = arith.addi %parallel_loop3A_316, %parallel_loop3A_348 : i32
        %parallel_loop3A_350 = arith.index_cast %parallel_loop3A_349 : i32 to index
        %parallel_loop3A_351 = tpu.vector_load %arg5[%parallel_loop3A_350] {strides = array<i32>} : memref<16384xf32, #tpu.memory_space<vmem>>, vector<16xf32>,
        %parallel_loop3A_352 = arith.constant 48 : i32
        %parallel_loop3A_353 = arith.addi %parallel_loop3A_323, %parallel_loop3A_352 : i32
        %parallel_loop3A_354 = arith.index_cast %parallel_loop3A_353 : i32 to index
        %parallel_loop3A_355 = tpu.vector_load %arg8[%parallel_loop3A_354] {strides = array<i32>} : memref<40960xf32, #tpu.memory_space<vmem>>, vector<16xf32>,
        tpu.vector_store %arg8[%parallel_loop3A_354], %parallel_loop3A_351 {strides = array<i32>} : memref<40960xf32, #tpu.memory_space<vmem>>, vector<16xf32>,
        %parallel_loop3A_356 = vector.extract_strided_slice %parallel_loop3A_61 {offsets = [7], sizes = [1], strides = [1]} : vector<16xi32> to vector<1xi32>
        %parallel_loop3A_357 = vector.extract %parallel_loop3A_356[0] : i32 from vector<1xi32>
        %parallel_loop3A_358 = tpu.assume_multiple %parallel_loop3A_357, 64 : i32
        %parallel_loop3A_359 = arith.constant 16 : i32
        %parallel_loop3A_360 = arith.muli %parallel_loop3A_50, %parallel_loop3A_359 : i32
        %parallel_loop3A_361 = arith.constant 7 : i32
        %parallel_loop3A_362 = arith.addi %parallel_loop3A_360, %parallel_loop3A_361 : i32
        %parallel_loop3A_363 = arith.constant 64 : i32
        %parallel_loop3A_364 = arith.muli %parallel_loop3A_362, %parallel_loop3A_363 : i32
        %parallel_loop3A_365 = tpu.assume_multiple %parallel_loop3A_364, 64 : i32
        %parallel_loop3A_366 = arith.constant 0 : i32
        %parallel_loop3A_367 = arith.addi %parallel_loop3A_358, %parallel_loop3A_366 : i32
        %parallel_loop3A_368 = arith.index_cast %parallel_loop3A_367 : i32 to index
        %parallel_loop3A_369 = tpu.vector_load %arg5[%parallel_loop3A_368] {strides = array<i32>} : memref<16384xf32, #tpu.memory_space<vmem>>, vector<16xf32>,
        %parallel_loop3A_370 = arith.constant 0 : i32
        %parallel_loop3A_371 = arith.addi %parallel_loop3A_365, %parallel_loop3A_370 : i32
        %parallel_loop3A_372 = arith.index_cast %parallel_loop3A_371 : i32 to index
        %parallel_loop3A_373 = tpu.vector_load %arg8[%parallel_loop3A_372] {strides = array<i32>} : memref<40960xf32, #tpu.memory_space<vmem>>, vector<16xf32>,
        tpu.vector_store %arg8[%parallel_loop3A_372], %parallel_loop3A_369 {strides = array<i32>} : memref<40960xf32, #tpu.memory_space<vmem>>, vector<16xf32>,
        %parallel_loop3A_374 = arith.constant 16 : i32
        %parallel_loop3A_375 = arith.addi %parallel_loop3A_358, %parallel_loop3A_374 : i32
        %parallel_loop3A_376 = arith.index_cast %parallel_loop3A_375 : i32 to index
        %parallel_loop3A_377 = tpu.vector_load %arg5[%parallel_loop3A_376] {strides = array<i32>} : memref<16384xf32, #tpu.memory_space<vmem>>, vector<16xf32>,
        %parallel_loop3A_378 = arith.constant 16 : i32
        %parallel_loop3A_379 = arith.addi %parallel_loop3A_365, %parallel_loop3A_378 : i32
        %parallel_loop3A_380 = arith.index_cast %parallel_loop3A_379 : i32 to index
        %parallel_loop3A_381 = tpu.vector_load %arg8[%parallel_loop3A_380] {strides = array<i32>} : memref<40960xf32, #tpu.memory_space<vmem>>, vector<16xf32>,
        tpu.vector_store %arg8[%parallel_loop3A_380], %parallel_loop3A_377 {strides = array<i32>} : memref<40960xf32, #tpu.memory_space<vmem>>, vector<16xf32>,
        %parallel_loop3A_382 = arith.constant 32 : i32
        %parallel_loop3A_383 = arith.addi %parallel_loop3A_358, %parallel_loop3A_382 : i32
        %parallel_loop3A_384 = arith.index_cast %parallel_loop3A_383 : i32 to index
        %parallel_loop3A_385 = tpu.vector_load %arg5[%parallel_loop3A_384] {strides = array<i32>} : memref<16384xf32, #tpu.memory_space<vmem>>, vector<16xf32>,
        %parallel_loop3A_386 = arith.constant 32 : i32
        %parallel_loop3A_387 = arith.addi %parallel_loop3A_365, %parallel_loop3A_386 : i32
        %parallel_loop3A_388 = arith.index_cast %parallel_loop3A_387 : i32 to index
        %parallel_loop3A_389 = tpu.vector_load %arg8[%parallel_loop3A_388] {strides = array<i32>} : memref<40960xf32, #tpu.memory_space<vmem>>, vector<16xf32>,
        tpu.vector_store %arg8[%parallel_loop3A_388], %parallel_loop3A_385 {strides = array<i32>} : memref<40960xf32, #tpu.memory_space<vmem>>, vector<16xf32>,
        %parallel_loop3A_390 = arith.constant 48 : i32
        %parallel_loop3A_391 = arith.addi %parallel_loop3A_358, %parallel_loop3A_390 : i32
        %parallel_loop3A_392 = arith.index_cast %parallel_loop3A_391 : i32 to index
        %parallel_loop3A_393 = tpu.vector_load %arg5[%parallel_loop3A_392] {strides = array<i32>} : memref<16384xf32, #tpu.memory_space<vmem>>, vector<16xf32>,
        %parallel_loop3A_394 = arith.constant 48 : i32
        %parallel_loop3A_395 = arith.addi %parallel_loop3A_365, %parallel_loop3A_394 : i32
        %parallel_loop3A_396 = arith.index_cast %parallel_loop3A_395 : i32 to index
        %parallel_loop3A_397 = tpu.vector_load %arg8[%parallel_loop3A_396] {strides = array<i32>} : memref<40960xf32, #tpu.memory_space<vmem>>, vector<16xf32>,
        tpu.vector_store %arg8[%parallel_loop3A_396], %parallel_loop3A_393 {strides = array<i32>} : memref<40960xf32, #tpu.memory_space<vmem>>, vector<16xf32>,
        %parallel_loop3A_398 = vector.extract_strided_slice %parallel_loop3A_61 {offsets = [8], sizes = [1], strides = [1]} : vector<16xi32> to vector<1xi32>
        %parallel_loop3A_399 = vector.extract %parallel_loop3A_398[0] : i32 from vector<1xi32>
        %parallel_loop3A_400 = tpu.assume_multiple %parallel_loop3A_399, 64 : i32
        %parallel_loop3A_401 = arith.constant 16 : i32
        %parallel_loop3A_402 = arith.muli %parallel_loop3A_50, %parallel_loop3A_401 : i32
        %parallel_loop3A_403 = arith.constant 8 : i32
        %parallel_loop3A_404 = arith.addi %parallel_loop3A_402, %parallel_loop3A_403 : i32
        %parallel_loop3A_405 = arith.constant 64 : i32
        %parallel_loop3A_406 = arith.muli %parallel_loop3A_404, %parallel_loop3A_405 : i32
        %parallel_loop3A_407 = tpu.assume_multiple %parallel_loop3A_406, 64 : i32
        %parallel_loop3A_408 = arith.constant 0 : i32
        %parallel_loop3A_409 = arith.addi %parallel_loop3A_400, %parallel_loop3A_408 : i32
        %parallel_loop3A_410 = arith.index_cast %parallel_loop3A_409 : i32 to index
        %parallel_loop3A_411 = tpu.vector_load %arg5[%parallel_loop3A_410] {strides = array<i32>} : memref<16384xf32, #tpu.memory_space<vmem>>, vector<16xf32>,
        %parallel_loop3A_412 = arith.constant 0 : i32
        %parallel_loop3A_413 = arith.addi %parallel_loop3A_407, %parallel_loop3A_412 : i32
        %parallel_loop3A_414 = arith.index_cast %parallel_loop3A_413 : i32 to index
        %parallel_loop3A_415 = tpu.vector_load %arg8[%parallel_loop3A_414] {strides = array<i32>} : memref<40960xf32, #tpu.memory_space<vmem>>, vector<16xf32>,
        tpu.vector_store %arg8[%parallel_loop3A_414], %parallel_loop3A_411 {strides = array<i32>} : memref<40960xf32, #tpu.memory_space<vmem>>, vector<16xf32>,
        %parallel_loop3A_416 = arith.constant 16 : i32
        %parallel_loop3A_417 = arith.addi %parallel_loop3A_400, %parallel_loop3A_416 : i32
        %parallel_loop3A_418 = arith.index_cast %parallel_loop3A_417 : i32 to index
        %parallel_loop3A_419 = tpu.vector_load %arg5[%parallel_loop3A_418] {strides = array<i32>} : memref<16384xf32, #tpu.memory_space<vmem>>, vector<16xf32>,
        %parallel_loop3A_420 = arith.constant 16 : i32
        %parallel_loop3A_421 = arith.addi %parallel_loop3A_407, %parallel_loop3A_420 : i32
        %parallel_loop3A_422 = arith.index_cast %parallel_loop3A_421 : i32 to index
        %parallel_loop3A_423 = tpu.vector_load %arg8[%parallel_loop3A_422] {strides = array<i32>} : memref<40960xf32, #tpu.memory_space<vmem>>, vector<16xf32>,
        tpu.vector_store %arg8[%parallel_loop3A_422], %parallel_loop3A_419 {strides = array<i32>} : memref<40960xf32, #tpu.memory_space<vmem>>, vector<16xf32>,
        %parallel_loop3A_424 = arith.constant 32 : i32
        %parallel_loop3A_425 = arith.addi %parallel_loop3A_400, %parallel_loop3A_424 : i32
        %parallel_loop3A_426 = arith.index_cast %parallel_loop3A_425 : i32 to index
        %parallel_loop3A_427 = tpu.vector_load %arg5[%parallel_loop3A_426] {strides = array<i32>} : memref<16384xf32, #tpu.memory_space<vmem>>, vector<16xf32>,
        %parallel_loop3A_428 = arith.constant 32 : i32
        %parallel_loop3A_429 = arith.addi %parallel_loop3A_407, %parallel_loop3A_428 : i32
        %parallel_loop3A_430 = arith.index_cast %parallel_loop3A_429 : i32 to index
        %parallel_loop3A_431 = tpu.vector_load %arg8[%parallel_loop3A_430] {strides = array<i32>} : memref<40960xf32, #tpu.memory_space<vmem>>, vector<16xf32>,
        tpu.vector_store %arg8[%parallel_loop3A_430], %parallel_loop3A_427 {strides = array<i32>} : memref<40960xf32, #tpu.memory_space<vmem>>, vector<16xf32>,
        %parallel_loop3A_432 = arith.constant 48 : i32
        %parallel_loop3A_433 = arith.addi %parallel_loop3A_400, %parallel_loop3A_432 : i32
        %parallel_loop3A_434 = arith.index_cast %parallel_loop3A_433 : i32 to index
        %parallel_loop3A_435 = tpu.vector_load %arg5[%parallel_loop3A_434] {strides = array<i32>} : memref<16384xf32, #tpu.memory_space<vmem>>, vector<16xf32>,
        %parallel_loop3A_436 = arith.constant 48 : i32
        %parallel_loop3A_437 = arith.addi %parallel_loop3A_407, %parallel_loop3A_436 : i32
        %parallel_loop3A_438 = arith.index_cast %parallel_loop3A_437 : i32 to index
        %parallel_loop3A_439 = tpu.vector_load %arg8[%parallel_loop3A_438] {strides = array<i32>} : memref<40960xf32, #tpu.memory_space<vmem>>, vector<16xf32>,
        tpu.vector_store %arg8[%parallel_loop3A_438], %parallel_loop3A_435 {strides = array<i32>} : memref<40960xf32, #tpu.memory_space<vmem>>, vector<16xf32>,
        %parallel_loop3A_440 = vector.extract_strided_slice %parallel_loop3A_61 {offsets = [9], sizes = [1], strides = [1]} : vector<16xi32> to vector<1xi32>
        %parallel_loop3A_441 = vector.extract %parallel_loop3A_440[0] : i32 from vector<1xi32>
        %parallel_loop3A_442 = tpu.assume_multiple %parallel_loop3A_441, 64 : i32
        %parallel_loop3A_443 = arith.constant 16 : i32
        %parallel_loop3A_444 = arith.muli %parallel_loop3A_50, %parallel_loop3A_443 : i32
        %parallel_loop3A_445 = arith.constant 9 : i32
        %parallel_loop3A_446 = arith.addi %parallel_loop3A_444, %parallel_loop3A_445 : i32
        %parallel_loop3A_447 = arith.constant 64 : i32
        %parallel_loop3A_448 = arith.muli %parallel_loop3A_446, %parallel_loop3A_447 : i32
        %parallel_loop3A_449 = tpu.assume_multiple %parallel_loop3A_448, 64 : i32
        %parallel_loop3A_450 = arith.constant 0 : i32
        %parallel_loop3A_451 = arith.addi %parallel_loop3A_442, %parallel_loop3A_450 : i32
        %parallel_loop3A_452 = arith.index_cast %parallel_loop3A_451 : i32 to index
        %parallel_loop3A_453 = tpu.vector_load %arg5[%parallel_loop3A_452] {strides = array<i32>} : memref<16384xf32, #tpu.memory_space<vmem>>, vector<16xf32>,
        %parallel_loop3A_454 = arith.constant 0 : i32
        %parallel_loop3A_455 = arith.addi %parallel_loop3A_449, %parallel_loop3A_454 : i32
        %parallel_loop3A_456 = arith.index_cast %parallel_loop3A_455 : i32 to index
        %parallel_loop3A_457 = tpu.vector_load %arg8[%parallel_loop3A_456] {strides = array<i32>} : memref<40960xf32, #tpu.memory_space<vmem>>, vector<16xf32>,
        tpu.vector_store %arg8[%parallel_loop3A_456], %parallel_loop3A_453 {strides = array<i32>} : memref<40960xf32, #tpu.memory_space<vmem>>, vector<16xf32>,
        %parallel_loop3A_458 = arith.constant 16 : i32
        %parallel_loop3A_459 = arith.addi %parallel_loop3A_442, %parallel_loop3A_458 : i32
        %parallel_loop3A_460 = arith.index_cast %parallel_loop3A_459 : i32 to index
        %parallel_loop3A_461 = tpu.vector_load %arg5[%parallel_loop3A_460] {strides = array<i32>} : memref<16384xf32, #tpu.memory_space<vmem>>, vector<16xf32>,
        %parallel_loop3A_462 = arith.constant 16 : i32
        %parallel_loop3A_463 = arith.addi %parallel_loop3A_449, %parallel_loop3A_462 : i32
        %parallel_loop3A_464 = arith.index_cast %parallel_loop3A_463 : i32 to index
        %parallel_loop3A_465 = tpu.vector_load %arg8[%parallel_loop3A_464] {strides = array<i32>} : memref<40960xf32, #tpu.memory_space<vmem>>, vector<16xf32>,
        tpu.vector_store %arg8[%parallel_loop3A_464], %parallel_loop3A_461 {strides = array<i32>} : memref<40960xf32, #tpu.memory_space<vmem>>, vector<16xf32>,
        %parallel_loop3A_466 = arith.constant 32 : i32
        %parallel_loop3A_467 = arith.addi %parallel_loop3A_442, %parallel_loop3A_466 : i32
        %parallel_loop3A_468 = arith.index_cast %parallel_loop3A_467 : i32 to index
        %parallel_loop3A_469 = tpu.vector_load %arg5[%parallel_loop3A_468] {strides = array<i32>} : memref<16384xf32, #tpu.memory_space<vmem>>, vector<16xf32>,
        %parallel_loop3A_470 = arith.constant 32 : i32
        %parallel_loop3A_471 = arith.addi %parallel_loop3A_449, %parallel_loop3A_470 : i32
        %parallel_loop3A_472 = arith.index_cast %parallel_loop3A_471 : i32 to index
        %parallel_loop3A_473 = tpu.vector_load %arg8[%parallel_loop3A_472] {strides = array<i32>} : memref<40960xf32, #tpu.memory_space<vmem>>, vector<16xf32>,
        tpu.vector_store %arg8[%parallel_loop3A_472], %parallel_loop3A_469 {strides = array<i32>} : memref<40960xf32, #tpu.memory_space<vmem>>, vector<16xf32>,
        %parallel_loop3A_474 = arith.constant 48 : i32
        %parallel_loop3A_475 = arith.addi %parallel_loop3A_442, %parallel_loop3A_474 : i32
        %parallel_loop3A_476 = arith.index_cast %parallel_loop3A_475 : i32 to index
        %parallel_loop3A_477 = tpu.vector_load %arg5[%parallel_loop3A_476] {strides = array<i32>} : memref<16384xf32, #tpu.memory_space<vmem>>, vector<16xf32>,
        %parallel_loop3A_478 = arith.constant 48 : i32
        %parallel_loop3A_479 = arith.addi %parallel_loop3A_449, %parallel_loop3A_478 : i32
        %parallel_loop3A_480 = arith.index_cast %parallel_loop3A_479 : i32 to index
        %parallel_loop3A_481 = tpu.vector_load %arg8[%parallel_loop3A_480] {strides = array<i32>} : memref<40960xf32, #tpu.memory_space<vmem>>, vector<16xf32>,
        tpu.vector_store %arg8[%parallel_loop3A_480], %parallel_loop3A_477 {strides = array<i32>} : memref<40960xf32, #tpu.memory_space<vmem>>, vector<16xf32>,
        %parallel_loop3A_482 = vector.extract_strided_slice %parallel_loop3A_61 {offsets = [10], sizes = [1], strides = [1]} : vector<16xi32> to vector<1xi32>
        %parallel_loop3A_483 = vector.extract %parallel_loop3A_482[0] : i32 from vector<1xi32>
        %parallel_loop3A_484 = tpu.assume_multiple %parallel_loop3A_483, 64 : i32
        %parallel_loop3A_485 = arith.constant 16 : i32
        %parallel_loop3A_486 = arith.muli %parallel_loop3A_50, %parallel_loop3A_485 : i32
        %parallel_loop3A_487 = arith.constant 10 : i32
        %parallel_loop3A_488 = arith.addi %parallel_loop3A_486, %parallel_loop3A_487 : i32
        %parallel_loop3A_489 = arith.constant 64 : i32
        %parallel_loop3A_490 = arith.muli %parallel_loop3A_488, %parallel_loop3A_489 : i32
        %parallel_loop3A_491 = tpu.assume_multiple %parallel_loop3A_490, 64 : i32
        %parallel_loop3A_492 = arith.constant 0 : i32
        %parallel_loop3A_493 = arith.addi %parallel_loop3A_484, %parallel_loop3A_492 : i32
        %parallel_loop3A_494 = arith.index_cast %parallel_loop3A_493 : i32 to index
        %parallel_loop3A_495 = tpu.vector_load %arg5[%parallel_loop3A_494] {strides = array<i32>} : memref<16384xf32, #tpu.memory_space<vmem>>, vector<16xf32>,
        %parallel_loop3A_496 = arith.constant 0 : i32
        %parallel_loop3A_497 = arith.addi %parallel_loop3A_491, %parallel_loop3A_496 : i32
        %parallel_loop3A_498 = arith.index_cast %parallel_loop3A_497 : i32 to index
        %parallel_loop3A_499 = tpu.vector_load %arg8[%parallel_loop3A_498] {strides = array<i32>} : memref<40960xf32, #tpu.memory_space<vmem>>, vector<16xf32>,
        tpu.vector_store %arg8[%parallel_loop3A_498], %parallel_loop3A_495 {strides = array<i32>} : memref<40960xf32, #tpu.memory_space<vmem>>, vector<16xf32>,
        %parallel_loop3A_500 = arith.constant 16 : i32
        %parallel_loop3A_501 = arith.addi %parallel_loop3A_484, %parallel_loop3A_500 : i32
        %parallel_loop3A_502 = arith.index_cast %parallel_loop3A_501 : i32 to index
        %parallel_loop3A_503 = tpu.vector_load %arg5[%parallel_loop3A_502] {strides = array<i32>} : memref<16384xf32, #tpu.memory_space<vmem>>, vector<16xf32>,
        %parallel_loop3A_504 = arith.constant 16 : i32
        %parallel_loop3A_505 = arith.addi %parallel_loop3A_491, %parallel_loop3A_504 : i32
        %parallel_loop3A_506 = arith.index_cast %parallel_loop3A_505 : i32 to index
        %parallel_loop3A_507 = tpu.vector_load %arg8[%parallel_loop3A_506] {strides = array<i32>} : memref<40960xf32, #tpu.memory_space<vmem>>, vector<16xf32>,
        tpu.vector_store %arg8[%parallel_loop3A_506], %parallel_loop3A_503 {strides = array<i32>} : memref<40960xf32, #tpu.memory_space<vmem>>, vector<16xf32>,
        %parallel_loop3A_508 = arith.constant 32 : i32
        %parallel_loop3A_509 = arith.addi %parallel_loop3A_484, %parallel_loop3A_508 : i32
        %parallel_loop3A_510 = arith.index_cast %parallel_loop3A_509 : i32 to index
        %parallel_loop3A_511 = tpu.vector_load %arg5[%parallel_loop3A_510] {strides = array<i32>} : memref<16384xf32, #tpu.memory_space<vmem>>, vector<16xf32>,
        %parallel_loop3A_512 = arith.constant 32 : i32
        %parallel_loop3A_513 = arith.addi %parallel_loop3A_491, %parallel_loop3A_512 : i32
        %parallel_loop3A_514 = arith.index_cast %parallel_loop3A_513 : i32 to index
        %parallel_loop3A_515 = tpu.vector_load %arg8[%parallel_loop3A_514] {strides = array<i32>} : memref<40960xf32, #tpu.memory_space<vmem>>, vector<16xf32>,
        tpu.vector_store %arg8[%parallel_loop3A_514], %parallel_loop3A_511 {strides = array<i32>} : memref<40960xf32, #tpu.memory_space<vmem>>, vector<16xf32>,
        %parallel_loop3A_516 = arith.constant 48 : i32
        %parallel_loop3A_517 = arith.addi %parallel_loop3A_484, %parallel_loop3A_516 : i32
        %parallel_loop3A_518 = arith.index_cast %parallel_loop3A_517 : i32 to index
        %parallel_loop3A_519 = tpu.vector_load %arg5[%parallel_loop3A_518] {strides = array<i32>} : memref<16384xf32, #tpu.memory_space<vmem>>, vector<16xf32>,
        %parallel_loop3A_520 = arith.constant 48 : i32
        %parallel_loop3A_521 = arith.addi %parallel_loop3A_491, %parallel_loop3A_520 : i32
        %parallel_loop3A_522 = arith.index_cast %parallel_loop3A_521 : i32 to index
        %parallel_loop3A_523 = tpu.vector_load %arg8[%parallel_loop3A_522] {strides = array<i32>} : memref<40960xf32, #tpu.memory_space<vmem>>, vector<16xf32>,
        tpu.vector_store %arg8[%parallel_loop3A_522], %parallel_loop3A_519 {strides = array<i32>} : memref<40960xf32, #tpu.memory_space<vmem>>, vector<16xf32>,
        %parallel_loop3A_524 = vector.extract_strided_slice %parallel_loop3A_61 {offsets = [11], sizes = [1], strides = [1]} : vector<16xi32> to vector<1xi32>
        %parallel_loop3A_525 = vector.extract %parallel_loop3A_524[0] : i32 from vector<1xi32>
        %parallel_loop3A_526 = tpu.assume_multiple %parallel_loop3A_525, 64 : i32
        %parallel_loop3A_527 = arith.constant 16 : i32
        %parallel_loop3A_528 = arith.muli %parallel_loop3A_50, %parallel_loop3A_527 : i32
        %parallel_loop3A_529 = arith.constant 11 : i32
        %parallel_loop3A_530 = arith.addi %parallel_loop3A_528, %parallel_loop3A_529 : i32
        %parallel_loop3A_531 = arith.constant 64 : i32
        %parallel_loop3A_532 = arith.muli %parallel_loop3A_530, %parallel_loop3A_531 : i32
        %parallel_loop3A_533 = tpu.assume_multiple %parallel_loop3A_532, 64 : i32
        %parallel_loop3A_534 = arith.constant 0 : i32
        %parallel_loop3A_535 = arith.addi %parallel_loop3A_526, %parallel_loop3A_534 : i32
        %parallel_loop3A_536 = arith.index_cast %parallel_loop3A_535 : i32 to index
        %parallel_loop3A_537 = tpu.vector_load %arg5[%parallel_loop3A_536] {strides = array<i32>} : memref<16384xf32, #tpu.memory_space<vmem>>, vector<16xf32>,
        %parallel_loop3A_538 = arith.constant 0 : i32
        %parallel_loop3A_539 = arith.addi %parallel_loop3A_533, %parallel_loop3A_538 : i32
        %parallel_loop3A_540 = arith.index_cast %parallel_loop3A_539 : i32 to index
        %parallel_loop3A_541 = tpu.vector_load %arg8[%parallel_loop3A_540] {strides = array<i32>} : memref<40960xf32, #tpu.memory_space<vmem>>, vector<16xf32>,
        tpu.vector_store %arg8[%parallel_loop3A_540], %parallel_loop3A_537 {strides = array<i32>} : memref<40960xf32, #tpu.memory_space<vmem>>, vector<16xf32>,
        %parallel_loop3A_542 = arith.constant 16 : i32
        %parallel_loop3A_543 = arith.addi %parallel_loop3A_526, %parallel_loop3A_542 : i32
        %parallel_loop3A_544 = arith.index_cast %parallel_loop3A_543 : i32 to index
        %parallel_loop3A_545 = tpu.vector_load %arg5[%parallel_loop3A_544] {strides = array<i32>} : memref<16384xf32, #tpu.memory_space<vmem>>, vector<16xf32>,
        %parallel_loop3A_546 = arith.constant 16 : i32
        %parallel_loop3A_547 = arith.addi %parallel_loop3A_533, %parallel_loop3A_546 : i32
        %parallel_loop3A_548 = arith.index_cast %parallel_loop3A_547 : i32 to index
        %parallel_loop3A_549 = tpu.vector_load %arg8[%parallel_loop3A_548] {strides = array<i32>} : memref<40960xf32, #tpu.memory_space<vmem>>, vector<16xf32>,
        tpu.vector_store %arg8[%parallel_loop3A_548], %parallel_loop3A_545 {strides = array<i32>} : memref<40960xf32, #tpu.memory_space<vmem>>, vector<16xf32>,
        %parallel_loop3A_550 = arith.constant 32 : i32
        %parallel_loop3A_551 = arith.addi %parallel_loop3A_526, %parallel_loop3A_550 : i32
        %parallel_loop3A_552 = arith.index_cast %parallel_loop3A_551 : i32 to index
        %parallel_loop3A_553 = tpu.vector_load %arg5[%parallel_loop3A_552] {strides = array<i32>} : memref<16384xf32, #tpu.memory_space<vmem>>, vector<16xf32>,
        %parallel_loop3A_554 = arith.constant 32 : i32
        %parallel_loop3A_555 = arith.addi %parallel_loop3A_533, %parallel_loop3A_554 : i32
        %parallel_loop3A_556 = arith.index_cast %parallel_loop3A_555 : i32 to index
        %parallel_loop3A_557 = tpu.vector_load %arg8[%parallel_loop3A_556] {strides = array<i32>} : memref<40960xf32, #tpu.memory_space<vmem>>, vector<16xf32>,
        tpu.vector_store %arg8[%parallel_loop3A_556], %parallel_loop3A_553 {strides = array<i32>} : memref<40960xf32, #tpu.memory_space<vmem>>, vector<16xf32>,
        %parallel_loop3A_558 = arith.constant 48 : i32
        %parallel_loop3A_559 = arith.addi %parallel_loop3A_526, %parallel_loop3A_558 : i32
        %parallel_loop3A_560 = arith.index_cast %parallel_loop3A_559 : i32 to index
        %parallel_loop3A_561 = tpu.vector_load %arg5[%parallel_loop3A_560] {strides = array<i32>} : memref<16384xf32, #tpu.memory_space<vmem>>, vector<16xf32>,
        %parallel_loop3A_562 = arith.constant 48 : i32
        %parallel_loop3A_563 = arith.addi %parallel_loop3A_533, %parallel_loop3A_562 : i32
        %parallel_loop3A_564 = arith.index_cast %parallel_loop3A_563 : i32 to index
        %parallel_loop3A_565 = tpu.vector_load %arg8[%parallel_loop3A_564] {strides = array<i32>} : memref<40960xf32, #tpu.memory_space<vmem>>, vector<16xf32>,
        tpu.vector_store %arg8[%parallel_loop3A_564], %parallel_loop3A_561 {strides = array<i32>} : memref<40960xf32, #tpu.memory_space<vmem>>, vector<16xf32>,
        %parallel_loop3A_566 = vector.extract_strided_slice %parallel_loop3A_61 {offsets = [12], sizes = [1], strides = [1]} : vector<16xi32> to vector<1xi32>
        %parallel_loop3A_567 = vector.extract %parallel_loop3A_566[0] : i32 from vector<1xi32>
        %parallel_loop3A_568 = tpu.assume_multiple %parallel_loop3A_567, 64 : i32
        %parallel_loop3A_569 = arith.constant 16 : i32
        %parallel_loop3A_570 = arith.muli %parallel_loop3A_50, %parallel_loop3A_569 : i32
        %parallel_loop3A_571 = arith.constant 12 : i32
        %parallel_loop3A_572 = arith.addi %parallel_loop3A_570, %parallel_loop3A_571 : i32
        %parallel_loop3A_573 = arith.constant 64 : i32
        %parallel_loop3A_574 = arith.muli %parallel_loop3A_572, %parallel_loop3A_573 : i32
        %parallel_loop3A_575 = tpu.assume_multiple %parallel_loop3A_574, 64 : i32
        %parallel_loop3A_576 = arith.constant 0 : i32
        %parallel_loop3A_577 = arith.addi %parallel_loop3A_568, %parallel_loop3A_576 : i32
        %parallel_loop3A_578 = arith.index_cast %parallel_loop3A_577 : i32 to index
        %parallel_loop3A_579 = tpu.vector_load %arg5[%parallel_loop3A_578] {strides = array<i32>} : memref<16384xf32, #tpu.memory_space<vmem>>, vector<16xf32>,
        %parallel_loop3A_580 = arith.constant 0 : i32
        %parallel_loop3A_581 = arith.addi %parallel_loop3A_575, %parallel_loop3A_580 : i32
        %parallel_loop3A_582 = arith.index_cast %parallel_loop3A_581 : i32 to index
        %parallel_loop3A_583 = tpu.vector_load %arg8[%parallel_loop3A_582] {strides = array<i32>} : memref<40960xf32, #tpu.memory_space<vmem>>, vector<16xf32>,
        tpu.vector_store %arg8[%parallel_loop3A_582], %parallel_loop3A_579 {strides = array<i32>} : memref<40960xf32, #tpu.memory_space<vmem>>, vector<16xf32>,
        %parallel_loop3A_584 = arith.constant 16 : i32
        %parallel_loop3A_585 = arith.addi %parallel_loop3A_568, %parallel_loop3A_584 : i32
        %parallel_loop3A_586 = arith.index_cast %parallel_loop3A_585 : i32 to index
        %parallel_loop3A_587 = tpu.vector_load %arg5[%parallel_loop3A_586] {strides = array<i32>} : memref<16384xf32, #tpu.memory_space<vmem>>, vector<16xf32>,
        %parallel_loop3A_588 = arith.constant 16 : i32
        %parallel_loop3A_589 = arith.addi %parallel_loop3A_575, %parallel_loop3A_588 : i32
        %parallel_loop3A_590 = arith.index_cast %parallel_loop3A_589 : i32 to index
        %parallel_loop3A_591 = tpu.vector_load %arg8[%parallel_loop3A_590] {strides = array<i32>} : memref<40960xf32, #tpu.memory_space<vmem>>, vector<16xf32>,
        tpu.vector_store %arg8[%parallel_loop3A_590], %parallel_loop3A_587 {strides = array<i32>} : memref<40960xf32, #tpu.memory_space<vmem>>, vector<16xf32>,
        %parallel_loop3A_592 = arith.constant 32 : i32
        %parallel_loop3A_593 = arith.addi %parallel_loop3A_568, %parallel_loop3A_592 : i32
        %parallel_loop3A_594 = arith.index_cast %parallel_loop3A_593 : i32 to index
        %parallel_loop3A_595 = tpu.vector_load %arg5[%parallel_loop3A_594] {strides = array<i32>} : memref<16384xf32, #tpu.memory_space<vmem>>, vector<16xf32>,
        %parallel_loop3A_596 = arith.constant 32 : i32
        %parallel_loop3A_597 = arith.addi %parallel_loop3A_575, %parallel_loop3A_596 : i32
        %parallel_loop3A_598 = arith.index_cast %parallel_loop3A_597 : i32 to index
        %parallel_loop3A_599 = tpu.vector_load %arg8[%parallel_loop3A_598] {strides = array<i32>} : memref<40960xf32, #tpu.memory_space<vmem>>, vector<16xf32>,
        tpu.vector_store %arg8[%parallel_loop3A_598], %parallel_loop3A_595 {strides = array<i32>} : memref<40960xf32, #tpu.memory_space<vmem>>, vector<16xf32>,
        %parallel_loop3A_600 = arith.constant 48 : i32
        %parallel_loop3A_601 = arith.addi %parallel_loop3A_568, %parallel_loop3A_600 : i32
        %parallel_loop3A_602 = arith.index_cast %parallel_loop3A_601 : i32 to index
        %parallel_loop3A_603 = tpu.vector_load %arg5[%parallel_loop3A_602] {strides = array<i32>} : memref<16384xf32, #tpu.memory_space<vmem>>, vector<16xf32>,
        %parallel_loop3A_604 = arith.constant 48 : i32
        %parallel_loop3A_605 = arith.addi %parallel_loop3A_575, %parallel_loop3A_604 : i32
        %parallel_loop3A_606 = arith.index_cast %parallel_loop3A_605 : i32 to index
        %parallel_loop3A_607 = tpu.vector_load %arg8[%parallel_loop3A_606] {strides = array<i32>} : memref<40960xf32, #tpu.memory_space<vmem>>, vector<16xf32>,
        tpu.vector_store %arg8[%parallel_loop3A_606], %parallel_loop3A_603 {strides = array<i32>} : memref<40960xf32, #tpu.memory_space<vmem>>, vector<16xf32>,
        %parallel_loop3A_608 = vector.extract_strided_slice %parallel_loop3A_61 {offsets = [13], sizes = [1], strides = [1]} : vector<16xi32> to vector<1xi32>
        %parallel_loop3A_609 = vector.extract %parallel_loop3A_608[0] : i32 from vector<1xi32>
        %parallel_loop3A_610 = tpu.assume_multiple %parallel_loop3A_609, 64 : i32
        %parallel_loop3A_611 = arith.constant 16 : i32
        %parallel_loop3A_612 = arith.muli %parallel_loop3A_50, %parallel_loop3A_611 : i32
        %parallel_loop3A_613 = arith.constant 13 : i32
        %parallel_loop3A_614 = arith.addi %parallel_loop3A_612, %parallel_loop3A_613 : i32
        %parallel_loop3A_615 = arith.constant 64 : i32
        %parallel_loop3A_616 = arith.muli %parallel_loop3A_614, %parallel_loop3A_615 : i32
        %parallel_loop3A_617 = tpu.assume_multiple %parallel_loop3A_616, 64 : i32
        %parallel_loop3A_618 = arith.constant 0 : i32
        %parallel_loop3A_619 = arith.addi %parallel_loop3A_610, %parallel_loop3A_618 : i32
        %parallel_loop3A_620 = arith.index_cast %parallel_loop3A_619 : i32 to index
        %parallel_loop3A_621 = tpu.vector_load %arg5[%parallel_loop3A_620] {strides = array<i32>} : memref<16384xf32, #tpu.memory_space<vmem>>, vector<16xf32>,
        %parallel_loop3A_622 = arith.constant 0 : i32
        %parallel_loop3A_623 = arith.addi %parallel_loop3A_617, %parallel_loop3A_622 : i32
        %parallel_loop3A_624 = arith.index_cast %parallel_loop3A_623 : i32 to index
        %parallel_loop3A_625 = tpu.vector_load %arg8[%parallel_loop3A_624] {strides = array<i32>} : memref<40960xf32, #tpu.memory_space<vmem>>, vector<16xf32>,
        tpu.vector_store %arg8[%parallel_loop3A_624], %parallel_loop3A_621 {strides = array<i32>} : memref<40960xf32, #tpu.memory_space<vmem>>, vector<16xf32>,
        %parallel_loop3A_626 = arith.constant 16 : i32
        %parallel_loop3A_627 = arith.addi %parallel_loop3A_610, %parallel_loop3A_626 : i32
        %parallel_loop3A_628 = arith.index_cast %parallel_loop3A_627 : i32 to index
        %parallel_loop3A_629 = tpu.vector_load %arg5[%parallel_loop3A_628] {strides = array<i32>} : memref<16384xf32, #tpu.memory_space<vmem>>, vector<16xf32>,
        %parallel_loop3A_630 = arith.constant 16 : i32
        %parallel_loop3A_631 = arith.addi %parallel_loop3A_617, %parallel_loop3A_630 : i32
        %parallel_loop3A_632 = arith.index_cast %parallel_loop3A_631 : i32 to index
        %parallel_loop3A_633 = tpu.vector_load %arg8[%parallel_loop3A_632] {strides = array<i32>} : memref<40960xf32, #tpu.memory_space<vmem>>, vector<16xf32>,
        tpu.vector_store %arg8[%parallel_loop3A_632], %parallel_loop3A_629 {strides = array<i32>} : memref<40960xf32, #tpu.memory_space<vmem>>, vector<16xf32>,
        %parallel_loop3A_634 = arith.constant 32 : i32
        %parallel_loop3A_635 = arith.addi %parallel_loop3A_610, %parallel_loop3A_634 : i32
        %parallel_loop3A_636 = arith.index_cast %parallel_loop3A_635 : i32 to index
        %parallel_loop3A_637 = tpu.vector_load %arg5[%parallel_loop3A_636] {strides = array<i32>} : memref<16384xf32, #tpu.memory_space<vmem>>, vector<16xf32>,
        %parallel_loop3A_638 = arith.constant 32 : i32
        %parallel_loop3A_639 = arith.addi %parallel_loop3A_617, %parallel_loop3A_638 : i32
        %parallel_loop3A_640 = arith.index_cast %parallel_loop3A_639 : i32 to index
        %parallel_loop3A_641 = tpu.vector_load %arg8[%parallel_loop3A_640] {strides = array<i32>} : memref<40960xf32, #tpu.memory_space<vmem>>, vector<16xf32>,
        tpu.vector_store %arg8[%parallel_loop3A_640], %parallel_loop3A_637 {strides = array<i32>} : memref<40960xf32, #tpu.memory_space<vmem>>, vector<16xf32>,
        %parallel_loop3A_642 = arith.constant 48 : i32
        %parallel_loop3A_643 = arith.addi %parallel_loop3A_610, %parallel_loop3A_642 : i32
        %parallel_loop3A_644 = arith.index_cast %parallel_loop3A_643 : i32 to index
        %parallel_loop3A_645 = tpu.vector_load %arg5[%parallel_loop3A_644] {strides = array<i32>} : memref<16384xf32, #tpu.memory_space<vmem>>, vector<16xf32>,
        %parallel_loop3A_646 = arith.constant 48 : i32
        %parallel_loop3A_647 = arith.addi %parallel_loop3A_617, %parallel_loop3A_646 : i32
        %parallel_loop3A_648 = arith.index_cast %parallel_loop3A_647 : i32 to index
        %parallel_loop3A_649 = tpu.vector_load %arg8[%parallel_loop3A_648] {strides = array<i32>} : memref<40960xf32, #tpu.memory_space<vmem>>, vector<16xf32>,
        tpu.vector_store %arg8[%parallel_loop3A_648], %parallel_loop3A_645 {strides = array<i32>} : memref<40960xf32, #tpu.memory_space<vmem>>, vector<16xf32>,
        %parallel_loop3A_650 = vector.extract_strided_slice %parallel_loop3A_61 {offsets = [14], sizes = [1], strides = [1]} : vector<16xi32> to vector<1xi32>
        %parallel_loop3A_651 = vector.extract %parallel_loop3A_650[0] : i32 from vector<1xi32>
        %parallel_loop3A_652 = tpu.assume_multiple %parallel_loop3A_651, 64 : i32
        %parallel_loop3A_653 = arith.constant 16 : i32
        %parallel_loop3A_654 = arith.muli %parallel_loop3A_50, %parallel_loop3A_653 : i32
        %parallel_loop3A_655 = arith.constant 14 : i32
        %parallel_loop3A_656 = arith.addi %parallel_loop3A_654, %parallel_loop3A_655 : i32
        %parallel_loop3A_657 = arith.constant 64 : i32
        %parallel_loop3A_658 = arith.muli %parallel_loop3A_656, %parallel_loop3A_657 : i32
        %parallel_loop3A_659 = tpu.assume_multiple %parallel_loop3A_658, 64 : i32
        %parallel_loop3A_660 = arith.constant 0 : i32
        %parallel_loop3A_661 = arith.addi %parallel_loop3A_652, %parallel_loop3A_660 : i32
        %parallel_loop3A_662 = arith.index_cast %parallel_loop3A_661 : i32 to index
        %parallel_loop3A_663 = tpu.vector_load %arg5[%parallel_loop3A_662] {strides = array<i32>} : memref<16384xf32, #tpu.memory_space<vmem>>, vector<16xf32>,
        %parallel_loop3A_664 = arith.constant 0 : i32
        %parallel_loop3A_665 = arith.addi %parallel_loop3A_659, %parallel_loop3A_664 : i32
        %parallel_loop3A_666 = arith.index_cast %parallel_loop3A_665 : i32 to index
        %parallel_loop3A_667 = tpu.vector_load %arg8[%parallel_loop3A_666] {strides = array<i32>} : memref<40960xf32, #tpu.memory_space<vmem>>, vector<16xf32>,
        tpu.vector_store %arg8[%parallel_loop3A_666], %parallel_loop3A_663 {strides = array<i32>} : memref<40960xf32, #tpu.memory_space<vmem>>, vector<16xf32>,
        %parallel_loop3A_668 = arith.constant 16 : i32
        %parallel_loop3A_669 = arith.addi %parallel_loop3A_652, %parallel_loop3A_668 : i32
        %parallel_loop3A_670 = arith.index_cast %parallel_loop3A_669 : i32 to index
        %parallel_loop3A_671 = tpu.vector_load %arg5[%parallel_loop3A_670] {strides = array<i32>} : memref<16384xf32, #tpu.memory_space<vmem>>, vector<16xf32>,
        %parallel_loop3A_672 = arith.constant 16 : i32
        %parallel_loop3A_673 = arith.addi %parallel_loop3A_659, %parallel_loop3A_672 : i32
        %parallel_loop3A_674 = arith.index_cast %parallel_loop3A_673 : i32 to index
        %parallel_loop3A_675 = tpu.vector_load %arg8[%parallel_loop3A_674] {strides = array<i32>} : memref<40960xf32, #tpu.memory_space<vmem>>, vector<16xf32>,
        tpu.vector_store %arg8[%parallel_loop3A_674], %parallel_loop3A_671 {strides = array<i32>} : memref<40960xf32, #tpu.memory_space<vmem>>, vector<16xf32>,
        %parallel_loop3A_676 = arith.constant 32 : i32
        %parallel_loop3A_677 = arith.addi %parallel_loop3A_652, %parallel_loop3A_676 : i32
        %parallel_loop3A_678 = arith.index_cast %parallel_loop3A_677 : i32 to index
        %parallel_loop3A_679 = tpu.vector_load %arg5[%parallel_loop3A_678] {strides = array<i32>} : memref<16384xf32, #tpu.memory_space<vmem>>, vector<16xf32>,
        %parallel_loop3A_680 = arith.constant 32 : i32
        %parallel_loop3A_681 = arith.addi %parallel_loop3A_659, %parallel_loop3A_680 : i32
        %parallel_loop3A_682 = arith.index_cast %parallel_loop3A_681 : i32 to index
        %parallel_loop3A_683 = tpu.vector_load %arg8[%parallel_loop3A_682] {strides = array<i32>} : memref<40960xf32, #tpu.memory_space<vmem>>, vector<16xf32>,
        tpu.vector_store %arg8[%parallel_loop3A_682], %parallel_loop3A_679 {strides = array<i32>} : memref<40960xf32, #tpu.memory_space<vmem>>, vector<16xf32>,
        %parallel_loop3A_684 = arith.constant 48 : i32
        %parallel_loop3A_685 = arith.addi %parallel_loop3A_652, %parallel_loop3A_684 : i32
        %parallel_loop3A_686 = arith.index_cast %parallel_loop3A_685 : i32 to index
        %parallel_loop3A_687 = tpu.vector_load %arg5[%parallel_loop3A_686] {strides = array<i32>} : memref<16384xf32, #tpu.memory_space<vmem>>, vector<16xf32>,
        %parallel_loop3A_688 = arith.constant 48 : i32
        %parallel_loop3A_689 = arith.addi %parallel_loop3A_659, %parallel_loop3A_688 : i32
        %parallel_loop3A_690 = arith.index_cast %parallel_loop3A_689 : i32 to index
        %parallel_loop3A_691 = tpu.vector_load %arg8[%parallel_loop3A_690] {strides = array<i32>} : memref<40960xf32, #tpu.memory_space<vmem>>, vector<16xf32>,
        tpu.vector_store %arg8[%parallel_loop3A_690], %parallel_loop3A_687 {strides = array<i32>} : memref<40960xf32, #tpu.memory_space<vmem>>, vector<16xf32>,
        %parallel_loop3A_692 = vector.extract_strided_slice %parallel_loop3A_61 {offsets = [15], sizes = [1], strides = [1]} : vector<16xi32> to vector<1xi32>
        %parallel_loop3A_693 = vector.extract %parallel_loop3A_692[0] : i32 from vector<1xi32>
        %parallel_loop3A_694 = tpu.assume_multiple %parallel_loop3A_693, 64 : i32
        %parallel_loop3A_695 = arith.constant 16 : i32
        %parallel_loop3A_696 = arith.muli %parallel_loop3A_50, %parallel_loop3A_695 : i32
        %parallel_loop3A_697 = arith.constant 15 : i32
        %parallel_loop3A_698 = arith.addi %parallel_loop3A_696, %parallel_loop3A_697 : i32
        %parallel_loop3A_699 = arith.constant 64 : i32
        %parallel_loop3A_700 = arith.muli %parallel_loop3A_698, %parallel_loop3A_699 : i32
        %parallel_loop3A_701 = tpu.assume_multiple %parallel_loop3A_700, 64 : i32
        %parallel_loop3A_702 = arith.constant 0 : i32
        %parallel_loop3A_703 = arith.addi %parallel_loop3A_694, %parallel_loop3A_702 : i32
        %parallel_loop3A_704 = arith.index_cast %parallel_loop3A_703 : i32 to index
        %parallel_loop3A_705 = tpu.vector_load %arg5[%parallel_loop3A_704] {strides = array<i32>} : memref<16384xf32, #tpu.memory_space<vmem>>, vector<16xf32>,
        %parallel_loop3A_706 = arith.constant 0 : i32
        %parallel_loop3A_707 = arith.addi %parallel_loop3A_701, %parallel_loop3A_706 : i32
        %parallel_loop3A_708 = arith.index_cast %parallel_loop3A_707 : i32 to index
        %parallel_loop3A_709 = tpu.vector_load %arg8[%parallel_loop3A_708] {strides = array<i32>} : memref<40960xf32, #tpu.memory_space<vmem>>, vector<16xf32>,
        tpu.vector_store %arg8[%parallel_loop3A_708], %parallel_loop3A_705 {strides = array<i32>} : memref<40960xf32, #tpu.memory_space<vmem>>, vector<16xf32>,
        %parallel_loop3A_710 = arith.constant 16 : i32
        %parallel_loop3A_711 = arith.addi %parallel_loop3A_694, %parallel_loop3A_710 : i32
        %parallel_loop3A_712 = arith.index_cast %parallel_loop3A_711 : i32 to index
        %parallel_loop3A_713 = tpu.vector_load %arg5[%parallel_loop3A_712] {strides = array<i32>} : memref<16384xf32, #tpu.memory_space<vmem>>, vector<16xf32>,
        %parallel_loop3A_714 = arith.constant 16 : i32
        %parallel_loop3A_715 = arith.addi %parallel_loop3A_701, %parallel_loop3A_714 : i32
        %parallel_loop3A_716 = arith.index_cast %parallel_loop3A_715 : i32 to index
        %parallel_loop3A_717 = tpu.vector_load %arg8[%parallel_loop3A_716] {strides = array<i32>} : memref<40960xf32, #tpu.memory_space<vmem>>, vector<16xf32>,
        tpu.vector_store %arg8[%parallel_loop3A_716], %parallel_loop3A_713 {strides = array<i32>} : memref<40960xf32, #tpu.memory_space<vmem>>, vector<16xf32>,
        %parallel_loop3A_718 = arith.constant 32 : i32
        %parallel_loop3A_719 = arith.addi %parallel_loop3A_694, %parallel_loop3A_718 : i32
        %parallel_loop3A_720 = arith.index_cast %parallel_loop3A_719 : i32 to index
        %parallel_loop3A_721 = tpu.vector_load %arg5[%parallel_loop3A_720] {strides = array<i32>} : memref<16384xf32, #tpu.memory_space<vmem>>, vector<16xf32>,
        %parallel_loop3A_722 = arith.constant 32 : i32
        %parallel_loop3A_723 = arith.addi %parallel_loop3A_701, %parallel_loop3A_722 : i32
        %parallel_loop3A_724 = arith.index_cast %parallel_loop3A_723 : i32 to index
        %parallel_loop3A_725 = tpu.vector_load %arg8[%parallel_loop3A_724] {strides = array<i32>} : memref<40960xf32, #tpu.memory_space<vmem>>, vector<16xf32>,
        tpu.vector_store %arg8[%parallel_loop3A_724], %parallel_loop3A_721 {strides = array<i32>} : memref<40960xf32, #tpu.memory_space<vmem>>, vector<16xf32>,
        %parallel_loop3A_726 = arith.constant 48 : i32
        %parallel_loop3A_727 = arith.addi %parallel_loop3A_694, %parallel_loop3A_726 : i32
        %parallel_loop3A_728 = arith.index_cast %parallel_loop3A_727 : i32 to index
        %parallel_loop3A_729 = tpu.vector_load %arg5[%parallel_loop3A_728] {strides = array<i32>} : memref<16384xf32, #tpu.memory_space<vmem>>, vector<16xf32>,
        %parallel_loop3A_730 = arith.constant 48 : i32
        %parallel_loop3A_731 = arith.addi %parallel_loop3A_701, %parallel_loop3A_730 : i32
        %parallel_loop3A_732 = arith.index_cast %parallel_loop3A_731 : i32 to index
        %parallel_loop3A_733 = tpu.vector_load %arg8[%parallel_loop3A_732] {strides = array<i32>} : memref<40960xf32, #tpu.memory_space<vmem>>, vector<16xf32>,
        tpu.vector_store %arg8[%parallel_loop3A_732], %parallel_loop3A_729 {strides = array<i32>} : memref<40960xf32, #tpu.memory_space<vmem>>, vector<16xf32>,
      } {sc.loop_unroll_factor = 8 : i64, sc.parallel_access}
      %mul3A_45 = arith.constant 64 : i32
      %mul3A_46 = arith.muli %add3A_36, %mul3A_45 : i32
      %multiple_of3A_47 = tpu.assume_multiple %mul3A_46, 40960 : i32
      %dma_start3A_48 = tpu.memref_slice %arg4[%multiple_of3A_47] : memref<52428800xf32, #tpu.memory_space<hbm>> -> memref<40960xf32, #tpu.memory_space<hbm>>
      %dma_start3A_49 = tpu.memref_slice %arg4[%multiple_of3A_47] : memref<52428800xf32, #tpu.memory_space<hbm>> -> memref<40960xf32, #tpu.memory_space<hbm>>
      tpu.enqueue_dma source(%arg8 : memref<40960xf32, #tpu.memory_space<vmem>>) target(%dma_start3A_49 : memref<40960xf32, #tpu.memory_space<hbm>>) target_semaphore(%arg10 : memref<!tpu.dma_semaphore, #tpu.memory_space<semaphore_mem>>)
    }
    %scan3A_7 = arith.constant 20 : i32
    %dma_wait3A = arith.constant 0 : i32
    %dma_wait3A_8 = tpu.memref_slice %arg4[%dma_wait3A] : memref<52428800xf32, #tpu.memory_space<hbm>> -> memref<40960xf32, #tpu.memory_space<hbm>>
    %dma_wait3A_9 = arith.constant 0 : i32
    %dma_wait3A_10 = tpu.memref_slice %arg4[%dma_wait3A_9] : memref<52428800xf32, #tpu.memory_space<hbm>> -> memref<40960xf32, #tpu.memory_space<hbm>>
    tpu.wait_dma2 semaphore(%arg9 : memref<!tpu.dma_semaphore, #tpu.memory_space<semaphore_mem>>) src(%arg7 : memref<40960xf32, #tpu.memory_space<vmem>>) dst(%dma_wait3A_10 : memref<40960xf32, #tpu.memory_space<hbm>>)
    %dma_wait3A_11 = arith.constant 0 : i32
    %dma_wait3A_12 = tpu.memref_slice %arg4[%dma_wait3A_11] : memref<52428800xf32, #tpu.memory_space<hbm>> -> memref<40960xf32, #tpu.memory_space<hbm>>
    %dma_wait3A_13 = arith.constant 0 : i32
    %dma_wait3A_14 = tpu.memref_slice %arg4[%dma_wait3A_13] : memref<52428800xf32, #tpu.memory_space<hbm>> -> memref<40960xf32, #tpu.memory_space<hbm>>
    tpu.wait_dma2 semaphore(%arg10 : memref<!tpu.dma_semaphore, #tpu.memory_space<semaphore_mem>>) src(%arg8 : memref<40960xf32, #tpu.memory_space<vmem>>) dst(%dma_wait3A_14 : memref<40960xf32, #tpu.memory_space<hbm>>)
    return
  }
}

module attributes {stable_mosaic.version = 14 : i64} {
  func.func @_mulaw_index_body(%arg0: memref<6400x128xf32, #tpu.memory_space<vmem>>, %arg1: memref<6400x128xi32, #tpu.memory_space<vmem>>) attributes {dimension_semantics = [], scalar_prefetch = 0 : i64, scratch_operands = 0 : i64, tpu.core_type = #tpu.core_type<tc>} {
    %get3A = arith.constant 0 : index
    %get3A_0 = arith.constant 0 : index
    %get3A_1 = vector.load %arg0[%get3A, %get3A_0] : memref<6400x128xf32, #tpu.memory_space<vmem>>, vector<6400x128xf32>
    %sign3A = tpu.bitcast %get3A_1 : vector<6400x128xf32> -> vector<6400x128xi32>
    %sign3A_2 = arith.constant -2147483648 : i32
    %sign3A_3 = vector.broadcast %sign3A_2 : i32 to vector<6400x128xi32>
    %sign3A_4 = arith.andi %sign3A, %sign3A_3 : vector<6400x128xi32>
    %sign3A_5 = arith.constant 1065353216 : i32
    %sign3A_6 = vector.broadcast %sign3A_5 : i32 to vector<6400x128xi32>
    %sign3A_7 = arith.ori %sign3A_6, %sign3A_4 : vector<6400x128xi32>
    %sign3A_8 = tpu.bitcast %sign3A_7 : vector<6400x128xi32> -> vector<6400x128xf32>
    %sign3A_9 = math.absf %get3A_1 : vector<6400x128xf32>
    %sign3A_10 = arith.constant 0.000000e+00 : f32
    %sign3A_11 = vector.broadcast %sign3A_10 : f32 to vector<6400x128xf32>
    %sign3A_12 = arith.cmpf ogt, %sign3A_9, %sign3A_11 : vector<6400x128xf32>
    %sign3A_13 = arith.select %sign3A_12, %sign3A_8, %get3A_1 : vector<6400x128xi1>, vector<6400x128xf32>
    %abs3A = math.absf %get3A_1 : vector<6400x128xf32>
    %mul3A = arith.constant 2.550000e+02 : f32
    %mul3A_14 = vector.broadcast %mul3A : f32 to vector<6400x128xf32>
    %mul3A_15 = arith.mulf %mul3A_14, %abs3A : vector<6400x128xf32>
    %add3A = arith.constant 1.000000e+00 : f32
    %add3A_16 = vector.broadcast %add3A : f32 to vector<6400x128xf32>
    %add3A_17 = arith.addf %add3A_16, %mul3A_15 : vector<6400x128xf32>
    %log3A = math.log %add3A_17 : vector<6400x128xf32>
    %mul3A_18 = arith.mulf %sign3A_13, %log3A : vector<6400x128xf32>
    %div3A = arith.constant 5.54517746 : f32
    %div3A_19 = vector.broadcast %div3A : f32 to vector<6400x128xf32>
    %div3A_20 = arith.divf %mul3A_18, %div3A_19 : vector<6400x128xf32>
    %add3A_21 = arith.constant 1.000000e+00 : f32
    %add3A_22 = vector.broadcast %add3A_21 : f32 to vector<6400x128xf32>
    %add3A_23 = arith.addf %div3A_20, %add3A_22 : vector<6400x128xf32>
    %mul3A_24 = arith.constant 1.280000e+02 : f32
    %mul3A_25 = vector.broadcast %mul3A_24 : f32 to vector<6400x128xf32>
    %mul3A_26 = arith.mulf %add3A_23, %mul3A_25 : vector<6400x128xf32>
    %floor3A = math.floor %mul3A_26 : vector<6400x128xf32>
    %convert_element_type3A = arith.fptosi %floor3A : vector<6400x128xf32> to vector<6400x128xi32>
    %ge3A = arith.constant 0 : i32
    %ge3A_27 = vector.broadcast %ge3A : i32 to vector<6400x128xi32>
    %ge3A_28 = arith.cmpi sge, %convert_element_type3A, %ge3A_27 : vector<6400x128xi32>
    %convert_element_type3A_29 = arith.extui %ge3A_28 : vector<6400x128xi1> to vector<6400x128xi32>
    %lt3A = arith.constant 256 : i32
    %lt3A_30 = vector.broadcast %lt3A : i32 to vector<6400x128xi32>
    %lt3A_31 = arith.cmpi slt, %convert_element_type3A, %lt3A_30 : vector<6400x128xi32>
    %convert_element_type3A_32 = arith.extui %lt3A_31 : vector<6400x128xi1> to vector<6400x128xi32>
    %ge3A_33 = arith.constant 256 : i32
    %ge3A_34 = vector.broadcast %ge3A_33 : i32 to vector<6400x128xi32>
    %ge3A_35 = arith.cmpi sge, %convert_element_type3A, %ge3A_34 : vector<6400x128xi32>
    %convert_element_type3A_36 = arith.extui %ge3A_35 : vector<6400x128xi1> to vector<6400x128xi32>
    %mul3A_37 = arith.muli %convert_element_type3A_29, %convert_element_type3A_32 : vector<6400x128xi32>
    %mul3A_38 = arith.muli %mul3A_37, %convert_element_type3A : vector<6400x128xi32>
    %mul3A_39 = arith.constant 255 : i32
    %mul3A_40 = vector.broadcast %mul3A_39 : i32 to vector<6400x128xi32>
    %mul3A_41 = arith.muli %convert_element_type3A_36, %mul3A_40 : vector<6400x128xi32>
    %add3A_42 = arith.addi %mul3A_38, %mul3A_41 : vector<6400x128xi32>
    %swap3A = arith.constant 0 : index
    %swap3A_43 = arith.constant 0 : index
    %swap3A_44 = vector.load %arg1[%swap3A, %swap3A_43] : memref<6400x128xi32, #tpu.memory_space<vmem>>, vector<6400x128xi32>
    tpu.vector_store %arg1[%swap3A, %swap3A_43], %add3A_42 {strides = array<i32>} : memref<6400x128xi32, #tpu.memory_space<vmem>>, vector<6400x128xi32>,
    return
  }
}

</mosaic_0001>

<sc_bundles>
// kernel: kernel.4.cloned.1.call-start
scs
__scs_entry_jumppad:
0x0: {  	(pc) =	sbr.rel $0x88, $3  }
0x1: {  	(tag) =	ssettag $0x0;
	lr =	simm.s32 $0x1  }
0x2: {  	[smem:$0x3F9F] =	sst lr;
	_ =	strace $0xD0000000  }
0x3: {  	_ = 	snop  }
0x4: {  	_ = 	snop  }
0x5: {  	_ = 	snop  }
0x6: {  	_ = 	snop  }
0x7: {  	_ = 	snop  }
__scs_overlays_trampoline_lowered:
0x8: {  	[smem:$0x3FAE] =	sst s0  }
0x9: {  	[smem:$0x3FAF] =	sst s1  }
0xa: {  	[smem:$0x3FB0] =	sst s2  }
0xb: {  	[smem:$0x3FB1] =	sst s3  }
0xc: {  	[smem:$0x3FB2] =	sst s4  }
0xd: {  	[smem:$0x3FB3] =	sst s5  }
0xe: {  	[smem:$0x3FB4] =	sst s6  }
0xf: {  	[smem:$0x3FB5] =	sst s7  }
0x10: {  	[smem:$0x3FB6] =	sst s8  }
0x11: {  	[smem:$0x3FB7] =	sst s9;
	s0 =	simm.s32 @!p0 $0x0  }
0x12: {  	s1 =	sld [smem:$0x3F9D];
	s0 =	simm.s32 @p0 $0x1  }
0x13: {  	[smem:$0x3FB8] =	sst s0;
	s0 =	simm.s32 @!p1 $0x0  }
0x14: {  	s2 =	sld [smem:$0x3F9C];
	s0 =	simm.s32 @p1 $0x1  }
0x15: {  	[smem:$0x3FB9] =	sst s0;
	s0 =	simm.s32 @!p2 $0x0  }
0x16: {  	s3 =	sld [smem:$0x3FDB];
	s0 =	simm.s32 @p2 $0x1  }
0x17: {  	s4 =	simm.s32 $0x1BF5;
	[smem:$0x3FBB] =	sst s0  }
0x18: {  	s0 =	sld [smem:$0x3F9E];
	_ =	swait.ge [sflag:s4], $0x0  }
0x19: {  	s7 =	sld [smem:$0x3F9F]  }
0x1a: {  	s8 =	sadd.s32 $0xFFFFE003, lr  }
0x1b: {  	s9 =	sadd.s32 $0xFFFFFEF7, lr;
	s5 =	simm.s32 $0xFFFFFFFF;
	p2 =	slt.u32 s8, $0xFFFFF086  }
0x1c: {  	p1 =	slt.u32 s9, $0xF7A;
	s5 =	simm.s32 @!p2 $0x0  }
0x1d: {  	s5 =	simm.s32 @p1 $0x1;
	p0 =	seq.s32 s7, s2  }
0x1e: {  	s7 =	smul.u32 @!p0 $0xF7A, s2;
	p2 =	seq.s32 @!p0 s5, $0x0  }
0x1f: {  	s9 =	smul.u32 $0xF7A, s1;
	s8 =	simm.s32 @!p0 $0x1BF5;
	p2 =	por !p2, p0  }
0x20: {  	[sflag:s8] =	ssyncset.s32 @!p0 $0xFFFFF086;
	s6 =	sadd.s32 @!p0 s3, s7;
	s7 =	simm.s32 @!p0 $0x108  }
0x21: {  	s3 =	sadd.s32 s3, s9;
	s6 =	sadd.s32 @!p0 $0x88, s6;
	s7 =	simm.s32 @p2 $0x1082  }
0x22: {  	[simem:s7], [sflag:s8] =	dma.local @!p0 [hbm:s6], $0xF7A  }
0x23: {  	s9 =	sor.u32 $0xD0000000, s2;
	s6 =	simm.s32 $0x108;
	_ =	swait.ge @!p0 [sflag:s8], $0x0  }
0x24: {  	s3 =	sadd.s32 $0x88, s3;
	s6 =	simm.s32 @!p1 $0x1082;
	[sflag:s4] =	ssyncset.s32 $0xFFFFF086  }
0x25: {  	[simem:s6], [sflag:s4] =	dma.local [hbm:s3], $0xF7A  }
0x26: {  	[smem:$0x3F9F] =	sst s1;
	(tag) =	ssettag s2;
	_ =	strace s9  }
0x27: {  	s1 =	sld [smem:$0x3FAF]  }
0x28: {  	s2 =	sld [smem:$0x3FB0]  }
0x29: {  	s4 =	sld [smem:$0x3FB2]  }
0x2a: {  	p0 =	seq.s32 s5, $0x0;
	s5 =	sld [smem:$0x3FB3]  }
0x2b: {  	s6 =	sld [smem:$0x3FB4]  }
0x2c: {  	s7 =	sld [smem:$0x3FB5]  }
0x2d: {  	s3 =	simm.s32 $0x108;
	s8 =	sld [smem:$0x3FB6]  }
0x2e: {  	s3 =	simm.s32 @!p0 $0x1082;
	s9 =	sld [smem:$0x3FB7]  }
0x2f: {  	lr =	sadd.s32 s0, s3;
	s0 =	sld [smem:$0x3FAE]  }
0x30: {  	s3 =	sld [smem:$0x3FB1]  }
0x31: {  	[smem:$0x3FBA] =	sst s10  }
0x32: {  	s10 =	sld [smem:$0x3FB8];
	_ =	sdelay $0x3  }
0x33: {  	p0 =	seq.s32 s10, $0x1;
	s10 =	sld [smem:$0x3FBA];
	_ =	sdelay $0x3  }
0x34: {  	[smem:$0x3FBA] =	sst s10  }
0x35: {  	s10 =	sld [smem:$0x3FB9];
	_ =	sdelay $0x3  }
0x36: {  	p1 =	seq.s32 s10, $0x1;
	s10 =	sld [smem:$0x3FBA];
	_ =	sdelay $0x3  }
0x37: {  	[smem:$0x3FBA] =	sst s10  }
0x38: {  	s10 =	sld [smem:$0x3FBB]  }
0x39: {  	_ = 	snop;
	(pc) =	sbr.ind lr, $3  }
0x3a: {  	_ = 	snop  }
0x3b: {  	_ = 	snop  }
0x3c: {  	p2 =	seq.s32 s10, $0x1;
	s10 =	sld [smem:$0x3FBA]  }
0x3d: {  	_ =	shalt  }
0x3e: {  	_ =	shalt  }
0x3f: {  	_ =	shalt  }
0x40: {  	_ =	shalt  }
0x41: {  	_ =	shalt  }
0x42: {  	_ =	shalt  }
0x43: {  	_ =	shalt  }
0x44: {  	_ =	shalt  }
0x45: {  	_ =	shalt  }
0x46: {  	_ =	shalt  }
0x47: {  	_ =	shalt  }
0x48: {  	_ =	shalt  }
0x49: {  	_ =	shalt  }
0x4a: {  	_ =	shalt  }
0x4b: {  	_ =	shalt  }
0x4c: {  	_ =	shalt  }
0x4d: {  	_ =	shalt  }
0x4e: {  	_ =	shalt  }
0x4f: {  	_ =	shalt  }
0x50: {  	_ =	shalt  }
0x51: {  	_ =	shalt  }
0x52: {  	_ =	shalt  }
0x53: {  	_ =	shalt  }
0x54: {  	_ =	shalt  }
0x55: {  	_ =	shalt  }
0x56: {  	_ =	shalt  }
0x57: {  	_ =	shalt  }
0x58: {  	_ =	shalt  }
0x59: {  	_ =	shalt  }
0x5a: {  	_ =	shalt  }
0x5b: {  	_ =	shalt  }
0x5c: {  	_ =	shalt  }
0x5d: {  	_ =	shalt  }
0x5e: {  	_ =	shalt  }
0x5f: {  	_ =	shalt  }
0x60: {  	_ =	shalt  }
0x61: {  	_ =	shalt  }
0x62: {  	_ =	shalt  }
0x63: {  	_ =	shalt  }
0x64: {  	_ =	shalt  }
0x65: {  	_ =	shalt  }
0x66: {  	_ =	shalt  }
0x67: {  	_ =	shalt  }
0x68: {  	_ =	shalt  }
0x69: {  	_ =	shalt  }
0x6a: {  	_ =	shalt  }
0x6b: {  	_ =	shalt  }
0x6c: {  	_ =	shalt  }
0x6d: {  	_ =	shalt  }
0x6e: {  	_ =	shalt  }
0x6f: {  	_ =	shalt  }
0x70: {  	_ =	shalt  }
0x71: {  	_ =	shalt  }
0x72: {  	_ =	shalt  }
0x73: {  	_ =	shalt  }
0x74: {  	_ =	shalt  }
0x75: {  	_ =	shalt  }
0x76: {  	_ =	shalt  }
0x77: {  	_ =	shalt  }
0x78: {  	_ =	shalt  }
0x79: {  	_ =	shalt  }
0x7a: {  	_ =	shalt  }
0x7b: {  	_ =	shalt  }
0x7c: {  	_ =	shalt  }
0x7d: {  	_ =	shalt  }
0x7e: {  	_ =	shalt  }
0x7f: {  	_ =	shalt  }
0x80: {  	_ =	shalt  }
0x81: {  	_ =	shalt  }
0x82: {  	_ =	shalt  }
0x83: {  	_ =	shalt  }
0x84: {  	_ =	shalt  }
0x85: {  	_ =	shalt  }
0x86: {  	_ =	shalt  }
0x87: {  	_ =	shalt  }
.Lfunc_end0:
.L_simem_size_0:
called_computation.1_lowered:
.L_overlay_start_0:
0x88: {  	s2 =	sld [smem:$0x3FD9]  }
0x89: {  	s3 =	sld [smem:$0x3FFE];
	_ =	sdelay $0x1  }
0x8a: {  	s1 =	srdreg.scid  }
0x8b: {  	s0 =	sand.u32 $0x1, s1  }
0x8c: {  	s17 =	sshll.u32 s0, $0xA;
	s2 =	sadd.s32 s3, s2  }
0x8d: {  	s2 =	sadd.s32 s2, s17  }
0x8e: {  	[smem:$0x3FC6] =	sst s2  }
0x8f: {  	_ = 	snop  }
0x90: {  	s2 =	sld [smem:$0x3FD0];
	(tm) =	ssettm $0x1  }
0x91: {  	s18 =	sld [smem:$0x3FFB];
	_ =	sdelay $0x3  }
0x92: {  	_ =	strace s18  }
0x93: {  	s3 =	sld [smem:$0x3FFC];
	_ =	sdelay $0x3  }
0x94: {  	_ =	strace s3  }
0x95: {  	s3 =	sld [smem:$0x3FFD];
	_ =	sdelay $0x3  }
0x96: {  	_ =	strace s3  }
0x97: {  	_ =	strace $0x8FFFFFFF  }
0x98: {  	s19 =	sld [smem:$0x3FDB];
	_ =	sdelay $0x1  }
0x99: {  	s4 =	simm.s32 $_scs_section_size  }
0x9a: {  	s5 =	simm.s32 $_size__tile_overlayer_lowered;
	s6 =	simm.s32 $_tile_overlayer_lowered  }
0x9b: {  	s22 =	simm.s32 $0x1BFF;
	s21 =	sshll.u32 s6, $0x1;
	s3 =	sadd.s32 s4, s19  }
0x9c: {  	s7 =	simm.s32 $0x0;
	s20 =	sshll.u32 s5, $0x1;
	s5 =	sadd.s32 s21, s3  }
0x9d: {  	[timem:s7], [sflag:s22] =	dma.local [hbm:s5], s20  }
0x9e: {  	_ =	swait.ge [sflag:s22], s20  }
0x9f: {  	s4 =	ssub.s32 $0x0, s20;
	[sflag:s22] =	ssyncset.done $0x0  }
0xa0: {  	[sflag:s22] =	ssyncadd.s32 s4;
	_ =	sdelay $0x1  }
0xa1: {  	s23 =	simm.s32 $0x1B8B  }
0xa2: {  	_ =	swait.ge [sflag:s23], $0x1  }
0xa3: {  	[sflag:s23] =	ssyncset.done $0x0  }
0xa4: {  	s25 =	simm.s32 $0x1B8E;
	s24 =	sld [smem:$0x3FFE];
	[sflag:s23] =	ssyncadd.s32 $0xFFFFFFFF  }
0xa5: {  	s26 =	simm.s32 $execute0_lowered;
	[smem:$0x3FD2] =	sst s25  }
0xa6: {  	s5 =	sshll.u32 s26, $0x1;
	_ =	strace $0x80000046;
	[dreg:$0x1] =	wrdreg $0xFFFFFFFF  }
0xa7: {  	s28 =	simm.s32 $_size_execute0_lowered;
	s3 =	sadd.s32 s3, s5;
	[dreg:$0x0] =	wrdreg $0x0  }
0xa8: {  	s5 =	sshll.u32 s28, $0x1;
	[dreg:$0x2] =	wrdreg s3  }
0xa9: {  	[dreg:$0x3] =	wrdreg s5  }
0xaa: {  	[dreg:$0x4] =	wrdreg $0xC0  }
0xab: {  	_ =	task [dreg:s7], $0x5FFFF  }
0xac: {  	[dreg:$0x1] =	wrdreg $0xFFFFFFFF  }
0xad: {  	[dreg:$0x0] =	wrdreg $0x60  }
0xae: {  	[dreg:$0x2] =	wrdreg s24  }
0xaf: {  	[dreg:$0x3] =	wrdreg s2  }
0xb0: {  	[dreg:$0x4] =	wrdreg $0x9  }
0xb1: {  	_ =	task.clear_ibuf [dreg:s7], $0x5FFFF;
	_ =	strace $0x90000046  }
0xb2: {  	s29 =	simm.s32 $0x9;
	_ =	strace $0x80000048  }
0xb3: {  	_ =	swait.ge [sflag:s29], $0x1  }
0xb4: {  	[sflag:s29] =	ssyncadd.s32 $0xFFFFFFFF  }
0xb5: {  	_ =	strace $0x90000048  }
0xb6: {  	_ =	sfence  }
0xb7: {  	s30 =	sld [smem:$0x0];
	_ =	sdelay $0x2  }
0xb8: {  	s31 =	sshll.u32 s1, $0xD;
	s1 =	sshrl.u32 s1, $0x2  }
0xb9: {  	s3 =	sand.u32 $0x4000, s31;
	s1 =	sadd.s32 s1, s30  }
0xba: {  	s0 =	sor.u32 s3, s0;
	s1 =	sshll.u32 s1, $0x11  }
0xbb: {  	s0 =	sor.u32 s1, s0  }
0xbc: {  	s0 =	sadd.s32 $0x8F2B, s0  }
0xbd: {  	[sflag:s0] =	ssyncadd.remote.s32 $0x1  }
0xbe: {  	_ =	sfence.sel $0xFFFF  }
0xbf: {  	[dreg:$0x0] =	wrdreg $0xFFFFFFFF;
	(pc) =	sbr.abs _section_cstart, $3  }
0xc0: {  	[dreg:$0x1] =	wrdreg $0xFFFFFFFF  }
0xc1: {  	_ =	task.clear_ibuf [dreg:s7], $0x2FFFF;
	_ =	strace $0x9FFFFFFF  }
0xc2: {  	(tm) =	ssettm $0x7FFFFFFF  }
0xc3: {  	_ =	shalt  }
tec
execute0_lowered:
.L_overlay_start_1:
0x0: {  	(tag) =	ssettag $0x1  }
0x1: {  	s0 =	srdreg.scid;
	s2 =	stileid.u32  }
0x2: {  	s0 =	sand.u32 $0x1, s0;
	s2 =	sshll.u32 s2, $0x1  }
0x3: {  	s1 =	rddreg [dreg:$0x0];
	s3 =	simm.s32 $0x0;
	s2 =	sor.u32 s0, s2  }
0x4: {  	[smem:$0x7FF] =	sst s3;
	s0 =	ssub.s32 $0x2, s0;
	s2 =	smul.u32 $0x6400, s2  }
0x5: {  	s4 =	sadd.s32 $0xA00, s1;
	_ =	strace $0x80000047;
	s31 =	sshrl.u32 s0, $0x1  }
0x6: {  	s0 =	ssub.s32 s0, s31;
	[dreg:$0x3] =	wrdreg s2;
	s2 =	sshrl.u32 s2, $0x3  }
0x7: {  	[dreg:$0x4] =	wrdreg s4;
	s0 =	smax.u32 s0, $0x1;
	s1 =	sadd.s32 s2, s1  }
0x8: {  	[dreg:$0x6] =	wrdreg s0;
	s1 =	sadd.s32 $0x1200, s1  }
0x9: {  	s2 =	simm.s32 $0x0;
	[dreg:$0x5] =	wrdreg s1  }
.LBB2_1:
0xa: {  	[dreg:$0x7] =	wrdreg s2  }
0xb: {  	s0 =	simm.s32 $0x0;
	s1 =	rddreg [dreg:$0x4];
	s30 =	simm.s32 $0x3  }
0xc: {  	[tilespmem:s0], [sflag:$0x3] =	stream.linear.gather [hbm4b:s1+s0], $0x4000, $0x38;
	[tilespmem:$0x1E400] =	vst v63  }
0xd: {  	_ =	swait.ge [sflag:s30], $0x4000  }
0xe: {  	[sflag:s30] =	ssyncset.done $0x0  }
0xf: {  	s3 =	simm.s32 $0x4000;
	s31 =	rddreg [dreg:$0x5];
	[sflag:s30] =	ssyncadd.s32 $0xFFFFC000  }
0x10: {  	[tilespmem:s3], [sflag:$0x3] =	stream.linear.gather [hbm4b:s31+s0], $0x6400, $0x38;
	[tilespmem:$0x1E400] =	vst v63  }
0x11: {  	_ =	swait.ge [sflag:s30], $0x6400  }
0x12: {  	[sflag:s30] =	ssyncset.done $0x0  }
0x13: {  	s0 =	simm.s32 $0x0;
	[sflag:s30] =	ssyncadd.s32 $0xFFFF9C00  }
.LBB2_2:
0x14: {  	p0 =	seq.s32 s0, $0x0;
	s3 =	smul.u32 $0x500, s0  }
0x15: {  	[dreg:$0x8] =	wrdreg s0;
	s0 =	simm.s32 @!p0 $0x1  }
0x16: {  	_ =	swait.ge @!p0 [sflag:s0], $0xA000;
	s1 =	sadd.s32 $0x4000, s3  }
0x17: {  	s2 =	rddreg [dreg:$0x3];
	v0 =	vmov s1  }
0x18: {  	[dreg:$0x9] =	wrdreg s3;
	[sflag:s0] =	ssyncset.done @!p0 $0x0;
	s2 =	sadd.s32 s2, s3  }
0x19: {  	[sflag:s0] =	ssyncadd.s32 @!p0 $0xFFFF6000;
	s0 =	simm.s32 $0x0;
	[dreg:$0xa] =	wrdreg s2  }
.LBB2_3:
0x1a: {  	s12 =	sshll.u32 s0, $0x4  }
0x1b: {  	s2 =	smov.u32 s0;
	s0 =	sand.u32 $0x3FFFFFF0, s12  }
0x1c: {  	v1 =	vld.idx.msk [tilespmem:v0+s0+$0x0 ss:$0x1], $0xffff;
	_ =	sdelay $0x4  }
0x1d: {  	v1 =	vshll.u32 v1, $0x6  }
0x1e: {  	(v2sf) =	vpush v1, $0x0;
	_ =	sdelay $0xe  }
0x1f: {  	s1 =	spop (v2sf)  }
0x20: {  	v2 =	vld [tilespmem:s1+$0x0];
	_ =	sdelay $0x2  }
0x21: {  	s13 =	sshll.u32 s2, $0xA  }
0x22: {  	s0 =	sand.u32 $0x3FFFFC00, s13  }
0x23: {  	[tilespmem:s0+$0xA400] =	vst v2  }
0x24: {  	v2 =	vld [tilespmem:s1+$0x10];
	_ =	sdelay $0x1  }
0x25: {  	(v2sf) =	vpush v1, $0x1;
	_ =	sdelay $0x2  }
0x26: {  	[tilespmem:s0+$0xA410] =	vst v2  }
0x27: {  	v2 =	vld [tilespmem:s1+$0x20];
	_ =	sdelay $0x4  }
0x28: {  	[tilespmem:s0+$0xA420] =	vst v2  }
0x29: {  	v2 =	vld [tilespmem:s1+$0x30];
	_ =	sdelay $0x4  }
0x2a: {  	s14 =	spop (v2sf);
	[tilespmem:s0+$0xA430] =	vst v2  }
0x2b: {  	v2 =	vld [tilespmem:s14+$0x0];
	_ =	sdelay $0x4  }
0x2c: {  	[tilespmem:s0+$0xA440] =	vst v2  }
0x2d: {  	v2 =	vld [tilespmem:s14+$0x10];
	_ =	sdelay $0x1  }
0x2e: {  	(v2sf) =	vpush v1, $0x2;
	_ =	sdelay $0x2  }
0x2f: {  	[tilespmem:s0+$0xA450] =	vst v2  }
0x30: {  	v2 =	vld [tilespmem:s14+$0x20];
	_ =	sdelay $0x1  }
0x31: {  	(v2sf) =	vpush v1, $0x3  }
0x32: {  	(v2sf) =	vpush v1, $0x4  }
0x33: {  	(v2sf) =	vpush v1, $0x5  }
0x34: {  	(v2sf) =	vpush v1, $0x6;
	[tilespmem:s0+$0xA460] =	vst v2  }
0x35: {  	s11 =	sor.u32 $0x1, s2;
	(v2sf) =	vpush v1, $0x7;
	v2 =	vld [tilespmem:s14+$0x30]  }
0x36: {  	s16 =	smov.u32 s2;
	s2 =	sshll.u32 s11, $0x4;
	(v2sf) =	vpush v1, $0x8  }
0x37: {  	s2 =	sand.u32 $0x3FFFFFF0, s2;
	(v2sf) =	vpush v1, $0x9  }
0x38: {  	v3 =	vld.idx.msk [tilespmem:v0+s2+$0x0 ss:$0x1], $0xffff;
	(v2sf) =	vpush v1, $0xA  }
0x39: {  	(v2sf) =	vpush v1, $0xB  }
0x3a: {  	(v2sf) =	vpush v1, $0xC;
	s15 =	spop (v2sf);
	[tilespmem:s0+$0xA470] =	vst v2  }
0x3b: {  	(v2sf) =	vpush v1, $0xD;
	v2 =	vld [tilespmem:s15+$0x0]  }
0x3c: {  	(v2sf) =	vpush v1, $0xE  }
0x3d: {  	(v2sf) =	vpush v1, $0xF;
	v1 =	vshll.u32 v3, $0x6  }
0x3e: {  	(v2sf) =	vpush v1, $0x0;
	_ =	sdelay $0x1  }
0x3f: {  	s12 =	spop (v2sf);
	[tilespmem:s0+$0xA480] =	vst v2  }
0x40: {  	s13 =	spop (v2sf);
	v2 =	vld [tilespmem:s15+$0x10]  }
0x41: {  	s14 =	spop (v2sf)  }
0x42: {  	s10 =	spop (v2sf)  }
0x43: {  	s9 =	spop (v2sf)  }
0x44: {  	s8 =	spop (v2sf)  }
0x45: {  	s7 =	spop (v2sf);
	[tilespmem:s0+$0xA490] =	vst v2  }
0x46: {  	s6 =	spop (v2sf);
	v2 =	vld [tilespmem:s15+$0x20]  }
0x47: {  	s5 =	spop (v2sf)  }
0x48: {  	s4 =	spop (v2sf)  }
0x49: {  	s3 =	spop (v2sf)  }
0x4a: {  	s17 =	spop (v2sf)  }
0x4b: {  	s18 =	spop (v2sf);
	[tilespmem:s0+$0xA4A0] =	vst v2  }
0x4c: {  	v2 =	vld [tilespmem:s15+$0x30];
	s15 =	spop (v2sf)  }
0x4d: {  	v3 =	vld [tilespmem:s15+$0x0];
	_ =	sdelay $0x2  }
0x4e: {  	s11 =	sshll.u32 s11, $0xA  }
0x4f: {  	s20 =	sand.u32 $0x3FFFFC00, s11  }
0x50: {  	[tilespmem:s20+$0xA400] =	vst v3  }
0x51: {  	v3 =	vld [tilespmem:s15+$0x10];
	_ =	sdelay $0x1  }
0x52: {  	(v2sf) =	vpush v1, $0x1  }
0x53: {  	[tilespmem:s0+$0xA4B0] =	vst v2  }
0x54: {  	v2 =	vld [tilespmem:s12+$0x0]  }
0x55: {  	[tilespmem:s20+$0xA410] =	vst v3  }
0x56: {  	v3 =	vld [tilespmem:s15+$0x20];
	_ =	sdelay $0x2  }
0x57: {  	[tilespmem:s0+$0xA4C0] =	vst v2  }
0x58: {  	v2 =	vld [tilespmem:s12+$0x10]  }
0x59: {  	[tilespmem:s20+$0xA420] =	vst v3  }
0x5a: {  	v3 =	vld [tilespmem:s15+$0x30];
	_ =	sdelay $0x2  }
0x5b: {  	[tilespmem:s0+$0xA4D0] =	vst v2  }
0x5c: {  	v2 =	vld [tilespmem:s12+$0x20]  }
0x5d: {  	s19 =	spop (v2sf);
	[tilespmem:s20+$0xA430] =	vst v3  }
0x5e: {  	v3 =	vld [tilespmem:s19+$0x0];
	_ =	sdelay $0x2  }
0x5f: {  	[tilespmem:s0+$0xA4E0] =	vst v2  }
0x60: {  	v2 =	vld [tilespmem:s12+$0x30]  }
0x61: {  	[tilespmem:s20+$0xA440] =	vst v3  }
0x62: {  	v3 =	vld [tilespmem:s19+$0x10];
	_ =	sdelay $0x1  }
0x63: {  	(v2sf) =	vpush v1, $0x2  }
0x64: {  	[tilespmem:s0+$0xA4F0] =	vst v2  }
0x65: {  	v2 =	vld [tilespmem:s13+$0x0]  }
0x66: {  	[tilespmem:s20+$0xA450] =	vst v3  }
0x67: {  	v3 =	vld [tilespmem:s19+$0x20];
	_ =	sdelay $0x2  }
0x68: {  	[tilespmem:s0+$0xA500] =	vst v2  }
0x69: {  	v2 =	vld [tilespmem:s13+$0x10]  }
0x6a: {  	[tilespmem:s20+$0xA460] =	vst v3  }
0x6b: {  	v3 =	vld [tilespmem:s19+$0x30];
	_ =	sdelay $0x2  }
0x6c: {  	[tilespmem:s0+$0xA510] =	vst v2  }
0x6d: {  	v2 =	vld [tilespmem:s13+$0x20]  }
0x6e: {  	s21 =	spop (v2sf);
	[tilespmem:s20+$0xA470] =	vst v3  }
0x6f: {  	v3 =	vld [tilespmem:s21+$0x0];
	_ =	sdelay $0x2  }
0x70: {  	[tilespmem:s0+$0xA520] =	vst v2  }
0x71: {  	v2 =	vld [tilespmem:s13+$0x30]  }
0x72: {  	[tilespmem:s20+$0xA480] =	vst v3  }
0x73: {  	v3 =	vld [tilespmem:s21+$0x10];
	_ =	sdelay $0x1  }
0x74: {  	(v2sf) =	vpush v1, $0x3  }
0x75: {  	[tilespmem:s0+$0xA530] =	vst v2  }
0x76: {  	v2 =	vld [tilespmem:s14+$0x0]  }
0x77: {  	[tilespmem:s20+$0xA490] =	vst v3  }
0x78: {  	v3 =	vld [tilespmem:s21+$0x20];
	_ =	sdelay $0x2  }
0x79: {  	[tilespmem:s0+$0xA540] =	vst v2  }
0x7a: {  	v2 =	vld [tilespmem:s14+$0x10]  }
0x7b: {  	[tilespmem:s20+$0xA4A0] =	vst v3  }
0x7c: {  	v3 =	vld [tilespmem:s21+$0x30];
	_ =	sdelay $0x2  }
0x7d: {  	[tilespmem:s0+$0xA550] =	vst v2  }
0x7e: {  	v2 =	vld [tilespmem:s14+$0x20]  }
0x7f: {  	s22 =	spop (v2sf);
	[tilespmem:s20+$0xA4B0] =	vst v3  }
0x80: {  	v3 =	vld [tilespmem:s22+$0x0];
	_ =	sdelay $0x2  }
0x81: {  	[tilespmem:s0+$0xA560] =	vst v2  }
0x82: {  	v2 =	vld [tilespmem:s14+$0x30]  }
0x83: {  	[tilespmem:s20+$0xA4C0] =	vst v3  }
0x84: {  	v3 =	vld [tilespmem:s22+$0x10];
	_ =	sdelay $0x1  }
0x85: {  	(v2sf) =	vpush v1, $0x4  }
0x86: {  	[tilespmem:s0+$0xA570] =	vst v2  }
0x87: {  	v2 =	vld [tilespmem:s10+$0x0]  }
0x88: {  	[tilespmem:s20+$0xA4D0] =	vst v3  }
0x89: {  	v3 =	vld [tilespmem:s22+$0x20];
	_ =	sdelay $0x2  }
0x8a: {  	[tilespmem:s0+$0xA580] =	vst v2  }
0x8b: {  	v2 =	vld [tilespmem:s10+$0x10]  }
0x8c: {  	[tilespmem:s20+$0xA4E0] =	vst v3  }
0x8d: {  	v3 =	vld [tilespmem:s22+$0x30];
	_ =	sdelay $0x2  }
0x8e: {  	[tilespmem:s0+$0xA590] =	vst v2  }
0x8f: {  	v2 =	vld [tilespmem:s10+$0x20]  }
0x90: {  	s23 =	spop (v2sf);
	[tilespmem:s20+$0xA4F0] =	vst v3  }
0x91: {  	v3 =	vld [tilespmem:s23+$0x0];
	_ =	sdelay $0x2  }
0x92: {  	[tilespmem:s0+$0xA5A0] =	vst v2  }
0x93: {  	v2 =	vld [tilespmem:s10+$0x30]  }
0x94: {  	[tilespmem:s20+$0xA500] =	vst v3  }
0x95: {  	v3 =	vld [tilespmem:s23+$0x10];
	_ =	sdelay $0x1  }
0x96: {  	(v2sf) =	vpush v1, $0x5  }
0x97: {  	[tilespmem:s0+$0xA5B0] =	vst v2  }
0x98: {  	v2 =	vld [tilespmem:s9+$0x0]  }
0x99: {  	[tilespmem:s20+$0xA510] =	vst v3  }
0x9a: {  	v3 =	vld [tilespmem:s23+$0x20];
	_ =	sdelay $0x2  }
0x9b: {  	[tilespmem:s0+$0xA5C0] =	vst v2  }
0x9c: {  	v2 =	vld [tilespmem:s9+$0x10]  }
0x9d: {  	[tilespmem:s20+$0xA520] =	vst v3  }
0x9e: {  	v3 =	vld [tilespmem:s23+$0x30];
	_ =	sdelay $0x2  }
0x9f: {  	[tilespmem:s0+$0xA5D0] =	vst v2  }
0xa0: {  	v2 =	vld [tilespmem:s9+$0x20]  }
0xa1: {  	s24 =	spop (v2sf);
	[tilespmem:s20+$0xA530] =	vst v3  }
0xa2: {  	v3 =	vld [tilespmem:s24+$0x0];
	_ =	sdelay $0x2  }
0xa3: {  	[tilespmem:s0+$0xA5E0] =	vst v2  }
0xa4: {  	v2 =	vld [tilespmem:s9+$0x30]  }
0xa5: {  	[tilespmem:s20+$0xA540] =	vst v3  }
0xa6: {  	v3 =	vld [tilespmem:s24+$0x10];
	_ =	sdelay $0x1  }
0xa7: {  	(v2sf) =	vpush v1, $0x6  }
0xa8: {  	[tilespmem:s0+$0xA5F0] =	vst v2  }
0xa9: {  	v2 =	vld [tilespmem:s8+$0x0]  }
0xaa: {  	[tilespmem:s20+$0xA550] =	vst v3  }
0xab: {  	v3 =	vld [tilespmem:s24+$0x20];
	_ =	sdelay $0x2  }
0xac: {  	[tilespmem:s0+$0xA600] =	vst v2  }
0xad: {  	v2 =	vld [tilespmem:s8+$0x10]  }
0xae: {  	[tilespmem:s20+$0xA560] =	vst v3  }
0xaf: {  	v3 =	vld [tilespmem:s24+$0x30];
	_ =	sdelay $0x2  }
0xb0: {  	[tilespmem:s0+$0xA610] =	vst v2  }
0xb1: {  	v2 =	vld [tilespmem:s8+$0x20]  }
0xb2: {  	s25 =	spop (v2sf);
	[tilespmem:s20+$0xA570] =	vst v3  }
0xb3: {  	v3 =	vld [tilespmem:s25+$0x0];
	_ =	sdelay $0x2  }
0xb4: {  	[tilespmem:s0+$0xA620] =	vst v2  }
0xb5: {  	v2 =	vld [tilespmem:s8+$0x30]  }
0xb6: {  	[tilespmem:s20+$0xA580] =	vst v3  }
0xb7: {  	v3 =	vld [tilespmem:s25+$0x10];
	_ =	sdelay $0x1  }
0xb8: {  	(v2sf) =	vpush v1, $0x7  }
0xb9: {  	[tilespmem:s0+$0xA630] =	vst v2  }
0xba: {  	v2 =	vld [tilespmem:s7+$0x0]  }
0xbb: {  	[tilespmem:s20+$0xA590] =	vst v3  }
0xbc: {  	v3 =	vld [tilespmem:s25+$0x20];
	_ =	sdelay $0x2  }
0xbd: {  	[tilespmem:s0+$0xA640] =	vst v2  }
0xbe: {  	v2 =	vld [tilespmem:s7+$0x10]  }
0xbf: {  	[tilespmem:s20+$0xA5A0] =	vst v3  }
0xc0: {  	v3 =	vld [tilespmem:s25+$0x30];
	_ =	sdelay $0x2  }
0xc1: {  	[tilespmem:s0+$0xA650] =	vst v2  }
0xc2: {  	v2 =	vld [tilespmem:s7+$0x20]  }
0xc3: {  	s26 =	spop (v2sf);
	[tilespmem:s20+$0xA5B0] =	vst v3  }
0xc4: {  	v3 =	vld [tilespmem:s26+$0x0];
	_ =	sdelay $0x2  }
0xc5: {  	[tilespmem:s0+$0xA660] =	vst v2  }
0xc6: {  	v2 =	vld [tilespmem:s7+$0x30]  }
0xc7: {  	[tilespmem:s20+$0xA5C0] =	vst v3  }
0xc8: {  	v3 =	vld [tilespmem:s26+$0x10];
	_ =	sdelay $0x1  }
0xc9: {  	(v2sf) =	vpush v1, $0x8  }
0xca: {  	[tilespmem:s0+$0xA670] =	vst v2  }
0xcb: {  	v2 =	vld [tilespmem:s6+$0x0]  }
0xcc: {  	[tilespmem:s20+$0xA5D0] =	vst v3  }
0xcd: {  	v3 =	vld [tilespmem:s26+$0x20];
	_ =	sdelay $0x2  }
0xce: {  	[tilespmem:s0+$0xA680] =	vst v2  }
0xcf: {  	v2 =	vld [tilespmem:s6+$0x10]  }
0xd0: {  	[tilespmem:s20+$0xA5E0] =	vst v3  }
0xd1: {  	v3 =	vld [tilespmem:s26+$0x30];
	_ =	sdelay $0x2  }
0xd2: {  	[tilespmem:s0+$0xA690] =	vst v2  }
0xd3: {  	v2 =	vld [tilespmem:s6+$0x20]  }
0xd4: {  	s28 =	spop (v2sf);
	[tilespmem:s20+$0xA5F0] =	vst v3  }
0xd5: {  	v3 =	vld [tilespmem:s28+$0x0];
	_ =	sdelay $0x2  }
0xd6: {  	[tilespmem:s0+$0xA6A0] =	vst v2  }
0xd7: {  	v2 =	vld [tilespmem:s6+$0x30]  }
0xd8: {  	[tilespmem:s20+$0xA600] =	vst v3  }
0xd9: {  	v3 =	vld [tilespmem:s28+$0x10];
	_ =	sdelay $0x1  }
0xda: {  	(v2sf) =	vpush v1, $0x9  }
0xdb: {  	[tilespmem:s0+$0xA6B0] =	vst v2  }
0xdc: {  	v2 =	vld [tilespmem:s5+$0x0]  }
0xdd: {  	[tilespmem:s20+$0xA610] =	vst v3  }
0xde: {  	v3 =	vld [tilespmem:s28+$0x20];
	_ =	sdelay $0x2  }
0xdf: {  	[tilespmem:s0+$0xA6C0] =	vst v2  }
0xe0: {  	v2 =	vld [tilespmem:s5+$0x10]  }
0xe1: {  	[tilespmem:s20+$0xA620] =	vst v3  }
0xe2: {  	v3 =	vld [tilespmem:s28+$0x30];
	_ =	sdelay $0x2  }
0xe3: {  	[tilespmem:s0+$0xA6D0] =	vst v2  }
0xe4: {  	v2 =	vld [tilespmem:s5+$0x20]  }
0xe5: {  	s29 =	spop (v2sf);
	[tilespmem:s20+$0xA630] =	vst v3  }
0xe6: {  	v3 =	vld [tilespmem:s29+$0x0];
	_ =	sdelay $0x2  }
0xe7: {  	[tilespmem:s0+$0xA6E0] =	vst v2  }
0xe8: {  	v2 =	vld [tilespmem:s5+$0x30]  }
0xe9: {  	[tilespmem:s20+$0xA640] =	vst v3  }
0xea: {  	v3 =	vld [tilespmem:s29+$0x10];
	_ =	sdelay $0x1  }
0xeb: {  	(v2sf) =	vpush v1, $0xA  }
0xec: {  	[tilespmem:s0+$0xA6F0] =	vst v2  }
0xed: {  	v2 =	vld [tilespmem:s4+$0x0]  }
0xee: {  	[tilespmem:s20+$0xA650] =	vst v3  }
0xef: {  	v3 =	vld [tilespmem:s29+$0x20];
	_ =	sdelay $0x2  }
0xf0: {  	[tilespmem:s0+$0xA700] =	vst v2  }
0xf1: {  	v2 =	vld [tilespmem:s4+$0x10]  }
0xf2: {  	[tilespmem:s20+$0xA660] =	vst v3  }
0xf3: {  	v3 =	vld [tilespmem:s29+$0x30];
	_ =	sdelay $0x2  }
0xf4: {  	[tilespmem:s0+$0xA710] =	vst v2  }
0xf5: {  	v2 =	vld [tilespmem:s4+$0x20]  }
0xf6: {  	s30 =	spop (v2sf);
	[tilespmem:s20+$0xA670] =	vst v3  }
0xf7: {  	v3 =	vld [tilespmem:s30+$0x0];
	_ =	sdelay $0x2  }
0xf8: {  	[tilespmem:s0+$0xA720] =	vst v2  }
0xf9: {  	v2 =	vld [tilespmem:s4+$0x30]  }
0xfa: {  	[tilespmem:s20+$0xA680] =	vst v3  }
0xfb: {  	v3 =	vld [tilespmem:s30+$0x10];
	_ =	sdelay $0x1  }
0xfc: {  	(v2sf) =	vpush v1, $0xB  }
0xfd: {  	[tilespmem:s0+$0xA730] =	vst v2  }
0xfe: {  	v2 =	vld [tilespmem:s3+$0x0]  }
0xff: {  	[tilespmem:s20+$0xA690] =	vst v3  }
0x100: {  	v3 =	vld [tilespmem:s30+$0x20];
	_ =	sdelay $0x2  }
0x101: {  	[tilespmem:s0+$0xA740] =	vst v2  }
0x102: {  	v2 =	vld [tilespmem:s3+$0x10]  }
0x103: {  	[tilespmem:s20+$0xA6A0] =	vst v3  }
0x104: {  	v3 =	vld [tilespmem:s30+$0x30];
	_ =	sdelay $0x2  }
0x105: {  	[tilespmem:s0+$0xA750] =	vst v2  }
0x106: {  	v2 =	vld [tilespmem:s3+$0x20]  }
0x107: {  	s31 =	spop (v2sf);
	[tilespmem:s20+$0xA6B0] =	vst v3  }
0x108: {  	v3 =	vld [tilespmem:s31+$0x0];
	_ =	sdelay $0x2  }
0x109: {  	[tilespmem:s0+$0xA760] =	vst v2  }
0x10a: {  	v2 =	vld [tilespmem:s3+$0x30]  }
0x10b: {  	[tilespmem:s20+$0xA6C0] =	vst v3  }
0x10c: {  	v3 =	vld [tilespmem:s31+$0x10];
	_ =	sdelay $0x1  }
0x10d: {  	(v2sf) =	vpush v1, $0xC  }
0x10e: {  	[tilespmem:s0+$0xA770] =	vst v2  }
0x10f: {  	v2 =	vld [tilespmem:s17+$0x0]  }
0x110: {  	[tilespmem:s20+$0xA6D0] =	vst v3  }
0x111: {  	v3 =	vld [tilespmem:s31+$0x20];
	_ =	sdelay $0x2  }
0x112: {  	[tilespmem:s0+$0xA780] =	vst v2  }
0x113: {  	v2 =	vld [tilespmem:s17+$0x10]  }
0x114: {  	[tilespmem:s20+$0xA6E0] =	vst v3  }
0x115: {  	v3 =	vld [tilespmem:s31+$0x30];
	_ =	sdelay $0x2  }
0x116: {  	[tilespmem:s0+$0xA790] =	vst v2  }
0x117: {  	v2 =	vld [tilespmem:s17+$0x20]  }
0x118: {  	s4 =	spop (v2sf);
	[tilespmem:s20+$0xA6F0] =	vst v3  }
0x119: {  	v3 =	vld [tilespmem:s4+$0x0];
	_ =	sdelay $0x2  }
0x11a: {  	[tilespmem:s0+$0xA7A0] =	vst v2  }
0x11b: {  	v2 =	vld [tilespmem:s17+$0x30]  }
0x11c: {  	[tilespmem:s20+$0xA700] =	vst v3  }
0x11d: {  	v3 =	vld [tilespmem:s4+$0x10];
	_ =	sdelay $0x1  }
0x11e: {  	s5 =	sor.u32 $0x2, s16  }
0x11f: {  	s7 =	sshll.u32 s5, $0x4;
	[tilespmem:s0+$0xA7B0] =	vst v2  }
0x120: {  	s1 =	sand.u32 $0x3FFFFFF0, s7;
	v2 =	vld [tilespmem:s18+$0x0]  }
0x121: {  	[tilespmem:s20+$0xA710] =	vst v3;
	v3 =	vld.idx.msk [tilespmem:v0+s1+$0x0 ss:$0x1], $0xffff;
	_ =	sdelay $0x2  }
0x122: {  	(v2sf) =	vpush v1, $0xD  }
0x123: {  	(v2sf) =	vpush v1, $0xE;
	[tilespmem:s0+$0xA7C0] =	vst v2  }
0x124: {  	(v2sf) =	vpush v1, $0xF;
	v2 =	vld [tilespmem:s18+$0x10];
	v1 =	vshll.u32 v3, $0x6  }
0x125: {  	(v2sf) =	vpush v1, $0x0  }
0x126: {  	(v2sf) =	vpush v1, $0x1  }
0x127: {  	(v2sf) =	vpush v1, $0x2  }
0x128: {  	(v2sf) =	vpush v1, $0x3  }
0x129: {  	[tilespmem:s0+$0xA7D0] =	vst v2;
	(v2sf) =	vpush v1, $0x4  }
0x12a: {  	v2 =	vld [tilespmem:s18+$0x20];
	(v2sf) =	vpush v1, $0x5  }
0x12b: {  	(v2sf) =	vpush v1, $0x6  }
0x12c: {  	s8 =	sor.u32 $0x3, s16;
	(v2sf) =	vpush v1, $0x7  }
0x12d: {  	s13 =	sshll.u32 s8, $0x4;
	(v2sf) =	vpush v1, $0x8  }
0x12e: {  	s2 =	sand.u32 $0x3FFFFFF0, s13;
	(v2sf) =	vpush v1, $0x9  }
0x12f: {  	v3 =	vld.idx.msk [tilespmem:v0+s2+$0x0 ss:$0x1], $0xffff;
	[tilespmem:s0+$0xA7E0] =	vst v2;
	(v2sf) =	vpush v1, $0xA  }
0x130: {  	s11 =	smov.u32 s16;
	v2 =	vld [tilespmem:s18+$0x30];
	(v2sf) =	vpush v1, $0xB  }
0x131: {  	[dreg:$0xc] =	wrdreg s11;
	s14 =	spop (v2sf);
	(v2sf) =	vpush v1, $0xC  }
0x132: {  	[dreg:$0x1c] =	wrdreg s4;
	s15 =	spop (v2sf);
	(v2sf) =	vpush v1, $0xD  }
0x133: {  	[smem:$0x7F8] =	sst s14;
	s16 =	spop (v2sf);
	(v2sf) =	vpush v1, $0xE  }
0x134: {  	[dreg:$0x18] =	wrdreg s15;
	s17 =	spop (v2sf);
	(v2sf) =	vpush v1, $0xF;
	v1 =	vshll.u32 v3, $0x6  }
0x135: {  	[dreg:$0x12] =	wrdreg s16;
	[tilespmem:s0+$0xA7F0] =	vst v2;
	s31 =	spop (v2sf);
	(v2sf) =	vpush v1, $0x0  }
0x136: {  	v2 =	vld [tilespmem:s4+$0x20];
	s6 =	spop (v2sf)  }
0x137: {  	s21 =	spop (v2sf)  }
0x138: {  	s16 =	spop (v2sf)  }
0x139: {  	s7 =	spop (v2sf)  }
0x13a: {  	s9 =	spop (v2sf)  }
0x13b: {  	s10 =	spop (v2sf)  }
0x13c: {  	s12 =	spop (v2sf)  }
0x13d: {  	s18 =	spop (v2sf)  }
0x13e: {  	s25 =	spop (v2sf)  }
0x13f: {  	s28 =	spop (v2sf)  }
0x140: {  	s29 =	spop (v2sf)  }
0x141: {  	s19 =	spop (v2sf)  }
0x142: {  	s22 =	spop (v2sf)  }
0x143: {  	s23 =	spop (v2sf)  }
0x144: {  	v3 =	vld [tilespmem:s17+$0x0];
	s24 =	spop (v2sf)  }
0x145: {  	v4 =	vld [tilespmem:s24+$0x0];
	_ =	sdelay $0x1  }
0x146: {  	s0 =	sshll.u32 s5, $0xA  }
0x147: {  	s26 =	sshll.u32 s8, $0xA;
	[dreg:$0x1e] =	wrdreg s22;
	s22 =	sand.u32 $0x3FFFFC00, s0  }
0x148: {  	[dreg:$0x14] =	wrdreg s23;
	[tilespmem:s22+$0xA400] =	vst v3;
	s23 =	sand.u32 $0x3FFFFC00, s26  }
0x149: {  	v3 =	vld [tilespmem:s17+$0x10];
	[tilespmem:s23+$0xA400] =	vst v4  }
0x14a: {  	v4 =	vld [tilespmem:s24+$0x10];
	_ =	sdelay $0x1  }
0x14b: {  	(v2sf) =	vpush v1, $0x1;
	_ =	sdelay $0x1  }
0x14c: {  	[tilespmem:s22+$0xA410] =	vst v3  }
0x14d: {  	v3 =	vld [tilespmem:s17+$0x20];
	[tilespmem:s23+$0xA410] =	vst v4  }
0x14e: {  	v4 =	vld [tilespmem:s24+$0x20]  }
0x14f: {  	(v2sf) =	vpush v1, $0x2  }
0x150: {  	(v2sf) =	vpush v1, $0x3  }
0x151: {  	(v2sf) =	vpush v1, $0x4  }
0x152: {  	(v2sf) =	vpush v1, $0x5;
	[tilespmem:s22+$0xA420] =	vst v3  }
0x153: {  	(v2sf) =	vpush v1, $0x6;
	v3 =	vld [tilespmem:s17+$0x30];
	[tilespmem:s23+$0xA420] =	vst v4  }
0x154: {  	s3 =	sor.u32 $0x4, s11;
	(v2sf) =	vpush v1, $0x7;
	v4 =	vld [tilespmem:s24+$0x30]  }
0x155: {  	s30 =	sshll.u32 s3, $0x4;
	(v2sf) =	vpush v1, $0x8  }
0x156: {  	s0 =	sand.u32 $0x3FFFFFF0, s30;
	(v2sf) =	vpush v1, $0x9  }
0x157: {  	v5 =	vld.idx.msk [tilespmem:v0+s0+$0x0 ss:$0x1], $0xffff;
	(v2sf) =	vpush v1, $0xA  }
0x158: {  	(v2sf) =	vpush v1, $0xB;
	[tilespmem:s22+$0xA430] =	vst v3  }
0x159: {  	[smem:$0x7F9] =	sst s19;
	(v2sf) =	vpush v1, $0xC;
	s19 =	spop (v2sf);
	v3 =	vld [tilespmem:s31+$0x0];
	[tilespmem:s23+$0xA430] =	vst v4  }
0x15a: {  	(v2sf) =	vpush v1, $0xD;
	v4 =	vld [tilespmem:s19+$0x0]  }
0x15b: {  	(v2sf) =	vpush v1, $0xE  }
0x15c: {  	(v2sf) =	vpush v1, $0xF;
	v1 =	vshll.u32 v5, $0x6  }
0x15d: {  	(v2sf) =	vpush v1, $0x0  }
0x15e: {  	s1 =	spop (v2sf);
	[tilespmem:s22+$0xA440] =	vst v3  }
0x15f: {  	s2 =	spop (v2sf);
	v3 =	vld [tilespmem:s31+$0x10];
	[tilespmem:s23+$0xA440] =	vst v4  }
0x160: {  	s4 =	spop (v2sf);
	v4 =	vld [tilespmem:s19+$0x10]  }
0x161: {  	s5 =	spop (v2sf)  }
0x162: {  	s15 =	spop (v2sf)  }
0x163: {  	s17 =	spop (v2sf)  }
0x164: {  	s8 =	spop (v2sf);
	[tilespmem:s22+$0xA450] =	vst v3  }
0x165: {  	s11 =	spop (v2sf);
	v3 =	vld [tilespmem:s31+$0x20];
	[tilespmem:s23+$0xA450] =	vst v4  }
0x166: {  	s14 =	spop (v2sf);
	v4 =	vld [tilespmem:s19+$0x20]  }
0x167: {  	s13 =	spop (v2sf)  }
0x168: {  	s24 =	spop (v2sf)  }
0x169: {  	s26 =	spop (v2sf)  }
0x16a: {  	s30 =	spop (v2sf);
	[tilespmem:s22+$0xA460] =	vst v3  }
0x16b: {  	v3 =	vld [tilespmem:s31+$0x30];
	s31 =	spop (v2sf);
	[tilespmem:s23+$0xA460] =	vst v4  }
0x16c: {  	s0 =	spop (v2sf);
	v4 =	vld [tilespmem:s19+$0x30]  }
0x16d: {  	v61 =	vld [tilespmem:s0+$0x0];
	_ =	sdelay $0x2  }
0x16e: {  	s3 =	sshll.u32 s3, $0xA;
	[tilespmem:s22+$0xA470] =	vst v3  }
0x16f: {  	v3 =	vld [tilespmem:s6+$0x0];
	s19 =	sand.u32 $0x3FFFFC00, s3;
	[tilespmem:s23+$0xA470] =	vst v4  }
0x170: {  	[tilespmem:s19+$0xA400] =	vst v61;
	v4 =	vld [tilespmem:s1+$0x0]  }
0x171: {  	v5 =	vld [tilespmem:s0+$0x10];
	_ =	sdelay $0x1  }
0x172: {  	(v2sf) =	vpush v1, $0x1  }
0x173: {  	[tilespmem:s22+$0xA480] =	vst v3  }
0x174: {  	v3 =	vld [tilespmem:s6+$0x10];
	[tilespmem:s23+$0xA480] =	vst v4  }
0x175: {  	[tilespmem:s19+$0xA410] =	vst v5;
	v4 =	vld [tilespmem:s1+$0x10]  }
0x176: {  	v5 =	vld [tilespmem:s0+$0x20];
	_ =	sdelay $0x2  }
0x177: {  	[tilespmem:s22+$0xA490] =	vst v3  }
0x178: {  	v3 =	vld [tilespmem:s6+$0x20];
	[tilespmem:s23+$0xA490] =	vst v4  }
0x179: {  	[tilespmem:s19+$0xA420] =	vst v5;
	v4 =	vld [tilespmem:s1+$0x20]  }
0x17a: {  	v5 =	vld [tilespmem:s0+$0x30];
	_ =	sdelay $0x2  }
0x17b: {  	[tilespmem:s22+$0xA4A0] =	vst v3  }
0x17c: {  	v3 =	vld [tilespmem:s6+$0x30];
	[tilespmem:s23+$0xA4A0] =	vst v4  }
0x17d: {  	[tilespmem:s19+$0xA430] =	vst v5;
	v4 =	vld [tilespmem:s1+$0x30];
	s1 =	spop (v2sf)  }
0x17e: {  	v5 =	vld [tilespmem:s1+$0x0];
	_ =	sdelay $0x2  }
0x17f: {  	[tilespmem:s22+$0xA4B0] =	vst v3  }
0x180: {  	v3 =	vld [tilespmem:s21+$0x0];
	[tilespmem:s23+$0xA4B0] =	vst v4  }
0x181: {  	v4 =	vld [tilespmem:s2+$0x0];
	[tilespmem:s19+$0xA440] =	vst v5  }
0x182: {  	v5 =	vld [tilespmem:s1+$0x10];
	_ =	sdelay $0x1  }
0x183: {  	(v2sf) =	vpush v1, $0x2  }
0x184: {  	[tilespmem:s22+$0xA4C0] =	vst v3  }
0x185: {  	v3 =	vld [tilespmem:s21+$0x10];
	[tilespmem:s23+$0xA4C0] =	vst v4  }
0x186: {  	v4 =	vld [tilespmem:s2+$0x10];
	[tilespmem:s19+$0xA450] =	vst v5  }
0x187: {  	v5 =	vld [tilespmem:s1+$0x20];
	_ =	sdelay $0x2  }
0x188: {  	[tilespmem:s22+$0xA4D0] =	vst v3  }
0x189: {  	v3 =	vld [tilespmem:s21+$0x20];
	[tilespmem:s23+$0xA4D0] =	vst v4  }
0x18a: {  	v4 =	vld [tilespmem:s2+$0x20];
	[tilespmem:s19+$0xA460] =	vst v5  }
0x18b: {  	v5 =	vld [tilespmem:s1+$0x30];
	_ =	sdelay $0x2  }
0x18c: {  	[tilespmem:s22+$0xA4E0] =	vst v3  }
0x18d: {  	v3 =	vld [tilespmem:s21+$0x30];
	[tilespmem:s23+$0xA4E0] =	vst v4  }
0x18e: {  	s3 =	spop (v2sf);
	v4 =	vld [tilespmem:s2+$0x30];
	[tilespmem:s19+$0xA470] =	vst v5  }
0x18f: {  	v5 =	vld [tilespmem:s3+$0x0];
	_ =	sdelay $0x2  }
0x190: {  	[tilespmem:s22+$0xA4F0] =	vst v3  }
0x191: {  	v3 =	vld [tilespmem:s16+$0x0];
	[tilespmem:s23+$0xA4F0] =	vst v4  }
0x192: {  	v4 =	vld [tilespmem:s4+$0x0];
	[tilespmem:s19+$0xA480] =	vst v5  }
0x193: {  	v5 =	vld [tilespmem:s3+$0x10];
	_ =	sdelay $0x1  }
0x194: {  	(v2sf) =	vpush v1, $0x3  }
0x195: {  	[tilespmem:s22+$0xA500] =	vst v3  }
0x196: {  	v3 =	vld [tilespmem:s16+$0x10];
	[tilespmem:s23+$0xA500] =	vst v4  }
0x197: {  	v4 =	vld [tilespmem:s4+$0x10];
	[tilespmem:s19+$0xA490] =	vst v5  }
0x198: {  	v5 =	vld [tilespmem:s3+$0x20];
	_ =	sdelay $0x2  }
0x199: {  	[tilespmem:s22+$0xA510] =	vst v3  }
0x19a: {  	v3 =	vld [tilespmem:s16+$0x20];
	[tilespmem:s23+$0xA510] =	vst v4  }
0x19b: {  	v4 =	vld [tilespmem:s4+$0x20];
	[tilespmem:s19+$0xA4A0] =	vst v5  }
0x19c: {  	v5 =	vld [tilespmem:s3+$0x30];
	_ =	sdelay $0x2  }
0x19d: {  	[tilespmem:s22+$0xA520] =	vst v3  }
0x19e: {  	v3 =	vld [tilespmem:s16+$0x30];
	[tilespmem:s23+$0xA520] =	vst v4  }
0x19f: {  	s6 =	spop (v2sf);
	v4 =	vld [tilespmem:s4+$0x30];
	[tilespmem:s19+$0xA4B0] =	vst v5  }
0x1a0: {  	v5 =	vld [tilespmem:s6+$0x0];
	_ =	sdelay $0x2  }
0x1a1: {  	[tilespmem:s22+$0xA530] =	vst v3  }
0x1a2: {  	v3 =	vld [tilespmem:s7+$0x0];
	[tilespmem:s23+$0xA530] =	vst v4  }
0x1a3: {  	v4 =	vld [tilespmem:s5+$0x0];
	[tilespmem:s19+$0xA4C0] =	vst v5  }
0x1a4: {  	v5 =	vld [tilespmem:s6+$0x10];
	_ =	sdelay $0x1  }
0x1a5: {  	(v2sf) =	vpush v1, $0x4  }
0x1a6: {  	[tilespmem:s22+$0xA540] =	vst v3  }
0x1a7: {  	v3 =	vld [tilespmem:s7+$0x10];
	[tilespmem:s23+$0xA540] =	vst v4  }
0x1a8: {  	v4 =	vld [tilespmem:s5+$0x10];
	[tilespmem:s19+$0xA4D0] =	vst v5  }
0x1a9: {  	v5 =	vld [tilespmem:s6+$0x20];
	_ =	sdelay $0x2  }
0x1aa: {  	[tilespmem:s22+$0xA550] =	vst v3  }
0x1ab: {  	v3 =	vld [tilespmem:s7+$0x20];
	[tilespmem:s23+$0xA550] =	vst v4  }
0x1ac: {  	v4 =	vld [tilespmem:s5+$0x20];
	[tilespmem:s19+$0xA4E0] =	vst v5  }
0x1ad: {  	v5 =	vld [tilespmem:s6+$0x30];
	_ =	sdelay $0x2  }
0x1ae: {  	[tilespmem:s22+$0xA560] =	vst v3  }
0x1af: {  	v3 =	vld [tilespmem:s7+$0x30];
	[tilespmem:s23+$0xA560] =	vst v4  }
0x1b0: {  	s7 =	spop (v2sf);
	v4 =	vld [tilespmem:s5+$0x30];
	[tilespmem:s19+$0xA4F0] =	vst v5  }
0x1b1: {  	v5 =	vld [tilespmem:s7+$0x0];
	_ =	sdelay $0x2  }
0x1b2: {  	[tilespmem:s22+$0xA570] =	vst v3  }
0x1b3: {  	v3 =	vld [tilespmem:s9+$0x0];
	[tilespmem:s23+$0xA570] =	vst v4  }
0x1b4: {  	v4 =	vld [tilespmem:s15+$0x0];
	[tilespmem:s19+$0xA500] =	vst v5  }
0x1b5: {  	v5 =	vld [tilespmem:s7+$0x10];
	_ =	sdelay $0x1  }
0x1b6: {  	(v2sf) =	vpush v1, $0x5  }
0x1b7: {  	[tilespmem:s22+$0xA580] =	vst v3  }
0x1b8: {  	v3 =	vld [tilespmem:s9+$0x10];
	[tilespmem:s23+$0xA580] =	vst v4  }
0x1b9: {  	v4 =	vld [tilespmem:s15+$0x10];
	[tilespmem:s19+$0xA510] =	vst v5  }
0x1ba: {  	v5 =	vld [tilespmem:s7+$0x20];
	_ =	sdelay $0x2  }
0x1bb: {  	[tilespmem:s22+$0xA590] =	vst v3  }
0x1bc: {  	v3 =	vld [tilespmem:s9+$0x20];
	[tilespmem:s23+$0xA590] =	vst v4  }
0x1bd: {  	v4 =	vld [tilespmem:s15+$0x20];
	[tilespmem:s19+$0xA520] =	vst v5  }
0x1be: {  	v5 =	vld [tilespmem:s7+$0x30];
	_ =	sdelay $0x2  }
0x1bf: {  	[tilespmem:s22+$0xA5A0] =	vst v3  }
0x1c0: {  	v3 =	vld [tilespmem:s9+$0x30];
	[tilespmem:s23+$0xA5A0] =	vst v4  }
0x1c1: {  	v4 =	vld [tilespmem:s15+$0x30];
	[tilespmem:s19+$0xA530] =	vst v5;
	s15 =	spop (v2sf)  }
0x1c2: {  	v5 =	vld [tilespmem:s15+$0x0];
	_ =	sdelay $0x2  }
0x1c3: {  	[tilespmem:s22+$0xA5B0] =	vst v3  }
0x1c4: {  	v3 =	vld [tilespmem:s10+$0x0];
	[tilespmem:s23+$0xA5B0] =	vst v4  }
0x1c5: {  	v4 =	vld [tilespmem:s17+$0x0];
	[tilespmem:s19+$0xA540] =	vst v5  }
0x1c6: {  	v5 =	vld [tilespmem:s15+$0x10];
	_ =	sdelay $0x1  }
0x1c7: {  	(v2sf) =	vpush v1, $0x6  }
0x1c8: {  	[tilespmem:s22+$0xA5C0] =	vst v3  }
0x1c9: {  	v3 =	vld [tilespmem:s10+$0x10];
	[tilespmem:s23+$0xA5C0] =	vst v4  }
0x1ca: {  	v4 =	vld [tilespmem:s17+$0x10];
	[tilespmem:s19+$0xA550] =	vst v5  }
0x1cb: {  	v5 =	vld [tilespmem:s15+$0x20];
	_ =	sdelay $0x2  }
0x1cc: {  	[tilespmem:s22+$0xA5D0] =	vst v3  }
0x1cd: {  	v3 =	vld [tilespmem:s10+$0x20];
	[tilespmem:s23+$0xA5D0] =	vst v4  }
0x1ce: {  	v4 =	vld [tilespmem:s17+$0x20];
	[tilespmem:s19+$0xA560] =	vst v5  }
0x1cf: {  	v5 =	vld [tilespmem:s15+$0x30];
	_ =	sdelay $0x2  }
0x1d0: {  	[tilespmem:s22+$0xA5E0] =	vst v3  }
0x1d1: {  	v3 =	vld [tilespmem:s10+$0x30];
	[tilespmem:s23+$0xA5E0] =	vst v4  }
0x1d2: {  	s16 =	spop (v2sf);
	v4 =	vld [tilespmem:s17+$0x30];
	[tilespmem:s19+$0xA570] =	vst v5  }
0x1d3: {  	v5 =	vld [tilespmem:s16+$0x0];
	_ =	sdelay $0x2  }
0x1d4: {  	[tilespmem:s22+$0xA5F0] =	vst v3  }
0x1d5: {  	v3 =	vld [tilespmem:s12+$0x0];
	[tilespmem:s23+$0xA5F0] =	vst v4  }
0x1d6: {  	v4 =	vld [tilespmem:s8+$0x0];
	[tilespmem:s19+$0xA580] =	vst v5  }
0x1d7: {  	v5 =	vld [tilespmem:s16+$0x10];
	_ =	sdelay $0x1  }
0x1d8: {  	(v2sf) =	vpush v1, $0x7  }
0x1d9: {  	[tilespmem:s22+$0xA600] =	vst v3  }
0x1da: {  	v3 =	vld [tilespmem:s12+$0x10];
	[tilespmem:s23+$0xA600] =	vst v4  }
0x1db: {  	v4 =	vld [tilespmem:s8+$0x10];
	[tilespmem:s19+$0xA590] =	vst v5  }
0x1dc: {  	v5 =	vld [tilespmem:s16+$0x20];
	_ =	sdelay $0x2  }
0x1dd: {  	[tilespmem:s22+$0xA610] =	vst v3  }
0x1de: {  	v3 =	vld [tilespmem:s12+$0x20];
	[tilespmem:s23+$0xA610] =	vst v4  }
0x1df: {  	v4 =	vld [tilespmem:s8+$0x20];
	[tilespmem:s19+$0xA5A0] =	vst v5  }
0x1e0: {  	v5 =	vld [tilespmem:s16+$0x30];
	_ =	sdelay $0x2  }
0x1e1: {  	[tilespmem:s22+$0xA620] =	vst v3  }
0x1e2: {  	v3 =	vld [tilespmem:s12+$0x30];
	[tilespmem:s23+$0xA620] =	vst v4  }
0x1e3: {  	s17 =	spop (v2sf);
	v4 =	vld [tilespmem:s8+$0x30];
	[tilespmem:s19+$0xA5B0] =	vst v5  }
0x1e4: {  	v5 =	vld [tilespmem:s17+$0x0];
	_ =	sdelay $0x2  }
0x1e5: {  	[tilespmem:s22+$0xA630] =	vst v3  }
0x1e6: {  	v3 =	vld [tilespmem:s18+$0x0];
	[tilespmem:s23+$0xA630] =	vst v4  }
0x1e7: {  	v4 =	vld [tilespmem:s11+$0x0];
	[tilespmem:s19+$0xA5C0] =	vst v5  }
0x1e8: {  	v5 =	vld [tilespmem:s17+$0x10];
	_ =	sdelay $0x1  }
0x1e9: {  	(v2sf) =	vpush v1, $0x8  }
0x1ea: {  	[tilespmem:s22+$0xA640] =	vst v3  }
0x1eb: {  	v3 =	vld [tilespmem:s18+$0x10];
	[tilespmem:s23+$0xA640] =	vst v4  }
0x1ec: {  	v4 =	vld [tilespmem:s11+$0x10];
	[tilespmem:s19+$0xA5D0] =	vst v5  }
0x1ed: {  	v5 =	vld [tilespmem:s17+$0x20];
	_ =	sdelay $0x2  }
0x1ee: {  	[tilespmem:s22+$0xA650] =	vst v3  }
0x1ef: {  	v3 =	vld [tilespmem:s18+$0x20];
	[tilespmem:s23+$0xA650] =	vst v4  }
0x1f0: {  	v4 =	vld [tilespmem:s11+$0x20];
	[tilespmem:s19+$0xA5E0] =	vst v5  }
0x1f1: {  	v5 =	vld [tilespmem:s17+$0x30];
	_ =	sdelay $0x2  }
0x1f2: {  	[tilespmem:s22+$0xA660] =	vst v3  }
0x1f3: {  	v3 =	vld [tilespmem:s18+$0x30];
	[tilespmem:s23+$0xA660] =	vst v4  }
0x1f4: {  	s21 =	spop (v2sf);
	v4 =	vld [tilespmem:s11+$0x30];
	[tilespmem:s19+$0xA5F0] =	vst v5  }
0x1f5: {  	v5 =	vld [tilespmem:s21+$0x0];
	_ =	sdelay $0x2  }
0x1f6: {  	[tilespmem:s22+$0xA670] =	vst v3  }
0x1f7: {  	v3 =	vld [tilespmem:s25+$0x0];
	[tilespmem:s23+$0xA670] =	vst v4  }
0x1f8: {  	v4 =	vld [tilespmem:s14+$0x0];
	[tilespmem:s19+$0xA600] =	vst v5  }
0x1f9: {  	v5 =	vld [tilespmem:s21+$0x10];
	_ =	sdelay $0x1  }
0x1fa: {  	(v2sf) =	vpush v1, $0x9  }
0x1fb: {  	[tilespmem:s22+$0xA680] =	vst v3  }
0x1fc: {  	v3 =	vld [tilespmem:s25+$0x10];
	[tilespmem:s23+$0xA680] =	vst v4  }
0x1fd: {  	v4 =	vld [tilespmem:s14+$0x10];
	[tilespmem:s19+$0xA610] =	vst v5  }
0x1fe: {  	v5 =	vld [tilespmem:s21+$0x20];
	_ =	sdelay $0x2  }
0x1ff: {  	[tilespmem:s22+$0xA690] =	vst v3  }
0x200: {  	v3 =	vld [tilespmem:s25+$0x20];
	[tilespmem:s23+$0xA690] =	vst v4  }
0x201: {  	v4 =	vld [tilespmem:s14+$0x20];
	[tilespmem:s19+$0xA620] =	vst v5  }
0x202: {  	v5 =	vld [tilespmem:s21+$0x30];
	_ =	sdelay $0x2  }
0x203: {  	[tilespmem:s22+$0xA6A0] =	vst v3  }
0x204: {  	v3 =	vld [tilespmem:s25+$0x30];
	[tilespmem:s23+$0xA6A0] =	vst v4  }
0x205: {  	s25 =	spop (v2sf);
	v4 =	vld [tilespmem:s14+$0x30];
	[tilespmem:s19+$0xA630] =	vst v5  }
0x206: {  	v5 =	vld [tilespmem:s25+$0x0];
	_ =	sdelay $0x2  }
0x207: {  	[tilespmem:s22+$0xA6B0] =	vst v3  }
0x208: {  	v3 =	vld [tilespmem:s28+$0x0];
	[tilespmem:s23+$0xA6B0] =	vst v4  }
0x209: {  	v4 =	vld [tilespmem:s13+$0x0];
	[tilespmem:s19+$0xA640] =	vst v5  }
0x20a: {  	v5 =	vld [tilespmem:s25+$0x10];
	_ =	sdelay $0x1  }
0x20b: {  	(v2sf) =	vpush v1, $0xA  }
0x20c: {  	[tilespmem:s22+$0xA6C0] =	vst v3  }
0x20d: {  	v3 =	vld [tilespmem:s28+$0x10];
	[tilespmem:s23+$0xA6C0] =	vst v4  }
0x20e: {  	v4 =	vld [tilespmem:s13+$0x10];
	[tilespmem:s19+$0xA650] =	vst v5  }
0x20f: {  	v5 =	vld [tilespmem:s25+$0x20];
	_ =	sdelay $0x2  }
0x210: {  	[tilespmem:s22+$0xA6D0] =	vst v3  }
0x211: {  	v3 =	vld [tilespmem:s28+$0x20];
	[tilespmem:s23+$0xA6D0] =	vst v4  }
0x212: {  	v4 =	vld [tilespmem:s13+$0x20];
	[tilespmem:s19+$0xA660] =	vst v5  }
0x213: {  	v5 =	vld [tilespmem:s25+$0x30];
	_ =	sdelay $0x2  }
0x214: {  	[tilespmem:s22+$0xA6E0] =	vst v3  }
0x215: {  	v3 =	vld [tilespmem:s28+$0x30];
	[tilespmem:s23+$0xA6E0] =	vst v4  }
0x216: {  	s28 =	spop (v2sf);
	v4 =	vld [tilespmem:s13+$0x30];
	[tilespmem:s19+$0xA670] =	vst v5  }
0x217: {  	v5 =	vld [tilespmem:s28+$0x0];
	_ =	sdelay $0x1  }
0x218: {  	[tilespmem:s20+$0xA720] =	vst v2;
	s1 =	rddreg [dreg:$0x1c]  }
0x219: {  	v2 =	vld [tilespmem:s1+$0x30];
	[tilespmem:s22+$0xA6F0] =	vst v3  }
0x21a: {  	v3 =	vld [tilespmem:s29+$0x0];
	[tilespmem:s23+$0xA6F0] =	vst v4  }
0x21b: {  	v4 =	vld [tilespmem:s24+$0x0];
	[tilespmem:s19+$0xA680] =	vst v5  }
0x21c: {  	s3 =	sld [smem:$0x7F8];
	v5 =	vld [tilespmem:s28+$0x10];
	_ =	sdelay $0x1  }
0x21d: {  	(v2sf) =	vpush v1, $0xB;
	[tilespmem:s20+$0xA730] =	vst v2  }
0x21e: {  	v2 =	vld [tilespmem:s3+$0x0];
	[tilespmem:s22+$0xA700] =	vst v3  }
0x21f: {  	v3 =	vld [tilespmem:s29+$0x10];
	[tilespmem:s23+$0xA700] =	vst v4  }
0x220: {  	v4 =	vld [tilespmem:s24+$0x10];
	[tilespmem:s19+$0xA690] =	vst v5  }
0x221: {  	v5 =	vld [tilespmem:s28+$0x20];
	_ =	sdelay $0x1  }
0x222: {  	[tilespmem:s20+$0xA740] =	vst v2  }
0x223: {  	v2 =	vld [tilespmem:s3+$0x10];
	[tilespmem:s22+$0xA710] =	vst v3  }
0x224: {  	v3 =	vld [tilespmem:s29+$0x20];
	[tilespmem:s23+$0xA710] =	vst v4  }
0x225: {  	v4 =	vld [tilespmem:s24+$0x20];
	[tilespmem:s19+$0xA6A0] =	vst v5  }
0x226: {  	v5 =	vld [tilespmem:s28+$0x30];
	_ =	sdelay $0x1  }
0x227: {  	[tilespmem:s20+$0xA750] =	vst v2  }
0x228: {  	v2 =	vld [tilespmem:s3+$0x20];
	[tilespmem:s22+$0xA720] =	vst v3  }
0x229: {  	v3 =	vld [tilespmem:s29+$0x30];
	[tilespmem:s23+$0xA720] =	vst v4  }
0x22a: {  	s2 =	spop (v2sf);
	v4 =	vld [tilespmem:s24+$0x30];
	[tilespmem:s19+$0xA6B0] =	vst v5  }
0x22b: {  	v5 =	vld [tilespmem:s2+$0x0]  }
0x22c: {  	s4 =	sld [smem:$0x7F9]  }
0x22d: {  	[tilespmem:s20+$0xA760] =	vst v2  }
0x22e: {  	v2 =	vld [tilespmem:s3+$0x30];
	[tilespmem:s22+$0xA730] =	vst v3  }
0x22f: {  	v3 =	vld [tilespmem:s4+$0x0];
	[tilespmem:s23+$0xA730] =	vst v4  }
0x230: {  	v4 =	vld [tilespmem:s26+$0x0];
	[tilespmem:s19+$0xA6C0] =	vst v5  }
0x231: {  	v5 =	vld [tilespmem:s2+$0x10];
	_ =	sdelay $0x1  }
0x232: {  	(v2sf) =	vpush v1, $0xC;
	s6 =	rddreg [dreg:$0x18];
	[tilespmem:s20+$0xA770] =	vst v2  }
0x233: {  	v2 =	vld [tilespmem:s6+$0x0];
	[tilespmem:s22+$0xA740] =	vst v3  }
0x234: {  	v3 =	vld [tilespmem:s4+$0x10];
	[tilespmem:s23+$0xA740] =	vst v4  }
0x235: {  	v4 =	vld [tilespmem:s26+$0x10];
	[tilespmem:s19+$0xA6D0] =	vst v5  }
0x236: {  	v5 =	vld [tilespmem:s2+$0x20];
	_ =	sdelay $0x1  }
0x237: {  	[tilespmem:s20+$0xA780] =	vst v2  }
0x238: {  	v2 =	vld [tilespmem:s6+$0x10];
	[tilespmem:s22+$0xA750] =	vst v3  }
0x239: {  	v3 =	vld [tilespmem:s4+$0x20];
	[tilespmem:s23+$0xA750] =	vst v4  }
0x23a: {  	v4 =	vld [tilespmem:s26+$0x20];
	[tilespmem:s19+$0xA6E0] =	vst v5  }
0x23b: {  	v5 =	vld [tilespmem:s2+$0x30];
	_ =	sdelay $0x1  }
0x23c: {  	[tilespmem:s20+$0xA790] =	vst v2  }
0x23d: {  	v2 =	vld [tilespmem:s6+$0x20];
	[tilespmem:s22+$0xA760] =	vst v3  }
0x23e: {  	v3 =	vld [tilespmem:s4+$0x30];
	[tilespmem:s23+$0xA760] =	vst v4  }
0x23f: {  	s5 =	spop (v2sf);
	v4 =	vld [tilespmem:s26+$0x30];
	[tilespmem:s19+$0xA6F0] =	vst v5  }
0x240: {  	v5 =	vld [tilespmem:s5+$0x0];
	_ =	sdelay $0x1  }
0x241: {  	[tilespmem:s20+$0xA7A0] =	vst v2  }
0x242: {  	v2 =	vld [tilespmem:s6+$0x30];
	s7 =	rddreg [dreg:$0x1e];
	[tilespmem:s22+$0xA770] =	vst v3  }
0x243: {  	v3 =	vld [tilespmem:s7+$0x0];
	[tilespmem:s23+$0xA770] =	vst v4  }
0x244: {  	v4 =	vld [tilespmem:s30+$0x0];
	[tilespmem:s19+$0xA700] =	vst v5  }
0x245: {  	v5 =	vld [tilespmem:s5+$0x10];
	_ =	sdelay $0x1  }
0x246: {  	(v2sf) =	vpush v1, $0xD;
	s9 =	rddreg [dreg:$0x12];
	[tilespmem:s20+$0xA7B0] =	vst v2  }
0x247: {  	v2 =	vld [tilespmem:s9+$0x0];
	[tilespmem:s22+$0xA780] =	vst v3  }
0x248: {  	v3 =	vld [tilespmem:s7+$0x10];
	[tilespmem:s23+$0xA780] =	vst v4  }
0x249: {  	v4 =	vld [tilespmem:s30+$0x10];
	[tilespmem:s19+$0xA710] =	vst v5  }
0x24a: {  	v5 =	vld [tilespmem:s5+$0x20];
	_ =	sdelay $0x1  }
0x24b: {  	[tilespmem:s20+$0xA7C0] =	vst v2  }
0x24c: {  	v2 =	vld [tilespmem:s9+$0x10];
	[tilespmem:s22+$0xA790] =	vst v3  }
0x24d: {  	v3 =	vld [tilespmem:s7+$0x20];
	[tilespmem:s23+$0xA790] =	vst v4  }
0x24e: {  	v4 =	vld [tilespmem:s30+$0x20];
	[tilespmem:s19+$0xA720] =	vst v5  }
0x24f: {  	v5 =	vld [tilespmem:s5+$0x30];
	_ =	sdelay $0x1  }
0x250: {  	[tilespmem:s20+$0xA7D0] =	vst v2  }
0x251: {  	v2 =	vld [tilespmem:s9+$0x20];
	[tilespmem:s22+$0xA7A0] =	vst v3  }
0x252: {  	v3 =	vld [tilespmem:s7+$0x30];
	[tilespmem:s23+$0xA7A0] =	vst v4  }
0x253: {  	s8 =	spop (v2sf);
	v4 =	vld [tilespmem:s30+$0x30];
	[tilespmem:s19+$0xA730] =	vst v5  }
0x254: {  	v5 =	vld [tilespmem:s8+$0x0];
	_ =	sdelay $0x1  }
0x255: {  	[tilespmem:s20+$0xA7E0] =	vst v2  }
0x256: {  	v2 =	vld [tilespmem:s9+$0x30];
	s10 =	rddreg [dreg:$0x14];
	[tilespmem:s22+$0xA7B0] =	vst v3  }
0x257: {  	v3 =	vld [tilespmem:s10+$0x0];
	[tilespmem:s23+$0xA7B0] =	vst v4  }
0x258: {  	s12 =	rddreg [dreg:$0xc];
	v4 =	vld [tilespmem:s31+$0x0];
	[tilespmem:s19+$0xA740] =	vst v5  }
0x259: {  	s24 =	sor.u32 $0x5, s12;
	v5 =	vld [tilespmem:s8+$0x10]  }
0x25a: {  	s15 =	sshll.u32 s24, $0x4  }
0x25b: {  	(v2sf) =	vpush v1, $0xE;
	[tilespmem:s20+$0xA7F0] =	vst v2;
	s0 =	sand.u32 $0x3FFFFFF0, s15  }
0x25c: {  	v2 =	vld.idx.msk [tilespmem:v0+s0+$0x0 ss:$0x1], $0xffff;
	[tilespmem:s22+$0xA7C0] =	vst v3  }
0x25d: {  	v3 =	vld [tilespmem:s10+$0x10];
	[tilespmem:s23+$0xA7C0] =	vst v4  }
0x25e: {  	v4 =	vld [tilespmem:s31+$0x10];
	[tilespmem:s19+$0xA750] =	vst v5  }
0x25f: {  	v5 =	vld [tilespmem:s8+$0x20];
	_ =	sdelay $0x2  }
0x260: {  	[tilespmem:s22+$0xA7D0] =	vst v3  }
0x261: {  	v3 =	vld [tilespmem:s10+$0x20];
	[tilespmem:s23+$0xA7D0] =	vst v4  }
0x262: {  	(v2sf) =	vpush v1, $0xF;
	v1 =	vshll.u32 v2, $0x6;
	v4 =	vld [tilespmem:s31+$0x20];
	[tilespmem:s19+$0xA760] =	vst v5  }
0x263: {  	(v2sf) =	vpush v1, $0x0;
	v5 =	vld [tilespmem:s8+$0x30]  }
0x264: {  	(v2sf) =	vpush v1, $0x1  }
0x265: {  	(v2sf) =	vpush v1, $0x2  }
0x266: {  	(v2sf) =	vpush v1, $0x3;
	[tilespmem:s22+$0xA7E0] =	vst v3  }
0x267: {  	(v2sf) =	vpush v1, $0x4;
	v3 =	vld [tilespmem:s10+$0x30];
	[tilespmem:s23+$0xA7E0] =	vst v4  }
0x268: {  	s11 =	spop (v2sf);
	(v2sf) =	vpush v1, $0x5;
	v4 =	vld [tilespmem:s31+$0x30];
	[tilespmem:s19+$0xA770] =	vst v5  }
0x269: {  	(v2sf) =	vpush v1, $0x6;
	v5 =	vld [tilespmem:s11+$0x0]  }
0x26a: {  	s25 =	sor.u32 $0x6, s12;
	(v2sf) =	vpush v1, $0x7  }
0x26b: {  	s16 =	sshll.u32 s25, $0x4;
	(v2sf) =	vpush v1, $0x8  }
0x26c: {  	s0 =	sand.u32 $0x3FFFFFF0, s16;
	(v2sf) =	vpush v1, $0x9;
	[tilespmem:s22+$0xA7F0] =	vst v3  }
0x26d: {  	v2 =	vld.idx.msk [tilespmem:v0+s0+$0x0 ss:$0x1], $0xffff;
	(v2sf) =	vpush v1, $0xA;
	[tilespmem:s23+$0xA7F0] =	vst v4  }
0x26e: {  	[dreg:$0xe] =	wrdreg s11;
	(v2sf) =	vpush v1, $0xB;
	[tilespmem:s19+$0xA780] =	vst v5  }
0x26f: {  	(v2sf) =	vpush v1, $0xC  }
0x270: {  	(v2sf) =	vpush v1, $0xD  }
0x271: {  	s17 =	spop (v2sf);
	(v2sf) =	vpush v1, $0xE  }
0x272: {  	s3 =	spop (v2sf);
	(v2sf) =	vpush v1, $0xF;
	v1 =	vshll.u32 v2, $0x6  }
0x273: {  	s5 =	spop (v2sf);
	(v2sf) =	vpush v1, $0x0  }
0x274: {  	s21 =	spop (v2sf);
	(v2sf) =	vpush v1, $0x1  }
0x275: {  	s15 =	spop (v2sf);
	(v2sf) =	vpush v1, $0x2  }
0x276: {  	[dreg:$0x10] =	wrdreg s17;
	s17 =	spop (v2sf);
	(v2sf) =	vpush v1, $0x3  }
0x277: {  	s8 =	spop (v2sf);
	(v2sf) =	vpush v1, $0x4  }
0x278: {  	s11 =	spop (v2sf);
	(v2sf) =	vpush v1, $0x5  }
0x279: {  	s14 =	spop (v2sf);
	(v2sf) =	vpush v1, $0x6  }
0x27a: {  	s26 =	sor.u32 $0x7, s12;
	s13 =	spop (v2sf);
	(v2sf) =	vpush v1, $0x7  }
0x27b: {  	s18 =	sshll.u32 s26, $0x4;
	s22 =	spop (v2sf);
	(v2sf) =	vpush v1, $0x8  }
0x27c: {  	s0 =	sand.u32 $0x3FFFFFF0, s18;
	s28 =	spop (v2sf);
	(v2sf) =	vpush v1, $0x9  }
0x27d: {  	v2 =	vld.idx.msk [tilespmem:v0+s0+$0x0 ss:$0x1], $0xffff;
	s29 =	spop (v2sf);
	(v2sf) =	vpush v1, $0xA  }
0x27e: {  	s31 =	spop (v2sf);
	(v2sf) =	vpush v1, $0xB  }
0x27f: {  	s20 =	spop (v2sf);
	(v2sf) =	vpush v1, $0xC  }
0x280: {  	s23 =	spop (v2sf);
	(v2sf) =	vpush v1, $0xD  }
0x281: {  	s30 =	spop (v2sf);
	(v2sf) =	vpush v1, $0xE  }
0x282: {  	s1 =	spop (v2sf);
	(v2sf) =	vpush v1, $0xF;
	v1 =	vshll.u32 v2, $0x6  }
0x283: {  	s2 =	spop (v2sf);
	(v2sf) =	vpush v1, $0x0  }
0x284: {  	s4 =	spop (v2sf)  }
0x285: {  	s6 =	spop (v2sf)  }
0x286: {  	s18 =	spop (v2sf)  }
0x287: {  	s16 =	spop (v2sf)  }
0x288: {  	s7 =	spop (v2sf)  }
0x289: {  	s9 =	spop (v2sf)  }
0x28a: {  	s10 =	spop (v2sf)  }
0x28b: {  	s12 =	spop (v2sf)  }
0x28c: {  	[smem:$0x7FA] =	sst s20;
	s20 =	spop (v2sf)  }
0x28d: {  	[smem:$0x7FC] =	sst s23;
	s23 =	spop (v2sf)  }
0x28e: {  	[dreg:$0x16] =	wrdreg s30;
	s30 =	spop (v2sf)  }
0x28f: {  	s0 =	spop (v2sf)  }
0x290: {  	[smem:$0x7FB] =	sst s0;
	s0 =	spop (v2sf)  }
0x291: {  	v2 =	vld [tilespmem:s3+$0x0];
	[smem:$0x7FD] =	sst s0;
	s0 =	spop (v2sf)  }
0x292: {  	v3 =	vld [tilespmem:s1+$0x0];
	[dreg:$0x1a] =	wrdreg s0;
	s0 =	spop (v2sf)  }
0x293: {  	v62 =	vld [tilespmem:s0+$0x0]  }
0x294: {  	s24 =	sshll.u32 s24, $0xA  }
0x295: {  	s25 =	sshll.u32 s25, $0xA;
	s24 =	sand.u32 $0x3FFFFC00, s24  }
0x296: {  	s25 =	sand.u32 $0x3FFFFC00, s25;
	s26 =	sshll.u32 s26, $0xA;
	[tilespmem:s24+$0xA400] =	vst v2  }
0x297: {  	s26 =	sand.u32 $0x3FFFFC00, s26;
	v2 =	vld [tilespmem:s3+$0x10];
	[tilespmem:s25+$0xA400] =	vst v3  }
0x298: {  	v3 =	vld [tilespmem:s1+$0x10];
	[tilespmem:s26+$0xA400] =	vst v62  }
0x299: {  	v4 =	vld [tilespmem:s0+$0x10];
	_ =	sdelay $0x1  }
0x29a: {  	(v2sf) =	vpush v1, $0x1  }
0x29b: {  	[tilespmem:s24+$0xA410] =	vst v2  }
0x29c: {  	v2 =	vld [tilespmem:s3+$0x20];
	[tilespmem:s25+$0xA410] =	vst v3  }
0x29d: {  	v3 =	vld [tilespmem:s1+$0x20];
	[tilespmem:s26+$0xA410] =	vst v4  }
0x29e: {  	v4 =	vld [tilespmem:s0+$0x20];
	_ =	sdelay $0x2  }
0x29f: {  	[tilespmem:s24+$0xA420] =	vst v2  }
0x2a0: {  	v2 =	vld [tilespmem:s3+$0x30];
	[tilespmem:s25+$0xA420] =	vst v3  }
0x2a1: {  	v3 =	vld [tilespmem:s1+$0x30];
	[tilespmem:s26+$0xA420] =	vst v4  }
0x2a2: {  	v4 =	vld [tilespmem:s0+$0x30];
	_ =	sdelay $0x2  }
0x2a3: {  	[tilespmem:s24+$0xA430] =	vst v2  }
0x2a4: {  	v2 =	vld [tilespmem:s5+$0x0];
	[tilespmem:s25+$0xA430] =	vst v3  }
0x2a5: {  	v3 =	vld [tilespmem:s2+$0x0];
	s1 =	spop (v2sf);
	[tilespmem:s26+$0xA430] =	vst v4  }
0x2a6: {  	v4 =	vld [tilespmem:s1+$0x0];
	_ =	sdelay $0x2  }
0x2a7: {  	[tilespmem:s24+$0xA440] =	vst v2  }
0x2a8: {  	v2 =	vld [tilespmem:s5+$0x10];
	[tilespmem:s25+$0xA440] =	vst v3  }
0x2a9: {  	v3 =	vld [tilespmem:s2+$0x10];
	[tilespmem:s26+$0xA440] =	vst v4  }
0x2aa: {  	v4 =	vld [tilespmem:s1+$0x10];
	_ =	sdelay $0x1  }
0x2ab: {  	(v2sf) =	vpush v1, $0x2  }
0x2ac: {  	[tilespmem:s24+$0xA450] =	vst v2  }
0x2ad: {  	v2 =	vld [tilespmem:s5+$0x20];
	[tilespmem:s25+$0xA450] =	vst v3  }
0x2ae: {  	v3 =	vld [tilespmem:s2+$0x20];
	[tilespmem:s26+$0xA450] =	vst v4  }
0x2af: {  	v4 =	vld [tilespmem:s1+$0x20];
	_ =	sdelay $0x2  }
0x2b0: {  	[tilespmem:s24+$0xA460] =	vst v2  }
0x2b1: {  	v2 =	vld [tilespmem:s5+$0x30];
	[tilespmem:s25+$0xA460] =	vst v3  }
0x2b2: {  	v3 =	vld [tilespmem:s2+$0x30];
	[tilespmem:s26+$0xA460] =	vst v4  }
0x2b3: {  	v4 =	vld [tilespmem:s1+$0x30];
	_ =	sdelay $0x2  }
0x2b4: {  	[tilespmem:s24+$0xA470] =	vst v2  }
0x2b5: {  	v2 =	vld [tilespmem:s21+$0x0];
	[tilespmem:s25+$0xA470] =	vst v3  }
0x2b6: {  	s2 =	spop (v2sf);
	v3 =	vld [tilespmem:s4+$0x0];
	[tilespmem:s26+$0xA470] =	vst v4  }
0x2b7: {  	v4 =	vld [tilespmem:s2+$0x0];
	_ =	sdelay $0x2  }
0x2b8: {  	[tilespmem:s24+$0xA480] =	vst v2  }
0x2b9: {  	v2 =	vld [tilespmem:s21+$0x10];
	[tilespmem:s25+$0xA480] =	vst v3  }
0x2ba: {  	v3 =	vld [tilespmem:s4+$0x10];
	[tilespmem:s26+$0xA480] =	vst v4  }
0x2bb: {  	v4 =	vld [tilespmem:s2+$0x10];
	_ =	sdelay $0x1  }
0x2bc: {  	(v2sf) =	vpush v1, $0x3  }
0x2bd: {  	[tilespmem:s24+$0xA490] =	vst v2  }
0x2be: {  	v2 =	vld [tilespmem:s21+$0x20];
	[tilespmem:s25+$0xA490] =	vst v3  }
0x2bf: {  	v3 =	vld [tilespmem:s4+$0x20];
	[tilespmem:s26+$0xA490] =	vst v4  }
0x2c0: {  	v4 =	vld [tilespmem:s2+$0x20];
	_ =	sdelay $0x2  }
0x2c1: {  	[tilespmem:s24+$0xA4A0] =	vst v2  }
0x2c2: {  	v2 =	vld [tilespmem:s21+$0x30];
	[tilespmem:s25+$0xA4A0] =	vst v3  }
0x2c3: {  	v3 =	vld [tilespmem:s4+$0x30];
	[tilespmem:s26+$0xA4A0] =	vst v4  }
0x2c4: {  	v4 =	vld [tilespmem:s2+$0x30];
	_ =	sdelay $0x2  }
0x2c5: {  	[tilespmem:s24+$0xA4B0] =	vst v2  }
0x2c6: {  	v2 =	vld [tilespmem:s15+$0x0];
	[tilespmem:s25+$0xA4B0] =	vst v3  }
0x2c7: {  	s3 =	spop (v2sf);
	v3 =	vld [tilespmem:s6+$0x0];
	[tilespmem:s26+$0xA4B0] =	vst v4  }
0x2c8: {  	v4 =	vld [tilespmem:s3+$0x0];
	_ =	sdelay $0x2  }
0x2c9: {  	[tilespmem:s24+$0xA4C0] =	vst v2  }
0x2ca: {  	v2 =	vld [tilespmem:s15+$0x10];
	[tilespmem:s25+$0xA4C0] =	vst v3  }
0x2cb: {  	v3 =	vld [tilespmem:s6+$0x10];
	[tilespmem:s26+$0xA4C0] =	vst v4  }
0x2cc: {  	v4 =	vld [tilespmem:s3+$0x10];
	_ =	sdelay $0x1  }
0x2cd: {  	(v2sf) =	vpush v1, $0x4  }
0x2ce: {  	[tilespmem:s24+$0xA4D0] =	vst v2  }
0x2cf: {  	v2 =	vld [tilespmem:s15+$0x20];
	[tilespmem:s25+$0xA4D0] =	vst v3  }
0x2d0: {  	v3 =	vld [tilespmem:s6+$0x20];
	[tilespmem:s26+$0xA4D0] =	vst v4  }
0x2d1: {  	v4 =	vld [tilespmem:s3+$0x20];
	_ =	sdelay $0x2  }
0x2d2: {  	[tilespmem:s24+$0xA4E0] =	vst v2  }
0x2d3: {  	v2 =	vld [tilespmem:s15+$0x30];
	[tilespmem:s25+$0xA4E0] =	vst v3  }
0x2d4: {  	v3 =	vld [tilespmem:s6+$0x30];
	[tilespmem:s26+$0xA4E0] =	vst v4  }
0x2d5: {  	v4 =	vld [tilespmem:s3+$0x30];
	_ =	sdelay $0x2  }
0x2d6: {  	[tilespmem:s24+$0xA4F0] =	vst v2  }
0x2d7: {  	v2 =	vld [tilespmem:s17+$0x0];
	[tilespmem:s25+$0xA4F0] =	vst v3  }
0x2d8: {  	s4 =	spop (v2sf);
	v3 =	vld [tilespmem:s18+$0x0];
	[tilespmem:s26+$0xA4F0] =	vst v4  }
0x2d9: {  	v4 =	vld [tilespmem:s4+$0x0];
	_ =	sdelay $0x2  }
0x2da: {  	[tilespmem:s24+$0xA500] =	vst v2  }
0x2db: {  	v2 =	vld [tilespmem:s17+$0x10];
	[tilespmem:s25+$0xA500] =	vst v3  }
0x2dc: {  	v3 =	vld [tilespmem:s18+$0x10];
	[tilespmem:s26+$0xA500] =	vst v4  }
0x2dd: {  	v4 =	vld [tilespmem:s4+$0x10];
	_ =	sdelay $0x1  }
0x2de: {  	(v2sf) =	vpush v1, $0x5  }
0x2df: {  	[tilespmem:s24+$0xA510] =	vst v2  }
0x2e0: {  	v2 =	vld [tilespmem:s17+$0x20];
	[tilespmem:s25+$0xA510] =	vst v3  }
0x2e1: {  	v3 =	vld [tilespmem:s18+$0x20];
	[tilespmem:s26+$0xA510] =	vst v4  }
0x2e2: {  	v4 =	vld [tilespmem:s4+$0x20];
	_ =	sdelay $0x2  }
0x2e3: {  	[tilespmem:s24+$0xA520] =	vst v2  }
0x2e4: {  	v2 =	vld [tilespmem:s17+$0x30];
	[tilespmem:s25+$0xA520] =	vst v3  }
0x2e5: {  	v3 =	vld [tilespmem:s18+$0x30];
	[tilespmem:s26+$0xA520] =	vst v4  }
0x2e6: {  	v4 =	vld [tilespmem:s4+$0x30];
	_ =	sdelay $0x2  }
0x2e7: {  	[tilespmem:s24+$0xA530] =	vst v2  }
0x2e8: {  	v2 =	vld [tilespmem:s8+$0x0];
	[tilespmem:s25+$0xA530] =	vst v3  }
0x2e9: {  	s5 =	spop (v2sf);
	v3 =	vld [tilespmem:s16+$0x0];
	[tilespmem:s26+$0xA530] =	vst v4  }
0x2ea: {  	v4 =	vld [tilespmem:s5+$0x0];
	_ =	sdelay $0x2  }
0x2eb: {  	[tilespmem:s24+$0xA540] =	vst v2  }
0x2ec: {  	v2 =	vld [tilespmem:s8+$0x10];
	[tilespmem:s25+$0xA540] =	vst v3  }
0x2ed: {  	v3 =	vld [tilespmem:s16+$0x10];
	[tilespmem:s26+$0xA540] =	vst v4  }
0x2ee: {  	v4 =	vld [tilespmem:s5+$0x10];
	_ =	sdelay $0x1  }
0x2ef: {  	(v2sf) =	vpush v1, $0x6  }
0x2f0: {  	[tilespmem:s24+$0xA550] =	vst v2  }
0x2f1: {  	v2 =	vld [tilespmem:s8+$0x20];
	[tilespmem:s25+$0xA550] =	vst v3  }
0x2f2: {  	v3 =	vld [tilespmem:s16+$0x20];
	[tilespmem:s26+$0xA550] =	vst v4  }
0x2f3: {  	v4 =	vld [tilespmem:s5+$0x20];
	_ =	sdelay $0x2  }
0x2f4: {  	[tilespmem:s24+$0xA560] =	vst v2  }
0x2f5: {  	v2 =	vld [tilespmem:s8+$0x30];
	[tilespmem:s25+$0xA560] =	vst v3  }
0x2f6: {  	v3 =	vld [tilespmem:s16+$0x30];
	[tilespmem:s26+$0xA560] =	vst v4  }
0x2f7: {  	v4 =	vld [tilespmem:s5+$0x30];
	_ =	sdelay $0x2  }
0x2f8: {  	[tilespmem:s24+$0xA570] =	vst v2  }
0x2f9: {  	v2 =	vld [tilespmem:s11+$0x0];
	[tilespmem:s25+$0xA570] =	vst v3  }
0x2fa: {  	s6 =	spop (v2sf);
	v3 =	vld [tilespmem:s7+$0x0];
	[tilespmem:s26+$0xA570] =	vst v4  }
0x2fb: {  	v4 =	vld [tilespmem:s6+$0x0];
	_ =	sdelay $0x2  }
0x2fc: {  	[tilespmem:s24+$0xA580] =	vst v2  }
0x2fd: {  	v2 =	vld [tilespmem:s11+$0x10];
	[tilespmem:s25+$0xA580] =	vst v3  }
0x2fe: {  	v3 =	vld [tilespmem:s7+$0x10];
	[tilespmem:s26+$0xA580] =	vst v4  }
0x2ff: {  	v4 =	vld [tilespmem:s6+$0x10];
	_ =	sdelay $0x1  }
0x300: {  	(v2sf) =	vpush v1, $0x7  }
0x301: {  	[tilespmem:s24+$0xA590] =	vst v2  }
0x302: {  	v2 =	vld [tilespmem:s11+$0x20];
	[tilespmem:s25+$0xA590] =	vst v3  }
0x303: {  	v3 =	vld [tilespmem:s7+$0x20];
	[tilespmem:s26+$0xA590] =	vst v4  }
0x304: {  	v4 =	vld [tilespmem:s6+$0x20];
	_ =	sdelay $0x2  }
0x305: {  	[tilespmem:s24+$0xA5A0] =	vst v2  }
0x306: {  	v2 =	vld [tilespmem:s11+$0x30];
	[tilespmem:s25+$0xA5A0] =	vst v3  }
0x307: {  	v3 =	vld [tilespmem:s7+$0x30];
	[tilespmem:s26+$0xA5A0] =	vst v4  }
0x308: {  	v4 =	vld [tilespmem:s6+$0x30];
	_ =	sdelay $0x2  }
0x309: {  	[tilespmem:s24+$0xA5B0] =	vst v2  }
0x30a: {  	v2 =	vld [tilespmem:s14+$0x0];
	[tilespmem:s25+$0xA5B0] =	vst v3  }
0x30b: {  	s8 =	spop (v2sf);
	v3 =	vld [tilespmem:s9+$0x0];
	[tilespmem:s26+$0xA5B0] =	vst v4  }
0x30c: {  	v4 =	vld [tilespmem:s8+$0x0];
	_ =	sdelay $0x2  }
0x30d: {  	[tilespmem:s24+$0xA5C0] =	vst v2  }
0x30e: {  	v2 =	vld [tilespmem:s14+$0x10];
	[tilespmem:s25+$0xA5C0] =	vst v3  }
0x30f: {  	v3 =	vld [tilespmem:s9+$0x10];
	[tilespmem:s26+$0xA5C0] =	vst v4  }
0x310: {  	v4 =	vld [tilespmem:s8+$0x10];
	_ =	sdelay $0x1  }
0x311: {  	(v2sf) =	vpush v1, $0x8  }
0x312: {  	[tilespmem:s24+$0xA5D0] =	vst v2  }
0x313: {  	v2 =	vld [tilespmem:s14+$0x20];
	[tilespmem:s25+$0xA5D0] =	vst v3  }
0x314: {  	v3 =	vld [tilespmem:s9+$0x20];
	[tilespmem:s26+$0xA5D0] =	vst v4  }
0x315: {  	v4 =	vld [tilespmem:s8+$0x20];
	_ =	sdelay $0x2  }
0x316: {  	[tilespmem:s24+$0xA5E0] =	vst v2  }
0x317: {  	v2 =	vld [tilespmem:s14+$0x30];
	[tilespmem:s25+$0xA5E0] =	vst v3  }
0x318: {  	v3 =	vld [tilespmem:s9+$0x30];
	[tilespmem:s26+$0xA5E0] =	vst v4  }
0x319: {  	v4 =	vld [tilespmem:s8+$0x30];
	_ =	sdelay $0x2  }
0x31a: {  	[tilespmem:s24+$0xA5F0] =	vst v2  }
0x31b: {  	v2 =	vld [tilespmem:s13+$0x0];
	[tilespmem:s25+$0xA5F0] =	vst v3  }
0x31c: {  	s9 =	spop (v2sf);
	v3 =	vld [tilespmem:s10+$0x0];
	[tilespmem:s26+$0xA5F0] =	vst v4  }
0x31d: {  	v4 =	vld [tilespmem:s9+$0x0];
	_ =	sdelay $0x2  }
0x31e: {  	[tilespmem:s24+$0xA600] =	vst v2  }
0x31f: {  	v2 =	vld [tilespmem:s13+$0x10];
	[tilespmem:s25+$0xA600] =	vst v3  }
0x320: {  	v3 =	vld [tilespmem:s10+$0x10];
	[tilespmem:s26+$0xA600] =	vst v4  }
0x321: {  	v4 =	vld [tilespmem:s9+$0x10];
	_ =	sdelay $0x1  }
0x322: {  	(v2sf) =	vpush v1, $0x9  }
0x323: {  	[tilespmem:s24+$0xA610] =	vst v2  }
0x324: {  	v2 =	vld [tilespmem:s13+$0x20];
	[tilespmem:s25+$0xA610] =	vst v3  }
0x325: {  	v3 =	vld [tilespmem:s10+$0x20];
	[tilespmem:s26+$0xA610] =	vst v4  }
0x326: {  	v4 =	vld [tilespmem:s9+$0x20];
	_ =	sdelay $0x2  }
0x327: {  	[tilespmem:s24+$0xA620] =	vst v2  }
0x328: {  	v2 =	vld [tilespmem:s13+$0x30];
	[tilespmem:s25+$0xA620] =	vst v3  }
0x329: {  	v3 =	vld [tilespmem:s10+$0x30];
	[tilespmem:s26+$0xA620] =	vst v4  }
0x32a: {  	v4 =	vld [tilespmem:s9+$0x30];
	_ =	sdelay $0x2  }
0x32b: {  	[tilespmem:s24+$0xA630] =	vst v2  }
0x32c: {  	v2 =	vld [tilespmem:s22+$0x0];
	[tilespmem:s25+$0xA630] =	vst v3  }
0x32d: {  	s11 =	spop (v2sf);
	v3 =	vld [tilespmem:s12+$0x0];
	[tilespmem:s26+$0xA630] =	vst v4  }
0x32e: {  	v4 =	vld [tilespmem:s11+$0x0];
	_ =	sdelay $0x2  }
0x32f: {  	[tilespmem:s24+$0xA640] =	vst v2  }
0x330: {  	v2 =	vld [tilespmem:s22+$0x10];
	[tilespmem:s25+$0xA640] =	vst v3  }
0x331: {  	v3 =	vld [tilespmem:s12+$0x10];
	[tilespmem:s26+$0xA640] =	vst v4  }
0x332: {  	v4 =	vld [tilespmem:s11+$0x10];
	_ =	sdelay $0x1  }
0x333: {  	(v2sf) =	vpush v1, $0xA  }
0x334: {  	[tilespmem:s24+$0xA650] =	vst v2  }
0x335: {  	v2 =	vld [tilespmem:s22+$0x20];
	[tilespmem:s25+$0xA650] =	vst v3  }
0x336: {  	v3 =	vld [tilespmem:s12+$0x20];
	[tilespmem:s26+$0xA650] =	vst v4  }
0x337: {  	v4 =	vld [tilespmem:s11+$0x20];
	_ =	sdelay $0x2  }
0x338: {  	[tilespmem:s24+$0xA660] =	vst v2  }
0x339: {  	v2 =	vld [tilespmem:s22+$0x30];
	[tilespmem:s25+$0xA660] =	vst v3  }
0x33a: {  	v3 =	vld [tilespmem:s12+$0x30];
	[tilespmem:s26+$0xA660] =	vst v4  }
0x33b: {  	v4 =	vld [tilespmem:s11+$0x30];
	_ =	sdelay $0x2  }
0x33c: {  	[tilespmem:s24+$0xA670] =	vst v2  }
0x33d: {  	v2 =	vld [tilespmem:s28+$0x0];
	[tilespmem:s25+$0xA670] =	vst v3  }
0x33e: {  	s12 =	spop (v2sf);
	v3 =	vld [tilespmem:s20+$0x0];
	[tilespmem:s26+$0xA670] =	vst v4  }
0x33f: {  	v4 =	vld [tilespmem:s12+$0x0];
	_ =	sdelay $0x2  }
0x340: {  	[tilespmem:s24+$0xA680] =	vst v2  }
0x341: {  	v2 =	vld [tilespmem:s28+$0x10];
	[tilespmem:s25+$0xA680] =	vst v3  }
0x342: {  	v3 =	vld [tilespmem:s20+$0x10];
	[tilespmem:s26+$0xA680] =	vst v4  }
0x343: {  	v4 =	vld [tilespmem:s12+$0x10];
	_ =	sdelay $0x1  }
0x344: {  	(v2sf) =	vpush v1, $0xB  }
0x345: {  	[tilespmem:s24+$0xA690] =	vst v2  }
0x346: {  	v2 =	vld [tilespmem:s28+$0x20];
	[tilespmem:s25+$0xA690] =	vst v3  }
0x347: {  	v3 =	vld [tilespmem:s20+$0x20];
	[tilespmem:s26+$0xA690] =	vst v4  }
0x348: {  	v4 =	vld [tilespmem:s12+$0x20];
	_ =	sdelay $0x2  }
0x349: {  	[tilespmem:s24+$0xA6A0] =	vst v2  }
0x34a: {  	v2 =	vld [tilespmem:s28+$0x30];
	[tilespmem:s25+$0xA6A0] =	vst v3  }
0x34b: {  	v3 =	vld [tilespmem:s20+$0x30];
	[tilespmem:s26+$0xA6A0] =	vst v4  }
0x34c: {  	v4 =	vld [tilespmem:s12+$0x30];
	_ =	sdelay $0x2  }
0x34d: {  	[tilespmem:s24+$0xA6B0] =	vst v2  }
0x34e: {  	v2 =	vld [tilespmem:s29+$0x0];
	[tilespmem:s25+$0xA6B0] =	vst v3  }
0x34f: {  	s13 =	spop (v2sf);
	v3 =	vld [tilespmem:s23+$0x0];
	[tilespmem:s26+$0xA6B0] =	vst v4  }
0x350: {  	v4 =	vld [tilespmem:s13+$0x0];
	_ =	sdelay $0x2  }
0x351: {  	[tilespmem:s24+$0xA6C0] =	vst v2  }
0x352: {  	v2 =	vld [tilespmem:s29+$0x10];
	[tilespmem:s25+$0xA6C0] =	vst v3  }
0x353: {  	v3 =	vld [tilespmem:s23+$0x10];
	[tilespmem:s26+$0xA6C0] =	vst v4  }
0x354: {  	v4 =	vld [tilespmem:s13+$0x10];
	_ =	sdelay $0x1  }
0x355: {  	(v2sf) =	vpush v1, $0xC  }
0x356: {  	[tilespmem:s24+$0xA6D0] =	vst v2  }
0x357: {  	v2 =	vld [tilespmem:s29+$0x20];
	[tilespmem:s25+$0xA6D0] =	vst v3  }
0x358: {  	v3 =	vld [tilespmem:s23+$0x20];
	[tilespmem:s26+$0xA6D0] =	vst v4  }
0x359: {  	v4 =	vld [tilespmem:s13+$0x20];
	_ =	sdelay $0x2  }
0x35a: {  	[tilespmem:s24+$0xA6E0] =	vst v2  }
0x35b: {  	v2 =	vld [tilespmem:s29+$0x30];
	[tilespmem:s25+$0xA6E0] =	vst v3  }
0x35c: {  	v3 =	vld [tilespmem:s23+$0x30];
	[tilespmem:s26+$0xA6E0] =	vst v4  }
0x35d: {  	v4 =	vld [tilespmem:s13+$0x30];
	_ =	sdelay $0x2  }
0x35e: {  	[tilespmem:s24+$0xA6F0] =	vst v2  }
0x35f: {  	v2 =	vld [tilespmem:s31+$0x0];
	[tilespmem:s25+$0xA6F0] =	vst v3  }
0x360: {  	s14 =	spop (v2sf);
	v3 =	vld [tilespmem:s30+$0x0];
	[tilespmem:s26+$0xA6F0] =	vst v4  }
0x361: {  	v4 =	vld [tilespmem:s14+$0x0];
	_ =	sdelay $0x2  }
0x362: {  	[tilespmem:s24+$0xA700] =	vst v2  }
0x363: {  	v2 =	vld [tilespmem:s31+$0x10];
	[tilespmem:s25+$0xA700] =	vst v3  }
0x364: {  	v3 =	vld [tilespmem:s30+$0x10];
	[tilespmem:s26+$0xA700] =	vst v4  }
0x365: {  	v4 =	vld [tilespmem:s14+$0x10];
	_ =	sdelay $0x1  }
0x366: {  	(v2sf) =	vpush v1, $0xD  }
0x367: {  	[tilespmem:s24+$0xA710] =	vst v2  }
0x368: {  	v2 =	vld [tilespmem:s31+$0x20];
	[tilespmem:s25+$0xA710] =	vst v3  }
0x369: {  	v3 =	vld [tilespmem:s30+$0x20];
	[tilespmem:s26+$0xA710] =	vst v4  }
0x36a: {  	v4 =	vld [tilespmem:s14+$0x20];
	_ =	sdelay $0x2  }
0x36b: {  	[tilespmem:s24+$0xA720] =	vst v2  }
0x36c: {  	v2 =	vld [tilespmem:s31+$0x30];
	[tilespmem:s25+$0xA720] =	vst v3  }
0x36d: {  	v3 =	vld [tilespmem:s30+$0x30];
	[tilespmem:s26+$0xA720] =	vst v4  }
0x36e: {  	v4 =	vld [tilespmem:s14+$0x30]  }
0x36f: {  	s15 =	sld [smem:$0x7FA]  }
0x370: {  	s16 =	sld [smem:$0x7FB]  }
0x371: {  	[tilespmem:s24+$0xA730] =	vst v2  }
0x372: {  	v2 =	vld [tilespmem:s15+$0x0];
	[tilespmem:s25+$0xA730] =	vst v3  }
0x373: {  	s17 =	spop (v2sf);
	v3 =	vld [tilespmem:s16+$0x0];
	[tilespmem:s26+$0xA730] =	vst v4  }
0x374: {  	v4 =	vld [tilespmem:s17+$0x0];
	_ =	sdelay $0x2  }
0x375: {  	[tilespmem:s24+$0xA740] =	vst v2  }
0x376: {  	v2 =	vld [tilespmem:s15+$0x10];
	[tilespmem:s25+$0xA740] =	vst v3  }
0x377: {  	v3 =	vld [tilespmem:s16+$0x10];
	[tilespmem:s26+$0xA740] =	vst v4  }
0x378: {  	v4 =	vld [tilespmem:s17+$0x10];
	_ =	sdelay $0x1  }
0x379: {  	(v2sf) =	vpush v1, $0xE  }
0x37a: {  	[tilespmem:s24+$0xA750] =	vst v2  }
0x37b: {  	v2 =	vld [tilespmem:s15+$0x20];
	[tilespmem:s25+$0xA750] =	vst v3  }
0x37c: {  	v3 =	vld [tilespmem:s16+$0x20];
	[tilespmem:s26+$0xA750] =	vst v4  }
0x37d: {  	v4 =	vld [tilespmem:s17+$0x20];
	_ =	sdelay $0x2  }
0x37e: {  	[tilespmem:s24+$0xA760] =	vst v2  }
0x37f: {  	v2 =	vld [tilespmem:s15+$0x30];
	[tilespmem:s25+$0xA760] =	vst v3  }
0x380: {  	v3 =	vld [tilespmem:s16+$0x30];
	[tilespmem:s26+$0xA760] =	vst v4  }
0x381: {  	v4 =	vld [tilespmem:s17+$0x30]  }
0x382: {  	s18 =	sld [smem:$0x7FC]  }
0x383: {  	s20 =	sld [smem:$0x7FD]  }
0x384: {  	[tilespmem:s24+$0xA770] =	vst v2  }
0x385: {  	v2 =	vld [tilespmem:s18+$0x0];
	[tilespmem:s25+$0xA770] =	vst v3  }
0x386: {  	s21 =	spop (v2sf);
	v3 =	vld [tilespmem:s20+$0x0];
	[tilespmem:s26+$0xA770] =	vst v4  }
0x387: {  	v4 =	vld [tilespmem:s21+$0x0];
	_ =	sdelay $0x1  }
0x388: {  	s22 =	rddreg [dreg:$0xe]  }
0x389: {  	v63 =	vld [tilespmem:s22+$0x10];
	[tilespmem:s24+$0xA780] =	vst v2  }
0x38a: {  	v2 =	vld [tilespmem:s18+$0x10];
	[tilespmem:s25+$0xA780] =	vst v3  }
0x38b: {  	v3 =	vld [tilespmem:s20+$0x10];
	[tilespmem:s26+$0xA780] =	vst v4  }
0x38c: {  	v4 =	vld [tilespmem:s21+$0x10];
	_ =	sdelay $0x1  }
0x38d: {  	[tilespmem:s19+$0xA790] =	vst v63;
	(v2sf) =	vpush v1, $0xF  }
0x38e: {  	v1 =	vld [tilespmem:s22+$0x20];
	[tilespmem:s24+$0xA790] =	vst v2  }
0x38f: {  	v2 =	vld [tilespmem:s18+$0x20];
	[tilespmem:s25+$0xA790] =	vst v3  }
0x390: {  	v3 =	vld [tilespmem:s20+$0x20];
	[tilespmem:s26+$0xA790] =	vst v4  }
0x391: {  	v4 =	vld [tilespmem:s21+$0x20];
	_ =	sdelay $0x1  }
0x392: {  	[tilespmem:s19+$0xA7A0] =	vst v1  }
0x393: {  	v1 =	vld [tilespmem:s22+$0x30];
	[tilespmem:s24+$0xA7A0] =	vst v2  }
0x394: {  	v2 =	vld [tilespmem:s18+$0x30];
	[tilespmem:s25+$0xA7A0] =	vst v3  }
0x395: {  	v3 =	vld [tilespmem:s20+$0x30];
	[tilespmem:s26+$0xA7A0] =	vst v4  }
0x396: {  	v4 =	vld [tilespmem:s21+$0x30];
	_ =	sdelay $0x1  }
0x397: {  	s23 =	rddreg [dreg:$0x10];
	[tilespmem:s19+$0xA7B0] =	vst v1  }
0x398: {  	s28 =	rddreg [dreg:$0x16];
	v1 =	vld [tilespmem:s23+$0x0];
	[tilespmem:s24+$0xA7B0] =	vst v2  }
0x399: {  	s29 =	rddreg [dreg:$0x1a];
	v2 =	vld [tilespmem:s28+$0x0];
	[tilespmem:s25+$0xA7B0] =	vst v3  }
0x39a: {  	s30 =	spop (v2sf);
	v3 =	vld [tilespmem:s29+$0x0];
	[tilespmem:s26+$0xA7B0] =	vst v4  }
0x39b: {  	v4 =	vld [tilespmem:s30+$0x0];
	_ =	sdelay $0x1  }
0x39c: {  	[tilespmem:s19+$0xA7C0] =	vst v1  }
0x39d: {  	v1 =	vld [tilespmem:s23+$0x10];
	[tilespmem:s24+$0xA7C0] =	vst v2  }
0x39e: {  	v2 =	vld [tilespmem:s28+$0x10];
	[tilespmem:s25+$0xA7C0] =	vst v3  }
0x39f: {  	v3 =	vld [tilespmem:s29+$0x10];
	[tilespmem:s26+$0xA7C0] =	vst v4  }
0x3a0: {  	v4 =	vld [tilespmem:s30+$0x10];
	_ =	sdelay $0x1  }
0x3a1: {  	[tilespmem:s19+$0xA7D0] =	vst v1  }
0x3a2: {  	v1 =	vld [tilespmem:s23+$0x20];
	[tilespmem:s24+$0xA7D0] =	vst v2  }
0x3a3: {  	v2 =	vld [tilespmem:s28+$0x20];
	[tilespmem:s25+$0xA7D0] =	vst v3  }
0x3a4: {  	v3 =	vld [tilespmem:s29+$0x20];
	[tilespmem:s26+$0xA7D0] =	vst v4  }
0x3a5: {  	v4 =	vld [tilespmem:s30+$0x20];
	_ =	sdelay $0x1  }
0x3a6: {  	[tilespmem:s19+$0xA7E0] =	vst v1  }
0x3a7: {  	v1 =	vld [tilespmem:s23+$0x30];
	[tilespmem:s24+$0xA7E0] =	vst v2  }
0x3a8: {  	v2 =	vld [tilespmem:s28+$0x30];
	[tilespmem:s25+$0xA7E0] =	vst v3  }
0x3a9: {  	s31 =	rddreg [dreg:$0xc];
	v3 =	vld [tilespmem:s29+$0x30];
	[tilespmem:s26+$0xA7E0] =	vst v4  }
0x3aa: {  	p1 =	slt.u32 s31, $0x20;
	v4 =	vld [tilespmem:s30+$0x30]  }
.Ltmp0:
0x3ab: {  	_ = 	snop;
	(pc) =	sbr.rel @p1 .LBB2_3-.Ltmp0, $4  }
0x3ac: {  	[tilespmem:s19+$0xA7F0] =	vst v1  }
0x3ad: {  	[tilespmem:s24+$0xA7F0] =	vst v2  }
0x3ae: {  	[tilespmem:s25+$0xA7F0] =	vst v3  }
0x3af: {  	s0 =	sadd.s32 $0x8, s31;
	[tilespmem:s26+$0xA7F0] =	vst v4  }
0x3b0: {  	s0 =	rddreg [dreg:$0xa]  }
0x3b1: {  	s1 =	rddreg [dreg:$0x1];
	s29 =	simm.s32 $0x0;
	s0 =	sshll.u32 s0, $0x3  }
0x3b2: {  	s2 =	simm.s32 $0xA400;
	s30 =	rddreg [dreg:$0x9];
	s0 =	sadd.s32 s1, s0  }
0x3b3: {  	[hbm4b:s0+s29] =	stream.linear.scatter [tilespmem:s2], [sflag:$0x1], $0xA000, $0x38;
	[tilespmem:$0x1E400] =	vst v63  }
0x3b4: {  	s1 =	sadd.s32 $0x280, s30;
	s0 =	simm.s32 @!p0 $0x2  }
0x3b5: {  	s31 =	sadd.s32 $0x4000, s1;
	_ =	swait.ge @!p0 [sflag:s0], $0xA000  }
0x3b6: {  	v0 =	vmov s31;
	s3 =	rddreg [dreg:$0x3]  }
0x3b7: {  	[sflag:s0] =	ssyncset.done @!p0 $0x0;
	s1 =	sadd.s32 s3, s1  }
0x3b8: {  	[sflag:s0] =	ssyncadd.s32 @!p0 $0xFFFF6000;
	s0 =	simm.s32 $0x0;
	[dreg:$0xb] =	wrdreg s1  }
.LBB2_5:
0x3b9: {  	s16 =	sshll.u32 s0, $0x4  }
0x3ba: {  	s2 =	smov.u32 s0;
	s0 =	sand.u32 $0x3FFFFFF0, s16  }
0x3bb: {  	v1 =	vld.idx.msk [tilespmem:v0+s0+$0x0 ss:$0x1], $0xffff;
	_ =	sdelay $0x4  }
0x3bc: {  	v1 =	vshll.u32 v1, $0x6  }
0x3bd: {  	(v2sf) =	vpush v1, $0x0;
	_ =	sdelay $0xe  }
0x3be: {  	s1 =	spop (v2sf)  }
0x3bf: {  	v2 =	vld [tilespmem:s1+$0x0];
	_ =	sdelay $0x2  }
0x3c0: {  	s17 =	sshll.u32 s2, $0xA  }
0x3c1: {  	s0 =	sand.u32 $0x3FFFFC00, s17  }
0x3c2: {  	[tilespmem:s0+$0x14400] =	vst v2  }
0x3c3: {  	v2 =	vld [tilespmem:s1+$0x10];
	_ =	sdelay $0x1  }
0x3c4: {  	(v2sf) =	vpush v1, $0x1;
	_ =	sdelay $0x2  }
0x3c5: {  	[tilespmem:s0+$0x14410] =	vst v2  }
0x3c6: {  	v2 =	vld [tilespmem:s1+$0x20];
	_ =	sdelay $0x4  }
0x3c7: {  	[tilespmem:s0+$0x14420] =	vst v2  }
0x3c8: {  	v2 =	vld [tilespmem:s1+$0x30];
	_ =	sdelay $0x4  }
0x3c9: {  	s18 =	spop (v2sf);
	[tilespmem:s0+$0x14430] =	vst v2  }
0x3ca: {  	v2 =	vld [tilespmem:s18+$0x0];
	_ =	sdelay $0x4  }
0x3cb: {  	[tilespmem:s0+$0x14440] =	vst v2  }
0x3cc: {  	v2 =	vld [tilespmem:s18+$0x10]  }
0x3cd: {  	(v2sf) =	vpush v1, $0x2;
	_ =	sdelay $0x1  }
0x3ce: {  	(v2sf) =	vpush v1, $0x3  }
0x3cf: {  	(v2sf) =	vpush v1, $0x4  }
0x3d0: {  	(v2sf) =	vpush v1, $0x5;
	[tilespmem:s0+$0x14450] =	vst v2  }
0x3d1: {  	(v2sf) =	vpush v1, $0x6;
	v2 =	vld [tilespmem:s18+$0x20]  }
0x3d2: {  	s11 =	sor.u32 $0x1, s2;
	(v2sf) =	vpush v1, $0x7  }
0x3d3: {  	s16 =	smov.u32 s2;
	s2 =	sshll.u32 s11, $0x4;
	(v2sf) =	vpush v1, $0x8  }
0x3d4: {  	s2 =	sand.u32 $0x3FFFFFF0, s2;
	(v2sf) =	vpush v1, $0x9  }
0x3d5: {  	v3 =	vld.idx.msk [tilespmem:v0+s2+$0x0 ss:$0x1], $0xffff;
	(v2sf) =	vpush v1, $0xA  }
0x3d6: {  	(v2sf) =	vpush v1, $0xB;
	[tilespmem:s0+$0x14460] =	vst v2  }
0x3d7: {  	(v2sf) =	vpush v1, $0xC;
	v2 =	vld [tilespmem:s18+$0x30]  }
0x3d8: {  	(v2sf) =	vpush v1, $0xD  }
0x3d9: {  	(v2sf) =	vpush v1, $0xE  }
0x3da: {  	(v2sf) =	vpush v1, $0xF;
	v1 =	vshll.u32 v3, $0x6  }
0x3db: {  	s19 =	spop (v2sf);
	(v2sf) =	vpush v1, $0x0  }
0x3dc: {  	[tilespmem:s0+$0x14470] =	vst v2  }
0x3dd: {  	s12 =	spop (v2sf);
	v2 =	vld [tilespmem:s19+$0x0]  }
0x3de: {  	s13 =	spop (v2sf)  }
0x3df: {  	s14 =	spop (v2sf)  }
0x3e0: {  	s10 =	spop (v2sf)  }
0x3e1: {  	s9 =	spop (v2sf)  }
0x3e2: {  	s8 =	spop (v2sf);
	[tilespmem:s0+$0x14480] =	vst v2  }
0x3e3: {  	s7 =	spop (v2sf);
	v2 =	vld [tilespmem:s19+$0x10]  }
0x3e4: {  	s6 =	spop (v2sf)  }
0x3e5: {  	s5 =	spop (v2sf)  }
0x3e6: {  	s4 =	spop (v2sf)  }
0x3e7: {  	s3 =	spop (v2sf)  }
0x3e8: {  	s20 =	spop (v2sf);
	[tilespmem:s0+$0x14490] =	vst v2  }
0x3e9: {  	s21 =	spop (v2sf);
	v2 =	vld [tilespmem:s19+$0x20]  }
0x3ea: {  	s15 =	spop (v2sf)  }
0x3eb: {  	v3 =	vld [tilespmem:s15+$0x0];
	_ =	sdelay $0x2  }
0x3ec: {  	s11 =	sshll.u32 s11, $0xA;
	[tilespmem:s0+$0x144A0] =	vst v2  }
0x3ed: {  	v2 =	vld [tilespmem:s19+$0x30];
	s19 =	sand.u32 $0x3FFFFC00, s11  }
0x3ee: {  	[tilespmem:s19+$0x14400] =	vst v3  }
0x3ef: {  	v3 =	vld [tilespmem:s15+$0x10];
	_ =	sdelay $0x1  }
0x3f0: {  	(v2sf) =	vpush v1, $0x1  }
0x3f1: {  	[tilespmem:s0+$0x144B0] =	vst v2  }
0x3f2: {  	v2 =	vld [tilespmem:s12+$0x0]  }
0x3f3: {  	[tilespmem:s19+$0x14410] =	vst v3  }
0x3f4: {  	v3 =	vld [tilespmem:s15+$0x20];
	_ =	sdelay $0x2  }
0x3f5: {  	[tilespmem:s0+$0x144C0] =	vst v2  }
0x3f6: {  	v2 =	vld [tilespmem:s12+$0x10]  }
0x3f7: {  	[tilespmem:s19+$0x14420] =	vst v3  }
0x3f8: {  	v3 =	vld [tilespmem:s15+$0x30];
	_ =	sdelay $0x2  }
0x3f9: {  	[tilespmem:s0+$0x144D0] =	vst v2  }
0x3fa: {  	v2 =	vld [tilespmem:s12+$0x20]  }
0x3fb: {  	s22 =	spop (v2sf);
	[tilespmem:s19+$0x14430] =	vst v3  }
0x3fc: {  	v3 =	vld [tilespmem:s22+$0x0];
	_ =	sdelay $0x2  }
0x3fd: {  	[tilespmem:s0+$0x144E0] =	vst v2  }
0x3fe: {  	v2 =	vld [tilespmem:s12+$0x30]  }
0x3ff: {  	[tilespmem:s19+$0x14440] =	vst v3  }
0x400: {  	v3 =	vld [tilespmem:s22+$0x10];
	_ =	sdelay $0x1  }
0x401: {  	(v2sf) =	vpush v1, $0x2  }
0x402: {  	[tilespmem:s0+$0x144F0] =	vst v2  }
0x403: {  	v2 =	vld [tilespmem:s13+$0x0]  }
0x404: {  	[tilespmem:s19+$0x14450] =	vst v3  }
0x405: {  	v3 =	vld [tilespmem:s22+$0x20];
	_ =	sdelay $0x2  }
0x406: {  	[tilespmem:s0+$0x14500] =	vst v2  }
0x407: {  	v2 =	vld [tilespmem:s13+$0x10]  }
0x408: {  	[tilespmem:s19+$0x14460] =	vst v3  }
0x409: {  	v3 =	vld [tilespmem:s22+$0x30];
	_ =	sdelay $0x2  }
0x40a: {  	[tilespmem:s0+$0x14510] =	vst v2  }
0x40b: {  	v2 =	vld [tilespmem:s13+$0x20]  }
0x40c: {  	s23 =	spop (v2sf);
	[tilespmem:s19+$0x14470] =	vst v3  }
0x40d: {  	v3 =	vld [tilespmem:s23+$0x0];
	_ =	sdelay $0x2  }
0x40e: {  	[tilespmem:s0+$0x14520] =	vst v2  }
0x40f: {  	v2 =	vld [tilespmem:s13+$0x30]  }
0x410: {  	[tilespmem:s19+$0x14480] =	vst v3  }
0x411: {  	v3 =	vld [tilespmem:s23+$0x10];
	_ =	sdelay $0x1  }
0x412: {  	(v2sf) =	vpush v1, $0x3  }
0x413: {  	[tilespmem:s0+$0x14530] =	vst v2  }
0x414: {  	v2 =	vld [tilespmem:s14+$0x0]  }
0x415: {  	[tilespmem:s19+$0x14490] =	vst v3  }
0x416: {  	v3 =	vld [tilespmem:s23+$0x20];
	_ =	sdelay $0x2  }
0x417: {  	[tilespmem:s0+$0x14540] =	vst v2  }
0x418: {  	v2 =	vld [tilespmem:s14+$0x10]  }
0x419: {  	[tilespmem:s19+$0x144A0] =	vst v3  }
0x41a: {  	v3 =	vld [tilespmem:s23+$0x30];
	_ =	sdelay $0x2  }
0x41b: {  	[tilespmem:s0+$0x14550] =	vst v2  }
0x41c: {  	v2 =	vld [tilespmem:s14+$0x20]  }
0x41d: {  	s24 =	spop (v2sf);
	[tilespmem:s19+$0x144B0] =	vst v3  }
0x41e: {  	v3 =	vld [tilespmem:s24+$0x0];
	_ =	sdelay $0x2  }
0x41f: {  	[tilespmem:s0+$0x14560] =	vst v2  }
0x420: {  	v2 =	vld [tilespmem:s14+$0x30]  }
0x421: {  	[tilespmem:s19+$0x144C0] =	vst v3  }
0x422: {  	v3 =	vld [tilespmem:s24+$0x10];
	_ =	sdelay $0x1  }
0x423: {  	(v2sf) =	vpush v1, $0x4  }
0x424: {  	[tilespmem:s0+$0x14570] =	vst v2  }
0x425: {  	v2 =	vld [tilespmem:s10+$0x0]  }
0x426: {  	[tilespmem:s19+$0x144D0] =	vst v3  }
0x427: {  	v3 =	vld [tilespmem:s24+$0x20];
	_ =	sdelay $0x2  }
0x428: {  	[tilespmem:s0+$0x14580] =	vst v2  }
0x429: {  	v2 =	vld [tilespmem:s10+$0x10]  }
0x42a: {  	[tilespmem:s19+$0x144E0] =	vst v3  }
0x42b: {  	v3 =	vld [tilespmem:s24+$0x30];
	_ =	sdelay $0x2  }
0x42c: {  	[tilespmem:s0+$0x14590] =	vst v2  }
0x42d: {  	v2 =	vld [tilespmem:s10+$0x20]  }
0x42e: {  	s25 =	spop (v2sf);
	[tilespmem:s19+$0x144F0] =	vst v3  }
0x42f: {  	v3 =	vld [tilespmem:s25+$0x0];
	_ =	sdelay $0x2  }
0x430: {  	[tilespmem:s0+$0x145A0] =	vst v2  }
0x431: {  	v2 =	vld [tilespmem:s10+$0x30]  }
0x432: {  	[tilespmem:s19+$0x14500] =	vst v3  }
0x433: {  	v3 =	vld [tilespmem:s25+$0x10];
	_ =	sdelay $0x1  }
0x434: {  	(v2sf) =	vpush v1, $0x5  }
0x435: {  	[tilespmem:s0+$0x145B0] =	vst v2  }
0x436: {  	v2 =	vld [tilespmem:s9+$0x0]  }
0x437: {  	[tilespmem:s19+$0x14510] =	vst v3  }
0x438: {  	v3 =	vld [tilespmem:s25+$0x20];
	_ =	sdelay $0x2  }
0x439: {  	[tilespmem:s0+$0x145C0] =	vst v2  }
0x43a: {  	v2 =	vld [tilespmem:s9+$0x10]  }
0x43b: {  	[tilespmem:s19+$0x14520] =	vst v3  }
0x43c: {  	v3 =	vld [tilespmem:s25+$0x30];
	_ =	sdelay $0x2  }
0x43d: {  	[tilespmem:s0+$0x145D0] =	vst v2  }
0x43e: {  	v2 =	vld [tilespmem:s9+$0x20]  }
0x43f: {  	s26 =	spop (v2sf);
	[tilespmem:s19+$0x14530] =	vst v3  }
0x440: {  	v3 =	vld [tilespmem:s26+$0x0];
	_ =	sdelay $0x2  }
0x441: {  	[tilespmem:s0+$0x145E0] =	vst v2  }
0x442: {  	v2 =	vld [tilespmem:s9+$0x30]  }
0x443: {  	[tilespmem:s19+$0x14540] =	vst v3  }
0x444: {  	v3 =	vld [tilespmem:s26+$0x10];
	_ =	sdelay $0x1  }
0x445: {  	(v2sf) =	vpush v1, $0x6  }
0x446: {  	[tilespmem:s0+$0x145F0] =	vst v2  }
0x447: {  	v2 =	vld [tilespmem:s8+$0x0]  }
0x448: {  	[tilespmem:s19+$0x14550] =	vst v3  }
0x449: {  	v3 =	vld [tilespmem:s26+$0x20];
	_ =	sdelay $0x2  }
0x44a: {  	[tilespmem:s0+$0x14600] =	vst v2  }
0x44b: {  	v2 =	vld [tilespmem:s8+$0x10]  }
0x44c: {  	[tilespmem:s19+$0x14560] =	vst v3  }
0x44d: {  	v3 =	vld [tilespmem:s26+$0x30];
	_ =	sdelay $0x2  }
0x44e: {  	[tilespmem:s0+$0x14610] =	vst v2  }
0x44f: {  	v2 =	vld [tilespmem:s8+$0x20]  }
0x450: {  	s28 =	spop (v2sf);
	[tilespmem:s19+$0x14570] =	vst v3  }
0x451: {  	v3 =	vld [tilespmem:s28+$0x0];
	_ =	sdelay $0x2  }
0x452: {  	[tilespmem:s0+$0x14620] =	vst v2  }
0x453: {  	v2 =	vld [tilespmem:s8+$0x30]  }
0x454: {  	[tilespmem:s19+$0x14580] =	vst v3  }
0x455: {  	v3 =	vld [tilespmem:s28+$0x10];
	_ =	sdelay $0x1  }
0x456: {  	(v2sf) =	vpush v1, $0x7  }
0x457: {  	[tilespmem:s0+$0x14630] =	vst v2  }
0x458: {  	v2 =	vld [tilespmem:s7+$0x0]  }
0x459: {  	[tilespmem:s19+$0x14590] =	vst v3  }
0x45a: {  	v3 =	vld [tilespmem:s28+$0x20];
	_ =	sdelay $0x2  }
0x45b: {  	[tilespmem:s0+$0x14640] =	vst v2  }
0x45c: {  	v2 =	vld [tilespmem:s7+$0x10]  }
0x45d: {  	[tilespmem:s19+$0x145A0] =	vst v3  }
0x45e: {  	v3 =	vld [tilespmem:s28+$0x30];
	_ =	sdelay $0x2  }
0x45f: {  	[tilespmem:s0+$0x14650] =	vst v2  }
0x460: {  	v2 =	vld [tilespmem:s7+$0x20]  }
0x461: {  	s29 =	spop (v2sf);
	[tilespmem:s19+$0x145B0] =	vst v3  }
0x462: {  	v3 =	vld [tilespmem:s29+$0x0];
	_ =	sdelay $0x2  }
0x463: {  	[tilespmem:s0+$0x14660] =	vst v2  }
0x464: {  	v2 =	vld [tilespmem:s7+$0x30]  }
0x465: {  	[tilespmem:s19+$0x145C0] =	vst v3  }
0x466: {  	v3 =	vld [tilespmem:s29+$0x10];
	_ =	sdelay $0x1  }
0x467: {  	(v2sf) =	vpush v1, $0x8  }
0x468: {  	[tilespmem:s0+$0x14670] =	vst v2  }
0x469: {  	v2 =	vld [tilespmem:s6+$0x0]  }
0x46a: {  	[tilespmem:s19+$0x145D0] =	vst v3  }
0x46b: {  	v3 =	vld [tilespmem:s29+$0x20];
	_ =	sdelay $0x2  }
0x46c: {  	[tilespmem:s0+$0x14680] =	vst v2  }
0x46d: {  	v2 =	vld [tilespmem:s6+$0x10]  }
0x46e: {  	[tilespmem:s19+$0x145E0] =	vst v3  }
0x46f: {  	v3 =	vld [tilespmem:s29+$0x30];
	_ =	sdelay $0x2  }
0x470: {  	[tilespmem:s0+$0x14690] =	vst v2  }
0x471: {  	v2 =	vld [tilespmem:s6+$0x20]  }
0x472: {  	s30 =	spop (v2sf);
	[tilespmem:s19+$0x145F0] =	vst v3  }
0x473: {  	v3 =	vld [tilespmem:s30+$0x0];
	_ =	sdelay $0x2  }
0x474: {  	[tilespmem:s0+$0x146A0] =	vst v2  }
0x475: {  	v2 =	vld [tilespmem:s6+$0x30]  }
0x476: {  	[tilespmem:s19+$0x14600] =	vst v3  }
0x477: {  	v3 =	vld [tilespmem:s30+$0x10];
	_ =	sdelay $0x1  }
0x478: {  	(v2sf) =	vpush v1, $0x9  }
0x479: {  	[tilespmem:s0+$0x146B0] =	vst v2  }
0x47a: {  	v2 =	vld [tilespmem:s5+$0x0]  }
0x47b: {  	[tilespmem:s19+$0x14610] =	vst v3  }
0x47c: {  	v3 =	vld [tilespmem:s30+$0x20];
	_ =	sdelay $0x2  }
0x47d: {  	[tilespmem:s0+$0x146C0] =	vst v2  }
0x47e: {  	v2 =	vld [tilespmem:s5+$0x10]  }
0x47f: {  	[tilespmem:s19+$0x14620] =	vst v3  }
0x480: {  	v3 =	vld [tilespmem:s30+$0x30];
	_ =	sdelay $0x2  }
0x481: {  	[tilespmem:s0+$0x146D0] =	vst v2  }
0x482: {  	v2 =	vld [tilespmem:s5+$0x20]  }
0x483: {  	s31 =	spop (v2sf);
	[tilespmem:s19+$0x14630] =	vst v3  }
0x484: {  	v3 =	vld [tilespmem:s31+$0x0];
	_ =	sdelay $0x2  }
0x485: {  	[tilespmem:s0+$0x146E0] =	vst v2  }
0x486: {  	v2 =	vld [tilespmem:s5+$0x30]  }
0x487: {  	[tilespmem:s19+$0x14640] =	vst v3  }
0x488: {  	v3 =	vld [tilespmem:s31+$0x10];
	_ =	sdelay $0x1  }
0x489: {  	(v2sf) =	vpush v1, $0xA  }
0x48a: {  	[tilespmem:s0+$0x146F0] =	vst v2  }
0x48b: {  	v2 =	vld [tilespmem:s4+$0x0]  }
0x48c: {  	[tilespmem:s19+$0x14650] =	vst v3  }
0x48d: {  	v3 =	vld [tilespmem:s31+$0x20];
	_ =	sdelay $0x2  }
0x48e: {  	[tilespmem:s0+$0x14700] =	vst v2  }
0x48f: {  	v2 =	vld [tilespmem:s4+$0x10]  }
0x490: {  	[tilespmem:s19+$0x14660] =	vst v3  }
0x491: {  	v3 =	vld [tilespmem:s31+$0x30];
	_ =	sdelay $0x2  }
0x492: {  	[tilespmem:s0+$0x14710] =	vst v2  }
0x493: {  	v2 =	vld [tilespmem:s4+$0x20]  }
0x494: {  	s5 =	spop (v2sf);
	[tilespmem:s19+$0x14670] =	vst v3  }
0x495: {  	v3 =	vld [tilespmem:s5+$0x0];
	_ =	sdelay $0x2  }
0x496: {  	[tilespmem:s0+$0x14720] =	vst v2  }
0x497: {  	v2 =	vld [tilespmem:s4+$0x30]  }
0x498: {  	[tilespmem:s19+$0x14680] =	vst v3  }
0x499: {  	v3 =	vld [tilespmem:s5+$0x10];
	_ =	sdelay $0x1  }
0x49a: {  	(v2sf) =	vpush v1, $0xB  }
0x49b: {  	[tilespmem:s0+$0x14730] =	vst v2  }
0x49c: {  	v2 =	vld [tilespmem:s3+$0x0]  }
0x49d: {  	[tilespmem:s19+$0x14690] =	vst v3  }
0x49e: {  	v3 =	vld [tilespmem:s5+$0x20];
	_ =	sdelay $0x2  }
0x49f: {  	[tilespmem:s0+$0x14740] =	vst v2  }
0x4a0: {  	v2 =	vld [tilespmem:s3+$0x10]  }
0x4a1: {  	[tilespmem:s19+$0x146A0] =	vst v3  }
0x4a2: {  	v3 =	vld [tilespmem:s5+$0x30];
	_ =	sdelay $0x2  }
0x4a3: {  	[tilespmem:s0+$0x14750] =	vst v2  }
0x4a4: {  	v2 =	vld [tilespmem:s3+$0x20]  }
0x4a5: {  	s6 =	spop (v2sf);
	[tilespmem:s19+$0x146B0] =	vst v3  }
0x4a6: {  	v3 =	vld [tilespmem:s6+$0x0];
	_ =	sdelay $0x2  }
0x4a7: {  	[tilespmem:s0+$0x14760] =	vst v2  }
0x4a8: {  	v2 =	vld [tilespmem:s3+$0x30]  }
0x4a9: {  	[tilespmem:s19+$0x146C0] =	vst v3  }
0x4aa: {  	v3 =	vld [tilespmem:s6+$0x10];
	_ =	sdelay $0x1  }
0x4ab: {  	(v2sf) =	vpush v1, $0xC  }
0x4ac: {  	[tilespmem:s0+$0x14770] =	vst v2  }
0x4ad: {  	v2 =	vld [tilespmem:s20+$0x0]  }
0x4ae: {  	[tilespmem:s19+$0x146D0] =	vst v3  }
0x4af: {  	v3 =	vld [tilespmem:s6+$0x20];
	_ =	sdelay $0x2  }
0x4b0: {  	[tilespmem:s0+$0x14780] =	vst v2  }
0x4b1: {  	v2 =	vld [tilespmem:s20+$0x10]  }
0x4b2: {  	[tilespmem:s19+$0x146E0] =	vst v3  }
0x4b3: {  	v3 =	vld [tilespmem:s6+$0x30];
	_ =	sdelay $0x2  }
0x4b4: {  	[tilespmem:s0+$0x14790] =	vst v2  }
0x4b5: {  	v2 =	vld [tilespmem:s20+$0x20]  }
0x4b6: {  	s7 =	spop (v2sf);
	[tilespmem:s19+$0x146F0] =	vst v3  }
0x4b7: {  	v3 =	vld [tilespmem:s7+$0x0];
	_ =	sdelay $0x2  }
0x4b8: {  	[tilespmem:s0+$0x147A0] =	vst v2  }
0x4b9: {  	v2 =	vld [tilespmem:s20+$0x30]  }
0x4ba: {  	[tilespmem:s19+$0x14700] =	vst v3  }
0x4bb: {  	v3 =	vld [tilespmem:s7+$0x10];
	_ =	sdelay $0x1  }
0x4bc: {  	s8 =	sor.u32 $0x2, s16  }
0x4bd: {  	s10 =	sshll.u32 s8, $0x4;
	[tilespmem:s0+$0x147B0] =	vst v2  }
0x4be: {  	s1 =	sand.u32 $0x3FFFFFF0, s10;
	v2 =	vld [tilespmem:s21+$0x0]  }
0x4bf: {  	[tilespmem:s19+$0x14710] =	vst v3;
	v3 =	vld.idx.msk [tilespmem:v0+s1+$0x0 ss:$0x1], $0xffff;
	_ =	sdelay $0x2  }
0x4c0: {  	(v2sf) =	vpush v1, $0xD  }
0x4c1: {  	(v2sf) =	vpush v1, $0xE;
	[tilespmem:s0+$0x147C0] =	vst v2  }
0x4c2: {  	(v2sf) =	vpush v1, $0xF;
	v2 =	vld [tilespmem:s21+$0x10];
	v1 =	vshll.u32 v3, $0x6  }
0x4c3: {  	(v2sf) =	vpush v1, $0x0  }
0x4c4: {  	(v2sf) =	vpush v1, $0x1  }
0x4c5: {  	(v2sf) =	vpush v1, $0x2  }
0x4c6: {  	(v2sf) =	vpush v1, $0x3  }
0x4c7: {  	[tilespmem:s0+$0x147D0] =	vst v2;
	(v2sf) =	vpush v1, $0x4  }
0x4c8: {  	v2 =	vld [tilespmem:s21+$0x20];
	(v2sf) =	vpush v1, $0x5  }
0x4c9: {  	(v2sf) =	vpush v1, $0x6  }
0x4ca: {  	s11 =	sor.u32 $0x3, s16;
	(v2sf) =	vpush v1, $0x7  }
0x4cb: {  	s14 =	sshll.u32 s11, $0x4;
	(v2sf) =	vpush v1, $0x8  }
0x4cc: {  	s2 =	sand.u32 $0x3FFFFFF0, s14;
	(v2sf) =	vpush v1, $0x9  }
0x4cd: {  	v3 =	vld.idx.msk [tilespmem:v0+s2+$0x0 ss:$0x1], $0xffff;
	[tilespmem:s0+$0x147E0] =	vst v2;
	(v2sf) =	vpush v1, $0xA  }
0x4ce: {  	s13 =	smov.u32 s16;
	v2 =	vld [tilespmem:s21+$0x30];
	(v2sf) =	vpush v1, $0xB  }
0x4cf: {  	[dreg:$0xd] =	wrdreg s13;
	s15 =	spop (v2sf);
	(v2sf) =	vpush v1, $0xC  }
0x4d0: {  	[dreg:$0x1d] =	wrdreg s7;
	s16 =	spop (v2sf);
	(v2sf) =	vpush v1, $0xD  }
0x4d1: {  	[smem:$0x7F2] =	sst s15;
	s17 =	spop (v2sf);
	(v2sf) =	vpush v1, $0xE  }
0x4d2: {  	[dreg:$0x19] =	wrdreg s16;
	s18 =	spop (v2sf);
	(v2sf) =	vpush v1, $0xF;
	v1 =	vshll.u32 v3, $0x6  }
0x4d3: {  	[dreg:$0x13] =	wrdreg s17;
	[tilespmem:s0+$0x147F0] =	vst v2;
	s30 =	spop (v2sf);
	(v2sf) =	vpush v1, $0x0  }
0x4d4: {  	v2 =	vld [tilespmem:s7+$0x20];
	s6 =	spop (v2sf)  }
0x4d5: {  	s20 =	spop (v2sf)  }
0x4d6: {  	s16 =	spop (v2sf)  }
0x4d7: {  	s7 =	spop (v2sf)  }
0x4d8: {  	s9 =	spop (v2sf)  }
0x4d9: {  	s10 =	spop (v2sf)  }
0x4da: {  	s12 =	spop (v2sf)  }
0x4db: {  	s17 =	spop (v2sf)  }
0x4dc: {  	s24 =	spop (v2sf)  }
0x4dd: {  	s26 =	spop (v2sf)  }
0x4de: {  	s29 =	spop (v2sf)  }
0x4df: {  	s21 =	spop (v2sf)  }
0x4e0: {  	s22 =	spop (v2sf)  }
0x4e1: {  	s23 =	spop (v2sf)  }
0x4e2: {  	v3 =	vld [tilespmem:s18+$0x0];
	s25 =	spop (v2sf)  }
0x4e3: {  	v4 =	vld [tilespmem:s25+$0x0];
	_ =	sdelay $0x1  }
0x4e4: {  	s0 =	sshll.u32 s8, $0xA  }
0x4e5: {  	s28 =	sshll.u32 s11, $0xA;
	[smem:$0x7F3] =	sst s21;
	s21 =	sand.u32 $0x3FFFFC00, s0  }
0x4e6: {  	[dreg:$0x1f] =	wrdreg s22;
	[tilespmem:s21+$0x14400] =	vst v3;
	s22 =	sand.u32 $0x3FFFFC00, s28  }
0x4e7: {  	v3 =	vld [tilespmem:s18+$0x10];
	[tilespmem:s22+$0x14400] =	vst v4  }
0x4e8: {  	v4 =	vld [tilespmem:s25+$0x10];
	_ =	sdelay $0x1  }
0x4e9: {  	(v2sf) =	vpush v1, $0x1;
	_ =	sdelay $0x1  }
0x4ea: {  	[tilespmem:s21+$0x14410] =	vst v3  }
0x4eb: {  	v3 =	vld [tilespmem:s18+$0x20];
	[tilespmem:s22+$0x14410] =	vst v4  }
0x4ec: {  	v4 =	vld [tilespmem:s25+$0x20]  }
0x4ed: {  	(v2sf) =	vpush v1, $0x2  }
0x4ee: {  	(v2sf) =	vpush v1, $0x3  }
0x4ef: {  	(v2sf) =	vpush v1, $0x4  }
0x4f0: {  	(v2sf) =	vpush v1, $0x5;
	[tilespmem:s21+$0x14420] =	vst v3  }
0x4f1: {  	(v2sf) =	vpush v1, $0x6;
	v3 =	vld [tilespmem:s18+$0x30];
	[tilespmem:s22+$0x14420] =	vst v4  }
0x4f2: {  	s3 =	sor.u32 $0x4, s13;
	(v2sf) =	vpush v1, $0x7;
	v4 =	vld [tilespmem:s25+$0x30]  }
0x4f3: {  	s31 =	sshll.u32 s3, $0x4;
	(v2sf) =	vpush v1, $0x8  }
0x4f4: {  	s0 =	sand.u32 $0x3FFFFFF0, s31;
	(v2sf) =	vpush v1, $0x9  }
0x4f5: {  	v5 =	vld.idx.msk [tilespmem:v0+s0+$0x0 ss:$0x1], $0xffff;
	(v2sf) =	vpush v1, $0xA  }
0x4f6: {  	(v2sf) =	vpush v1, $0xB;
	[tilespmem:s21+$0x14430] =	vst v3  }
0x4f7: {  	(v2sf) =	vpush v1, $0xC;
	s18 =	spop (v2sf);
	v3 =	vld [tilespmem:s30+$0x0];
	[tilespmem:s22+$0x14430] =	vst v4  }
0x4f8: {  	(v2sf) =	vpush v1, $0xD;
	v4 =	vld [tilespmem:s18+$0x0]  }
0x4f9: {  	(v2sf) =	vpush v1, $0xE  }
0x4fa: {  	(v2sf) =	vpush v1, $0xF;
	v1 =	vshll.u32 v5, $0x6  }
0x4fb: {  	(v2sf) =	vpush v1, $0x0  }
0x4fc: {  	s1 =	spop (v2sf);
	[tilespmem:s21+$0x14440] =	vst v3  }
0x4fd: {  	s2 =	spop (v2sf);
	v3 =	vld [tilespmem:s30+$0x10];
	[tilespmem:s22+$0x14440] =	vst v4  }
0x4fe: {  	s4 =	spop (v2sf);
	v4 =	vld [tilespmem:s18+$0x10]  }
0x4ff: {  	s5 =	spop (v2sf)  }
0x500: {  	s15 =	spop (v2sf)  }
0x501: {  	s31 =	spop (v2sf)  }
0x502: {  	s8 =	spop (v2sf);
	[tilespmem:s21+$0x14450] =	vst v3  }
0x503: {  	s11 =	spop (v2sf);
	v3 =	vld [tilespmem:s30+$0x20];
	[tilespmem:s22+$0x14450] =	vst v4  }
0x504: {  	s14 =	spop (v2sf);
	v4 =	vld [tilespmem:s18+$0x20]  }
0x505: {  	s13 =	spop (v2sf)  }
0x506: {  	[dreg:$0x15] =	wrdreg s23;
	s23 =	spop (v2sf)  }
0x507: {  	s25 =	spop (v2sf)  }
0x508: {  	s28 =	spop (v2sf);
	[tilespmem:s21+$0x14460] =	vst v3  }
0x509: {  	v3 =	vld [tilespmem:s30+$0x30];
	s30 =	spop (v2sf);
	[tilespmem:s22+$0x14460] =	vst v4  }
0x50a: {  	s0 =	spop (v2sf);
	v4 =	vld [tilespmem:s18+$0x30]  }
0x50b: {  	v61 =	vld [tilespmem:s0+$0x0];
	_ =	sdelay $0x2  }
0x50c: {  	s3 =	sshll.u32 s3, $0xA;
	[tilespmem:s21+$0x14470] =	vst v3  }
0x50d: {  	v3 =	vld [tilespmem:s6+$0x0];
	s18 =	sand.u32 $0x3FFFFC00, s3;
	[tilespmem:s22+$0x14470] =	vst v4  }
0x50e: {  	[tilespmem:s18+$0x14400] =	vst v61;
	v4 =	vld [tilespmem:s1+$0x0]  }
0x50f: {  	v5 =	vld [tilespmem:s0+$0x10];
	_ =	sdelay $0x1  }
0x510: {  	(v2sf) =	vpush v1, $0x1  }
0x511: {  	[tilespmem:s21+$0x14480] =	vst v3  }
0x512: {  	v3 =	vld [tilespmem:s6+$0x10];
	[tilespmem:s22+$0x14480] =	vst v4  }
0x513: {  	[tilespmem:s18+$0x14410] =	vst v5;
	v4 =	vld [tilespmem:s1+$0x10]  }
0x514: {  	v5 =	vld [tilespmem:s0+$0x20];
	_ =	sdelay $0x2  }
0x515: {  	[tilespmem:s21+$0x14490] =	vst v3  }
0x516: {  	v3 =	vld [tilespmem:s6+$0x20];
	[tilespmem:s22+$0x14490] =	vst v4  }
0x517: {  	[tilespmem:s18+$0x14420] =	vst v5;
	v4 =	vld [tilespmem:s1+$0x20]  }
0x518: {  	v5 =	vld [tilespmem:s0+$0x30];
	_ =	sdelay $0x2  }
0x519: {  	[tilespmem:s21+$0x144A0] =	vst v3  }
0x51a: {  	v3 =	vld [tilespmem:s6+$0x30];
	[tilespmem:s22+$0x144A0] =	vst v4  }
0x51b: {  	[tilespmem:s18+$0x14430] =	vst v5;
	v4 =	vld [tilespmem:s1+$0x30];
	s1 =	spop (v2sf)  }
0x51c: {  	v5 =	vld [tilespmem:s1+$0x0];
	_ =	sdelay $0x2  }
0x51d: {  	[tilespmem:s21+$0x144B0] =	vst v3  }
0x51e: {  	v3 =	vld [tilespmem:s20+$0x0];
	[tilespmem:s22+$0x144B0] =	vst v4  }
0x51f: {  	v4 =	vld [tilespmem:s2+$0x0];
	[tilespmem:s18+$0x14440] =	vst v5  }
0x520: {  	v5 =	vld [tilespmem:s1+$0x10];
	_ =	sdelay $0x1  }
0x521: {  	(v2sf) =	vpush v1, $0x2  }
0x522: {  	[tilespmem:s21+$0x144C0] =	vst v3  }
0x523: {  	v3 =	vld [tilespmem:s20+$0x10];
	[tilespmem:s22+$0x144C0] =	vst v4  }
0x524: {  	v4 =	vld [tilespmem:s2+$0x10];
	[tilespmem:s18+$0x14450] =	vst v5  }
0x525: {  	v5 =	vld [tilespmem:s1+$0x20];
	_ =	sdelay $0x2  }
0x526: {  	[tilespmem:s21+$0x144D0] =	vst v3  }
0x527: {  	v3 =	vld [tilespmem:s20+$0x20];
	[tilespmem:s22+$0x144D0] =	vst v4  }
0x528: {  	v4 =	vld [tilespmem:s2+$0x20];
	[tilespmem:s18+$0x14460] =	vst v5  }
0x529: {  	v5 =	vld [tilespmem:s1+$0x30];
	_ =	sdelay $0x2  }
0x52a: {  	[tilespmem:s21+$0x144E0] =	vst v3  }
0x52b: {  	v3 =	vld [tilespmem:s20+$0x30];
	[tilespmem:s22+$0x144E0] =	vst v4  }
0x52c: {  	s3 =	spop (v2sf);
	v4 =	vld [tilespmem:s2+$0x30];
	[tilespmem:s18+$0x14470] =	vst v5  }
0x52d: {  	v5 =	vld [tilespmem:s3+$0x0];
	_ =	sdelay $0x2  }
0x52e: {  	[tilespmem:s21+$0x144F0] =	vst v3  }
0x52f: {  	v3 =	vld [tilespmem:s16+$0x0];
	[tilespmem:s22+$0x144F0] =	vst v4  }
0x530: {  	v4 =	vld [tilespmem:s4+$0x0];
	[tilespmem:s18+$0x14480] =	vst v5  }
0x531: {  	v5 =	vld [tilespmem:s3+$0x10];
	_ =	sdelay $0x1  }
0x532: {  	(v2sf) =	vpush v1, $0x3  }
0x533: {  	[tilespmem:s21+$0x14500] =	vst v3  }
0x534: {  	v3 =	vld [tilespmem:s16+$0x10];
	[tilespmem:s22+$0x14500] =	vst v4  }
0x535: {  	v4 =	vld [tilespmem:s4+$0x10];
	[tilespmem:s18+$0x14490] =	vst v5  }
0x536: {  	v5 =	vld [tilespmem:s3+$0x20];
	_ =	sdelay $0x2  }
0x537: {  	[tilespmem:s21+$0x14510] =	vst v3  }
0x538: {  	v3 =	vld [tilespmem:s16+$0x20];
	[tilespmem:s22+$0x14510] =	vst v4  }
0x539: {  	v4 =	vld [tilespmem:s4+$0x20];
	[tilespmem:s18+$0x144A0] =	vst v5  }
0x53a: {  	v5 =	vld [tilespmem:s3+$0x30];
	_ =	sdelay $0x2  }
0x53b: {  	[tilespmem:s21+$0x14520] =	vst v3  }
0x53c: {  	v3 =	vld [tilespmem:s16+$0x30];
	[tilespmem:s22+$0x14520] =	vst v4  }
0x53d: {  	s6 =	spop (v2sf);
	v4 =	vld [tilespmem:s4+$0x30];
	[tilespmem:s18+$0x144B0] =	vst v5  }
0x53e: {  	v5 =	vld [tilespmem:s6+$0x0];
	_ =	sdelay $0x2  }
0x53f: {  	[tilespmem:s21+$0x14530] =	vst v3  }
0x540: {  	v3 =	vld [tilespmem:s7+$0x0];
	[tilespmem:s22+$0x14530] =	vst v4  }
0x541: {  	v4 =	vld [tilespmem:s5+$0x0];
	[tilespmem:s18+$0x144C0] =	vst v5  }
0x542: {  	v5 =	vld [tilespmem:s6+$0x10];
	_ =	sdelay $0x1  }
0x543: {  	(v2sf) =	vpush v1, $0x4  }
0x544: {  	[tilespmem:s21+$0x14540] =	vst v3  }
0x545: {  	v3 =	vld [tilespmem:s7+$0x10];
	[tilespmem:s22+$0x14540] =	vst v4  }
0x546: {  	v4 =	vld [tilespmem:s5+$0x10];
	[tilespmem:s18+$0x144D0] =	vst v5  }
0x547: {  	v5 =	vld [tilespmem:s6+$0x20];
	_ =	sdelay $0x2  }
0x548: {  	[tilespmem:s21+$0x14550] =	vst v3  }
0x549: {  	v3 =	vld [tilespmem:s7+$0x20];
	[tilespmem:s22+$0x14550] =	vst v4  }
0x54a: {  	v4 =	vld [tilespmem:s5+$0x20];
	[tilespmem:s18+$0x144E0] =	vst v5  }
0x54b: {  	v5 =	vld [tilespmem:s6+$0x30];
	_ =	sdelay $0x2  }
0x54c: {  	[tilespmem:s21+$0x14560] =	vst v3  }
0x54d: {  	v3 =	vld [tilespmem:s7+$0x30];
	[tilespmem:s22+$0x14560] =	vst v4  }
0x54e: {  	s7 =	spop (v2sf);
	v4 =	vld [tilespmem:s5+$0x30];
	[tilespmem:s18+$0x144F0] =	vst v5  }
0x54f: {  	v5 =	vld [tilespmem:s7+$0x0];
	_ =	sdelay $0x2  }
0x550: {  	[tilespmem:s21+$0x14570] =	vst v3  }
0x551: {  	v3 =	vld [tilespmem:s9+$0x0];
	[tilespmem:s22+$0x14570] =	vst v4  }
0x552: {  	v4 =	vld [tilespmem:s15+$0x0];
	[tilespmem:s18+$0x14500] =	vst v5  }
0x553: {  	v5 =	vld [tilespmem:s7+$0x10];
	_ =	sdelay $0x1  }
0x554: {  	(v2sf) =	vpush v1, $0x5  }
0x555: {  	[tilespmem:s21+$0x14580] =	vst v3  }
0x556: {  	v3 =	vld [tilespmem:s9+$0x10];
	[tilespmem:s22+$0x14580] =	vst v4  }
0x557: {  	v4 =	vld [tilespmem:s15+$0x10];
	[tilespmem:s18+$0x14510] =	vst v5  }
0x558: {  	v5 =	vld [tilespmem:s7+$0x20];
	_ =	sdelay $0x2  }
0x559: {  	[tilespmem:s21+$0x14590] =	vst v3  }
0x55a: {  	v3 =	vld [tilespmem:s9+$0x20];
	[tilespmem:s22+$0x14590] =	vst v4  }
0x55b: {  	v4 =	vld [tilespmem:s15+$0x20];
	[tilespmem:s18+$0x14520] =	vst v5  }
0x55c: {  	v5 =	vld [tilespmem:s7+$0x30];
	_ =	sdelay $0x2  }
0x55d: {  	[tilespmem:s21+$0x145A0] =	vst v3  }
0x55e: {  	v3 =	vld [tilespmem:s9+$0x30];
	[tilespmem:s22+$0x145A0] =	vst v4  }
0x55f: {  	s9 =	spop (v2sf);
	v4 =	vld [tilespmem:s15+$0x30];
	[tilespmem:s18+$0x14530] =	vst v5  }
0x560: {  	v5 =	vld [tilespmem:s9+$0x0];
	_ =	sdelay $0x2  }
0x561: {  	[tilespmem:s21+$0x145B0] =	vst v3  }
0x562: {  	v3 =	vld [tilespmem:s10+$0x0];
	[tilespmem:s22+$0x145B0] =	vst v4  }
0x563: {  	v4 =	vld [tilespmem:s31+$0x0];
	[tilespmem:s18+$0x14540] =	vst v5  }
0x564: {  	v5 =	vld [tilespmem:s9+$0x10];
	_ =	sdelay $0x1  }
0x565: {  	(v2sf) =	vpush v1, $0x6  }
0x566: {  	[tilespmem:s21+$0x145C0] =	vst v3  }
0x567: {  	v3 =	vld [tilespmem:s10+$0x10];
	[tilespmem:s22+$0x145C0] =	vst v4  }
0x568: {  	v4 =	vld [tilespmem:s31+$0x10];
	[tilespmem:s18+$0x14550] =	vst v5  }
0x569: {  	v5 =	vld [tilespmem:s9+$0x20];
	_ =	sdelay $0x2  }
0x56a: {  	[tilespmem:s21+$0x145D0] =	vst v3  }
0x56b: {  	v3 =	vld [tilespmem:s10+$0x20];
	[tilespmem:s22+$0x145D0] =	vst v4  }
0x56c: {  	v4 =	vld [tilespmem:s31+$0x20];
	[tilespmem:s18+$0x14560] =	vst v5  }
0x56d: {  	v5 =	vld [tilespmem:s9+$0x30];
	_ =	sdelay $0x2  }
0x56e: {  	[tilespmem:s21+$0x145E0] =	vst v3  }
0x56f: {  	v3 =	vld [tilespmem:s10+$0x30];
	[tilespmem:s22+$0x145E0] =	vst v4  }
0x570: {  	s15 =	spop (v2sf);
	v4 =	vld [tilespmem:s31+$0x30];
	[tilespmem:s18+$0x14570] =	vst v5  }
0x571: {  	v5 =	vld [tilespmem:s15+$0x0];
	_ =	sdelay $0x2  }
0x572: {  	[tilespmem:s21+$0x145F0] =	vst v3  }
0x573: {  	v3 =	vld [tilespmem:s12+$0x0];
	[tilespmem:s22+$0x145F0] =	vst v4  }
0x574: {  	v4 =	vld [tilespmem:s8+$0x0];
	[tilespmem:s18+$0x14580] =	vst v5  }
0x575: {  	v5 =	vld [tilespmem:s15+$0x10];
	_ =	sdelay $0x1  }
0x576: {  	(v2sf) =	vpush v1, $0x7  }
0x577: {  	[tilespmem:s21+$0x14600] =	vst v3  }
0x578: {  	v3 =	vld [tilespmem:s12+$0x10];
	[tilespmem:s22+$0x14600] =	vst v4  }
0x579: {  	v4 =	vld [tilespmem:s8+$0x10];
	[tilespmem:s18+$0x14590] =	vst v5  }
0x57a: {  	v5 =	vld [tilespmem:s15+$0x20];
	_ =	sdelay $0x2  }
0x57b: {  	[tilespmem:s21+$0x14610] =	vst v3  }
0x57c: {  	v3 =	vld [tilespmem:s12+$0x20];
	[tilespmem:s22+$0x14610] =	vst v4  }
0x57d: {  	v4 =	vld [tilespmem:s8+$0x20];
	[tilespmem:s18+$0x145A0] =	vst v5  }
0x57e: {  	v5 =	vld [tilespmem:s15+$0x30];
	_ =	sdelay $0x2  }
0x57f: {  	[tilespmem:s21+$0x14620] =	vst v3  }
0x580: {  	v3 =	vld [tilespmem:s12+$0x30];
	[tilespmem:s22+$0x14620] =	vst v4  }
0x581: {  	s16 =	spop (v2sf);
	v4 =	vld [tilespmem:s8+$0x30];
	[tilespmem:s18+$0x145B0] =	vst v5  }
0x582: {  	v5 =	vld [tilespmem:s16+$0x0];
	_ =	sdelay $0x2  }
0x583: {  	[tilespmem:s21+$0x14630] =	vst v3  }
0x584: {  	v3 =	vld [tilespmem:s17+$0x0];
	[tilespmem:s22+$0x14630] =	vst v4  }
0x585: {  	v4 =	vld [tilespmem:s11+$0x0];
	[tilespmem:s18+$0x145C0] =	vst v5  }
0x586: {  	v5 =	vld [tilespmem:s16+$0x10];
	_ =	sdelay $0x1  }
0x587: {  	(v2sf) =	vpush v1, $0x8  }
0x588: {  	[tilespmem:s21+$0x14640] =	vst v3  }
0x589: {  	v3 =	vld [tilespmem:s17+$0x10];
	[tilespmem:s22+$0x14640] =	vst v4  }
0x58a: {  	v4 =	vld [tilespmem:s11+$0x10];
	[tilespmem:s18+$0x145D0] =	vst v5  }
0x58b: {  	v5 =	vld [tilespmem:s16+$0x20];
	_ =	sdelay $0x2  }
0x58c: {  	[tilespmem:s21+$0x14650] =	vst v3  }
0x58d: {  	v3 =	vld [tilespmem:s17+$0x20];
	[tilespmem:s22+$0x14650] =	vst v4  }
0x58e: {  	v4 =	vld [tilespmem:s11+$0x20];
	[tilespmem:s18+$0x145E0] =	vst v5  }
0x58f: {  	v5 =	vld [tilespmem:s16+$0x30];
	_ =	sdelay $0x2  }
0x590: {  	[tilespmem:s21+$0x14660] =	vst v3  }
0x591: {  	v3 =	vld [tilespmem:s17+$0x30];
	[tilespmem:s22+$0x14660] =	vst v4  }
0x592: {  	s20 =	spop (v2sf);
	v4 =	vld [tilespmem:s11+$0x30];
	[tilespmem:s18+$0x145F0] =	vst v5  }
0x593: {  	v5 =	vld [tilespmem:s20+$0x0];
	_ =	sdelay $0x2  }
0x594: {  	[tilespmem:s21+$0x14670] =	vst v3  }
0x595: {  	v3 =	vld [tilespmem:s24+$0x0];
	[tilespmem:s22+$0x14670] =	vst v4  }
0x596: {  	v4 =	vld [tilespmem:s14+$0x0];
	[tilespmem:s18+$0x14600] =	vst v5  }
0x597: {  	v5 =	vld [tilespmem:s20+$0x10];
	_ =	sdelay $0x1  }
0x598: {  	(v2sf) =	vpush v1, $0x9  }
0x599: {  	[tilespmem:s21+$0x14680] =	vst v3  }
0x59a: {  	v3 =	vld [tilespmem:s24+$0x10];
	[tilespmem:s22+$0x14680] =	vst v4  }
0x59b: {  	v4 =	vld [tilespmem:s14+$0x10];
	[tilespmem:s18+$0x14610] =	vst v5  }
0x59c: {  	v5 =	vld [tilespmem:s20+$0x20];
	_ =	sdelay $0x2  }
0x59d: {  	[tilespmem:s21+$0x14690] =	vst v3  }
0x59e: {  	v3 =	vld [tilespmem:s24+$0x20];
	[tilespmem:s22+$0x14690] =	vst v4  }
0x59f: {  	v4 =	vld [tilespmem:s14+$0x20];
	[tilespmem:s18+$0x14620] =	vst v5  }
0x5a0: {  	v5 =	vld [tilespmem:s20+$0x30];
	_ =	sdelay $0x2  }
0x5a1: {  	[tilespmem:s21+$0x146A0] =	vst v3  }
0x5a2: {  	v3 =	vld [tilespmem:s24+$0x30];
	[tilespmem:s22+$0x146A0] =	vst v4  }
0x5a3: {  	s24 =	spop (v2sf);
	v4 =	vld [tilespmem:s14+$0x30];
	[tilespmem:s18+$0x14630] =	vst v5  }
0x5a4: {  	v5 =	vld [tilespmem:s24+$0x0];
	_ =	sdelay $0x2  }
0x5a5: {  	[tilespmem:s21+$0x146B0] =	vst v3  }
0x5a6: {  	v3 =	vld [tilespmem:s26+$0x0];
	[tilespmem:s22+$0x146B0] =	vst v4  }
0x5a7: {  	v4 =	vld [tilespmem:s13+$0x0];
	[tilespmem:s18+$0x14640] =	vst v5  }
0x5a8: {  	v5 =	vld [tilespmem:s24+$0x10];
	_ =	sdelay $0x1  }
0x5a9: {  	(v2sf) =	vpush v1, $0xA  }
0x5aa: {  	[tilespmem:s21+$0x146C0] =	vst v3  }
0x5ab: {  	v3 =	vld [tilespmem:s26+$0x10];
	[tilespmem:s22+$0x146C0] =	vst v4  }
0x5ac: {  	v4 =	vld [tilespmem:s13+$0x10];
	[tilespmem:s18+$0x14650] =	vst v5  }
0x5ad: {  	v5 =	vld [tilespmem:s24+$0x20];
	_ =	sdelay $0x2  }
0x5ae: {  	[tilespmem:s21+$0x146D0] =	vst v3  }
0x5af: {  	v3 =	vld [tilespmem:s26+$0x20];
	[tilespmem:s22+$0x146D0] =	vst v4  }
0x5b0: {  	v4 =	vld [tilespmem:s13+$0x20];
	[tilespmem:s18+$0x14660] =	vst v5  }
0x5b1: {  	v5 =	vld [tilespmem:s24+$0x30];
	_ =	sdelay $0x2  }
0x5b2: {  	[tilespmem:s21+$0x146E0] =	vst v3  }
0x5b3: {  	v3 =	vld [tilespmem:s26+$0x30];
	[tilespmem:s22+$0x146E0] =	vst v4  }
0x5b4: {  	s31 =	spop (v2sf);
	v4 =	vld [tilespmem:s13+$0x30];
	[tilespmem:s18+$0x14670] =	vst v5  }
0x5b5: {  	v5 =	vld [tilespmem:s31+$0x0];
	_ =	sdelay $0x1  }
0x5b6: {  	[tilespmem:s19+$0x14720] =	vst v2;
	s1 =	rddreg [dreg:$0x1d]  }
0x5b7: {  	v2 =	vld [tilespmem:s1+$0x30];
	[tilespmem:s21+$0x146F0] =	vst v3  }
0x5b8: {  	v3 =	vld [tilespmem:s29+$0x0];
	[tilespmem:s22+$0x146F0] =	vst v4  }
0x5b9: {  	v4 =	vld [tilespmem:s23+$0x0];
	[tilespmem:s18+$0x14680] =	vst v5  }
0x5ba: {  	s3 =	sld [smem:$0x7F2];
	v5 =	vld [tilespmem:s31+$0x10];
	_ =	sdelay $0x1  }
0x5bb: {  	(v2sf) =	vpush v1, $0xB;
	[tilespmem:s19+$0x14730] =	vst v2  }
0x5bc: {  	v2 =	vld [tilespmem:s3+$0x0];
	[tilespmem:s21+$0x14700] =	vst v3  }
0x5bd: {  	v3 =	vld [tilespmem:s29+$0x10];
	[tilespmem:s22+$0x14700] =	vst v4  }
0x5be: {  	v4 =	vld [tilespmem:s23+$0x10];
	[tilespmem:s18+$0x14690] =	vst v5  }
0x5bf: {  	v5 =	vld [tilespmem:s31+$0x20];
	_ =	sdelay $0x1  }
0x5c0: {  	[tilespmem:s19+$0x14740] =	vst v2  }
0x5c1: {  	v2 =	vld [tilespmem:s3+$0x10];
	[tilespmem:s21+$0x14710] =	vst v3  }
0x5c2: {  	v3 =	vld [tilespmem:s29+$0x20];
	[tilespmem:s22+$0x14710] =	vst v4  }
0x5c3: {  	v4 =	vld [tilespmem:s23+$0x20];
	[tilespmem:s18+$0x146A0] =	vst v5  }
0x5c4: {  	v5 =	vld [tilespmem:s31+$0x30];
	_ =	sdelay $0x1  }
0x5c5: {  	[tilespmem:s19+$0x14750] =	vst v2  }
0x5c6: {  	v2 =	vld [tilespmem:s3+$0x20];
	[tilespmem:s21+$0x14720] =	vst v3  }
0x5c7: {  	v3 =	vld [tilespmem:s29+$0x30];
	[tilespmem:s22+$0x14720] =	vst v4  }
0x5c8: {  	s2 =	spop (v2sf);
	v4 =	vld [tilespmem:s23+$0x30];
	[tilespmem:s18+$0x146B0] =	vst v5  }
0x5c9: {  	v5 =	vld [tilespmem:s2+$0x0]  }
0x5ca: {  	s4 =	sld [smem:$0x7F3]  }
0x5cb: {  	[tilespmem:s19+$0x14760] =	vst v2  }
0x5cc: {  	v2 =	vld [tilespmem:s3+$0x30];
	[tilespmem:s21+$0x14730] =	vst v3  }
0x5cd: {  	v3 =	vld [tilespmem:s4+$0x0];
	[tilespmem:s22+$0x14730] =	vst v4  }
0x5ce: {  	v4 =	vld [tilespmem:s25+$0x0];
	[tilespmem:s18+$0x146C0] =	vst v5  }
0x5cf: {  	v5 =	vld [tilespmem:s2+$0x10];
	_ =	sdelay $0x1  }
0x5d0: {  	(v2sf) =	vpush v1, $0xC;
	s6 =	rddreg [dreg:$0x19];
	[tilespmem:s19+$0x14770] =	vst v2  }
0x5d1: {  	v2 =	vld [tilespmem:s6+$0x0];
	[tilespmem:s21+$0x14740] =	vst v3  }
0x5d2: {  	v3 =	vld [tilespmem:s4+$0x10];
	[tilespmem:s22+$0x14740] =	vst v4  }
0x5d3: {  	v4 =	vld [tilespmem:s25+$0x10];
	[tilespmem:s18+$0x146D0] =	vst v5  }
0x5d4: {  	v5 =	vld [tilespmem:s2+$0x20];
	_ =	sdelay $0x1  }
0x5d5: {  	[tilespmem:s19+$0x14780] =	vst v2  }
0x5d6: {  	v2 =	vld [tilespmem:s6+$0x10];
	[tilespmem:s21+$0x14750] =	vst v3  }
0x5d7: {  	v3 =	vld [tilespmem:s4+$0x20];
	[tilespmem:s22+$0x14750] =	vst v4  }
0x5d8: {  	v4 =	vld [tilespmem:s25+$0x20];
	[tilespmem:s18+$0x146E0] =	vst v5  }
0x5d9: {  	v5 =	vld [tilespmem:s2+$0x30];
	_ =	sdelay $0x1  }
0x5da: {  	[tilespmem:s19+$0x14790] =	vst v2  }
0x5db: {  	v2 =	vld [tilespmem:s6+$0x20];
	[tilespmem:s21+$0x14760] =	vst v3  }
0x5dc: {  	v3 =	vld [tilespmem:s4+$0x30];
	[tilespmem:s22+$0x14760] =	vst v4  }
0x5dd: {  	s5 =	spop (v2sf);
	v4 =	vld [tilespmem:s25+$0x30];
	[tilespmem:s18+$0x146F0] =	vst v5  }
0x5de: {  	v5 =	vld [tilespmem:s5+$0x0];
	_ =	sdelay $0x1  }
0x5df: {  	[tilespmem:s19+$0x147A0] =	vst v2  }
0x5e0: {  	v2 =	vld [tilespmem:s6+$0x30];
	s7 =	rddreg [dreg:$0x1f];
	[tilespmem:s21+$0x14770] =	vst v3  }
0x5e1: {  	v3 =	vld [tilespmem:s7+$0x0];
	[tilespmem:s22+$0x14770] =	vst v4  }
0x5e2: {  	v4 =	vld [tilespmem:s28+$0x0];
	[tilespmem:s18+$0x14700] =	vst v5  }
0x5e3: {  	v5 =	vld [tilespmem:s5+$0x10];
	_ =	sdelay $0x1  }
0x5e4: {  	(v2sf) =	vpush v1, $0xD;
	[tilespmem:s19+$0x147B0] =	vst v2;
	s9 =	rddreg [dreg:$0x13]  }
0x5e5: {  	v2 =	vld [tilespmem:s9+$0x0];
	[tilespmem:s21+$0x14780] =	vst v3  }
0x5e6: {  	v3 =	vld [tilespmem:s7+$0x10];
	[tilespmem:s22+$0x14780] =	vst v4  }
0x5e7: {  	v4 =	vld [tilespmem:s28+$0x10];
	[tilespmem:s18+$0x14710] =	vst v5  }
0x5e8: {  	v5 =	vld [tilespmem:s5+$0x20];
	_ =	sdelay $0x1  }
0x5e9: {  	[tilespmem:s19+$0x147C0] =	vst v2  }
0x5ea: {  	v2 =	vld [tilespmem:s9+$0x10];
	[tilespmem:s21+$0x14790] =	vst v3  }
0x5eb: {  	v3 =	vld [tilespmem:s7+$0x20];
	[tilespmem:s22+$0x14790] =	vst v4  }
0x5ec: {  	v4 =	vld [tilespmem:s28+$0x20];
	[tilespmem:s18+$0x14720] =	vst v5  }
0x5ed: {  	v5 =	vld [tilespmem:s5+$0x30];
	_ =	sdelay $0x1  }
0x5ee: {  	[tilespmem:s19+$0x147D0] =	vst v2  }
0x5ef: {  	v2 =	vld [tilespmem:s9+$0x20];
	[tilespmem:s21+$0x147A0] =	vst v3  }
0x5f0: {  	v3 =	vld [tilespmem:s7+$0x30];
	[tilespmem:s22+$0x147A0] =	vst v4  }
0x5f1: {  	s8 =	spop (v2sf);
	v4 =	vld [tilespmem:s28+$0x30];
	[tilespmem:s18+$0x14730] =	vst v5  }
0x5f2: {  	v5 =	vld [tilespmem:s8+$0x0];
	_ =	sdelay $0x1  }
0x5f3: {  	[tilespmem:s19+$0x147E0] =	vst v2  }
0x5f4: {  	s10 =	rddreg [dreg:$0x15];
	v2 =	vld [tilespmem:s9+$0x30];
	[tilespmem:s21+$0x147B0] =	vst v3  }
0x5f5: {  	v3 =	vld [tilespmem:s10+$0x0];
	[tilespmem:s22+$0x147B0] =	vst v4  }
0x5f6: {  	s12 =	rddreg [dreg:$0xd];
	v4 =	vld [tilespmem:s30+$0x0];
	[tilespmem:s18+$0x14740] =	vst v5  }
0x5f7: {  	s23 =	sor.u32 $0x5, s12;
	v5 =	vld [tilespmem:s8+$0x10]  }
0x5f8: {  	s14 =	sshll.u32 s23, $0x4  }
0x5f9: {  	(v2sf) =	vpush v1, $0xE;
	[tilespmem:s19+$0x147F0] =	vst v2;
	s0 =	sand.u32 $0x3FFFFFF0, s14  }
0x5fa: {  	v2 =	vld.idx.msk [tilespmem:v0+s0+$0x0 ss:$0x1], $0xffff;
	[tilespmem:s21+$0x147C0] =	vst v3  }
0x5fb: {  	v3 =	vld [tilespmem:s10+$0x10];
	[tilespmem:s22+$0x147C0] =	vst v4  }
0x5fc: {  	v4 =	vld [tilespmem:s30+$0x10];
	[tilespmem:s18+$0x14750] =	vst v5  }
0x5fd: {  	v5 =	vld [tilespmem:s8+$0x20];
	_ =	sdelay $0x2  }
0x5fe: {  	[tilespmem:s21+$0x147D0] =	vst v3  }
0x5ff: {  	v3 =	vld [tilespmem:s10+$0x20];
	[tilespmem:s22+$0x147D0] =	vst v4  }
0x600: {  	(v2sf) =	vpush v1, $0xF;
	v1 =	vshll.u32 v2, $0x6;
	v4 =	vld [tilespmem:s30+$0x20];
	[tilespmem:s18+$0x14760] =	vst v5  }
0x601: {  	(v2sf) =	vpush v1, $0x0;
	v5 =	vld [tilespmem:s8+$0x30]  }
0x602: {  	(v2sf) =	vpush v1, $0x1  }
0x603: {  	(v2sf) =	vpush v1, $0x2  }
0x604: {  	(v2sf) =	vpush v1, $0x3;
	[tilespmem:s21+$0x147E0] =	vst v3  }
0x605: {  	(v2sf) =	vpush v1, $0x4;
	v3 =	vld [tilespmem:s10+$0x30];
	[tilespmem:s22+$0x147E0] =	vst v4  }
0x606: {  	s11 =	spop (v2sf);
	(v2sf) =	vpush v1, $0x5;
	v4 =	vld [tilespmem:s30+$0x30];
	[tilespmem:s18+$0x14770] =	vst v5  }
0x607: {  	(v2sf) =	vpush v1, $0x6;
	v5 =	vld [tilespmem:s11+$0x0]  }
0x608: {  	s24 =	sor.u32 $0x6, s12;
	(v2sf) =	vpush v1, $0x7  }
0x609: {  	s15 =	sshll.u32 s24, $0x4;
	(v2sf) =	vpush v1, $0x8  }
0x60a: {  	s0 =	sand.u32 $0x3FFFFFF0, s15;
	(v2sf) =	vpush v1, $0x9;
	[tilespmem:s21+$0x147F0] =	vst v3  }
0x60b: {  	v2 =	vld.idx.msk [tilespmem:v0+s0+$0x0 ss:$0x1], $0xffff;
	(v2sf) =	vpush v1, $0xA;
	[tilespmem:s22+$0x147F0] =	vst v4  }
0x60c: {  	[dreg:$0xf] =	wrdreg s11;
	(v2sf) =	vpush v1, $0xB;
	[tilespmem:s18+$0x14780] =	vst v5  }
0x60d: {  	(v2sf) =	vpush v1, $0xC  }
0x60e: {  	(v2sf) =	vpush v1, $0xD  }
0x60f: {  	s16 =	spop (v2sf);
	(v2sf) =	vpush v1, $0xE  }
0x610: {  	s3 =	spop (v2sf);
	(v2sf) =	vpush v1, $0xF;
	v1 =	vshll.u32 v2, $0x6  }
0x611: {  	s5 =	spop (v2sf);
	(v2sf) =	vpush v1, $0x0  }
0x612: {  	s20 =	spop (v2sf);
	(v2sf) =	vpush v1, $0x1  }
0x613: {  	s15 =	spop (v2sf);
	(v2sf) =	vpush v1, $0x2  }
0x614: {  	s31 =	spop (v2sf);
	(v2sf) =	vpush v1, $0x3  }
0x615: {  	s8 =	spop (v2sf);
	(v2sf) =	vpush v1, $0x4  }
0x616: {  	s11 =	spop (v2sf);
	(v2sf) =	vpush v1, $0x5  }
0x617: {  	s14 =	spop (v2sf);
	(v2sf) =	vpush v1, $0x6  }
0x618: {  	s25 =	sor.u32 $0x7, s12;
	s13 =	spop (v2sf);
	(v2sf) =	vpush v1, $0x7  }
0x619: {  	s17 =	sshll.u32 s25, $0x4;
	s21 =	spop (v2sf);
	(v2sf) =	vpush v1, $0x8  }
0x61a: {  	s0 =	sand.u32 $0x3FFFFFF0, s17;
	s26 =	spop (v2sf);
	(v2sf) =	vpush v1, $0x9  }
0x61b: {  	v2 =	vld.idx.msk [tilespmem:v0+s0+$0x0 ss:$0x1], $0xffff;
	s28 =	spop (v2sf);
	(v2sf) =	vpush v1, $0xA  }
0x61c: {  	s30 =	spop (v2sf);
	(v2sf) =	vpush v1, $0xB  }
0x61d: {  	s19 =	spop (v2sf);
	(v2sf) =	vpush v1, $0xC  }
0x61e: {  	s22 =	spop (v2sf);
	(v2sf) =	vpush v1, $0xD  }
0x61f: {  	s29 =	spop (v2sf);
	(v2sf) =	vpush v1, $0xE  }
0x620: {  	s1 =	spop (v2sf);
	(v2sf) =	vpush v1, $0xF;
	v1 =	vshll.u32 v2, $0x6  }
0x621: {  	s2 =	spop (v2sf);
	(v2sf) =	vpush v1, $0x0  }
0x622: {  	s4 =	spop (v2sf)  }
0x623: {  	s6 =	spop (v2sf)  }
0x624: {  	s17 =	spop (v2sf)  }
0x625: {  	[dreg:$0x11] =	wrdreg s16;
	s16 =	spop (v2sf)  }
0x626: {  	s7 =	spop (v2sf)  }
0x627: {  	s9 =	spop (v2sf)  }
0x628: {  	s10 =	spop (v2sf)  }
0x629: {  	s12 =	spop (v2sf)  }
0x62a: {  	[smem:$0x7F4] =	sst s19;
	s19 =	spop (v2sf)  }
0x62b: {  	[smem:$0x7F6] =	sst s22;
	s22 =	spop (v2sf)  }
0x62c: {  	[dreg:$0x17] =	wrdreg s29;
	s29 =	spop (v2sf)  }
0x62d: {  	s0 =	spop (v2sf)  }
0x62e: {  	[smem:$0x7F5] =	sst s0;
	s0 =	spop (v2sf)  }
0x62f: {  	v2 =	vld [tilespmem:s3+$0x0];
	[smem:$0x7F7] =	sst s0;
	s0 =	spop (v2sf)  }
0x630: {  	v3 =	vld [tilespmem:s1+$0x0];
	[dreg:$0x1b] =	wrdreg s0;
	s0 =	spop (v2sf)  }
0x631: {  	v62 =	vld [tilespmem:s0+$0x0]  }
0x632: {  	s23 =	sshll.u32 s23, $0xA  }
0x633: {  	s24 =	sshll.u32 s24, $0xA;
	s23 =	sand.u32 $0x3FFFFC00, s23  }
0x634: {  	s24 =	sand.u32 $0x3FFFFC00, s24;
	s25 =	sshll.u32 s25, $0xA;
	[tilespmem:s23+$0x14400] =	vst v2  }
0x635: {  	s25 =	sand.u32 $0x3FFFFC00, s25;
	v2 =	vld [tilespmem:s3+$0x10];
	[tilespmem:s24+$0x14400] =	vst v3  }
0x636: {  	v3 =	vld [tilespmem:s1+$0x10];
	[tilespmem:s25+$0x14400] =	vst v62  }
0x637: {  	v4 =	vld [tilespmem:s0+$0x10];
	_ =	sdelay $0x1  }
0x638: {  	(v2sf) =	vpush v1, $0x1  }
0x639: {  	[tilespmem:s23+$0x14410] =	vst v2  }
0x63a: {  	v2 =	vld [tilespmem:s3+$0x20];
	[tilespmem:s24+$0x14410] =	vst v3  }
0x63b: {  	v3 =	vld [tilespmem:s1+$0x20];
	[tilespmem:s25+$0x14410] =	vst v4  }
0x63c: {  	v4 =	vld [tilespmem:s0+$0x20];
	_ =	sdelay $0x2  }
0x63d: {  	[tilespmem:s23+$0x14420] =	vst v2  }
0x63e: {  	v2 =	vld [tilespmem:s3+$0x30];
	[tilespmem:s24+$0x14420] =	vst v3  }
0x63f: {  	v3 =	vld [tilespmem:s1+$0x30];
	[tilespmem:s25+$0x14420] =	vst v4  }
0x640: {  	v4 =	vld [tilespmem:s0+$0x30];
	_ =	sdelay $0x2  }
0x641: {  	[tilespmem:s23+$0x14430] =	vst v2  }
0x642: {  	v2 =	vld [tilespmem:s5+$0x0];
	[tilespmem:s24+$0x14430] =	vst v3  }
0x643: {  	v3 =	vld [tilespmem:s2+$0x0];
	s1 =	spop (v2sf);
	[tilespmem:s25+$0x14430] =	vst v4  }
0x644: {  	v4 =	vld [tilespmem:s1+$0x0];
	_ =	sdelay $0x2  }
0x645: {  	[tilespmem:s23+$0x14440] =	vst v2  }
0x646: {  	v2 =	vld [tilespmem:s5+$0x10];
	[tilespmem:s24+$0x14440] =	vst v3  }
0x647: {  	v3 =	vld [tilespmem:s2+$0x10];
	[tilespmem:s25+$0x14440] =	vst v4  }
0x648: {  	v4 =	vld [tilespmem:s1+$0x10];
	_ =	sdelay $0x1  }
0x649: {  	(v2sf) =	vpush v1, $0x2  }
0x64a: {  	[tilespmem:s23+$0x14450] =	vst v2  }
0x64b: {  	v2 =	vld [tilespmem:s5+$0x20];
	[tilespmem:s24+$0x14450] =	vst v3  }
0x64c: {  	v3 =	vld [tilespmem:s2+$0x20];
	[tilespmem:s25+$0x14450] =	vst v4  }
0x64d: {  	v4 =	vld [tilespmem:s1+$0x20];
	_ =	sdelay $0x2  }
0x64e: {  	[tilespmem:s23+$0x14460] =	vst v2  }
0x64f: {  	v2 =	vld [tilespmem:s5+$0x30];
	[tilespmem:s24+$0x14460] =	vst v3  }
0x650: {  	v3 =	vld [tilespmem:s2+$0x30];
	[tilespmem:s25+$0x14460] =	vst v4  }
0x651: {  	v4 =	vld [tilespmem:s1+$0x30];
	_ =	sdelay $0x2  }
0x652: {  	[tilespmem:s23+$0x14470] =	vst v2  }
0x653: {  	v2 =	vld [tilespmem:s20+$0x0];
	[tilespmem:s24+$0x14470] =	vst v3  }
0x654: {  	s2 =	spop (v2sf);
	v3 =	vld [tilespmem:s4+$0x0];
	[tilespmem:s25+$0x14470] =	vst v4  }
0x655: {  	v4 =	vld [tilespmem:s2+$0x0];
	_ =	sdelay $0x2  }
0x656: {  	[tilespmem:s23+$0x14480] =	vst v2  }
0x657: {  	v2 =	vld [tilespmem:s20+$0x10];
	[tilespmem:s24+$0x14480] =	vst v3  }
0x658: {  	v3 =	vld [tilespmem:s4+$0x10];
	[tilespmem:s25+$0x14480] =	vst v4  }
0x659: {  	v4 =	vld [tilespmem:s2+$0x10];
	_ =	sdelay $0x1  }
0x65a: {  	(v2sf) =	vpush v1, $0x3  }
0x65b: {  	[tilespmem:s23+$0x14490] =	vst v2  }
0x65c: {  	v2 =	vld [tilespmem:s20+$0x20];
	[tilespmem:s24+$0x14490] =	vst v3  }
0x65d: {  	v3 =	vld [tilespmem:s4+$0x20];
	[tilespmem:s25+$0x14490] =	vst v4  }
0x65e: {  	v4 =	vld [tilespmem:s2+$0x20];
	_ =	sdelay $0x2  }
0x65f: {  	[tilespmem:s23+$0x144A0] =	vst v2  }
0x660: {  	v2 =	vld [tilespmem:s20+$0x30];
	[tilespmem:s24+$0x144A0] =	vst v3  }
0x661: {  	v3 =	vld [tilespmem:s4+$0x30];
	[tilespmem:s25+$0x144A0] =	vst v4  }
0x662: {  	v4 =	vld [tilespmem:s2+$0x30];
	_ =	sdelay $0x2  }
0x663: {  	[tilespmem:s23+$0x144B0] =	vst v2  }
0x664: {  	v2 =	vld [tilespmem:s15+$0x0];
	[tilespmem:s24+$0x144B0] =	vst v3  }
0x665: {  	s3 =	spop (v2sf);
	v3 =	vld [tilespmem:s6+$0x0];
	[tilespmem:s25+$0x144B0] =	vst v4  }
0x666: {  	v4 =	vld [tilespmem:s3+$0x0];
	_ =	sdelay $0x2  }
0x667: {  	[tilespmem:s23+$0x144C0] =	vst v2  }
0x668: {  	v2 =	vld [tilespmem:s15+$0x10];
	[tilespmem:s24+$0x144C0] =	vst v3  }
0x669: {  	v3 =	vld [tilespmem:s6+$0x10];
	[tilespmem:s25+$0x144C0] =	vst v4  }
0x66a: {  	v4 =	vld [tilespmem:s3+$0x10];
	_ =	sdelay $0x1  }
0x66b: {  	(v2sf) =	vpush v1, $0x4  }
0x66c: {  	[tilespmem:s23+$0x144D0] =	vst v2  }
0x66d: {  	v2 =	vld [tilespmem:s15+$0x20];
	[tilespmem:s24+$0x144D0] =	vst v3  }
0x66e: {  	v3 =	vld [tilespmem:s6+$0x20];
	[tilespmem:s25+$0x144D0] =	vst v4  }
0x66f: {  	v4 =	vld [tilespmem:s3+$0x20];
	_ =	sdelay $0x2  }
0x670: {  	[tilespmem:s23+$0x144E0] =	vst v2  }
0x671: {  	v2 =	vld [tilespmem:s15+$0x30];
	[tilespmem:s24+$0x144E0] =	vst v3  }
0x672: {  	v3 =	vld [tilespmem:s6+$0x30];
	[tilespmem:s25+$0x144E0] =	vst v4  }
0x673: {  	v4 =	vld [tilespmem:s3+$0x30];
	_ =	sdelay $0x2  }
0x674: {  	[tilespmem:s23+$0x144F0] =	vst v2  }
0x675: {  	v2 =	vld [tilespmem:s31+$0x0];
	[tilespmem:s24+$0x144F0] =	vst v3  }
0x676: {  	s4 =	spop (v2sf);
	v3 =	vld [tilespmem:s17+$0x0];
	[tilespmem:s25+$0x144F0] =	vst v4  }
0x677: {  	v4 =	vld [tilespmem:s4+$0x0];
	_ =	sdelay $0x2  }
0x678: {  	[tilespmem:s23+$0x14500] =	vst v2  }
0x679: {  	v2 =	vld [tilespmem:s31+$0x10];
	[tilespmem:s24+$0x14500] =	vst v3  }
0x67a: {  	v3 =	vld [tilespmem:s17+$0x10];
	[tilespmem:s25+$0x14500] =	vst v4  }
0x67b: {  	v4 =	vld [tilespmem:s4+$0x10];
	_ =	sdelay $0x1  }
0x67c: {  	(v2sf) =	vpush v1, $0x5  }
0x67d: {  	[tilespmem:s23+$0x14510] =	vst v2  }
0x67e: {  	v2 =	vld [tilespmem:s31+$0x20];
	[tilespmem:s24+$0x14510] =	vst v3  }
0x67f: {  	v3 =	vld [tilespmem:s17+$0x20];
	[tilespmem:s25+$0x14510] =	vst v4  }
0x680: {  	v4 =	vld [tilespmem:s4+$0x20];
	_ =	sdelay $0x2  }
0x681: {  	[tilespmem:s23+$0x14520] =	vst v2  }
0x682: {  	v2 =	vld [tilespmem:s31+$0x30];
	[tilespmem:s24+$0x14520] =	vst v3  }
0x683: {  	v3 =	vld [tilespmem:s17+$0x30];
	[tilespmem:s25+$0x14520] =	vst v4  }
0x684: {  	v4 =	vld [tilespmem:s4+$0x30];
	_ =	sdelay $0x2  }
0x685: {  	[tilespmem:s23+$0x14530] =	vst v2  }
0x686: {  	v2 =	vld [tilespmem:s8+$0x0];
	[tilespmem:s24+$0x14530] =	vst v3  }
0x687: {  	s5 =	spop (v2sf);
	v3 =	vld [tilespmem:s16+$0x0];
	[tilespmem:s25+$0x14530] =	vst v4  }
0x688: {  	v4 =	vld [tilespmem:s5+$0x0];
	_ =	sdelay $0x2  }
0x689: {  	[tilespmem:s23+$0x14540] =	vst v2  }
0x68a: {  	v2 =	vld [tilespmem:s8+$0x10];
	[tilespmem:s24+$0x14540] =	vst v3  }
0x68b: {  	v3 =	vld [tilespmem:s16+$0x10];
	[tilespmem:s25+$0x14540] =	vst v4  }
0x68c: {  	v4 =	vld [tilespmem:s5+$0x10];
	_ =	sdelay $0x1  }
0x68d: {  	(v2sf) =	vpush v1, $0x6  }
0x68e: {  	[tilespmem:s23+$0x14550] =	vst v2  }
0x68f: {  	v2 =	vld [tilespmem:s8+$0x20];
	[tilespmem:s24+$0x14550] =	vst v3  }
0x690: {  	v3 =	vld [tilespmem:s16+$0x20];
	[tilespmem:s25+$0x14550] =	vst v4  }
0x691: {  	v4 =	vld [tilespmem:s5+$0x20];
	_ =	sdelay $0x2  }
0x692: {  	[tilespmem:s23+$0x14560] =	vst v2  }
0x693: {  	v2 =	vld [tilespmem:s8+$0x30];
	[tilespmem:s24+$0x14560] =	vst v3  }
0x694: {  	v3 =	vld [tilespmem:s16+$0x30];
	[tilespmem:s25+$0x14560] =	vst v4  }
0x695: {  	v4 =	vld [tilespmem:s5+$0x30];
	_ =	sdelay $0x2  }
0x696: {  	[tilespmem:s23+$0x14570] =	vst v2  }
0x697: {  	v2 =	vld [tilespmem:s11+$0x0];
	[tilespmem:s24+$0x14570] =	vst v3  }
0x698: {  	s6 =	spop (v2sf);
	v3 =	vld [tilespmem:s7+$0x0];
	[tilespmem:s25+$0x14570] =	vst v4  }
0x699: {  	v4 =	vld [tilespmem:s6+$0x0];
	_ =	sdelay $0x2  }
0x69a: {  	[tilespmem:s23+$0x14580] =	vst v2  }
0x69b: {  	v2 =	vld [tilespmem:s11+$0x10];
	[tilespmem:s24+$0x14580] =	vst v3  }
0x69c: {  	v3 =	vld [tilespmem:s7+$0x10];
	[tilespmem:s25+$0x14580] =	vst v4  }
0x69d: {  	v4 =	vld [tilespmem:s6+$0x10];
	_ =	sdelay $0x1  }
0x69e: {  	(v2sf) =	vpush v1, $0x7  }
0x69f: {  	[tilespmem:s23+$0x14590] =	vst v2  }
0x6a0: {  	v2 =	vld [tilespmem:s11+$0x20];
	[tilespmem:s24+$0x14590] =	vst v3  }
0x6a1: {  	v3 =	vld [tilespmem:s7+$0x20];
	[tilespmem:s25+$0x14590] =	vst v4  }
0x6a2: {  	v4 =	vld [tilespmem:s6+$0x20];
	_ =	sdelay $0x2  }
0x6a3: {  	[tilespmem:s23+$0x145A0] =	vst v2  }
0x6a4: {  	v2 =	vld [tilespmem:s11+$0x30];
	[tilespmem:s24+$0x145A0] =	vst v3  }
0x6a5: {  	v3 =	vld [tilespmem:s7+$0x30];
	[tilespmem:s25+$0x145A0] =	vst v4  }
0x6a6: {  	v4 =	vld [tilespmem:s6+$0x30];
	_ =	sdelay $0x2  }
0x6a7: {  	[tilespmem:s23+$0x145B0] =	vst v2  }
0x6a8: {  	v2 =	vld [tilespmem:s14+$0x0];
	[tilespmem:s24+$0x145B0] =	vst v3  }
0x6a9: {  	s8 =	spop (v2sf);
	v3 =	vld [tilespmem:s9+$0x0];
	[tilespmem:s25+$0x145B0] =	vst v4  }
0x6aa: {  	v4 =	vld [tilespmem:s8+$0x0];
	_ =	sdelay $0x2  }
0x6ab: {  	[tilespmem:s23+$0x145C0] =	vst v2  }
0x6ac: {  	v2 =	vld [tilespmem:s14+$0x10];
	[tilespmem:s24+$0x145C0] =	vst v3  }
0x6ad: {  	v3 =	vld [tilespmem:s9+$0x10];
	[tilespmem:s25+$0x145C0] =	vst v4  }
0x6ae: {  	v4 =	vld [tilespmem:s8+$0x10];
	_ =	sdelay $0x1  }
0x6af: {  	(v2sf) =	vpush v1, $0x8  }
0x6b0: {  	[tilespmem:s23+$0x145D0] =	vst v2  }
0x6b1: {  	v2 =	vld [tilespmem:s14+$0x20];
	[tilespmem:s24+$0x145D0] =	vst v3  }
0x6b2: {  	v3 =	vld [tilespmem:s9+$0x20];
	[tilespmem:s25+$0x145D0] =	vst v4  }
0x6b3: {  	v4 =	vld [tilespmem:s8+$0x20];
	_ =	sdelay $0x2  }
0x6b4: {  	[tilespmem:s23+$0x145E0] =	vst v2  }
0x6b5: {  	v2 =	vld [tilespmem:s14+$0x30];
	[tilespmem:s24+$0x145E0] =	vst v3  }
0x6b6: {  	v3 =	vld [tilespmem:s9+$0x30];
	[tilespmem:s25+$0x145E0] =	vst v4  }
0x6b7: {  	v4 =	vld [tilespmem:s8+$0x30];
	_ =	sdelay $0x2  }
0x6b8: {  	[tilespmem:s23+$0x145F0] =	vst v2  }
0x6b9: {  	v2 =	vld [tilespmem:s13+$0x0];
	[tilespmem:s24+$0x145F0] =	vst v3  }
0x6ba: {  	s9 =	spop (v2sf);
	v3 =	vld [tilespmem:s10+$0x0];
	[tilespmem:s25+$0x145F0] =	vst v4  }
0x6bb: {  	v4 =	vld [tilespmem:s9+$0x0];
	_ =	sdelay $0x2  }
0x6bc: {  	[tilespmem:s23+$0x14600] =	vst v2  }
0x6bd: {  	v2 =	vld [tilespmem:s13+$0x10];
	[tilespmem:s24+$0x14600] =	vst v3  }
0x6be: {  	v3 =	vld [tilespmem:s10+$0x10];
	[tilespmem:s25+$0x14600] =	vst v4  }
0x6bf: {  	v4 =	vld [tilespmem:s9+$0x10];
	_ =	sdelay $0x1  }
0x6c0: {  	(v2sf) =	vpush v1, $0x9  }
0x6c1: {  	[tilespmem:s23+$0x14610] =	vst v2  }
0x6c2: {  	v2 =	vld [tilespmem:s13+$0x20];
	[tilespmem:s24+$0x14610] =	vst v3  }
0x6c3: {  	v3 =	vld [tilespmem:s10+$0x20];
	[tilespmem:s25+$0x14610] =	vst v4  }
0x6c4: {  	v4 =	vld [tilespmem:s9+$0x20];
	_ =	sdelay $0x2  }
0x6c5: {  	[tilespmem:s23+$0x14620] =	vst v2  }
0x6c6: {  	v2 =	vld [tilespmem:s13+$0x30];
	[tilespmem:s24+$0x14620] =	vst v3  }
0x6c7: {  	v3 =	vld [tilespmem:s10+$0x30];
	[tilespmem:s25+$0x14620] =	vst v4  }
0x6c8: {  	v4 =	vld [tilespmem:s9+$0x30];
	_ =	sdelay $0x2  }
0x6c9: {  	[tilespmem:s23+$0x14630] =	vst v2  }
0x6ca: {  	v2 =	vld [tilespmem:s21+$0x0];
	[tilespmem:s24+$0x14630] =	vst v3  }
0x6cb: {  	s11 =	spop (v2sf);
	v3 =	vld [tilespmem:s12+$0x0];
	[tilespmem:s25+$0x14630] =	vst v4  }
0x6cc: {  	v4 =	vld [tilespmem:s11+$0x0];
	_ =	sdelay $0x2  }
0x6cd: {  	[tilespmem:s23+$0x14640] =	vst v2  }
0x6ce: {  	v2 =	vld [tilespmem:s21+$0x10];
	[tilespmem:s24+$0x14640] =	vst v3  }
0x6cf: {  	v3 =	vld [tilespmem:s12+$0x10];
	[tilespmem:s25+$0x14640] =	vst v4  }
0x6d0: {  	v4 =	vld [tilespmem:s11+$0x10];
	_ =	sdelay $0x1  }
0x6d1: {  	(v2sf) =	vpush v1, $0xA  }
0x6d2: {  	[tilespmem:s23+$0x14650] =	vst v2  }
0x6d3: {  	v2 =	vld [tilespmem:s21+$0x20];
	[tilespmem:s24+$0x14650] =	vst v3  }
0x6d4: {  	v3 =	vld [tilespmem:s12+$0x20];
	[tilespmem:s25+$0x14650] =	vst v4  }
0x6d5: {  	v4 =	vld [tilespmem:s11+$0x20];
	_ =	sdelay $0x2  }
0x6d6: {  	[tilespmem:s23+$0x14660] =	vst v2  }
0x6d7: {  	v2 =	vld [tilespmem:s21+$0x30];
	[tilespmem:s24+$0x14660] =	vst v3  }
0x6d8: {  	v3 =	vld [tilespmem:s12+$0x30];
	[tilespmem:s25+$0x14660] =	vst v4  }
0x6d9: {  	v4 =	vld [tilespmem:s11+$0x30];
	_ =	sdelay $0x2  }
0x6da: {  	[tilespmem:s23+$0x14670] =	vst v2  }
0x6db: {  	v2 =	vld [tilespmem:s26+$0x0];
	[tilespmem:s24+$0x14670] =	vst v3  }
0x6dc: {  	s12 =	spop (v2sf);
	v3 =	vld [tilespmem:s19+$0x0];
	[tilespmem:s25+$0x14670] =	vst v4  }
0x6dd: {  	v4 =	vld [tilespmem:s12+$0x0];
	_ =	sdelay $0x2  }
0x6de: {  	[tilespmem:s23+$0x14680] =	vst v2  }
0x6df: {  	v2 =	vld [tilespmem:s26+$0x10];
	[tilespmem:s24+$0x14680] =	vst v3  }
0x6e0: {  	v3 =	vld [tilespmem:s19+$0x10];
	[tilespmem:s25+$0x14680] =	vst v4  }
0x6e1: {  	v4 =	vld [tilespmem:s12+$0x10];
	_ =	sdelay $0x1  }
0x6e2: {  	(v2sf) =	vpush v1, $0xB  }
0x6e3: {  	[tilespmem:s23+$0x14690] =	vst v2  }
0x6e4: {  	v2 =	vld [tilespmem:s26+$0x20];
	[tilespmem:s24+$0x14690] =	vst v3  }
0x6e5: {  	v3 =	vld [tilespmem:s19+$0x20];
	[tilespmem:s25+$0x14690] =	vst v4  }
0x6e6: {  	v4 =	vld [tilespmem:s12+$0x20];
	_ =	sdelay $0x2  }
0x6e7: {  	[tilespmem:s23+$0x146A0] =	vst v2  }
0x6e8: {  	v2 =	vld [tilespmem:s26+$0x30];
	[tilespmem:s24+$0x146A0] =	vst v3  }
0x6e9: {  	v3 =	vld [tilespmem:s19+$0x30];
	[tilespmem:s25+$0x146A0] =	vst v4  }
0x6ea: {  	v4 =	vld [tilespmem:s12+$0x30];
	_ =	sdelay $0x2  }
0x6eb: {  	[tilespmem:s23+$0x146B0] =	vst v2  }
0x6ec: {  	v2 =	vld [tilespmem:s28+$0x0];
	[tilespmem:s24+$0x146B0] =	vst v3  }
0x6ed: {  	s13 =	spop (v2sf);
	v3 =	vld [tilespmem:s22+$0x0];
	[tilespmem:s25+$0x146B0] =	vst v4  }
0x6ee: {  	v4 =	vld [tilespmem:s13+$0x0];
	_ =	sdelay $0x2  }
0x6ef: {  	[tilespmem:s23+$0x146C0] =	vst v2  }
0x6f0: {  	v2 =	vld [tilespmem:s28+$0x10];
	[tilespmem:s24+$0x146C0] =	vst v3  }
0x6f1: {  	v3 =	vld [tilespmem:s22+$0x10];
	[tilespmem:s25+$0x146C0] =	vst v4  }
0x6f2: {  	v4 =	vld [tilespmem:s13+$0x10];
	_ =	sdelay $0x1  }
0x6f3: {  	(v2sf) =	vpush v1, $0xC  }
0x6f4: {  	[tilespmem:s23+$0x146D0] =	vst v2  }
0x6f5: {  	v2 =	vld [tilespmem:s28+$0x20];
	[tilespmem:s24+$0x146D0] =	vst v3  }
0x6f6: {  	v3 =	vld [tilespmem:s22+$0x20];
	[tilespmem:s25+$0x146D0] =	vst v4  }
0x6f7: {  	v4 =	vld [tilespmem:s13+$0x20];
	_ =	sdelay $0x2  }
0x6f8: {  	[tilespmem:s23+$0x146E0] =	vst v2  }
0x6f9: {  	v2 =	vld [tilespmem:s28+$0x30];
	[tilespmem:s24+$0x146E0] =	vst v3  }
0x6fa: {  	v3 =	vld [tilespmem:s22+$0x30];
	[tilespmem:s25+$0x146E0] =	vst v4  }
0x6fb: {  	v4 =	vld [tilespmem:s13+$0x30];
	_ =	sdelay $0x2  }
0x6fc: {  	[tilespmem:s23+$0x146F0] =	vst v2  }
0x6fd: {  	v2 =	vld [tilespmem:s30+$0x0];
	[tilespmem:s24+$0x146F0] =	vst v3  }
0x6fe: {  	s14 =	spop (v2sf);
	v3 =	vld [tilespmem:s29+$0x0];
	[tilespmem:s25+$0x146F0] =	vst v4  }
0x6ff: {  	v4 =	vld [tilespmem:s14+$0x0];
	_ =	sdelay $0x2  }
0x700: {  	[tilespmem:s23+$0x14700] =	vst v2  }
0x701: {  	v2 =	vld [tilespmem:s30+$0x10];
	[tilespmem:s24+$0x14700] =	vst v3  }
0x702: {  	v3 =	vld [tilespmem:s29+$0x10];
	[tilespmem:s25+$0x14700] =	vst v4  }
0x703: {  	v4 =	vld [tilespmem:s14+$0x10];
	_ =	sdelay $0x1  }
0x704: {  	(v2sf) =	vpush v1, $0xD  }
0x705: {  	[tilespmem:s23+$0x14710] =	vst v2  }
0x706: {  	v2 =	vld [tilespmem:s30+$0x20];
	[tilespmem:s24+$0x14710] =	vst v3  }
0x707: {  	v3 =	vld [tilespmem:s29+$0x20];
	[tilespmem:s25+$0x14710] =	vst v4  }
0x708: {  	v4 =	vld [tilespmem:s14+$0x20];
	_ =	sdelay $0x2  }
0x709: {  	[tilespmem:s23+$0x14720] =	vst v2  }
0x70a: {  	v2 =	vld [tilespmem:s30+$0x30];
	[tilespmem:s24+$0x14720] =	vst v3  }
0x70b: {  	v3 =	vld [tilespmem:s29+$0x30];
	[tilespmem:s25+$0x14720] =	vst v4  }
0x70c: {  	v4 =	vld [tilespmem:s14+$0x30]  }
0x70d: {  	s15 =	sld [smem:$0x7F4]  }
0x70e: {  	s16 =	sld [smem:$0x7F5]  }
0x70f: {  	[tilespmem:s23+$0x14730] =	vst v2  }
0x710: {  	v2 =	vld [tilespmem:s15+$0x0];
	[tilespmem:s24+$0x14730] =	vst v3  }
0x711: {  	s17 =	spop (v2sf);
	v3 =	vld [tilespmem:s16+$0x0];
	[tilespmem:s25+$0x14730] =	vst v4  }
0x712: {  	v4 =	vld [tilespmem:s17+$0x0];
	_ =	sdelay $0x2  }
0x713: {  	[tilespmem:s23+$0x14740] =	vst v2  }
0x714: {  	v2 =	vld [tilespmem:s15+$0x10];
	[tilespmem:s24+$0x14740] =	vst v3  }
0x715: {  	v3 =	vld [tilespmem:s16+$0x10];
	[tilespmem:s25+$0x14740] =	vst v4  }
0x716: {  	v4 =	vld [tilespmem:s17+$0x10];
	_ =	sdelay $0x1  }
0x717: {  	(v2sf) =	vpush v1, $0xE  }
0x718: {  	[tilespmem:s23+$0x14750] =	vst v2  }
0x719: {  	v2 =	vld [tilespmem:s15+$0x20];
	[tilespmem:s24+$0x14750] =	vst v3  }
0x71a: {  	v3 =	vld [tilespmem:s16+$0x20];
	[tilespmem:s25+$0x14750] =	vst v4  }
0x71b: {  	v4 =	vld [tilespmem:s17+$0x20];
	_ =	sdelay $0x2  }
0x71c: {  	[tilespmem:s23+$0x14760] =	vst v2  }
0x71d: {  	v2 =	vld [tilespmem:s15+$0x30];
	[tilespmem:s24+$0x14760] =	vst v3  }
0x71e: {  	v3 =	vld [tilespmem:s16+$0x30];
	[tilespmem:s25+$0x14760] =	vst v4  }
0x71f: {  	v4 =	vld [tilespmem:s17+$0x30]  }
0x720: {  	s19 =	sld [smem:$0x7F6]  }
0x721: {  	s20 =	sld [smem:$0x7F7]  }
0x722: {  	[tilespmem:s23+$0x14770] =	vst v2  }
0x723: {  	v2 =	vld [tilespmem:s19+$0x0];
	[tilespmem:s24+$0x14770] =	vst v3  }
0x724: {  	s21 =	spop (v2sf);
	v3 =	vld [tilespmem:s20+$0x0];
	[tilespmem:s25+$0x14770] =	vst v4  }
0x725: {  	v4 =	vld [tilespmem:s21+$0x0];
	_ =	sdelay $0x1  }
0x726: {  	s22 =	rddreg [dreg:$0xf]  }
0x727: {  	v63 =	vld [tilespmem:s22+$0x10];
	[tilespmem:s23+$0x14780] =	vst v2  }
0x728: {  	v2 =	vld [tilespmem:s19+$0x10];
	[tilespmem:s24+$0x14780] =	vst v3  }
0x729: {  	v3 =	vld [tilespmem:s20+$0x10];
	[tilespmem:s25+$0x14780] =	vst v4  }
0x72a: {  	v4 =	vld [tilespmem:s21+$0x10];
	_ =	sdelay $0x1  }
0x72b: {  	[tilespmem:s18+$0x14790] =	vst v63;
	(v2sf) =	vpush v1, $0xF  }
0x72c: {  	v1 =	vld [tilespmem:s22+$0x20];
	[tilespmem:s23+$0x14790] =	vst v2  }
0x72d: {  	v2 =	vld [tilespmem:s19+$0x20];
	[tilespmem:s24+$0x14790] =	vst v3  }
0x72e: {  	v3 =	vld [tilespmem:s20+$0x20];
	[tilespmem:s25+$0x14790] =	vst v4  }
0x72f: {  	v4 =	vld [tilespmem:s21+$0x20];
	_ =	sdelay $0x1  }
0x730: {  	[tilespmem:s18+$0x147A0] =	vst v1  }
0x731: {  	v1 =	vld [tilespmem:s22+$0x30];
	[tilespmem:s23+$0x147A0] =	vst v2  }
0x732: {  	v2 =	vld [tilespmem:s19+$0x30];
	[tilespmem:s24+$0x147A0] =	vst v3  }
0x733: {  	v3 =	vld [tilespmem:s20+$0x30];
	[tilespmem:s25+$0x147A0] =	vst v4  }
0x734: {  	v4 =	vld [tilespmem:s21+$0x30];
	_ =	sdelay $0x1  }
0x735: {  	s26 =	rddreg [dreg:$0x11];
	[tilespmem:s18+$0x147B0] =	vst v1  }
0x736: {  	s28 =	rddreg [dreg:$0x17];
	v1 =	vld [tilespmem:s26+$0x0];
	[tilespmem:s23+$0x147B0] =	vst v2  }
0x737: {  	s29 =	rddreg [dreg:$0x1b];
	v2 =	vld [tilespmem:s28+$0x0];
	[tilespmem:s24+$0x147B0] =	vst v3  }
0x738: {  	s30 =	spop (v2sf);
	v3 =	vld [tilespmem:s29+$0x0];
	[tilespmem:s25+$0x147B0] =	vst v4  }
0x739: {  	v4 =	vld [tilespmem:s30+$0x0];
	_ =	sdelay $0x1  }
0x73a: {  	[tilespmem:s18+$0x147C0] =	vst v1  }
0x73b: {  	v1 =	vld [tilespmem:s26+$0x10];
	[tilespmem:s23+$0x147C0] =	vst v2  }
0x73c: {  	v2 =	vld [tilespmem:s28+$0x10];
	[tilespmem:s24+$0x147C0] =	vst v3  }
0x73d: {  	v3 =	vld [tilespmem:s29+$0x10];
	[tilespmem:s25+$0x147C0] =	vst v4  }
0x73e: {  	v4 =	vld [tilespmem:s30+$0x10];
	_ =	sdelay $0x1  }
0x73f: {  	[tilespmem:s18+$0x147D0] =	vst v1  }
0x740: {  	v1 =	vld [tilespmem:s26+$0x20];
	[tilespmem:s23+$0x147D0] =	vst v2  }
0x741: {  	v2 =	vld [tilespmem:s28+$0x20];
	[tilespmem:s24+$0x147D0] =	vst v3  }
0x742: {  	v3 =	vld [tilespmem:s29+$0x20];
	[tilespmem:s25+$0x147D0] =	vst v4  }
0x743: {  	v4 =	vld [tilespmem:s30+$0x20];
	_ =	sdelay $0x1  }
0x744: {  	[tilespmem:s18+$0x147E0] =	vst v1  }
0x745: {  	v1 =	vld [tilespmem:s26+$0x30];
	[tilespmem:s23+$0x147E0] =	vst v2  }
0x746: {  	v2 =	vld [tilespmem:s28+$0x30];
	[tilespmem:s24+$0x147E0] =	vst v3  }
0x747: {  	s31 =	rddreg [dreg:$0xd];
	v3 =	vld [tilespmem:s29+$0x30];
	[tilespmem:s25+$0x147E0] =	vst v4  }
0x748: {  	p0 =	slt.u32 s31, $0x20;
	v4 =	vld [tilespmem:s30+$0x30]  }
.Ltmp1:
0x749: {  	_ = 	snop;
	(pc) =	sbr.rel @p0 .LBB2_5-.Ltmp1, $4  }
0x74a: {  	[tilespmem:s18+$0x147F0] =	vst v1  }
0x74b: {  	[tilespmem:s23+$0x147F0] =	vst v2  }
0x74c: {  	[tilespmem:s24+$0x147F0] =	vst v3  }
0x74d: {  	s0 =	sadd.s32 $0x8, s31;
	[tilespmem:s25+$0x147F0] =	vst v4  }
0x74e: {  	s0 =	rddreg [dreg:$0xb]  }
0x74f: {  	s1 =	rddreg [dreg:$0x1];
	s30 =	simm.s32 $0x0;
	s0 =	sshll.u32 s0, $0x3  }
0x750: {  	s2 =	simm.s32 $0x14400;
	s31 =	rddreg [dreg:$0x8];
	s0 =	sadd.s32 s1, s0  }
0x751: {  	[hbm4b:s0+s30] =	stream.linear.scatter [tilespmem:s2], [sflag:$0x2], $0xA000, $0x38;
	[tilespmem:$0x1E400] =	vst v63  }
0x752: {  	s0 =	sadd.s32 $0x1, s31  }
0x753: {  	p0 =	sne.s32 s0, $0x14  }
.Ltmp2:
0x754: {  	_ = 	snop;
	(pc) =	sbr.rel @p0 .LBB2_2-.Ltmp2, $1  }
0x755: {  	_ =	sdelay $0x3  }
0x756: {  	s0 =	simm.s32 $0x1  }
0x757: {  	_ =	swait.ge [sflag:s0], $0xA000  }
0x758: {  	[sflag:s0] =	ssyncset.done $0x0  }
0x759: {  	s1 =	simm.s32 $0x2;
	[sflag:s0] =	ssyncadd.s32 $0xFFFF6000  }
0x75a: {  	_ =	swait.ge [sflag:s1], $0xA000  }
0x75b: {  	s2 =	rddreg [dreg:$0x7]  }
0x75c: {  	s31 =	rddreg [dreg:$0x6];
	s2 =	sadd.s32 $0x1, s2  }
0x75d: {  	p0 =	sne.s32 s2, s31  }
.Ltmp3:
0x75e: {  	_ = 	snop;
	(pc) =	sbr.rel @p0 .LBB2_1-.Ltmp3, $3  }
0x75f: {  	_ =	sdelay $0x1  }
0x760: {  	[sflag:s1] =	ssyncset.done $0x0  }
0x761: {  	[sflag:s1] =	ssyncadd.s32 $0xFFFF6000  }
0x762: {  	_ =	sfence.sel $0x180000  }
0x763: {  	[bflag:$0x0] =	sbarrier.arrive $0xFFFF  }
0x764: {  	_ =	strace $0x90000047  }
0x765: {  	s0 =	stileid.u32;
	[bflag:$0x2] =	sbarrier.arrive $0xFFFF  }
0x766: {  	p0 =	sne.s32 s0, $0x0;
	s0 =	rddreg [dreg:$0x2]  }
0x767: {  	s0 =	sadd.s32 @!p0 $0x100000, s0  }
0x768: {  	[sflag:s0] =	ssyncadd.tile.s32 @!p0 $0x1;
	_ =	shalt  }
.Lfunc_end2:
_tile_overlayer_lowered:
.L_overlay_start_2:
0x769: {  	(tag) =	ssettag $0x2  }
0x76a: {  	s0 =	rddreg [dreg:$0x0];
	s2 =	stileid.u32  }
0x76b: {  	s1 =	rddreg [dreg:$0x1];
	p0 =	sne.s32 s2, $0x0  }
0x76c: {  	s3 =	rddreg [dreg:$0x2];
	[bflag:$0x3] =	sbarrier.arrive $0xFFFF;
	s2 =	simm.s32 @!p0 $0x1C03  }
0x76d: {  	[timem:s3], [sflag:s2] =	dma.local @!p0 [hbm:s0], s1  }
0x76e: {  	s0 =	simm.s32 @!p0 $0x3  }
0x76f: {  	_ =	swait.ge @!p0 [sflag:s0], s1  }
0x770: {  	s1 =	ssub.s32 @!p0 $0x0, s1;
	[sflag:s0] =	ssyncset.done @!p0 $0x0  }
0x771: {  	[sflag:s0] =	ssyncadd.s32 @!p0 s1  }
0x772: {  	[bflag:$0x3] =	sbarrier.arrive $0xFFFF  }
0x773: {  	_ =	shalt  }

// kernel: sparse-core-data-format-call.cloned.1.call-start
scs
called_computation_lowered:
.L_overlay_start_0:
0x0: {  	s2 =	sld [smem:$0x3FD9]  }
0x1: {  	s3 =	sld [smem:$0x3FFE];
	_ =	sdelay $0x1  }
0x2: {  	s1 =	srdreg.scid  }
0x3: {  	s0 =	sand.u32 $0x1, s1  }
0x4: {  	s18 =	sshll.u32 s0, $0xA;
	s2 =	sadd.s32 s3, s2  }
0x5: {  	s2 =	sadd.s32 s2, s18  }
0x6: {  	[smem:$0x3FC6] =	sst s2  }
0x7: {  	_ = 	snop  }
0x8: {  	s2 =	sld [smem:$0x3FD0];
	(tm) =	ssettm $0x1  }
0x9: {  	s19 =	sld [smem:$0x3FFB];
	_ =	sdelay $0x3  }
0xa: {  	_ =	strace s19  }
0xb: {  	s3 =	sld [smem:$0x3FFC];
	_ =	sdelay $0x3  }
0xc: {  	_ =	strace s3  }
0xd: {  	s3 =	sld [smem:$0x3FFD];
	_ =	sdelay $0x3  }
0xe: {  	_ =	strace s3  }
0xf: {  	_ =	strace $0x8FFFFFFF  }
0x10: {  	s20 =	sld [smem:$0x3FDB];
	_ =	sdelay $0x1  }
0x11: {  	s4 =	simm.s32 $_scs_section_size  }
0x12: {  	s5 =	simm.s32 $_size__tile_overlayer_lowered;
	s6 =	simm.s32 $_tile_overlayer_lowered  }
0x13: {  	s23 =	simm.s32 $0x1BFF;
	s22 =	sshll.u32 s6, $0x1;
	s3 =	sadd.s32 s4, s20  }
0x14: {  	s7 =	simm.s32 $0x0;
	s21 =	sshll.u32 s5, $0x1;
	s5 =	sadd.s32 s22, s3  }
0x15: {  	[timem:s7], [sflag:s23] =	dma.local [hbm:s5], s21  }
0x16: {  	_ =	swait.ge [sflag:s23], s21  }
0x17: {  	s4 =	ssub.s32 $0x0, s21;
	[sflag:s23] =	ssyncset.done $0x0  }
0x18: {  	[sflag:s23] =	ssyncadd.s32 s4;
	_ =	sdelay $0x1  }
0x19: {  	s24 =	simm.s32 $0x1B8B  }
0x1a: {  	_ =	swait.ge [sflag:s24], $0x1  }
0x1b: {  	[sflag:s24] =	ssyncset.done $0x0  }
0x1c: {  	s26 =	simm.s32 $0x1B8E;
	s25 =	sld [smem:$0x3FFE];
	[sflag:s24] =	ssyncadd.s32 $0xFFFFFFFF  }
0x1d: {  	s27 =	simm.s32 $execute0_lowered;
	[smem:$0x3FD2] =	sst s26  }
0x1e: {  	s5 =	sshll.u32 s27, $0x1;
	_ =	strace $0x80000049;
	[dreg:$0x1] =	wrdreg $0xFFFFFFFF  }
0x1f: {  	s28 =	simm.s32 $_size_execute0_lowered;
	s3 =	sadd.s32 s3, s5;
	[dreg:$0x0] =	wrdreg $0x0  }
0x20: {  	s5 =	sshll.u32 s28, $0x1;
	[dreg:$0x2] =	wrdreg s3  }
0x21: {  	[dreg:$0x3] =	wrdreg s5  }
0x22: {  	[dreg:$0x4] =	wrdreg $0xC0  }
0x23: {  	_ =	task [dreg:s7], $0x5FFFF  }
0x24: {  	[dreg:$0x1] =	wrdreg $0xFFFFFFFF  }
0x25: {  	[dreg:$0x0] =	wrdreg $0x60  }
0x26: {  	[dreg:$0x2] =	wrdreg s25  }
0x27: {  	[dreg:$0x3] =	wrdreg s2  }
0x28: {  	[dreg:$0x4] =	wrdreg $0x9  }
0x29: {  	_ =	task.clear_ibuf [dreg:s7], $0x5FFFF;
	_ =	strace $0x90000049  }
0x2a: {  	s29 =	simm.s32 $0x9;
	_ =	strace $0x8000004B  }
0x2b: {  	_ =	swait.ge [sflag:s29], $0x1  }
0x2c: {  	[sflag:s29] =	ssyncadd.s32 $0xFFFFFFFF  }
0x2d: {  	_ =	strace $0x9000004B  }
0x2e: {  	_ =	sfence  }
0x2f: {  	s30 =	sld [smem:$0x0];
	_ =	sdelay $0x2  }
0x30: {  	s31 =	sshll.u32 s1, $0xD;
	s1 =	sshrl.u32 s1, $0x2  }
0x31: {  	s3 =	sand.u32 $0x4000, s31;
	s1 =	sadd.s32 s1, s30  }
0x32: {  	s0 =	sor.u32 s3, s0;
	s1 =	sshll.u32 s1, $0x11  }
0x33: {  	s0 =	sor.u32 s1, s0  }
0x34: {  	s0 =	sadd.s32 $0x8F2B, s0  }
0x35: {  	[sflag:s0] =	ssyncadd.remote.s32 $0x1  }
0x36: {  	_ =	sfence.sel $0xFFFF  }
0x37: {  	[dreg:$0x0] =	wrdreg $0xFFFFFFFF;
	(pc) =	sbr.abs _section_cstart, $3  }
0x38: {  	[dreg:$0x1] =	wrdreg $0xFFFFFFFF  }
0x39: {  	_ =	task.clear_ibuf [dreg:s7], $0x2FFFF;
	_ =	strace $0x9FFFFFFF  }
0x3a: {  	(tm) =	ssettm $0x7FFFFFFF  }
0x3b: {  	_ =	shalt  }
tec
execute0_lowered:
.L_overlay_start_1:
0x0: {  	(tag) =	ssettag $0x1  }
0x1: {  	s0 =	srdreg.scid  }
0x2: {  	s1 =	sshll.u32 s0, $0x4  }
0x3: {  	s0 =	stileid.u32;
	s1 =	sand.u32 $0x10, s1  }
0x4: {  	s1 =	sor.u32 s0, s1  }
0x5: {  	s6 =	rddreg [dreg:$0x0];
	s4 =	simm.s32 $0x1;
	s2 =	sshll.u32 s1, $0x7  }
0x6: {  	s7 =	simm.s32 $0x2;
	s12 =	simm.s32 $0x0;
	s1 =	ssub.s32 $0x4000, s2  }
0x7: {  	s8 =	simm.s32 $0x20000;
	s13 =	simm.s32 $0x0;
	s3 =	sand.u32 $0xF80, s1  }
0x8: {  	s9 =	simm.s32 $0x0;
	s5 =	sshrl.u32 s1, $0xC;
	p0 =	sne.s32 s3, $0x0  }
.Ltmp0:
0x9: {  	s1 =	rddreg [dreg:$0x2];
	s4 =	simm.s32 @!p0 $0x0;
	(pc) =	sbr.rel .LBB1_1-.Ltmp0, $4  }
0xa: {  	s11 =	simm.s32 $0x0;
	s3 =	rddreg [dreg:$0x1];
	s5 =	sadd.s32 s4, s5  }
0xb: {  	_ =	strace $0x8000004A;
	s4 =	simm.s32 $0x1;
	s5 =	smul.u32 $0x32, s5  }
0xc: {  	s6 =	sadd.s32 $0xA00, s6;
	s10 =	smov.u32 s2;
	[sflag:s4] =	ssyncpa.u1 $0x0  }
0xd: {  	p0 =	por $0x0, $0x0;
	[sflag:s7] =	ssyncpa.u1 $0x0;
	s7 =	sor.u32 $0x1, s5  }
.LBB1_4:
0xe: {  	s16 =	sshll.u32 s13, $0x3;
	s17 =	sand.u32 $0x78, s13  }
0xf: {  	s30 =	sand.u32 $0x1F800, s13;
	s12 =	sshll.u32 s12, $0x11;
	s16 =	sand.u32 $0x3C00, s16  }
0x10: {  	[tilespmem:s15+$0x810 ss:$0x81] =	vst.msk $0xffff, v2;
	s31 =	sand.u32 $0x7, s13;
	s16 =	sor.u32 s17, s16;
	s17 =	sadd.s32 s3, s30  }
0x11: {  	[tilespmem:s15+$0x1020 ss:$0x81] =	vst.msk $0xffff, v0;
	s13 =	sshll.u32 s31, $0x12;
	s12 =	sadd.s32 s12, s17;
	s16 =	sshrl.u32 s16, $0x3  }
0x12: {  	[tilespmem:s15+$0x0 ss:$0x81] =	vst.msk $0xffff, v1;
	s13 =	sor.u32 $0x400, s13;
	s12 =	sadd.s32 s16, s12  }
0x13: {  	[hbm4b:s12+s13] =	stream.strided.scatter [tilespmem:s14], [sflag:$0x2], $0x2000, s8, s13, $0x20;
	[tilespmem:$0x8080] =	vst v63  }
.LBB1_5:
0x14: {  	s14 =	sadd.s32 $0x1, s9  }
0x15: {  	s12 =	sadd.s32 $0x1000, s10;
	s16 =	smov.u32 s10;
	p2 =	sgt.s32 s14, $0x31  }
0x16: {  	s16 =	smov.u32 @p2 s12  }
0x17: {  	s14 =	simm.s32 @p2 $0x0;
	p2 =	sgt.s32 s16, $0x3FFF  }
0x18: {  	s16 =	smov.u32 @p2 s2;
	p2 =	sne.s32 s11, s7  }
.Ltmp1:
0x19: {  	p1 =	slt.u32 s11, $0x2;
	(pc) =	sbr.rel @!p2 .LBB1_6-.Ltmp1, $4  }
0x1a: {  	s15 =	simm.s32 @!p1 $0x2  }
0x1b: {  	s13 =	smov.u32 s10;
	p0 =	por !p0, !p0;
	_ =	swait.ge @!p1 [sflag:s15], $0x2000  }
0x1c: {  	s12 =	smov.u32 s9;
	[sflag:s15] =	ssyncset.done @!p1 $0x0;
	s9 =	smov.u32 s14  }
0x1d: {  	s11 =	sadd.s32 $0x1, s11;
	[sflag:s15] =	ssyncadd.s32 @!p1 $0xFFFFE000;
	s10 =	smov.u32 s16  }
.LBB1_1:
0x1e: {  	p1 =	sge.u32 s11, s5  }
0x1f: {  	s14 =	sand.u32 @!p1 $0x1FFFFFF, s9  }
0x20: {  	s15 =	smulhi.u32 @!p1 $0x4924925, s14;
	_ =	sdelay $0x1  }
0x21: {  	s15 =	smul.u32 @!p1 $0x38, s15  }
0x22: {  	s16 =	sxor.u32 @!p1 $0xFFFFFFFF, s11;
	s17 =	smul.u32 @!p1 $0x380, s10  }
0x23: {  	s31 =	sadd.s32 $0xFFFFFFFF, s11;
	s16 =	sshll.u32 @!p1 s16, $0xD;
	s14 =	ssub.s32 @!p1 s14, s15  }
0x24: {  	s15 =	sand.u32 @!p1 $0x2000, s16;
	s16 =	sadd.s32 @!p1 s6, s17;
	s14 =	sshll.u32 @!p1 s14, $0x4  }
0x25: {  	s17 =	simm.s32 @!p1 $0x1C00;
	s14 =	sadd.s32 @!p1 s14, s16;
	s16 =	simm.s32 @!p1 $0x40  }
0x26: {  	[tilespmem:s15], [sflag:$0x1] =	stream.strided.gather @!p1 [hbm4b:s14+s16], $0x2000, s17, s16, $0x38;
	[tilespmem:$0x8080] =	vst v63  }
0x27: {  	p1 =	sge.u32 s31, s5  }
.Ltmp2:
0x28: {  	_ = 	snop;
	(pc) =	sbr.rel @p1 .LBB1_5-.Ltmp2, $1  }
0x29: {  	_ =	sdelay $0x3  }
0x2a: {  	s14 =	simm.s32 $0x1  }
0x2b: {  	_ =	swait.ge [sflag:s4], $0x2000;
	s14 =	simm.s32 @!p0 $0x0  }
0x2c: {  	[sflag:s4] =	ssyncset.done $0x0;
	s15 =	sshll.u32 s14, $0xD  }
0x2d: {  	[sflag:s4] =	ssyncadd.s32 $0xFFFFE000;
	s18 =	sor.u32 $0x20, s15  }
0x2e: {  	s14 =	smul.u32 $0x8100, s14;
	v3 =	vld [tilespmem:s18+$0x10]  }
0x2f: {  	s30 =	sand.u32 $0x1, s11;
	v2 =	vld [tilespmem:s18+$0xFFFFFFF0]  }
0x30: {  	s15 =	smul.u32 $0x8100, s30;
	s14 =	sshrl.u32 s14, $0x2;
	v0 =	vld [tilespmem:s18+$0x0]  }
0x31: {  	v1 =	vld [tilespmem:s18+$0xFFFFFFE0];
	s16 =	sor.u32 $0x4000, s14  }
0x32: {  	s31 =	sshrl.u32 s15, $0x2;
	s15 =	sadd.s32 $0x0, s16  }
0x33: {  	s17 =	simm.s32 $0x4;
	s18 =	sadd.s32 $0x40, s18;
	s14 =	sor.u32 $0x4000, s31;
	[tilespmem:s15+$0x1830 ss:$0x81] =	vst.msk $0xffff, v3  }
.LBB1_3:
0x34: {  	v3 =	vld [tilespmem:s18+$0x10];
	p1 =	sne.s32 s17, $0x1FC;
	[tilespmem:s15+$0x810 ss:$0x81] =	vst.msk $0xffff, v2;
	s19 =	smov.u32 s17;
	s17 =	sadd.s32 $0x4, s17  }
.Ltmp3:
0x35: {  	v2 =	vld [tilespmem:s18+$0xFFFFFFF0];
	[tilespmem:s15+$0x1020 ss:$0x81] =	vst.msk $0xffff, v0;
	(pc) =	sbr.rel @p1 .LBB1_3-.Ltmp3, $4  }
0x36: {  	v0 =	vld [tilespmem:s18+$0x0];
	[tilespmem:s15+$0x0 ss:$0x81] =	vst.msk $0xffff, v1  }
0x37: {  	s15 =	sshra.s32 s19, $0x2;
	v1 =	vld [tilespmem:s18+$0xFFFFFFE0]  }
0x38: {  	s15 =	sadd.s32 s15, s16  }
0x39: {  	s18 =	sadd.s32 $0x40, s18;
	[tilespmem:s15+$0x1830 ss:$0x81] =	vst.msk $0xffff, v3  }
.Ltmp4:
0x3a: {  	_ = 	snop;
	(pc) =	sbr.rel .LBB1_4-.Ltmp4, $1  }
0x3b: {  	_ =	sdelay $0x3  }
.LBB1_6:
0x3c: {  	_ =	sfence.sel $0x180000  }
0x3d: {  	s2 =	simm.s32 $0x1;
	[bflag:$0x0] =	sbarrier.arrive $0xFFFF  }
0x3e: {  	s31 =	simm.s32 $0x2;
	[sflag:s2] =	ssyncpa.u1 $0x1  }
0x3f: {  	[sflag:s31] =	ssyncpa.u1 $0x1  }
0x40: {  	p0 =	sne.s32 s0, $0x0;
	_ =	strace $0x9000004A  }
0x41: {  	s0 =	sadd.s32 @!p0 $0x100000, s1;
	[bflag:$0x2] =	sbarrier.arrive $0xFFFF  }
0x42: {  	[sflag:s0] =	ssyncadd.tile.s32 @!p0 $0x1;
	_ =	shalt  }
.Lfunc_end1:
_tile_overlayer_lowered:
.L_overlay_start_2:
0x43: {  	(tag) =	ssettag $0x2  }
0x44: {  	s0 =	rddreg [dreg:$0x0];
	s2 =	stileid.u32  }
0x45: {  	s1 =	rddreg [dreg:$0x1];
	p0 =	sne.s32 s2, $0x0  }
0x46: {  	s3 =	rddreg [dreg:$0x2];
	[bflag:$0x3] =	sbarrier.arrive $0xFFFF;
	s2 =	simm.s32 @!p0 $0x1C01  }
0x47: {  	[timem:s3], [sflag:s2] =	dma.local @!p0 [hbm:s0], s1  }
0x48: {  	s0 =	simm.s32 @!p0 $0x1  }
0x49: {  	_ =	swait.ge @!p0 [sflag:s0], s1  }
0x4a: {  	s1 =	ssub.s32 @!p0 $0x0, s1;
	[sflag:s0] =	ssyncset.done @!p0 $0x0  }
0x4b: {  	[sflag:s0] =	ssyncadd.s32 @!p0 s1  }
0x4c: {  	[bflag:$0x3] =	sbarrier.arrive $0xFFFF  }
0x4d: {  	_ =	shalt  }

</sc_bundles>
